<compile_context>
chip_gen: v7x
topology: tpu7x:2x2x1
jax: 0.10.2.dev20260603
libtpu: 0.0.44.dev20260713+nightly
codegen_flags: <defaults>
</compile_context>

<pallas_src>
import functools

import jax
import jax.numpy as jnp
from jax import lax
from jax.experimental import pallas as pl
from jax.experimental.pallas import tpu as pltpu
from jax.experimental.pallas import tpu_sc as plsc

N_PAPER = 45000
N_MESH = 5000
N = N_PAPER + N_MESH
R = 2
E = 800000
EP = 819200
NU = EP // 128
ACC_ROWS = 100096
E_POS = 100000
E_DEC = 200000
EP_DEC = 229376

NC = 2
NS = 16
UPB = 8
ROWS_PER_TILE = ACC_ROWS // NS



def _sc_mesh():
    return plsc.VectorSubcoreMesh(core_axis_name="c", subcore_axis_name="s")


_HALF_ROWS = ROWS_PER_TILE // 2
_CHUNK = 368
_NCHUNK = ROWS_PER_TILE // _CHUNK


def _make_sc_accumulate(split_cols: bool):
    if split_cols:
        units_per_worker = NU // NS
    else:
        units_per_worker = NU // (NS * NC)
    nb = units_per_worker // UPB

    scratch = {
        "sidx_v": pltpu.VMEM((UPB, 128), jnp.int32),
        "didx_v": pltpu.VMEM((UPB, 128), jnp.int32),
        "g0_v": pltpu.VMEM((128, 16), jnp.float32),
        "g1_v": pltpu.VMEM((128, 16), jnp.float32),
        "stage_v": pltpu.VMEM((_CHUNK, 16), jnp.float32),
        "acc_s": pltpu.VMEM_SHARED((ACC_ROWS, 16), jnp.float32),
        "gsem": pltpu.SemaphoreType.DMA,
    }

    @functools.partial(
        pl.kernel,
        out_type=[pltpu.HBM((NC, ACC_ROWS, 16), jnp.float32)],
        mesh=_sc_mesh(),
        scratch_types=scratch,
        compiler_params=pltpu.CompilerParams(use_tc_tiling_on_sc=False),
    )
    def sc_accumulate(tab_hbm, srcs_hbm, cidx_hbm, zf_hbm, acc_out,
                      *, sidx_v, didx_v, g0_v, g1_v, stage_v, acc_s, gsem):
        c = lax.axis_index("c")
        s = lax.axis_index("s")

        row0 = s * ROWS_PER_TILE
        pltpu.sync_copy(zf_hbm, stage_v)

        def zbody(k, carry):
            pltpu.sync_copy(stage_v,
                            acc_s.at[pl.ds(row0 + k * _CHUNK, _CHUNK)])
            return carry

        lax.fori_loop(0, _NCHUNK, zbody, 0)
        plsc.subcore_barrier()

        if split_cols:
            blk0 = s * nb
        else:
            blk0 = (s * NC + c) * nb

        rings = [g0_v, g1_v]

        def block_body(b, carry):
            blk = blk0 + b
            pltpu.sync_copy(srcs_hbm.at[c, blk], sidx_v)
            pltpu.sync_copy(cidx_hbm.at[blk], didx_v)
            cps = [None] * UPB
            cps[0] = pltpu.async_copy(tab_hbm.at[sidx_v.at[0]], rings[0],
                                      gsem)
            for u in range(UPB):
                cps[u].wait()
                if u + 1 < UPB:
                    cps[u + 1] = pltpu.async_copy(
                        tab_hbm.at[sidx_v.at[u + 1]], rings[(u + 1) % 2],
                        gsem)
                pltpu.sync_copy(rings[u % 2], acc_s.at[didx_v.at[u]],
                                add=True)
            return carry

        lax.fori_loop(0, nb, block_body, 0)
        plsc.subcore_barrier()

        def pbody(k, carry):
            r0 = row0 + k * _CHUNK
            pltpu.sync_copy(acc_s.at[pl.ds(r0, _CHUNK)], stage_v)
            pltpu.sync_copy(stage_v, acc_out.at[c, pl.ds(r0, _CHUNK)])
            return carry

        lax.fori_loop(0, _NCHUNK, pbody, 0)

    return sc_accumulate


def _make_sc_degree():
    nb = (NU // (NS * NC)) // UPB

    scratch = {
        "didx_v": pltpu.VMEM((UPB, 128), jnp.int32),
        "ones_v": pltpu.VMEM((128, 1), jnp.float32),
        "dstage_v": pltpu.VMEM((_CHUNK, 1), jnp.float32),
        "deg_s": pltpu.VMEM_SHARED((ACC_ROWS, 1), jnp.float32),
    }

    @functools.partial(
        pl.kernel,
        out_type=[pltpu.HBM((ACC_ROWS, 1), jnp.float32),
                  pltpu.HBM((ACC_ROWS, 1), jnp.float32)],
        mesh=_sc_mesh(),
        scratch_types=scratch,
        compiler_params=pltpu.CompilerParams(use_tc_tiling_on_sc=False),
    )
    def sc_degree(cidx_hbm, zd_hbm, ones_hbm, deg0_out, deg1_out,
                  *, didx_v, ones_v, dstage_v, deg_s):
        c = lax.axis_index("c")
        s = lax.axis_index("s")

        row0 = s * ROWS_PER_TILE
        pltpu.sync_copy(zd_hbm, dstage_v)

        def zbody(k, carry):
            pltpu.sync_copy(dstage_v,
                            deg_s.at[pl.ds(row0 + k * _CHUNK, _CHUNK)])
            return carry

        lax.fori_loop(0, _NCHUNK, zbody, 0)
        pltpu.sync_copy(ones_hbm, ones_v)
        plsc.subcore_barrier()

        blk0 = (s * NC + c) * nb

        def block_body(b, carry):
            blk = blk0 + b
            pltpu.sync_copy(cidx_hbm.at[blk], didx_v)
            for u in range(UPB):
                pltpu.sync_copy(ones_v, deg_s.at[didx_v.at[u]], add=True)
            return carry

        lax.fori_loop(0, nb, block_body, 0)
        plsc.subcore_barrier()

        def pbody(k, carry):
            r0 = row0 + k * _CHUNK
            pltpu.sync_copy(deg_s.at[pl.ds(r0, _CHUNK)], dstage_v)

            @pl.when(c == 0)
            def _():
                pltpu.sync_copy(dstage_v, deg0_out.at[pl.ds(r0, _CHUNK)])

            @pl.when(c == 1)
            def _():
                pltpu.sync_copy(dstage_v, deg1_out.at[pl.ds(r0, _CHUNK)])
            return carry

        lax.fori_loop(0, _NCHUNK, pbody, 0)

    return sc_degree


def _make_sc_decode_gather():
    units_per_worker = (EP_DEC // 128) // (NS * NC)
    nb = units_per_worker // UPB

    scratch = {
        "sidx_v": pltpu.VMEM((UPB, 128), jnp.int32),
        "didx_v": pltpu.VMEM((UPB, 128), jnp.int32),
        "posn_v": pltpu.VMEM((UPB, 128), jnp.int32),
        "ra_v": pltpu.VMEM((UPB * 128, 16), jnp.float32),
        "rb_v": pltpu.VMEM((UPB * 128, 16), jnp.float32),
        "gsem": pltpu.SemaphoreType.DMA,
    }

    @functools.partial(
        pl.kernel,
        out_type=[pltpu.HBM((EP_DEC, 16), jnp.float32),
                  pltpu.HBM((EP_DEC, 16), jnp.float32)],
        mesh=_sc_mesh(),
        scratch_types=scratch,
        compiler_params=pltpu.CompilerParams(use_tc_tiling_on_sc=False),
    )
    def sc_decode(tab_hbm, sidx_hbm, didx_hbm, posn_hbm, ga_out, gb_out,
                  *, sidx_v, didx_v, posn_v, ra_v, rb_v, gsem):
        c = lax.axis_index("c")
        s = lax.axis_index("s")
        blk0 = (s * NC + c) * nb

        def block_body(b, carry):
            blk = blk0 + b
            pltpu.sync_copy(sidx_hbm.at[blk], sidx_v)
            pltpu.sync_copy(didx_hbm.at[blk], didx_v)
            pltpu.sync_copy(posn_hbm.at[blk], posn_v)
            cps = []
            for u in range(UPB):
                cps.append(pltpu.async_copy(
                    tab_hbm.at[sidx_v.at[u]],
                    ra_v.at[pl.ds(u * 128, 128)], gsem))
                cps.append(pltpu.async_copy(
                    tab_hbm.at[didx_v.at[u]],
                    rb_v.at[pl.ds(u * 128, 128)], gsem))
            for cp in cps:
                cp.wait()
            cps = []
            for u in range(UPB):
                cps.append(pltpu.async_copy(
                    ra_v.at[pl.ds(u * 128, 128)],
                    ga_out.at[posn_v.at[u]], gsem))
                cps.append(pltpu.async_copy(
                    rb_v.at[pl.ds(u * 128, 128)],
                    gb_out.at[posn_v.at[u]], gsem))
            for cp in cps:
                cp.wait()
            return carry

        lax.fori_loop(0, nb, block_body, 0)

    return sc_decode



_ENC_BN = 1000
_ENC_SPLIT = N_PAPER // _ENC_BN


def _encode_body(xp_ref, wp_ref, bp_ref, wm_ref, bm_ref, o_ref):
    i = pl.program_id(0)
    is_paper = i < _ENC_SPLIT
    w = jnp.where(is_paper, wp_ref[...], wm_ref[...])
    b = jnp.where(is_paper, bp_ref[...], bm_ref[...])
    o_ref[...] = jnp.dot(xp_ref[...], w, preferred_element_type=jnp.float32) + b


def _encode(x_all, Wp, bp, Wm, bm):
    grid = N // _ENC_BN
    return pl.pallas_call(
        _encode_body,
        grid=(grid,),
        in_specs=[
            pl.BlockSpec((_ENC_BN, 128), lambda i: (i, 0)),
            pl.BlockSpec((128, 16), lambda i: (0, 0)),
            pl.BlockSpec((1, 16), lambda i: (0, 0)),
            pl.BlockSpec((128, 16), lambda i: (0, 0)),
            pl.BlockSpec((1, 16), lambda i: (0, 0)),
        ],
        out_specs=pl.BlockSpec((_ENC_BN, 16), lambda i: (i, 0)),
        out_shape=jax.ShapeDtypeStruct((N, 16), jnp.float32),
    )(x_all, Wp, bp.reshape(1, 16), Wm, bm.reshape(1, 16))


_BN = 2000
_NBLK = N // _BN


def _make_dense(din: int, h: int, relu: bool, final: bool):

    def body(x_ref, p0_r0, p0_r1, p1_r0, p1_r1, d0_r0, d0_r1, d1_r0, d1_r1,
             comp_ref, bases_ref, root_ref, bias_ref, *rest):
        if final:
            wpp_ref, bpp_ref, wpm_ref, bpm_ref, o_ref, zp_ref, zm_ref = rest
        else:
            o_ref, = rest
        x = x_ref[...]
        bases = bases_ref[...]
        nb = bases.shape[0]
        w0 = sum(comp_ref[0, b] * bases[b] for b in range(nb))
        w1 = sum(comp_ref[1, b] * bases[b] for b in range(nb))

        if din == 32:
            a0 = jnp.concatenate([p0_r0[0], p1_r0[0]], axis=-1)
            a1 = jnp.concatenate([p0_r1[0], p1_r1[0]], axis=-1)
        else:
            a0 = p0_r0[0] + p1_r0[0]
            a1 = p0_r1[0] + p1_r1[0]
        inv0 = 1.0 / jnp.maximum(d0_r0[..., 0:1] + d1_r0[..., 0:1], 1.0)
        inv1 = 1.0 / jnp.maximum(d0_r1[..., 0:1] + d1_r1[..., 0:1], 1.0)

        xcat = jnp.concatenate([x, a0 * inv0, a1 * inv1], axis=-1)
        wcat = jnp.concatenate([root_ref[...], w0, w1], axis=0)
        out = jnp.dot(xcat, wcat, preferred_element_type=jnp.float32)
        out = out + bias_ref[...]
        if relu:
            out = jnp.maximum(out, 0.0)
        o_ref[...] = out
        if final:
            zp_ref[...] = jnp.dot(out, wpp_ref[...],
                                  preferred_element_type=jnp.float32) + bpp_ref[...]
            zm_ref[...] = jnp.dot(out, wpm_ref[...],
                                  preferred_element_type=jnp.float32) + bpm_ref[...]

    nblk_r = N // _BN

    in_specs = [
        pl.BlockSpec((_BN, din), lambda i: (i, 0)),
        pl.BlockSpec((1, _BN, 16), lambda i: (0, i, 0)),
        pl.BlockSpec((1, _BN, 16), lambda i: (0, nblk_r + i, 0)),
        pl.BlockSpec((1, _BN, 16), lambda i: (1, i, 0)),
        pl.BlockSpec((1, _BN, 16), lambda i: (1, nblk_r + i, 0)),
        pl.BlockSpec((_BN, 1), lambda i: (i, 0)),
        pl.BlockSpec((_BN, 1), lambda i: (nblk_r + i, 0)),
        pl.BlockSpec((_BN, 1), lambda i: (i, 0)),
        pl.BlockSpec((_BN, 1), lambda i: (nblk_r + i, 0)),
        pl.BlockSpec(memory_space=pltpu.SMEM),
        pl.BlockSpec((4, din, h), lambda i: (0, 0, 0)),
        pl.BlockSpec((din, h), lambda i: (0, 0)),
        pl.BlockSpec((1, h), lambda i: (0, 0)),
    ]
    out_specs = [pl.BlockSpec((_BN, h), lambda i: (i, 0))]
    out_shape = [jax.ShapeDtypeStruct((N, h), jnp.float32)]
    if final:
        in_specs += [
            pl.BlockSpec((16, 16), lambda i: (0, 0)),
            pl.BlockSpec((1, 16), lambda i: (0, 0)),
            pl.BlockSpec((16, 16), lambda i: (0, 0)),
            pl.BlockSpec((1, 16), lambda i: (0, 0)),
        ]
        out_specs += [pl.BlockSpec((_BN, 16), lambda i: (i, 0)),
                      pl.BlockSpec((_BN, 16), lambda i: (i, 0))]
        out_shape += [jax.ShapeDtypeStruct((N, 16), jnp.float32),
                      jax.ShapeDtypeStruct((N, 16), jnp.float32)]

    def run(x, acc, deg0, deg1, comp, bases, root, bias, extra=()):
        args = [x, acc, acc, acc, acc, deg0, deg0, deg1, deg1,
                comp, bases, root, bias.reshape(1, h)] + list(extra)
        return pl.pallas_call(
            body,
            grid=(_NBLK,),
            in_specs=in_specs,
            out_specs=out_specs,
            out_shape=out_shape,
        )(*args)

    return run


_DOT_BN = 2048


def _dot_body(a_ref, b_ref, o_ref):
    o_ref[...] = jnp.sum(a_ref[...] * b_ref[...], axis=-1, keepdims=True)


def _decode_dot(ga, gb):
    grid = EP_DEC // _DOT_BN
    return pl.pallas_call(
        _dot_body,
        grid=(grid,),
        in_specs=[pl.BlockSpec((_DOT_BN, 16), lambda i: (i, 0)),
                  pl.BlockSpec((_DOT_BN, 16), lambda i: (i, 0))],
        out_specs=pl.BlockSpec((_DOT_BN, 1), lambda i: (i, 0)),
        out_shape=jax.ShapeDtypeStruct((EP_DEC, 1), jnp.float32),
    )(ga, gb)



def kernel(x_paper, x_mesh, train_pos_edge_index, train_pos_edge_type,
           pos_edge_index, pos_edge_type, neg_edge_index, neg_edge_type,
           Wp, bp, Wm, bm, comp1, bases1, root1, bias1, comp2, bases2, root2,
           bias2, comp3, bases3, root3, bias3, Wpp, bpp, Wpm, bpm):
    src = train_pos_edge_index[0]
    dst = train_pos_edge_index[1]
    et = train_pos_edge_type

    npad = EP - E
    nblk = NU // UPB
    pad_spread = jax.lax.iota(jnp.int32, npad) % 64
    src_p = jnp.concatenate([src, pad_spread])
    cidx = jnp.concatenate([et * N + dst, N * R + pad_spread])
    cidx3d = cidx.reshape(nblk, UPB, 128)
    srcs_a = jnp.stack([src_p, src_p + N]).reshape(NC, nblk, UPB, 128)
    srcs_b = jnp.stack([src_p, src_p]).reshape(NC, nblk, UPB, 128)

    zf = jnp.zeros((_CHUNK, 16), jnp.float32)
    zd = jnp.zeros((_CHUNK, 1), jnp.float32)
    ones128 = jnp.ones((128, 1), jnp.float32)

    acc1_k = _make_sc_accumulate(split_cols=False)
    acc2_k = _make_sc_accumulate(split_cols=True)

    dense1 = _make_dense(16, 32, relu=True, final=False)
    dense2 = _make_dense(32, 32, relu=True, final=False)
    dense3 = _make_dense(32, 16, relu=False, final=True)

    x_all = jnp.concatenate([x_paper, x_mesh], axis=0)
    x0 = _encode(x_all, Wp, bp, Wm, bm)

    deg_full = jax.ops.segment_sum(jnp.ones((E,), jnp.float32), et * N + dst,
                                   num_segments=2 * N)
    deg0 = jnp.zeros((ACC_ROWS, 1), jnp.float32).at[:2 * N, 0].set(deg_full)
    deg1 = jnp.zeros((ACC_ROWS, 1), jnp.float32)

    acc1, = acc1_k(x0, srcs_b, cidx3d, zf)
    h1, = dense1(x0, acc1, deg0, deg1, comp1, bases1, root1, bias1)

    tab2 = jnp.concatenate([h1[:, :16], h1[:, 16:]], axis=0)
    acc2, = acc2_k(tab2, srcs_a, cidx3d, zf)
    h2, = dense2(h1, acc2, deg0, deg1, comp2, bases2, root2, bias2)

    tab3 = jnp.concatenate([h2[:, :16], h2[:, 16:]], axis=0)
    acc3, = acc2_k(tab3, srcs_a, cidx3d, zf)
    z, zp, zm = dense3(h2, acc3, deg0, deg1, comp3, bases3, root3, bias3,
                       extra=(Wpp, bpp.reshape(1, 16), Wpm, bpm.reshape(1, 16)))

    gt = jnp.concatenate([zp, zm, z], axis=0)

    def dec_idx(ei, etyp):
        sidx = etyp * N + ei[0]
        didx = 2 * N + ei[1]
        m0 = (etyp == 0).astype(jnp.int32)
        c0 = jnp.cumsum(m0)
        nz = c0[-1]
        c1 = jnp.cumsum(1 - m0)
        posn = jnp.where(m0 == 1, c0 - 1, nz + c1 - 1)
        return sidx, didx, posn

    ps, pd, pp = dec_idx(pos_edge_index, pos_edge_type)
    ns, nd, npos = dec_idx(neg_edge_index, neg_edge_type)
    dpad = jax.lax.iota(jnp.int32, EP_DEC - E_DEC) % 64
    ppad = E_DEC + jax.lax.iota(jnp.int32, EP_DEC - E_DEC)
    nshape = (EP_DEC // (UPB * 128), UPB, 128)
    sidx_all = jnp.concatenate([ps, ns, dpad]).reshape(nshape)
    didx_all = jnp.concatenate([pd, nd, dpad]).reshape(nshape)
    posn_all = jnp.concatenate([pp, E_POS + npos, ppad]).reshape(nshape)

    dec_k = _make_sc_decode_gather()
    ga, gb = dec_k(gt, sidx_all, didx_all, posn_all)
    scores = _decode_dot(ga, gb)
    return scores.reshape(-1)[:E_DEC]

# --- scband reference (transcript-rebuilt; emitter-appended) ---
"""Pipeline reference for scband-net-17386027614281 (READ-ONLY COPY).

The authoritative reference and input builder live on the scoring server;
editing this copy changes nothing except your own understanding.
"""

import jax, jax.numpy as jnp
import numpy as np

N_PAPER = 45000
N_MESH = 5000
N = N_PAPER + N_MESH
E_TRAIN = 800000
E_POS = 100000
E_NEG = 100000
D_PAPER = 128
D_MESH = 128
D0 = 16
H1 = 32
H2 = 32
H3 = 16
R = 2
NB = 4


def setup_inputs(seed: int = 0):
    key = jax.random.key(seed)
    ks = jax.random.split(key, 32)
    s = 0.1
    inp = {}
    inp['x_paper'] = jax.random.normal(ks[0], (N_PAPER, D_PAPER), dtype=jnp.float32)
    inp['x_mesh'] = jax.random.normal(ks[1], (N_MESH, D_MESH), dtype=jnp.float32)
    inp['train_pos_edge_index'] = jax.random.randint(ks[2], (2, E_TRAIN), 0, N, dtype=jnp.int32)
    inp['train_pos_edge_type'] = jax.random.randint(ks[3], (E_TRAIN,), 0, R, dtype=jnp.int32)
    inp['pos_edge_index'] = jax.random.randint(ks[4], (2, E_POS), 0, N, dtype=jnp.int32)
    inp['pos_edge_type'] = jax.random.randint(ks[5], (E_POS,), 0, R, dtype=jnp.int32)
    inp['neg_edge_index'] = jax.random.randint(ks[6], (2, E_NEG), 0, N, dtype=jnp.int32)
    inp['neg_edge_type'] = jax.random.randint(ks[7], (E_NEG,), 0, R, dtype=jnp.int32)
    inp['Wp'] = jax.random.normal(ks[8], (D_PAPER, D0), dtype=jnp.float32) * s
    inp['bp'] = jnp.zeros((D0,), jnp.float32)
    inp['Wm'] = jax.random.normal(ks[9], (D_MESH, D0), dtype=jnp.float32) * s
    inp['bm'] = jnp.zeros((D0,), jnp.float32)
    inp['comp1'] = jax.random.normal(ks[10], (R, NB), dtype=jnp.float32) * s
    inp['bases1'] = jax.random.normal(ks[11], (NB, D0, H1), dtype=jnp.float32) * s
    inp['root1'] = jax.random.normal(ks[12], (D0, H1), dtype=jnp.float32) * s
    inp['bias1'] = jnp.zeros((H1,), jnp.float32)
    inp['comp2'] = jax.random.normal(ks[13], (R, NB), dtype=jnp.float32) * s
    inp['bases2'] = jax.random.normal(ks[14], (NB, H1, H2), dtype=jnp.float32) * s
    inp['root2'] = jax.random.normal(ks[15], (H1, H2), dtype=jnp.float32) * s
    inp['bias2'] = jnp.zeros((H2,), jnp.float32)
    inp['comp3'] = jax.random.normal(ks[16], (R, NB), dtype=jnp.float32) * s
    inp['bases3'] = jax.random.normal(ks[17], (NB, H2, H3), dtype=jnp.float32) * s
    inp['root3'] = jax.random.normal(ks[18], (H2, H3), dtype=jnp.float32) * s
    inp['bias3'] = jnp.zeros((H3,), jnp.float32)
    inp['Wpp'] = jax.random.normal(ks[19], (H3, H3), dtype=jnp.float32) * s
    inp['bpp'] = jnp.zeros((H3,), jnp.float32)
    inp['Wpm'] = jax.random.normal(ks[20], (H3, H3), dtype=jnp.float32) * s
    inp['bpm'] = jnp.zeros((H3,), jnp.float32)
    return inp


def _rgcn(x, src, dst, etype, comp, bases, root, bias):
    # basis-decomposed relation weights: W[r] = sum_b comp[r,b] * bases[b]
    W = jnp.einsum('rb,bio->rio', comp, bases)
    xs = jnp.take(x, src, axis=0)
    out = x @ root + bias
    for r in range(R):
        m = (etype == r).astype(x.dtype)
        msg = (xs @ W[r]) * m[:, None]
        agg = jax.ops.segment_sum(msg, dst, num_segments=N)
        deg = jax.ops.segment_sum(m, dst, num_segments=N)
        out = out + agg / jnp.clip(deg, 1.0)[:, None]
    return out


def reference(x_paper, x_mesh, train_pos_edge_index, train_pos_edge_type, pos_edge_index, pos_edge_type, neg_edge_index, neg_edge_type, Wp, bp, Wm, bm, comp1, bases1, root1, bias1, comp2, bases2, root2, bias2, comp3, bases3, root3, bias3, Wpp, bpp, Wpm, bpm):
    src = train_pos_edge_index[0]
    dst = train_pos_edge_index[1]
    # encode
    x = jnp.concatenate([x_paper @ Wp + bp, x_mesh @ Wm + bm], axis=0)
    x = jax.nn.relu(_rgcn(x, src, dst, train_pos_edge_type, comp1, bases1, root1, bias1))
    x = jax.nn.relu(_rgcn(x, src, dst, train_pos_edge_type, comp2, bases2, root2, bias2))
    z = _rgcn(x, src, dst, train_pos_edge_type, comp3, bases3, root3, bias3)

    def dec(W, b, s_idx, d_idx):
        return ((z[s_idx] @ W + b) * z[d_idx]).sum(-1)

    pos_scores = jnp.where(
        pos_edge_type == 0,
        dec(Wpp, bpp, pos_edge_index[0], pos_edge_index[1]),
        dec(Wpm, bpm, pos_edge_index[0], pos_edge_index[1]),
    )
    neg_scores = jnp.where(
        neg_edge_type == 0,
        dec(Wpp, bpp, neg_edge_index[0], neg_edge_index[1]),
        dec(Wpm, bpm, neg_edge_index[0], neg_edge_index[1]),
    )
    pos_order = jnp.argsort(pos_edge_type, stable=True)
    neg_order = jnp.argsort(neg_edge_type, stable=True)
    return jnp.concatenate([pos_scores[pos_order], neg_scores[neg_order]], axis=0)

if __name__ == "__main__":
    import jax
    _d = setup_inputs()
    print(jax.jit(kernel)(*tuple(_d.values())))

</pallas_src>

<mosaic_0001>
#map = affine_map<(d0, d1) -> (0, 0)>
#map1 = affine_map<(d0, d1) -> (0, 0, 0, 0)>
#map2 = affine_map<(d0, d1) -> (0, 0, 0)>
module attributes {stable_mosaic.version = 14 : i64} {
  func.func @sc_accumulate(%arg0: i32, %arg1: i32, %arg2: memref<100000x16xf32, #tpu.memory_space<hbm>>, %arg3: memref<2x800x8x128xi32, #tpu.memory_space<hbm>>, %arg4: memref<800x8x128xi32, #tpu.memory_space<hbm>>, %arg5: memref<368x16xf32, #tpu.memory_space<hbm>>, %arg6: memref<2x100096x16xf32, #tpu.memory_space<hbm>>, %arg7: memref<100096x16xf32, #tpu.memory_space<vmem_shared>>, %arg8: memref<8x128xi32, #tpu.memory_space<vmem>>, %arg9: memref<128x16xf32, #tpu.memory_space<vmem>>, %arg10: memref<128x16xf32, #tpu.memory_space<vmem>>, %arg11: memref<!tpu.dma_semaphore, #tpu.memory_space<semaphore_mem>>, %arg12: memref<8x128xi32, #tpu.memory_space<vmem>>, %arg13: memref<368x16xf32, #tpu.memory_space<vmem>>) attributes {dimension_semantics = [#tpu.dimension_semantics<core_parallel>, #tpu.dimension_semantics<subcore_parallel>], iteration_bounds = array<i64: 2, 16>, scalar_prefetch = 0 : i64, scratch_operands = 7 : i64, tpu.core_type = #tpu.core_type<sc_vector_subcore>, window_params = [{transform_indices = #map}, {transform_indices = #map1}, {transform_indices = #map2}, {transform_indices = #map}, {transform_indices = #map2}]} {
    %mul3A = arith.constant 6256 : i32
    %mul3A_0 = arith.muli %arg1, %mul3A : i32
    "tpu.region"() ({
      %run_scoped3A = tpu.sem_alloc : memref<!tpu.dma_semaphore, #tpu.memory_space<semaphore_mem>>
      tpu.enqueue_dma source(%arg5 : memref<368x16xf32, #tpu.memory_space<hbm>>) target(%arg13 : memref<368x16xf32, #tpu.memory_space<vmem>>) target_semaphore(%run_scoped3A : memref<!tpu.dma_semaphore, #tpu.memory_space<semaphore_mem>>)
      tpu.wait_dma2 semaphore(%run_scoped3A : memref<!tpu.dma_semaphore, #tpu.memory_space<semaphore_mem>>) src(%arg5 : memref<368x16xf32, #tpu.memory_space<hbm>>) dst(%arg13 : memref<368x16xf32, #tpu.memory_space<vmem>>)
      tpu.yield
    }) : () -> ()
    %scan3A = arith.constant 0 : i32
    %scan3A_1 = arith.constant 0 : i32
    %scan3A_2 = arith.constant 17 : i32
    %scan3A_3 = arith.addi %scan3A_1, %scan3A_2 : i32
    %scan3A_4 = arith.constant 1 : i32
    scf.for %scan3A_21 = %scan3A_1 to %scan3A_3 step %scan3A_4  : i32 {
      %mul3A_22 = arith.constant 368 : i32
      %mul3A_23 = arith.muli %scan3A_21, %mul3A_22 : i32
      %add3A = arith.addi %mul3A_0, %mul3A_23 : i32
      "tpu.region"() ({
        %run_scoped3A = tpu.sem_alloc : memref<!tpu.dma_semaphore, #tpu.memory_space<semaphore_mem>>
        %dma_start3A = arith.constant 0 : i32
        %dma_start3A_24 = tpu.memref_slice %arg7[%add3A, %dma_start3A] : memref<100096x16xf32, #tpu.memory_space<vmem_shared>> -> memref<368x16xf32, #tpu.memory_space<vmem_shared>>
        %dma_start3A_25 = arith.constant 0 : i32
        %dma_start3A_26 = tpu.memref_slice %arg7[%add3A, %dma_start3A_25] : memref<100096x16xf32, #tpu.memory_space<vmem_shared>> -> memref<368x16xf32, #tpu.memory_space<vmem_shared>>
        tpu.enqueue_dma source(%arg13 : memref<368x16xf32, #tpu.memory_space<vmem>>) target(%dma_start3A_26 : memref<368x16xf32, #tpu.memory_space<vmem_shared>>) target_semaphore(%run_scoped3A : memref<!tpu.dma_semaphore, #tpu.memory_space<semaphore_mem>>)
        %dma_wait3A = arith.constant 0 : i32
        %dma_wait3A_27 = tpu.memref_slice %arg7[%add3A, %dma_wait3A] : memref<100096x16xf32, #tpu.memory_space<vmem_shared>> -> memref<368x16xf32, #tpu.memory_space<vmem_shared>>
        %dma_wait3A_28 = arith.constant 0 : i32
        %dma_wait3A_29 = tpu.memref_slice %arg7[%add3A, %dma_wait3A_28] : memref<100096x16xf32, #tpu.memory_space<vmem_shared>> -> memref<368x16xf32, #tpu.memory_space<vmem_shared>>
        tpu.wait_dma2 semaphore(%run_scoped3A : memref<!tpu.dma_semaphore, #tpu.memory_space<semaphore_mem>>) src(%arg13 : memref<368x16xf32, #tpu.memory_space<vmem>>) dst(%dma_wait3A_29 : memref<368x16xf32, #tpu.memory_space<vmem_shared>>)
        tpu.yield
      }) : () -> ()
    }
    %scan3A_5 = arith.constant 17 : i32
    %barrier3A = arith.constant 0 : index
    tpu.barrier barrier_id(%barrier3A)
    %mul3A_6 = arith.constant 50 : i32
    %mul3A_7 = arith.muli %arg1, %mul3A_6 : i32
    %scan3A_8 = arith.constant 0 : i32
    %scan3A_9 = arith.constant 0 : i32
    %scan3A_10 = arith.constant 50 : i32
    %scan3A_11 = arith.addi %scan3A_9, %scan3A_10 : i32
    %scan3A_12 = arith.constant 1 : i32
    scf.for %scan3A_21 = %scan3A_9 to %scan3A_11 step %scan3A_12  : i32 {
      %add3A = arith.addi %mul3A_7, %scan3A_21 : i32
      "tpu.region"() ({
        %run_scoped3A_139 = tpu.sem_alloc : memref<!tpu.dma_semaphore, #tpu.memory_space<semaphore_mem>>
        %dma_start3A_140 = arith.constant 0 : i32
        %dma_start3A_141 = arith.constant 0 : i32
        %dma_start3A_142 = tpu.memref_slice %arg3[%arg0, %add3A, %dma_start3A_140, %dma_start3A_141] : memref<2x800x8x128xi32, #tpu.memory_space<hbm>> -> memref<1x1x8x128xi32, #tpu.memory_space<hbm>>
        %dma_start3A_143 = tpu.memref_squeeze %dma_start3A_142 : memref<1x1x8x128xi32, #tpu.memory_space<hbm>> -> memref<8x128xi32, #tpu.memory_space<hbm>>
        %dma_start3A_144 = arith.constant 0 : i32
        %dma_start3A_145 = arith.constant 0 : i32
        %dma_start3A_146 = tpu.memref_slice %arg3[%arg0, %add3A, %dma_start3A_144, %dma_start3A_145] : memref<2x800x8x128xi32, #tpu.memory_space<hbm>> -> memref<1x1x8x128xi32, #tpu.memory_space<hbm>>
        %dma_start3A_147 = tpu.memref_squeeze %dma_start3A_146 : memref<1x1x8x128xi32, #tpu.memory_space<hbm>> -> memref<8x128xi32, #tpu.memory_space<hbm>>
        tpu.enqueue_dma source(%dma_start3A_147 : memref<8x128xi32, #tpu.memory_space<hbm>>) target(%arg12 : memref<8x128xi32, #tpu.memory_space<vmem>>) target_semaphore(%run_scoped3A_139 : memref<!tpu.dma_semaphore, #tpu.memory_space<semaphore_mem>>)
        %dma_wait3A_148 = arith.constant 0 : i32
        %dma_wait3A_149 = arith.constant 0 : i32
        %dma_wait3A_150 = tpu.memref_slice %arg3[%arg0, %add3A, %dma_wait3A_148, %dma_wait3A_149] : memref<2x800x8x128xi32, #tpu.memory_space<hbm>> -> memref<1x1x8x128xi32, #tpu.memory_space<hbm>>
        %dma_wait3A_151 = tpu.memref_squeeze %dma_wait3A_150 : memref<1x1x8x128xi32, #tpu.memory_space<hbm>> -> memref<8x128xi32, #tpu.memory_space<hbm>>
        %dma_wait3A_152 = arith.constant 0 : i32
        %dma_wait3A_153 = arith.constant 0 : i32
        %dma_wait3A_154 = tpu.memref_slice %arg3[%arg0, %add3A, %dma_wait3A_152, %dma_wait3A_153] : memref<2x800x8x128xi32, #tpu.memory_space<hbm>> -> memref<1x1x8x128xi32, #tpu.memory_space<hbm>>
        %dma_wait3A_155 = tpu.memref_squeeze %dma_wait3A_154 : memref<1x1x8x128xi32, #tpu.memory_space<hbm>> -> memref<8x128xi32, #tpu.memory_space<hbm>>
        tpu.wait_dma2 semaphore(%run_scoped3A_139 : memref<!tpu.dma_semaphore, #tpu.memory_space<semaphore_mem>>) src(%dma_wait3A_155 : memref<8x128xi32, #tpu.memory_space<hbm>>) dst(%arg12 : memref<8x128xi32, #tpu.memory_space<vmem>>)
        tpu.yield
      }) : () -> ()
      "tpu.region"() ({
        %run_scoped3A_139 = tpu.sem_alloc : memref<!tpu.dma_semaphore, #tpu.memory_space<semaphore_mem>>
        %dma_start3A_140 = arith.constant 0 : i32
        %dma_start3A_141 = arith.constant 0 : i32
        %dma_start3A_142 = tpu.memref_slice %arg4[%add3A, %dma_start3A_140, %dma_start3A_141] : memref<800x8x128xi32, #tpu.memory_space<hbm>> -> memref<1x8x128xi32, #tpu.memory_space<hbm>>
        %dma_start3A_143 = tpu.memref_squeeze %dma_start3A_142 : memref<1x8x128xi32, #tpu.memory_space<hbm>> -> memref<8x128xi32, #tpu.memory_space<hbm>>
        %dma_start3A_144 = arith.constant 0 : i32
        %dma_start3A_145 = arith.constant 0 : i32
        %dma_start3A_146 = tpu.memref_slice %arg4[%add3A, %dma_start3A_144, %dma_start3A_145] : memref<800x8x128xi32, #tpu.memory_space<hbm>> -> memref<1x8x128xi32, #tpu.memory_space<hbm>>
        %dma_start3A_147 = tpu.memref_squeeze %dma_start3A_146 : memref<1x8x128xi32, #tpu.memory_space<hbm>> -> memref<8x128xi32, #tpu.memory_space<hbm>>
        tpu.enqueue_dma source(%dma_start3A_147 : memref<8x128xi32, #tpu.memory_space<hbm>>) target(%arg8 : memref<8x128xi32, #tpu.memory_space<vmem>>) target_semaphore(%run_scoped3A_139 : memref<!tpu.dma_semaphore, #tpu.memory_space<semaphore_mem>>)
        %dma_wait3A_148 = arith.constant 0 : i32
        %dma_wait3A_149 = arith.constant 0 : i32
        %dma_wait3A_150 = tpu.memref_slice %arg4[%add3A, %dma_wait3A_148, %dma_wait3A_149] : memref<800x8x128xi32, #tpu.memory_space<hbm>> -> memref<1x8x128xi32, #tpu.memory_space<hbm>>
        %dma_wait3A_151 = tpu.memref_squeeze %dma_wait3A_150 : memref<1x8x128xi32, #tpu.memory_space<hbm>> -> memref<8x128xi32, #tpu.memory_space<hbm>>
        %dma_wait3A_152 = arith.constant 0 : i32
        %dma_wait3A_153 = arith.constant 0 : i32
        %dma_wait3A_154 = tpu.memref_slice %arg4[%add3A, %dma_wait3A_152, %dma_wait3A_153] : memref<800x8x128xi32, #tpu.memory_space<hbm>> -> memref<1x8x128xi32, #tpu.memory_space<hbm>>
        %dma_wait3A_155 = tpu.memref_squeeze %dma_wait3A_154 : memref<1x8x128xi32, #tpu.memory_space<hbm>> -> memref<8x128xi32, #tpu.memory_space<hbm>>
        tpu.wait_dma2 semaphore(%run_scoped3A_139 : memref<!tpu.dma_semaphore, #tpu.memory_space<semaphore_mem>>) src(%dma_wait3A_155 : memref<8x128xi32, #tpu.memory_space<hbm>>) dst(%arg8 : memref<8x128xi32, #tpu.memory_space<vmem>>)
        tpu.yield
      }) : () -> ()
      %dma_start3A = arith.constant 0 : i32
      %dma_start3A_22 = arith.constant 0 : i32
      %dma_start3A_23 = tpu.memref_slice %arg12[%dma_start3A, %dma_start3A_22] : memref<8x128xi32, #tpu.memory_space<vmem>> -> memref<1x128xi32, #tpu.memory_space<vmem>>
      %dma_start3A_24 = tpu.memref_squeeze %dma_start3A_23 : memref<1x128xi32, #tpu.memory_space<vmem>> -> memref<128xi32, #tpu.memory_space<vmem>>
      %dma_start3A_25 = arith.constant 0 : i32
      %dma_start3A_26 = arith.constant 0 : i32
      %dma_start3A_27 = tpu.memref_slice %arg2[%dma_start3A_25, %dma_start3A_26] : memref<100000x16xf32, #tpu.memory_space<hbm>> -> memref<100000x16xf32, #tpu.memory_space<hbm>>
      tpu.enqueue_indirect_dma source(%dma_start3A_27 : memref<100000x16xf32, #tpu.memory_space<hbm>>) target(%arg9 : memref<128x16xf32, #tpu.memory_space<vmem>>) offsets(%dma_start3A_24 : memref<128xi32, #tpu.memory_space<vmem>>) semaphore(%arg11 : memref<!tpu.dma_semaphore, #tpu.memory_space<semaphore_mem>>)
      %dma_wait3A = arith.constant 0 : i32
      %dma_wait3A_28 = arith.constant 0 : i32
      %dma_wait3A_29 = tpu.memref_slice %arg12[%dma_wait3A, %dma_wait3A_28] : memref<8x128xi32, #tpu.memory_space<vmem>> -> memref<1x128xi32, #tpu.memory_space<vmem>>
      %dma_wait3A_30 = tpu.memref_squeeze %dma_wait3A_29 : memref<1x128xi32, #tpu.memory_space<vmem>> -> memref<128xi32, #tpu.memory_space<vmem>>
      %dma_wait3A_31 = arith.constant 0 : i32
      %dma_wait3A_32 = arith.constant 0 : i32
      %dma_wait3A_33 = tpu.memref_slice %arg2[%dma_wait3A_31, %dma_wait3A_32] : memref<100000x16xf32, #tpu.memory_space<hbm>> -> memref<100000x16xf32, #tpu.memory_space<hbm>>
      tpu.wait_indirect_dma semaphore(%arg11 : memref<!tpu.dma_semaphore, #tpu.memory_space<semaphore_mem>>) src(%dma_wait3A_33 : memref<100000x16xf32, #tpu.memory_space<hbm>>) dst(%arg9 : memref<128x16xf32, #tpu.memory_space<vmem>>)
      %dma_start3A_34 = arith.constant 1 : i32
      %dma_start3A_35 = arith.constant 0 : i32
      %dma_start3A_36 = tpu.memref_slice %arg12[%dma_start3A_34, %dma_start3A_35] : memref<8x128xi32, #tpu.memory_space<vmem>> -> memref<1x128xi32, #tpu.memory_space<vmem>>
      %dma_start3A_37 = tpu.memref_squeeze %dma_start3A_36 : memref<1x128xi32, #tpu.memory_space<vmem>> -> memref<128xi32, #tpu.memory_space<vmem>>
      %dma_start3A_38 = arith.constant 0 : i32
      %dma_start3A_39 = arith.constant 0 : i32
      %dma_start3A_40 = tpu.memref_slice %arg2[%dma_start3A_38, %dma_start3A_39] : memref<100000x16xf32, #tpu.memory_space<hbm>> -> memref<100000x16xf32, #tpu.memory_space<hbm>>
      tpu.enqueue_indirect_dma source(%dma_start3A_40 : memref<100000x16xf32, #tpu.memory_space<hbm>>) target(%arg10 : memref<128x16xf32, #tpu.memory_space<vmem>>) offsets(%dma_start3A_37 : memref<128xi32, #tpu.memory_space<vmem>>) semaphore(%arg11 : memref<!tpu.dma_semaphore, #tpu.memory_space<semaphore_mem>>)
      %run_scoped3A = arith.constant 0 : i32
      "tpu.region"() ({
        %run_scoped3A_139 = tpu.sem_alloc : memref<!tpu.dma_semaphore, #tpu.memory_space<semaphore_mem>>
        %dma_start3A_140 = arith.constant 0 : i32
        %dma_start3A_141 = tpu.memref_slice %arg8[%run_scoped3A, %dma_start3A_140] : memref<8x128xi32, #tpu.memory_space<vmem>> -> memref<1x128xi32, #tpu.memory_space<vmem>>
        %dma_start3A_142 = tpu.memref_squeeze %dma_start3A_141 : memref<1x128xi32, #tpu.memory_space<vmem>> -> memref<128xi32, #tpu.memory_space<vmem>>
        %dma_start3A_143 = arith.constant 0 : i32
        %dma_start3A_144 = arith.constant 0 : i32
        %dma_start3A_145 = tpu.memref_slice %arg7[%dma_start3A_143, %dma_start3A_144] : memref<100096x16xf32, #tpu.memory_space<vmem_shared>> -> memref<100096x16xf32, #tpu.memory_space<vmem_shared>>
        tpu.enqueue_indirect_dma source(%arg9 : memref<128x16xf32, #tpu.memory_space<vmem>>) target(%dma_start3A_145 : memref<100096x16xf32, #tpu.memory_space<vmem_shared>>) offsets(%dma_start3A_142 : memref<128xi32, #tpu.memory_space<vmem>>) semaphore(%run_scoped3A_139 : memref<!tpu.dma_semaphore, #tpu.memory_space<semaphore_mem>>) {add = true}
        %dma_wait3A_146 = arith.constant 0 : i32
        %dma_wait3A_147 = tpu.memref_slice %arg8[%run_scoped3A, %dma_wait3A_146] : memref<8x128xi32, #tpu.memory_space<vmem>> -> memref<1x128xi32, #tpu.memory_space<vmem>>
        %dma_wait3A_148 = tpu.memref_squeeze %dma_wait3A_147 : memref<1x128xi32, #tpu.memory_space<vmem>> -> memref<128xi32, #tpu.memory_space<vmem>>
        %dma_wait3A_149 = arith.constant 0 : i32
        %dma_wait3A_150 = arith.constant 0 : i32
        %dma_wait3A_151 = tpu.memref_slice %arg7[%dma_wait3A_149, %dma_wait3A_150] : memref<100096x16xf32, #tpu.memory_space<vmem_shared>> -> memref<100096x16xf32, #tpu.memory_space<vmem_shared>>
        tpu.wait_indirect_dma semaphore(%run_scoped3A_139 : memref<!tpu.dma_semaphore, #tpu.memory_space<semaphore_mem>>) src(%arg9 : memref<128x16xf32, #tpu.memory_space<vmem>>) dst(%dma_wait3A_151 : memref<100096x16xf32, #tpu.memory_space<vmem_shared>>)
        tpu.yield
      }) : () -> ()
      %dma_wait3A_41 = arith.constant 1 : i32
      %dma_wait3A_42 = arith.constant 0 : i32
      %dma_wait3A_43 = tpu.memref_slice %arg12[%dma_wait3A_41, %dma_wait3A_42] : memref<8x128xi32, #tpu.memory_space<vmem>> -> memref<1x128xi32, #tpu.memory_space<vmem>>
      %dma_wait3A_44 = tpu.memref_squeeze %dma_wait3A_43 : memref<1x128xi32, #tpu.memory_space<vmem>> -> memref<128xi32, #tpu.memory_space<vmem>>
      %dma_wait3A_45 = arith.constant 0 : i32
      %dma_wait3A_46 = arith.constant 0 : i32
      %dma_wait3A_47 = tpu.memref_slice %arg2[%dma_wait3A_45, %dma_wait3A_46] : memref<100000x16xf32, #tpu.memory_space<hbm>> -> memref<100000x16xf32, #tpu.memory_space<hbm>>
      tpu.wait_indirect_dma semaphore(%arg11 : memref<!tpu.dma_semaphore, #tpu.memory_space<semaphore_mem>>) src(%dma_wait3A_47 : memref<100000x16xf32, #tpu.memory_space<hbm>>) dst(%arg10 : memref<128x16xf32, #tpu.memory_space<vmem>>)
      %dma_start3A_48 = arith.constant 2 : i32
      %dma_start3A_49 = arith.constant 0 : i32
      %dma_start3A_50 = tpu.memref_slice %arg12[%dma_start3A_48, %dma_start3A_49] : memref<8x128xi32, #tpu.memory_space<vmem>> -> memref<1x128xi32, #tpu.memory_space<vmem>>
      %dma_start3A_51 = tpu.memref_squeeze %dma_start3A_50 : memref<1x128xi32, #tpu.memory_space<vmem>> -> memref<128xi32, #tpu.memory_space<vmem>>
      %dma_start3A_52 = arith.constant 0 : i32
      %dma_start3A_53 = arith.constant 0 : i32
      %dma_start3A_54 = tpu.memref_slice %arg2[%dma_start3A_52, %dma_start3A_53] : memref<100000x16xf32, #tpu.memory_space<hbm>> -> memref<100000x16xf32, #tpu.memory_space<hbm>>
      tpu.enqueue_indirect_dma source(%dma_start3A_54 : memref<100000x16xf32, #tpu.memory_space<hbm>>) target(%arg9 : memref<128x16xf32, #tpu.memory_space<vmem>>) offsets(%dma_start3A_51 : memref<128xi32, #tpu.memory_space<vmem>>) semaphore(%arg11 : memref<!tpu.dma_semaphore, #tpu.memory_space<semaphore_mem>>)
      %run_scoped3A_55 = arith.constant 1 : i32
      "tpu.region"() ({
        %run_scoped3A_139 = tpu.sem_alloc : memref<!tpu.dma_semaphore, #tpu.memory_space<semaphore_mem>>
        %dma_start3A_140 = arith.constant 0 : i32
        %dma_start3A_141 = tpu.memref_slice %arg8[%run_scoped3A_55, %dma_start3A_140] : memref<8x128xi32, #tpu.memory_space<vmem>> -> memref<1x128xi32, #tpu.memory_space<vmem>>
        %dma_start3A_142 = tpu.memref_squeeze %dma_start3A_141 : memref<1x128xi32, #tpu.memory_space<vmem>> -> memref<128xi32, #tpu.memory_space<vmem>>
        %dma_start3A_143 = arith.constant 0 : i32
        %dma_start3A_144 = arith.constant 0 : i32
        %dma_start3A_145 = tpu.memref_slice %arg7[%dma_start3A_143, %dma_start3A_144] : memref<100096x16xf32, #tpu.memory_space<vmem_shared>> -> memref<100096x16xf32, #tpu.memory_space<vmem_shared>>
        tpu.enqueue_indirect_dma source(%arg10 : memref<128x16xf32, #tpu.memory_space<vmem>>) target(%dma_start3A_145 : memref<100096x16xf32, #tpu.memory_space<vmem_shared>>) offsets(%dma_start3A_142 : memref<128xi32, #tpu.memory_space<vmem>>) semaphore(%run_scoped3A_139 : memref<!tpu.dma_semaphore, #tpu.memory_space<semaphore_mem>>) {add = true}
        %dma_wait3A_146 = arith.constant 0 : i32
        %dma_wait3A_147 = tpu.memref_slice %arg8[%run_scoped3A_55, %dma_wait3A_146] : memref<8x128xi32, #tpu.memory_space<vmem>> -> memref<1x128xi32, #tpu.memory_space<vmem>>
        %dma_wait3A_148 = tpu.memref_squeeze %dma_wait3A_147 : memref<1x128xi32, #tpu.memory_space<vmem>> -> memref<128xi32, #tpu.memory_space<vmem>>
        %dma_wait3A_149 = arith.constant 0 : i32
        %dma_wait3A_150 = arith.constant 0 : i32
        %dma_wait3A_151 = tpu.memref_slice %arg7[%dma_wait3A_149, %dma_wait3A_150] : memref<100096x16xf32, #tpu.memory_space<vmem_shared>> -> memref<100096x16xf32, #tpu.memory_space<vmem_shared>>
        tpu.wait_indirect_dma semaphore(%run_scoped3A_139 : memref<!tpu.dma_semaphore, #tpu.memory_space<semaphore_mem>>) src(%arg10 : memref<128x16xf32, #tpu.memory_space<vmem>>) dst(%dma_wait3A_151 : memref<100096x16xf32, #tpu.memory_space<vmem_shared>>)
        tpu.yield
      }) : () -> ()
      %dma_wait3A_56 = arith.constant 2 : i32
      %dma_wait3A_57 = arith.constant 0 : i32
      %dma_wait3A_58 = tpu.memref_slice %arg12[%dma_wait3A_56, %dma_wait3A_57] : memref<8x128xi32, #tpu.memory_space<vmem>> -> memref<1x128xi32, #tpu.memory_space<vmem>>
      %dma_wait3A_59 = tpu.memref_squeeze %dma_wait3A_58 : memref<1x128xi32, #tpu.memory_space<vmem>> -> memref<128xi32, #tpu.memory_space<vmem>>
      %dma_wait3A_60 = arith.constant 0 : i32
      %dma_wait3A_61 = arith.constant 0 : i32
      %dma_wait3A_62 = tpu.memref_slice %arg2[%dma_wait3A_60, %dma_wait3A_61] : memref<100000x16xf32, #tpu.memory_space<hbm>> -> memref<100000x16xf32, #tpu.memory_space<hbm>>
      tpu.wait_indirect_dma semaphore(%arg11 : memref<!tpu.dma_semaphore, #tpu.memory_space<semaphore_mem>>) src(%dma_wait3A_62 : memref<100000x16xf32, #tpu.memory_space<hbm>>) dst(%arg9 : memref<128x16xf32, #tpu.memory_space<vmem>>)
      %dma_start3A_63 = arith.constant 3 : i32
      %dma_start3A_64 = arith.constant 0 : i32
      %dma_start3A_65 = tpu.memref_slice %arg12[%dma_start3A_63, %dma_start3A_64] : memref<8x128xi32, #tpu.memory_space<vmem>> -> memref<1x128xi32, #tpu.memory_space<vmem>>
      %dma_start3A_66 = tpu.memref_squeeze %dma_start3A_65 : memref<1x128xi32, #tpu.memory_space<vmem>> -> memref<128xi32, #tpu.memory_space<vmem>>
      %dma_start3A_67 = arith.constant 0 : i32
      %dma_start3A_68 = arith.constant 0 : i32
      %dma_start3A_69 = tpu.memref_slice %arg2[%dma_start3A_67, %dma_start3A_68] : memref<100000x16xf32, #tpu.memory_space<hbm>> -> memref<100000x16xf32, #tpu.memory_space<hbm>>
      tpu.enqueue_indirect_dma source(%dma_start3A_69 : memref<100000x16xf32, #tpu.memory_space<hbm>>) target(%arg10 : memref<128x16xf32, #tpu.memory_space<vmem>>) offsets(%dma_start3A_66 : memref<128xi32, #tpu.memory_space<vmem>>) semaphore(%arg11 : memref<!tpu.dma_semaphore, #tpu.memory_space<semaphore_mem>>)
      %run_scoped3A_70 = arith.constant 2 : i32
      "tpu.region"() ({
        %run_scoped3A_139 = tpu.sem_alloc : memref<!tpu.dma_semaphore, #tpu.memory_space<semaphore_mem>>
        %dma_start3A_140 = arith.constant 0 : i32
        %dma_start3A_141 = tpu.memref_slice %arg8[%run_scoped3A_70, %dma_start3A_140] : memref<8x128xi32, #tpu.memory_space<vmem>> -> memref<1x128xi32, #tpu.memory_space<vmem>>
        %dma_start3A_142 = tpu.memref_squeeze %dma_start3A_141 : memref<1x128xi32, #tpu.memory_space<vmem>> -> memref<128xi32, #tpu.memory_space<vmem>>
        %dma_start3A_143 = arith.constant 0 : i32
        %dma_start3A_144 = arith.constant 0 : i32
        %dma_start3A_145 = tpu.memref_slice %arg7[%dma_start3A_143, %dma_start3A_144] : memref<100096x16xf32, #tpu.memory_space<vmem_shared>> -> memref<100096x16xf32, #tpu.memory_space<vmem_shared>>
        tpu.enqueue_indirect_dma source(%arg9 : memref<128x16xf32, #tpu.memory_space<vmem>>) target(%dma_start3A_145 : memref<100096x16xf32, #tpu.memory_space<vmem_shared>>) offsets(%dma_start3A_142 : memref<128xi32, #tpu.memory_space<vmem>>) semaphore(%run_scoped3A_139 : memref<!tpu.dma_semaphore, #tpu.memory_space<semaphore_mem>>) {add = true}
        %dma_wait3A_146 = arith.constant 0 : i32
        %dma_wait3A_147 = tpu.memref_slice %arg8[%run_scoped3A_70, %dma_wait3A_146] : memref<8x128xi32, #tpu.memory_space<vmem>> -> memref<1x128xi32, #tpu.memory_space<vmem>>
        %dma_wait3A_148 = tpu.memref_squeeze %dma_wait3A_147 : memref<1x128xi32, #tpu.memory_space<vmem>> -> memref<128xi32, #tpu.memory_space<vmem>>
        %dma_wait3A_149 = arith.constant 0 : i32
        %dma_wait3A_150 = arith.constant 0 : i32
        %dma_wait3A_151 = tpu.memref_slice %arg7[%dma_wait3A_149, %dma_wait3A_150] : memref<100096x16xf32, #tpu.memory_space<vmem_shared>> -> memref<100096x16xf32, #tpu.memory_space<vmem_shared>>
        tpu.wait_indirect_dma semaphore(%run_scoped3A_139 : memref<!tpu.dma_semaphore, #tpu.memory_space<semaphore_mem>>) src(%arg9 : memref<128x16xf32, #tpu.memory_space<vmem>>) dst(%dma_wait3A_151 : memref<100096x16xf32, #tpu.memory_space<vmem_shared>>)
        tpu.yield
      }) : () -> ()
      %dma_wait3A_71 = arith.constant 3 : i32
      %dma_wait3A_72 = arith.constant 0 : i32
      %dma_wait3A_73 = tpu.memref_slice %arg12[%dma_wait3A_71, %dma_wait3A_72] : memref<8x128xi32, #tpu.memory_space<vmem>> -> memref<1x128xi32, #tpu.memory_space<vmem>>
      %dma_wait3A_74 = tpu.memref_squeeze %dma_wait3A_73 : memref<1x128xi32, #tpu.memory_space<vmem>> -> memref<128xi32, #tpu.memory_space<vmem>>
      %dma_wait3A_75 = arith.constant 0 : i32
      %dma_wait3A_76 = arith.constant 0 : i32
      %dma_wait3A_77 = tpu.memref_slice %arg2[%dma_wait3A_75, %dma_wait3A_76] : memref<100000x16xf32, #tpu.memory_space<hbm>> -> memref<100000x16xf32, #tpu.memory_space<hbm>>
      tpu.wait_indirect_dma semaphore(%arg11 : memref<!tpu.dma_semaphore, #tpu.memory_space<semaphore_mem>>) src(%dma_wait3A_77 : memref<100000x16xf32, #tpu.memory_space<hbm>>) dst(%arg10 : memref<128x16xf32, #tpu.memory_space<vmem>>)
      %dma_start3A_78 = arith.constant 4 : i32
      %dma_start3A_79 = arith.constant 0 : i32
      %dma_start3A_80 = tpu.memref_slice %arg12[%dma_start3A_78, %dma_start3A_79] : memref<8x128xi32, #tpu.memory_space<vmem>> -> memref<1x128xi32, #tpu.memory_space<vmem>>
      %dma_start3A_81 = tpu.memref_squeeze %dma_start3A_80 : memref<1x128xi32, #tpu.memory_space<vmem>> -> memref<128xi32, #tpu.memory_space<vmem>>
      %dma_start3A_82 = arith.constant 0 : i32
      %dma_start3A_83 = arith.constant 0 : i32
      %dma_start3A_84 = tpu.memref_slice %arg2[%dma_start3A_82, %dma_start3A_83] : memref<100000x16xf32, #tpu.memory_space<hbm>> -> memref<100000x16xf32, #tpu.memory_space<hbm>>
      tpu.enqueue_indirect_dma source(%dma_start3A_84 : memref<100000x16xf32, #tpu.memory_space<hbm>>) target(%arg9 : memref<128x16xf32, #tpu.memory_space<vmem>>) offsets(%dma_start3A_81 : memref<128xi32, #tpu.memory_space<vmem>>) semaphore(%arg11 : memref<!tpu.dma_semaphore, #tpu.memory_space<semaphore_mem>>)
      %run_scoped3A_85 = arith.constant 3 : i32
      "tpu.region"() ({
        %run_scoped3A_139 = tpu.sem_alloc : memref<!tpu.dma_semaphore, #tpu.memory_space<semaphore_mem>>
        %dma_start3A_140 = arith.constant 0 : i32
        %dma_start3A_141 = tpu.memref_slice %arg8[%run_scoped3A_85, %dma_start3A_140] : memref<8x128xi32, #tpu.memory_space<vmem>> -> memref<1x128xi32, #tpu.memory_space<vmem>>
        %dma_start3A_142 = tpu.memref_squeeze %dma_start3A_141 : memref<1x128xi32, #tpu.memory_space<vmem>> -> memref<128xi32, #tpu.memory_space<vmem>>
        %dma_start3A_143 = arith.constant 0 : i32
        %dma_start3A_144 = arith.constant 0 : i32
        %dma_start3A_145 = tpu.memref_slice %arg7[%dma_start3A_143, %dma_start3A_144] : memref<100096x16xf32, #tpu.memory_space<vmem_shared>> -> memref<100096x16xf32, #tpu.memory_space<vmem_shared>>
        tpu.enqueue_indirect_dma source(%arg10 : memref<128x16xf32, #tpu.memory_space<vmem>>) target(%dma_start3A_145 : memref<100096x16xf32, #tpu.memory_space<vmem_shared>>) offsets(%dma_start3A_142 : memref<128xi32, #tpu.memory_space<vmem>>) semaphore(%run_scoped3A_139 : memref<!tpu.dma_semaphore, #tpu.memory_space<semaphore_mem>>) {add = true}
        %dma_wait3A_146 = arith.constant 0 : i32
        %dma_wait3A_147 = tpu.memref_slice %arg8[%run_scoped3A_85, %dma_wait3A_146] : memref<8x128xi32, #tpu.memory_space<vmem>> -> memref<1x128xi32, #tpu.memory_space<vmem>>
        %dma_wait3A_148 = tpu.memref_squeeze %dma_wait3A_147 : memref<1x128xi32, #tpu.memory_space<vmem>> -> memref<128xi32, #tpu.memory_space<vmem>>
        %dma_wait3A_149 = arith.constant 0 : i32
        %dma_wait3A_150 = arith.constant 0 : i32
        %dma_wait3A_151 = tpu.memref_slice %arg7[%dma_wait3A_149, %dma_wait3A_150] : memref<100096x16xf32, #tpu.memory_space<vmem_shared>> -> memref<100096x16xf32, #tpu.memory_space<vmem_shared>>
        tpu.wait_indirect_dma semaphore(%run_scoped3A_139 : memref<!tpu.dma_semaphore, #tpu.memory_space<semaphore_mem>>) src(%arg10 : memref<128x16xf32, #tpu.memory_space<vmem>>) dst(%dma_wait3A_151 : memref<100096x16xf32, #tpu.memory_space<vmem_shared>>)
        tpu.yield
      }) : () -> ()
      %dma_wait3A_86 = arith.constant 4 : i32
      %dma_wait3A_87 = arith.constant 0 : i32
      %dma_wait3A_88 = tpu.memref_slice %arg12[%dma_wait3A_86, %dma_wait3A_87] : memref<8x128xi32, #tpu.memory_space<vmem>> -> memref<1x128xi32, #tpu.memory_space<vmem>>
      %dma_wait3A_89 = tpu.memref_squeeze %dma_wait3A_88 : memref<1x128xi32, #tpu.memory_space<vmem>> -> memref<128xi32, #tpu.memory_space<vmem>>
      %dma_wait3A_90 = arith.constant 0 : i32
      %dma_wait3A_91 = arith.constant 0 : i32
      %dma_wait3A_92 = tpu.memref_slice %arg2[%dma_wait3A_90, %dma_wait3A_91] : memref<100000x16xf32, #tpu.memory_space<hbm>> -> memref<100000x16xf32, #tpu.memory_space<hbm>>
      tpu.wait_indirect_dma semaphore(%arg11 : memref<!tpu.dma_semaphore, #tpu.memory_space<semaphore_mem>>) src(%dma_wait3A_92 : memref<100000x16xf32, #tpu.memory_space<hbm>>) dst(%arg9 : memref<128x16xf32, #tpu.memory_space<vmem>>)
      %dma_start3A_93 = arith.constant 5 : i32
      %dma_start3A_94 = arith.constant 0 : i32
      %dma_start3A_95 = tpu.memref_slice %arg12[%dma_start3A_93, %dma_start3A_94] : memref<8x128xi32, #tpu.memory_space<vmem>> -> memref<1x128xi32, #tpu.memory_space<vmem>>
      %dma_start3A_96 = tpu.memref_squeeze %dma_start3A_95 : memref<1x128xi32, #tpu.memory_space<vmem>> -> memref<128xi32, #tpu.memory_space<vmem>>
      %dma_start3A_97 = arith.constant 0 : i32
      %dma_start3A_98 = arith.constant 0 : i32
      %dma_start3A_99 = tpu.memref_slice %arg2[%dma_start3A_97, %dma_start3A_98] : memref<100000x16xf32, #tpu.memory_space<hbm>> -> memref<100000x16xf32, #tpu.memory_space<hbm>>
      tpu.enqueue_indirect_dma source(%dma_start3A_99 : memref<100000x16xf32, #tpu.memory_space<hbm>>) target(%arg10 : memref<128x16xf32, #tpu.memory_space<vmem>>) offsets(%dma_start3A_96 : memref<128xi32, #tpu.memory_space<vmem>>) semaphore(%arg11 : memref<!tpu.dma_semaphore, #tpu.memory_space<semaphore_mem>>)
      %run_scoped3A_100 = arith.constant 4 : i32
      "tpu.region"() ({
        %run_scoped3A_139 = tpu.sem_alloc : memref<!tpu.dma_semaphore, #tpu.memory_space<semaphore_mem>>
        %dma_start3A_140 = arith.constant 0 : i32
        %dma_start3A_141 = tpu.memref_slice %arg8[%run_scoped3A_100, %dma_start3A_140] : memref<8x128xi32, #tpu.memory_space<vmem>> -> memref<1x128xi32, #tpu.memory_space<vmem>>
        %dma_start3A_142 = tpu.memref_squeeze %dma_start3A_141 : memref<1x128xi32, #tpu.memory_space<vmem>> -> memref<128xi32, #tpu.memory_space<vmem>>
        %dma_start3A_143 = arith.constant 0 : i32
        %dma_start3A_144 = arith.constant 0 : i32
        %dma_start3A_145 = tpu.memref_slice %arg7[%dma_start3A_143, %dma_start3A_144] : memref<100096x16xf32, #tpu.memory_space<vmem_shared>> -> memref<100096x16xf32, #tpu.memory_space<vmem_shared>>
        tpu.enqueue_indirect_dma source(%arg9 : memref<128x16xf32, #tpu.memory_space<vmem>>) target(%dma_start3A_145 : memref<100096x16xf32, #tpu.memory_space<vmem_shared>>) offsets(%dma_start3A_142 : memref<128xi32, #tpu.memory_space<vmem>>) semaphore(%run_scoped3A_139 : memref<!tpu.dma_semaphore, #tpu.memory_space<semaphore_mem>>) {add = true}
        %dma_wait3A_146 = arith.constant 0 : i32
        %dma_wait3A_147 = tpu.memref_slice %arg8[%run_scoped3A_100, %dma_wait3A_146] : memref<8x128xi32, #tpu.memory_space<vmem>> -> memref<1x128xi32, #tpu.memory_space<vmem>>
        %dma_wait3A_148 = tpu.memref_squeeze %dma_wait3A_147 : memref<1x128xi32, #tpu.memory_space<vmem>> -> memref<128xi32, #tpu.memory_space<vmem>>
        %dma_wait3A_149 = arith.constant 0 : i32
        %dma_wait3A_150 = arith.constant 0 : i32
        %dma_wait3A_151 = tpu.memref_slice %arg7[%dma_wait3A_149, %dma_wait3A_150] : memref<100096x16xf32, #tpu.memory_space<vmem_shared>> -> memref<100096x16xf32, #tpu.memory_space<vmem_shared>>
        tpu.wait_indirect_dma semaphore(%run_scoped3A_139 : memref<!tpu.dma_semaphore, #tpu.memory_space<semaphore_mem>>) src(%arg9 : memref<128x16xf32, #tpu.memory_space<vmem>>) dst(%dma_wait3A_151 : memref<100096x16xf32, #tpu.memory_space<vmem_shared>>)
        tpu.yield
      }) : () -> ()
      %dma_wait3A_101 = arith.constant 5 : i32
      %dma_wait3A_102 = arith.constant 0 : i32
      %dma_wait3A_103 = tpu.memref_slice %arg12[%dma_wait3A_101, %dma_wait3A_102] : memref<8x128xi32, #tpu.memory_space<vmem>> -> memref<1x128xi32, #tpu.memory_space<vmem>>
      %dma_wait3A_104 = tpu.memref_squeeze %dma_wait3A_103 : memref<1x128xi32, #tpu.memory_space<vmem>> -> memref<128xi32, #tpu.memory_space<vmem>>
      %dma_wait3A_105 = arith.constant 0 : i32
      %dma_wait3A_106 = arith.constant 0 : i32
      %dma_wait3A_107 = tpu.memref_slice %arg2[%dma_wait3A_105, %dma_wait3A_106] : memref<100000x16xf32, #tpu.memory_space<hbm>> -> memref<100000x16xf32, #tpu.memory_space<hbm>>
      tpu.wait_indirect_dma semaphore(%arg11 : memref<!tpu.dma_semaphore, #tpu.memory_space<semaphore_mem>>) src(%dma_wait3A_107 : memref<100000x16xf32, #tpu.memory_space<hbm>>) dst(%arg10 : memref<128x16xf32, #tpu.memory_space<vmem>>)
      %dma_start3A_108 = arith.constant 6 : i32
      %dma_start3A_109 = arith.constant 0 : i32
      %dma_start3A_110 = tpu.memref_slice %arg12[%dma_start3A_108, %dma_start3A_109] : memref<8x128xi32, #tpu.memory_space<vmem>> -> memref<1x128xi32, #tpu.memory_space<vmem>>
      %dma_start3A_111 = tpu.memref_squeeze %dma_start3A_110 : memref<1x128xi32, #tpu.memory_space<vmem>> -> memref<128xi32, #tpu.memory_space<vmem>>
      %dma_start3A_112 = arith.constant 0 : i32
      %dma_start3A_113 = arith.constant 0 : i32
      %dma_start3A_114 = tpu.memref_slice %arg2[%dma_start3A_112, %dma_start3A_113] : memref<100000x16xf32, #tpu.memory_space<hbm>> -> memref<100000x16xf32, #tpu.memory_space<hbm>>
      tpu.enqueue_indirect_dma source(%dma_start3A_114 : memref<100000x16xf32, #tpu.memory_space<hbm>>) target(%arg9 : memref<128x16xf32, #tpu.memory_space<vmem>>) offsets(%dma_start3A_111 : memref<128xi32, #tpu.memory_space<vmem>>) semaphore(%arg11 : memref<!tpu.dma_semaphore, #tpu.memory_space<semaphore_mem>>)
      %run_scoped3A_115 = arith.constant 5 : i32
      "tpu.region"() ({
        %run_scoped3A_139 = tpu.sem_alloc : memref<!tpu.dma_semaphore, #tpu.memory_space<semaphore_mem>>
        %dma_start3A_140 = arith.constant 0 : i32
        %dma_start3A_141 = tpu.memref_slice %arg8[%run_scoped3A_115, %dma_start3A_140] : memref<8x128xi32, #tpu.memory_space<vmem>> -> memref<1x128xi32, #tpu.memory_space<vmem>>
        %dma_start3A_142 = tpu.memref_squeeze %dma_start3A_141 : memref<1x128xi32, #tpu.memory_space<vmem>> -> memref<128xi32, #tpu.memory_space<vmem>>
        %dma_start3A_143 = arith.constant 0 : i32
        %dma_start3A_144 = arith.constant 0 : i32
        %dma_start3A_145 = tpu.memref_slice %arg7[%dma_start3A_143, %dma_start3A_144] : memref<100096x16xf32, #tpu.memory_space<vmem_shared>> -> memref<100096x16xf32, #tpu.memory_space<vmem_shared>>
        tpu.enqueue_indirect_dma source(%arg10 : memref<128x16xf32, #tpu.memory_space<vmem>>) target(%dma_start3A_145 : memref<100096x16xf32, #tpu.memory_space<vmem_shared>>) offsets(%dma_start3A_142 : memref<128xi32, #tpu.memory_space<vmem>>) semaphore(%run_scoped3A_139 : memref<!tpu.dma_semaphore, #tpu.memory_space<semaphore_mem>>) {add = true}
        %dma_wait3A_146 = arith.constant 0 : i32
        %dma_wait3A_147 = tpu.memref_slice %arg8[%run_scoped3A_115, %dma_wait3A_146] : memref<8x128xi32, #tpu.memory_space<vmem>> -> memref<1x128xi32, #tpu.memory_space<vmem>>
        %dma_wait3A_148 = tpu.memref_squeeze %dma_wait3A_147 : memref<1x128xi32, #tpu.memory_space<vmem>> -> memref<128xi32, #tpu.memory_space<vmem>>
        %dma_wait3A_149 = arith.constant 0 : i32
        %dma_wait3A_150 = arith.constant 0 : i32
        %dma_wait3A_151 = tpu.memref_slice %arg7[%dma_wait3A_149, %dma_wait3A_150] : memref<100096x16xf32, #tpu.memory_space<vmem_shared>> -> memref<100096x16xf32, #tpu.memory_space<vmem_shared>>
        tpu.wait_indirect_dma semaphore(%run_scoped3A_139 : memref<!tpu.dma_semaphore, #tpu.memory_space<semaphore_mem>>) src(%arg10 : memref<128x16xf32, #tpu.memory_space<vmem>>) dst(%dma_wait3A_151 : memref<100096x16xf32, #tpu.memory_space<vmem_shared>>)
        tpu.yield
      }) : () -> ()
      %dma_wait3A_116 = arith.constant 6 : i32
      %dma_wait3A_117 = arith.constant 0 : i32
      %dma_wait3A_118 = tpu.memref_slice %arg12[%dma_wait3A_116, %dma_wait3A_117] : memref<8x128xi32, #tpu.memory_space<vmem>> -> memref<1x128xi32, #tpu.memory_space<vmem>>
      %dma_wait3A_119 = tpu.memref_squeeze %dma_wait3A_118 : memref<1x128xi32, #tpu.memory_space<vmem>> -> memref<128xi32, #tpu.memory_space<vmem>>
      %dma_wait3A_120 = arith.constant 0 : i32
      %dma_wait3A_121 = arith.constant 0 : i32
      %dma_wait3A_122 = tpu.memref_slice %arg2[%dma_wait3A_120, %dma_wait3A_121] : memref<100000x16xf32, #tpu.memory_space<hbm>> -> memref<100000x16xf32, #tpu.memory_space<hbm>>
      tpu.wait_indirect_dma semaphore(%arg11 : memref<!tpu.dma_semaphore, #tpu.memory_space<semaphore_mem>>) src(%dma_wait3A_122 : memref<100000x16xf32, #tpu.memory_space<hbm>>) dst(%arg9 : memref<128x16xf32, #tpu.memory_space<vmem>>)
      %dma_start3A_123 = arith.constant 7 : i32
      %dma_start3A_124 = arith.constant 0 : i32
      %dma_start3A_125 = tpu.memref_slice %arg12[%dma_start3A_123, %dma_start3A_124] : memref<8x128xi32, #tpu.memory_space<vmem>> -> memref<1x128xi32, #tpu.memory_space<vmem>>
      %dma_start3A_126 = tpu.memref_squeeze %dma_start3A_125 : memref<1x128xi32, #tpu.memory_space<vmem>> -> memref<128xi32, #tpu.memory_space<vmem>>
      %dma_start3A_127 = arith.constant 0 : i32
      %dma_start3A_128 = arith.constant 0 : i32
      %dma_start3A_129 = tpu.memref_slice %arg2[%dma_start3A_127, %dma_start3A_128] : memref<100000x16xf32, #tpu.memory_space<hbm>> -> memref<100000x16xf32, #tpu.memory_space<hbm>>
      tpu.enqueue_indirect_dma source(%dma_start3A_129 : memref<100000x16xf32, #tpu.memory_space<hbm>>) target(%arg10 : memref<128x16xf32, #tpu.memory_space<vmem>>) offsets(%dma_start3A_126 : memref<128xi32, #tpu.memory_space<vmem>>) semaphore(%arg11 : memref<!tpu.dma_semaphore, #tpu.memory_space<semaphore_mem>>)
      %run_scoped3A_130 = arith.constant 6 : i32
      "tpu.region"() ({
        %run_scoped3A_139 = tpu.sem_alloc : memref<!tpu.dma_semaphore, #tpu.memory_space<semaphore_mem>>
        %dma_start3A_140 = arith.constant 0 : i32
        %dma_start3A_141 = tpu.memref_slice %arg8[%run_scoped3A_130, %dma_start3A_140] : memref<8x128xi32, #tpu.memory_space<vmem>> -> memref<1x128xi32, #tpu.memory_space<vmem>>
        %dma_start3A_142 = tpu.memref_squeeze %dma_start3A_141 : memref<1x128xi32, #tpu.memory_space<vmem>> -> memref<128xi32, #tpu.memory_space<vmem>>
        %dma_start3A_143 = arith.constant 0 : i32
        %dma_start3A_144 = arith.constant 0 : i32
        %dma_start3A_145 = tpu.memref_slice %arg7[%dma_start3A_143, %dma_start3A_144] : memref<100096x16xf32, #tpu.memory_space<vmem_shared>> -> memref<100096x16xf32, #tpu.memory_space<vmem_shared>>
        tpu.enqueue_indirect_dma source(%arg9 : memref<128x16xf32, #tpu.memory_space<vmem>>) target(%dma_start3A_145 : memref<100096x16xf32, #tpu.memory_space<vmem_shared>>) offsets(%dma_start3A_142 : memref<128xi32, #tpu.memory_space<vmem>>) semaphore(%run_scoped3A_139 : memref<!tpu.dma_semaphore, #tpu.memory_space<semaphore_mem>>) {add = true}
        %dma_wait3A_146 = arith.constant 0 : i32
        %dma_wait3A_147 = tpu.memref_slice %arg8[%run_scoped3A_130, %dma_wait3A_146] : memref<8x128xi32, #tpu.memory_space<vmem>> -> memref<1x128xi32, #tpu.memory_space<vmem>>
        %dma_wait3A_148 = tpu.memref_squeeze %dma_wait3A_147 : memref<1x128xi32, #tpu.memory_space<vmem>> -> memref<128xi32, #tpu.memory_space<vmem>>
        %dma_wait3A_149 = arith.constant 0 : i32
        %dma_wait3A_150 = arith.constant 0 : i32
        %dma_wait3A_151 = tpu.memref_slice %arg7[%dma_wait3A_149, %dma_wait3A_150] : memref<100096x16xf32, #tpu.memory_space<vmem_shared>> -> memref<100096x16xf32, #tpu.memory_space<vmem_shared>>
        tpu.wait_indirect_dma semaphore(%run_scoped3A_139 : memref<!tpu.dma_semaphore, #tpu.memory_space<semaphore_mem>>) src(%arg9 : memref<128x16xf32, #tpu.memory_space<vmem>>) dst(%dma_wait3A_151 : memref<100096x16xf32, #tpu.memory_space<vmem_shared>>)
        tpu.yield
      }) : () -> ()
      %dma_wait3A_131 = arith.constant 7 : i32
      %dma_wait3A_132 = arith.constant 0 : i32
      %dma_wait3A_133 = tpu.memref_slice %arg12[%dma_wait3A_131, %dma_wait3A_132] : memref<8x128xi32, #tpu.memory_space<vmem>> -> memref<1x128xi32, #tpu.memory_space<vmem>>
      %dma_wait3A_134 = tpu.memref_squeeze %dma_wait3A_133 : memref<1x128xi32, #tpu.memory_space<vmem>> -> memref<128xi32, #tpu.memory_space<vmem>>
      %dma_wait3A_135 = arith.constant 0 : i32
      %dma_wait3A_136 = arith.constant 0 : i32
      %dma_wait3A_137 = tpu.memref_slice %arg2[%dma_wait3A_135, %dma_wait3A_136] : memref<100000x16xf32, #tpu.memory_space<hbm>> -> memref<100000x16xf32, #tpu.memory_space<hbm>>
      tpu.wait_indirect_dma semaphore(%arg11 : memref<!tpu.dma_semaphore, #tpu.memory_space<semaphore_mem>>) src(%dma_wait3A_137 : memref<100000x16xf32, #tpu.memory_space<hbm>>) dst(%arg10 : memref<128x16xf32, #tpu.memory_space<vmem>>)
      %run_scoped3A_138 = arith.constant 7 : i32
      "tpu.region"() ({
        %run_scoped3A_139 = tpu.sem_alloc : memref<!tpu.dma_semaphore, #tpu.memory_space<semaphore_mem>>
        %dma_start3A_140 = arith.constant 0 : i32
        %dma_start3A_141 = tpu.memref_slice %arg8[%run_scoped3A_138, %dma_start3A_140] : memref<8x128xi32, #tpu.memory_space<vmem>> -> memref<1x128xi32, #tpu.memory_space<vmem>>
        %dma_start3A_142 = tpu.memref_squeeze %dma_start3A_141 : memref<1x128xi32, #tpu.memory_space<vmem>> -> memref<128xi32, #tpu.memory_space<vmem>>
        %dma_start3A_143 = arith.constant 0 : i32
        %dma_start3A_144 = arith.constant 0 : i32
        %dma_start3A_145 = tpu.memref_slice %arg7[%dma_start3A_143, %dma_start3A_144] : memref<100096x16xf32, #tpu.memory_space<vmem_shared>> -> memref<100096x16xf32, #tpu.memory_space<vmem_shared>>
        tpu.enqueue_indirect_dma source(%arg10 : memref<128x16xf32, #tpu.memory_space<vmem>>) target(%dma_start3A_145 : memref<100096x16xf32, #tpu.memory_space<vmem_shared>>) offsets(%dma_start3A_142 : memref<128xi32, #tpu.memory_space<vmem>>) semaphore(%run_scoped3A_139 : memref<!tpu.dma_semaphore, #tpu.memory_space<semaphore_mem>>) {add = true}
        %dma_wait3A_146 = arith.constant 0 : i32
        %dma_wait3A_147 = tpu.memref_slice %arg8[%run_scoped3A_138, %dma_wait3A_146] : memref<8x128xi32, #tpu.memory_space<vmem>> -> memref<1x128xi32, #tpu.memory_space<vmem>>
        %dma_wait3A_148 = tpu.memref_squeeze %dma_wait3A_147 : memref<1x128xi32, #tpu.memory_space<vmem>> -> memref<128xi32, #tpu.memory_space<vmem>>
        %dma_wait3A_149 = arith.constant 0 : i32
        %dma_wait3A_150 = arith.constant 0 : i32
        %dma_wait3A_151 = tpu.memref_slice %arg7[%dma_wait3A_149, %dma_wait3A_150] : memref<100096x16xf32, #tpu.memory_space<vmem_shared>> -> memref<100096x16xf32, #tpu.memory_space<vmem_shared>>
        tpu.wait_indirect_dma semaphore(%run_scoped3A_139 : memref<!tpu.dma_semaphore, #tpu.memory_space<semaphore_mem>>) src(%arg10 : memref<128x16xf32, #tpu.memory_space<vmem>>) dst(%dma_wait3A_151 : memref<100096x16xf32, #tpu.memory_space<vmem_shared>>)
        tpu.yield
      }) : () -> ()
    }
    %scan3A_13 = arith.constant 50 : i32
    %barrier3A_14 = arith.constant 0 : index
    tpu.barrier barrier_id(%barrier3A_14)
    %scan3A_15 = arith.constant 0 : i32
    %scan3A_16 = arith.constant 0 : i32
    %scan3A_17 = arith.constant 17 : i32
    %scan3A_18 = arith.addi %scan3A_16, %scan3A_17 : i32
    %scan3A_19 = arith.constant 1 : i32
    scf.for %scan3A_21 = %scan3A_16 to %scan3A_18 step %scan3A_19  : i32 {
      %mul3A_22 = arith.constant 368 : i32
      %mul3A_23 = arith.muli %scan3A_21, %mul3A_22 : i32
      %add3A = arith.addi %mul3A_0, %mul3A_23 : i32
      "tpu.region"() ({
        %run_scoped3A = tpu.sem_alloc : memref<!tpu.dma_semaphore, #tpu.memory_space<semaphore_mem>>
        %dma_start3A = arith.constant 0 : i32
        %dma_start3A_24 = tpu.memref_slice %arg7[%add3A, %dma_start3A] : memref<100096x16xf32, #tpu.memory_space<vmem_shared>> -> memref<368x16xf32, #tpu.memory_space<vmem_shared>>
        %dma_start3A_25 = arith.constant 0 : i32
        %dma_start3A_26 = tpu.memref_slice %arg7[%add3A, %dma_start3A_25] : memref<100096x16xf32, #tpu.memory_space<vmem_shared>> -> memref<368x16xf32, #tpu.memory_space<vmem_shared>>
        tpu.enqueue_dma source(%dma_start3A_26 : memref<368x16xf32, #tpu.memory_space<vmem_shared>>) target(%arg13 : memref<368x16xf32, #tpu.memory_space<vmem>>) target_semaphore(%run_scoped3A : memref<!tpu.dma_semaphore, #tpu.memory_space<semaphore_mem>>)
        %dma_wait3A = arith.constant 0 : i32
        %dma_wait3A_27 = tpu.memref_slice %arg7[%add3A, %dma_wait3A] : memref<100096x16xf32, #tpu.memory_space<vmem_shared>> -> memref<368x16xf32, #tpu.memory_space<vmem_shared>>
        %dma_wait3A_28 = arith.constant 0 : i32
        %dma_wait3A_29 = tpu.memref_slice %arg7[%add3A, %dma_wait3A_28] : memref<100096x16xf32, #tpu.memory_space<vmem_shared>> -> memref<368x16xf32, #tpu.memory_space<vmem_shared>>
        tpu.wait_dma2 semaphore(%run_scoped3A : memref<!tpu.dma_semaphore, #tpu.memory_space<semaphore_mem>>) src(%dma_wait3A_29 : memref<368x16xf32, #tpu.memory_space<vmem_shared>>) dst(%arg13 : memref<368x16xf32, #tpu.memory_space<vmem>>)
        tpu.yield
      }) : () -> ()
      "tpu.region"() ({
        %run_scoped3A = tpu.sem_alloc : memref<!tpu.dma_semaphore, #tpu.memory_space<semaphore_mem>>
        %dma_start3A = arith.constant 0 : i32
        %dma_start3A_24 = tpu.memref_slice %arg6[%arg0, %add3A, %dma_start3A] : memref<2x100096x16xf32, #tpu.memory_space<hbm>> -> memref<1x368x16xf32, #tpu.memory_space<hbm>>
        %dma_start3A_25 = tpu.memref_squeeze %dma_start3A_24 : memref<1x368x16xf32, #tpu.memory_space<hbm>> -> memref<368x16xf32, #tpu.memory_space<hbm>>
        %dma_start3A_26 = arith.constant 0 : i32
        %dma_start3A_27 = tpu.memref_slice %arg6[%arg0, %add3A, %dma_start3A_26] : memref<2x100096x16xf32, #tpu.memory_space<hbm>> -> memref<1x368x16xf32, #tpu.memory_space<hbm>>
        %dma_start3A_28 = tpu.memref_squeeze %dma_start3A_27 : memref<1x368x16xf32, #tpu.memory_space<hbm>> -> memref<368x16xf32, #tpu.memory_space<hbm>>
        tpu.enqueue_dma source(%arg13 : memref<368x16xf32, #tpu.memory_space<vmem>>) target(%dma_start3A_28 : memref<368x16xf32, #tpu.memory_space<hbm>>) target_semaphore(%run_scoped3A : memref<!tpu.dma_semaphore, #tpu.memory_space<semaphore_mem>>)
        %dma_wait3A = arith.constant 0 : i32
        %dma_wait3A_29 = tpu.memref_slice %arg6[%arg0, %add3A, %dma_wait3A] : memref<2x100096x16xf32, #tpu.memory_space<hbm>> -> memref<1x368x16xf32, #tpu.memory_space<hbm>>
        %dma_wait3A_30 = tpu.memref_squeeze %dma_wait3A_29 : memref<1x368x16xf32, #tpu.memory_space<hbm>> -> memref<368x16xf32, #tpu.memory_space<hbm>>
        %dma_wait3A_31 = arith.constant 0 : i32
        %dma_wait3A_32 = tpu.memref_slice %arg6[%arg0, %add3A, %dma_wait3A_31] : memref<2x100096x16xf32, #tpu.memory_space<hbm>> -> memref<1x368x16xf32, #tpu.memory_space<hbm>>
        %dma_wait3A_33 = tpu.memref_squeeze %dma_wait3A_32 : memref<1x368x16xf32, #tpu.memory_space<hbm>> -> memref<368x16xf32, #tpu.memory_space<hbm>>
        tpu.wait_dma2 semaphore(%run_scoped3A : memref<!tpu.dma_semaphore, #tpu.memory_space<semaphore_mem>>) src(%arg13 : memref<368x16xf32, #tpu.memory_space<vmem>>) dst(%dma_wait3A_33 : memref<368x16xf32, #tpu.memory_space<hbm>>)
        tpu.yield
      }) : () -> ()
    }
    %scan3A_20 = arith.constant 17 : i32
    return
  }
}

#map = affine_map<(d0, d1) -> (0, 0)>
#map1 = affine_map<(d0, d1) -> (0, 0, 0, 0)>
#map2 = affine_map<(d0, d1) -> (0, 0, 0)>
module attributes {stable_mosaic.version = 14 : i64} {
  func.func @sc_accumulate(%arg0: i32, %arg1: i32, %arg2: memref<50000x16xf32, #tpu.memory_space<hbm>>, %arg3: memref<2x800x8x128xi32, #tpu.memory_space<hbm>>, %arg4: memref<800x8x128xi32, #tpu.memory_space<hbm>>, %arg5: memref<368x16xf32, #tpu.memory_space<hbm>>, %arg6: memref<2x100096x16xf32, #tpu.memory_space<hbm>>, %arg7: memref<100096x16xf32, #tpu.memory_space<vmem_shared>>, %arg8: memref<8x128xi32, #tpu.memory_space<vmem>>, %arg9: memref<128x16xf32, #tpu.memory_space<vmem>>, %arg10: memref<128x16xf32, #tpu.memory_space<vmem>>, %arg11: memref<!tpu.dma_semaphore, #tpu.memory_space<semaphore_mem>>, %arg12: memref<8x128xi32, #tpu.memory_space<vmem>>, %arg13: memref<368x16xf32, #tpu.memory_space<vmem>>) attributes {dimension_semantics = [#tpu.dimension_semantics<core_parallel>, #tpu.dimension_semantics<subcore_parallel>], iteration_bounds = array<i64: 2, 16>, scalar_prefetch = 0 : i64, scratch_operands = 7 : i64, tpu.core_type = #tpu.core_type<sc_vector_subcore>, window_params = [{transform_indices = #map}, {transform_indices = #map1}, {transform_indices = #map2}, {transform_indices = #map}, {transform_indices = #map2}]} {
    %mul3A = arith.constant 6256 : i32
    %mul3A_0 = arith.muli %arg1, %mul3A : i32
    "tpu.region"() ({
      %run_scoped3A = tpu.sem_alloc : memref<!tpu.dma_semaphore, #tpu.memory_space<semaphore_mem>>
      tpu.enqueue_dma source(%arg5 : memref<368x16xf32, #tpu.memory_space<hbm>>) target(%arg13 : memref<368x16xf32, #tpu.memory_space<vmem>>) target_semaphore(%run_scoped3A : memref<!tpu.dma_semaphore, #tpu.memory_space<semaphore_mem>>)
      tpu.wait_dma2 semaphore(%run_scoped3A : memref<!tpu.dma_semaphore, #tpu.memory_space<semaphore_mem>>) src(%arg5 : memref<368x16xf32, #tpu.memory_space<hbm>>) dst(%arg13 : memref<368x16xf32, #tpu.memory_space<vmem>>)
      tpu.yield
    }) : () -> ()
    %scan3A = arith.constant 0 : i32
    %scan3A_1 = arith.constant 0 : i32
    %scan3A_2 = arith.constant 17 : i32
    %scan3A_3 = arith.addi %scan3A_1, %scan3A_2 : i32
    %scan3A_4 = arith.constant 1 : i32
    scf.for %scan3A_23 = %scan3A_1 to %scan3A_3 step %scan3A_4  : i32 {
      %mul3A_24 = arith.constant 368 : i32
      %mul3A_25 = arith.muli %scan3A_23, %mul3A_24 : i32
      %add3A_26 = arith.addi %mul3A_0, %mul3A_25 : i32
      "tpu.region"() ({
        %run_scoped3A = tpu.sem_alloc : memref<!tpu.dma_semaphore, #tpu.memory_space<semaphore_mem>>
        %dma_start3A = arith.constant 0 : i32
        %dma_start3A_27 = tpu.memref_slice %arg7[%add3A_26, %dma_start3A] : memref<100096x16xf32, #tpu.memory_space<vmem_shared>> -> memref<368x16xf32, #tpu.memory_space<vmem_shared>>
        %dma_start3A_28 = arith.constant 0 : i32
        %dma_start3A_29 = tpu.memref_slice %arg7[%add3A_26, %dma_start3A_28] : memref<100096x16xf32, #tpu.memory_space<vmem_shared>> -> memref<368x16xf32, #tpu.memory_space<vmem_shared>>
        tpu.enqueue_dma source(%arg13 : memref<368x16xf32, #tpu.memory_space<vmem>>) target(%dma_start3A_29 : memref<368x16xf32, #tpu.memory_space<vmem_shared>>) target_semaphore(%run_scoped3A : memref<!tpu.dma_semaphore, #tpu.memory_space<semaphore_mem>>)
        %dma_wait3A = arith.constant 0 : i32
        %dma_wait3A_30 = tpu.memref_slice %arg7[%add3A_26, %dma_wait3A] : memref<100096x16xf32, #tpu.memory_space<vmem_shared>> -> memref<368x16xf32, #tpu.memory_space<vmem_shared>>
        %dma_wait3A_31 = arith.constant 0 : i32
        %dma_wait3A_32 = tpu.memref_slice %arg7[%add3A_26, %dma_wait3A_31] : memref<100096x16xf32, #tpu.memory_space<vmem_shared>> -> memref<368x16xf32, #tpu.memory_space<vmem_shared>>
        tpu.wait_dma2 semaphore(%run_scoped3A : memref<!tpu.dma_semaphore, #tpu.memory_space<semaphore_mem>>) src(%arg13 : memref<368x16xf32, #tpu.memory_space<vmem>>) dst(%dma_wait3A_32 : memref<368x16xf32, #tpu.memory_space<vmem_shared>>)
        tpu.yield
      }) : () -> ()
    }
    %scan3A_5 = arith.constant 17 : i32
    %barrier3A = arith.constant 0 : index
    tpu.barrier barrier_id(%barrier3A)
    %mul3A_6 = arith.constant 2 : i32
    %mul3A_7 = arith.muli %arg1, %mul3A_6 : i32
    %add3A = arith.addi %mul3A_7, %arg0 : i32
    %mul3A_8 = arith.constant 25 : i32
    %mul3A_9 = arith.muli %add3A, %mul3A_8 : i32
    %scan3A_10 = arith.constant 0 : i32
    %scan3A_11 = arith.constant 0 : i32
    %scan3A_12 = arith.constant 25 : i32
    %scan3A_13 = arith.addi %scan3A_11, %scan3A_12 : i32
    %scan3A_14 = arith.constant 1 : i32
    scf.for %scan3A_23 = %scan3A_11 to %scan3A_13 step %scan3A_14  : i32 {
      %add3A_24 = arith.addi %mul3A_9, %scan3A_23 : i32
      "tpu.region"() ({
        %run_scoped3A_142 = tpu.sem_alloc : memref<!tpu.dma_semaphore, #tpu.memory_space<semaphore_mem>>
        %dma_start3A_143 = arith.constant 0 : i32
        %dma_start3A_144 = arith.constant 0 : i32
        %dma_start3A_145 = tpu.memref_slice %arg3[%arg0, %add3A_24, %dma_start3A_143, %dma_start3A_144] : memref<2x800x8x128xi32, #tpu.memory_space<hbm>> -> memref<1x1x8x128xi32, #tpu.memory_space<hbm>>
        %dma_start3A_146 = tpu.memref_squeeze %dma_start3A_145 : memref<1x1x8x128xi32, #tpu.memory_space<hbm>> -> memref<8x128xi32, #tpu.memory_space<hbm>>
        %dma_start3A_147 = arith.constant 0 : i32
        %dma_start3A_148 = arith.constant 0 : i32
        %dma_start3A_149 = tpu.memref_slice %arg3[%arg0, %add3A_24, %dma_start3A_147, %dma_start3A_148] : memref<2x800x8x128xi32, #tpu.memory_space<hbm>> -> memref<1x1x8x128xi32, #tpu.memory_space<hbm>>
        %dma_start3A_150 = tpu.memref_squeeze %dma_start3A_149 : memref<1x1x8x128xi32, #tpu.memory_space<hbm>> -> memref<8x128xi32, #tpu.memory_space<hbm>>
        tpu.enqueue_dma source(%dma_start3A_150 : memref<8x128xi32, #tpu.memory_space<hbm>>) target(%arg12 : memref<8x128xi32, #tpu.memory_space<vmem>>) target_semaphore(%run_scoped3A_142 : memref<!tpu.dma_semaphore, #tpu.memory_space<semaphore_mem>>)
        %dma_wait3A_151 = arith.constant 0 : i32
        %dma_wait3A_152 = arith.constant 0 : i32
        %dma_wait3A_153 = tpu.memref_slice %arg3[%arg0, %add3A_24, %dma_wait3A_151, %dma_wait3A_152] : memref<2x800x8x128xi32, #tpu.memory_space<hbm>> -> memref<1x1x8x128xi32, #tpu.memory_space<hbm>>
        %dma_wait3A_154 = tpu.memref_squeeze %dma_wait3A_153 : memref<1x1x8x128xi32, #tpu.memory_space<hbm>> -> memref<8x128xi32, #tpu.memory_space<hbm>>
        %dma_wait3A_155 = arith.constant 0 : i32
        %dma_wait3A_156 = arith.constant 0 : i32
        %dma_wait3A_157 = tpu.memref_slice %arg3[%arg0, %add3A_24, %dma_wait3A_155, %dma_wait3A_156] : memref<2x800x8x128xi32, #tpu.memory_space<hbm>> -> memref<1x1x8x128xi32, #tpu.memory_space<hbm>>
        %dma_wait3A_158 = tpu.memref_squeeze %dma_wait3A_157 : memref<1x1x8x128xi32, #tpu.memory_space<hbm>> -> memref<8x128xi32, #tpu.memory_space<hbm>>
        tpu.wait_dma2 semaphore(%run_scoped3A_142 : memref<!tpu.dma_semaphore, #tpu.memory_space<semaphore_mem>>) src(%dma_wait3A_158 : memref<8x128xi32, #tpu.memory_space<hbm>>) dst(%arg12 : memref<8x128xi32, #tpu.memory_space<vmem>>)
        tpu.yield
      }) : () -> ()
      "tpu.region"() ({
        %run_scoped3A_142 = tpu.sem_alloc : memref<!tpu.dma_semaphore, #tpu.memory_space<semaphore_mem>>
        %dma_start3A_143 = arith.constant 0 : i32
        %dma_start3A_144 = arith.constant 0 : i32
        %dma_start3A_145 = tpu.memref_slice %arg4[%add3A_24, %dma_start3A_143, %dma_start3A_144] : memref<800x8x128xi32, #tpu.memory_space<hbm>> -> memref<1x8x128xi32, #tpu.memory_space<hbm>>
        %dma_start3A_146 = tpu.memref_squeeze %dma_start3A_145 : memref<1x8x128xi32, #tpu.memory_space<hbm>> -> memref<8x128xi32, #tpu.memory_space<hbm>>
        %dma_start3A_147 = arith.constant 0 : i32
        %dma_start3A_148 = arith.constant 0 : i32
        %dma_start3A_149 = tpu.memref_slice %arg4[%add3A_24, %dma_start3A_147, %dma_start3A_148] : memref<800x8x128xi32, #tpu.memory_space<hbm>> -> memref<1x8x128xi32, #tpu.memory_space<hbm>>
        %dma_start3A_150 = tpu.memref_squeeze %dma_start3A_149 : memref<1x8x128xi32, #tpu.memory_space<hbm>> -> memref<8x128xi32, #tpu.memory_space<hbm>>
        tpu.enqueue_dma source(%dma_start3A_150 : memref<8x128xi32, #tpu.memory_space<hbm>>) target(%arg8 : memref<8x128xi32, #tpu.memory_space<vmem>>) target_semaphore(%run_scoped3A_142 : memref<!tpu.dma_semaphore, #tpu.memory_space<semaphore_mem>>)
        %dma_wait3A_151 = arith.constant 0 : i32
        %dma_wait3A_152 = arith.constant 0 : i32
        %dma_wait3A_153 = tpu.memref_slice %arg4[%add3A_24, %dma_wait3A_151, %dma_wait3A_152] : memref<800x8x128xi32, #tpu.memory_space<hbm>> -> memref<1x8x128xi32, #tpu.memory_space<hbm>>
        %dma_wait3A_154 = tpu.memref_squeeze %dma_wait3A_153 : memref<1x8x128xi32, #tpu.memory_space<hbm>> -> memref<8x128xi32, #tpu.memory_space<hbm>>
        %dma_wait3A_155 = arith.constant 0 : i32
        %dma_wait3A_156 = arith.constant 0 : i32
        %dma_wait3A_157 = tpu.memref_slice %arg4[%add3A_24, %dma_wait3A_155, %dma_wait3A_156] : memref<800x8x128xi32, #tpu.memory_space<hbm>> -> memref<1x8x128xi32, #tpu.memory_space<hbm>>
        %dma_wait3A_158 = tpu.memref_squeeze %dma_wait3A_157 : memref<1x8x128xi32, #tpu.memory_space<hbm>> -> memref<8x128xi32, #tpu.memory_space<hbm>>
        tpu.wait_dma2 semaphore(%run_scoped3A_142 : memref<!tpu.dma_semaphore, #tpu.memory_space<semaphore_mem>>) src(%dma_wait3A_158 : memref<8x128xi32, #tpu.memory_space<hbm>>) dst(%arg8 : memref<8x128xi32, #tpu.memory_space<vmem>>)
        tpu.yield
      }) : () -> ()
      %dma_start3A = arith.constant 0 : i32
      %dma_start3A_25 = arith.constant 0 : i32
      %dma_start3A_26 = tpu.memref_slice %arg12[%dma_start3A, %dma_start3A_25] : memref<8x128xi32, #tpu.memory_space<vmem>> -> memref<1x128xi32, #tpu.memory_space<vmem>>
      %dma_start3A_27 = tpu.memref_squeeze %dma_start3A_26 : memref<1x128xi32, #tpu.memory_space<vmem>> -> memref<128xi32, #tpu.memory_space<vmem>>
      %dma_start3A_28 = arith.constant 0 : i32
      %dma_start3A_29 = arith.constant 0 : i32
      %dma_start3A_30 = tpu.memref_slice %arg2[%dma_start3A_28, %dma_start3A_29] : memref<50000x16xf32, #tpu.memory_space<hbm>> -> memref<50000x16xf32, #tpu.memory_space<hbm>>
      tpu.enqueue_indirect_dma source(%dma_start3A_30 : memref<50000x16xf32, #tpu.memory_space<hbm>>) target(%arg9 : memref<128x16xf32, #tpu.memory_space<vmem>>) offsets(%dma_start3A_27 : memref<128xi32, #tpu.memory_space<vmem>>) semaphore(%arg11 : memref<!tpu.dma_semaphore, #tpu.memory_space<semaphore_mem>>)
      %dma_wait3A = arith.constant 0 : i32
      %dma_wait3A_31 = arith.constant 0 : i32
      %dma_wait3A_32 = tpu.memref_slice %arg12[%dma_wait3A, %dma_wait3A_31] : memref<8x128xi32, #tpu.memory_space<vmem>> -> memref<1x128xi32, #tpu.memory_space<vmem>>
      %dma_wait3A_33 = tpu.memref_squeeze %dma_wait3A_32 : memref<1x128xi32, #tpu.memory_space<vmem>> -> memref<128xi32, #tpu.memory_space<vmem>>
      %dma_wait3A_34 = arith.constant 0 : i32
      %dma_wait3A_35 = arith.constant 0 : i32
      %dma_wait3A_36 = tpu.memref_slice %arg2[%dma_wait3A_34, %dma_wait3A_35] : memref<50000x16xf32, #tpu.memory_space<hbm>> -> memref<50000x16xf32, #tpu.memory_space<hbm>>
      tpu.wait_indirect_dma semaphore(%arg11 : memref<!tpu.dma_semaphore, #tpu.memory_space<semaphore_mem>>) src(%dma_wait3A_36 : memref<50000x16xf32, #tpu.memory_space<hbm>>) dst(%arg9 : memref<128x16xf32, #tpu.memory_space<vmem>>)
      %dma_start3A_37 = arith.constant 1 : i32
      %dma_start3A_38 = arith.constant 0 : i32
      %dma_start3A_39 = tpu.memref_slice %arg12[%dma_start3A_37, %dma_start3A_38] : memref<8x128xi32, #tpu.memory_space<vmem>> -> memref<1x128xi32, #tpu.memory_space<vmem>>
      %dma_start3A_40 = tpu.memref_squeeze %dma_start3A_39 : memref<1x128xi32, #tpu.memory_space<vmem>> -> memref<128xi32, #tpu.memory_space<vmem>>
      %dma_start3A_41 = arith.constant 0 : i32
      %dma_start3A_42 = arith.constant 0 : i32
      %dma_start3A_43 = tpu.memref_slice %arg2[%dma_start3A_41, %dma_start3A_42] : memref<50000x16xf32, #tpu.memory_space<hbm>> -> memref<50000x16xf32, #tpu.memory_space<hbm>>
      tpu.enqueue_indirect_dma source(%dma_start3A_43 : memref<50000x16xf32, #tpu.memory_space<hbm>>) target(%arg10 : memref<128x16xf32, #tpu.memory_space<vmem>>) offsets(%dma_start3A_40 : memref<128xi32, #tpu.memory_space<vmem>>) semaphore(%arg11 : memref<!tpu.dma_semaphore, #tpu.memory_space<semaphore_mem>>)
      %run_scoped3A = arith.constant 0 : i32
      "tpu.region"() ({
        %run_scoped3A_142 = tpu.sem_alloc : memref<!tpu.dma_semaphore, #tpu.memory_space<semaphore_mem>>
        %dma_start3A_143 = arith.constant 0 : i32
        %dma_start3A_144 = tpu.memref_slice %arg8[%run_scoped3A, %dma_start3A_143] : memref<8x128xi32, #tpu.memory_space<vmem>> -> memref<1x128xi32, #tpu.memory_space<vmem>>
        %dma_start3A_145 = tpu.memref_squeeze %dma_start3A_144 : memref<1x128xi32, #tpu.memory_space<vmem>> -> memref<128xi32, #tpu.memory_space<vmem>>
        %dma_start3A_146 = arith.constant 0 : i32
        %dma_start3A_147 = arith.constant 0 : i32
        %dma_start3A_148 = tpu.memref_slice %arg7[%dma_start3A_146, %dma_start3A_147] : memref<100096x16xf32, #tpu.memory_space<vmem_shared>> -> memref<100096x16xf32, #tpu.memory_space<vmem_shared>>
        tpu.enqueue_indirect_dma source(%arg9 : memref<128x16xf32, #tpu.memory_space<vmem>>) target(%dma_start3A_148 : memref<100096x16xf32, #tpu.memory_space<vmem_shared>>) offsets(%dma_start3A_145 : memref<128xi32, #tpu.memory_space<vmem>>) semaphore(%run_scoped3A_142 : memref<!tpu.dma_semaphore, #tpu.memory_space<semaphore_mem>>) {add = true}
        %dma_wait3A_149 = arith.constant 0 : i32
        %dma_wait3A_150 = tpu.memref_slice %arg8[%run_scoped3A, %dma_wait3A_149] : memref<8x128xi32, #tpu.memory_space<vmem>> -> memref<1x128xi32, #tpu.memory_space<vmem>>
        %dma_wait3A_151 = tpu.memref_squeeze %dma_wait3A_150 : memref<1x128xi32, #tpu.memory_space<vmem>> -> memref<128xi32, #tpu.memory_space<vmem>>
        %dma_wait3A_152 = arith.constant 0 : i32
        %dma_wait3A_153 = arith.constant 0 : i32
        %dma_wait3A_154 = tpu.memref_slice %arg7[%dma_wait3A_152, %dma_wait3A_153] : memref<100096x16xf32, #tpu.memory_space<vmem_shared>> -> memref<100096x16xf32, #tpu.memory_space<vmem_shared>>
        tpu.wait_indirect_dma semaphore(%run_scoped3A_142 : memref<!tpu.dma_semaphore, #tpu.memory_space<semaphore_mem>>) src(%arg9 : memref<128x16xf32, #tpu.memory_space<vmem>>) dst(%dma_wait3A_154 : memref<100096x16xf32, #tpu.memory_space<vmem_shared>>)
        tpu.yield
      }) : () -> ()
      %dma_wait3A_44 = arith.constant 1 : i32
      %dma_wait3A_45 = arith.constant 0 : i32
      %dma_wait3A_46 = tpu.memref_slice %arg12[%dma_wait3A_44, %dma_wait3A_45] : memref<8x128xi32, #tpu.memory_space<vmem>> -> memref<1x128xi32, #tpu.memory_space<vmem>>
      %dma_wait3A_47 = tpu.memref_squeeze %dma_wait3A_46 : memref<1x128xi32, #tpu.memory_space<vmem>> -> memref<128xi32, #tpu.memory_space<vmem>>
      %dma_wait3A_48 = arith.constant 0 : i32
      %dma_wait3A_49 = arith.constant 0 : i32
      %dma_wait3A_50 = tpu.memref_slice %arg2[%dma_wait3A_48, %dma_wait3A_49] : memref<50000x16xf32, #tpu.memory_space<hbm>> -> memref<50000x16xf32, #tpu.memory_space<hbm>>
      tpu.wait_indirect_dma semaphore(%arg11 : memref<!tpu.dma_semaphore, #tpu.memory_space<semaphore_mem>>) src(%dma_wait3A_50 : memref<50000x16xf32, #tpu.memory_space<hbm>>) dst(%arg10 : memref<128x16xf32, #tpu.memory_space<vmem>>)
      %dma_start3A_51 = arith.constant 2 : i32
      %dma_start3A_52 = arith.constant 0 : i32
      %dma_start3A_53 = tpu.memref_slice %arg12[%dma_start3A_51, %dma_start3A_52] : memref<8x128xi32, #tpu.memory_space<vmem>> -> memref<1x128xi32, #tpu.memory_space<vmem>>
      %dma_start3A_54 = tpu.memref_squeeze %dma_start3A_53 : memref<1x128xi32, #tpu.memory_space<vmem>> -> memref<128xi32, #tpu.memory_space<vmem>>
      %dma_start3A_55 = arith.constant 0 : i32
      %dma_start3A_56 = arith.constant 0 : i32
      %dma_start3A_57 = tpu.memref_slice %arg2[%dma_start3A_55, %dma_start3A_56] : memref<50000x16xf32, #tpu.memory_space<hbm>> -> memref<50000x16xf32, #tpu.memory_space<hbm>>
      tpu.enqueue_indirect_dma source(%dma_start3A_57 : memref<50000x16xf32, #tpu.memory_space<hbm>>) target(%arg9 : memref<128x16xf32, #tpu.memory_space<vmem>>) offsets(%dma_start3A_54 : memref<128xi32, #tpu.memory_space<vmem>>) semaphore(%arg11 : memref<!tpu.dma_semaphore, #tpu.memory_space<semaphore_mem>>)
      %run_scoped3A_58 = arith.constant 1 : i32
      "tpu.region"() ({
        %run_scoped3A_142 = tpu.sem_alloc : memref<!tpu.dma_semaphore, #tpu.memory_space<semaphore_mem>>
        %dma_start3A_143 = arith.constant 0 : i32
        %dma_start3A_144 = tpu.memref_slice %arg8[%run_scoped3A_58, %dma_start3A_143] : memref<8x128xi32, #tpu.memory_space<vmem>> -> memref<1x128xi32, #tpu.memory_space<vmem>>
        %dma_start3A_145 = tpu.memref_squeeze %dma_start3A_144 : memref<1x128xi32, #tpu.memory_space<vmem>> -> memref<128xi32, #tpu.memory_space<vmem>>
        %dma_start3A_146 = arith.constant 0 : i32
        %dma_start3A_147 = arith.constant 0 : i32
        %dma_start3A_148 = tpu.memref_slice %arg7[%dma_start3A_146, %dma_start3A_147] : memref<100096x16xf32, #tpu.memory_space<vmem_shared>> -> memref<100096x16xf32, #tpu.memory_space<vmem_shared>>
        tpu.enqueue_indirect_dma source(%arg10 : memref<128x16xf32, #tpu.memory_space<vmem>>) target(%dma_start3A_148 : memref<100096x16xf32, #tpu.memory_space<vmem_shared>>) offsets(%dma_start3A_145 : memref<128xi32, #tpu.memory_space<vmem>>) semaphore(%run_scoped3A_142 : memref<!tpu.dma_semaphore, #tpu.memory_space<semaphore_mem>>) {add = true}
        %dma_wait3A_149 = arith.constant 0 : i32
        %dma_wait3A_150 = tpu.memref_slice %arg8[%run_scoped3A_58, %dma_wait3A_149] : memref<8x128xi32, #tpu.memory_space<vmem>> -> memref<1x128xi32, #tpu.memory_space<vmem>>
        %dma_wait3A_151 = tpu.memref_squeeze %dma_wait3A_150 : memref<1x128xi32, #tpu.memory_space<vmem>> -> memref<128xi32, #tpu.memory_space<vmem>>
        %dma_wait3A_152 = arith.constant 0 : i32
        %dma_wait3A_153 = arith.constant 0 : i32
        %dma_wait3A_154 = tpu.memref_slice %arg7[%dma_wait3A_152, %dma_wait3A_153] : memref<100096x16xf32, #tpu.memory_space<vmem_shared>> -> memref<100096x16xf32, #tpu.memory_space<vmem_shared>>
        tpu.wait_indirect_dma semaphore(%run_scoped3A_142 : memref<!tpu.dma_semaphore, #tpu.memory_space<semaphore_mem>>) src(%arg10 : memref<128x16xf32, #tpu.memory_space<vmem>>) dst(%dma_wait3A_154 : memref<100096x16xf32, #tpu.memory_space<vmem_shared>>)
        tpu.yield
      }) : () -> ()
      %dma_wait3A_59 = arith.constant 2 : i32
      %dma_wait3A_60 = arith.constant 0 : i32
      %dma_wait3A_61 = tpu.memref_slice %arg12[%dma_wait3A_59, %dma_wait3A_60] : memref<8x128xi32, #tpu.memory_space<vmem>> -> memref<1x128xi32, #tpu.memory_space<vmem>>
      %dma_wait3A_62 = tpu.memref_squeeze %dma_wait3A_61 : memref<1x128xi32, #tpu.memory_space<vmem>> -> memref<128xi32, #tpu.memory_space<vmem>>
      %dma_wait3A_63 = arith.constant 0 : i32
      %dma_wait3A_64 = arith.constant 0 : i32
      %dma_wait3A_65 = tpu.memref_slice %arg2[%dma_wait3A_63, %dma_wait3A_64] : memref<50000x16xf32, #tpu.memory_space<hbm>> -> memref<50000x16xf32, #tpu.memory_space<hbm>>
      tpu.wait_indirect_dma semaphore(%arg11 : memref<!tpu.dma_semaphore, #tpu.memory_space<semaphore_mem>>) src(%dma_wait3A_65 : memref<50000x16xf32, #tpu.memory_space<hbm>>) dst(%arg9 : memref<128x16xf32, #tpu.memory_space<vmem>>)
      %dma_start3A_66 = arith.constant 3 : i32
      %dma_start3A_67 = arith.constant 0 : i32
      %dma_start3A_68 = tpu.memref_slice %arg12[%dma_start3A_66, %dma_start3A_67] : memref<8x128xi32, #tpu.memory_space<vmem>> -> memref<1x128xi32, #tpu.memory_space<vmem>>
      %dma_start3A_69 = tpu.memref_squeeze %dma_start3A_68 : memref<1x128xi32, #tpu.memory_space<vmem>> -> memref<128xi32, #tpu.memory_space<vmem>>
      %dma_start3A_70 = arith.constant 0 : i32
      %dma_start3A_71 = arith.constant 0 : i32
      %dma_start3A_72 = tpu.memref_slice %arg2[%dma_start3A_70, %dma_start3A_71] : memref<50000x16xf32, #tpu.memory_space<hbm>> -> memref<50000x16xf32, #tpu.memory_space<hbm>>
      tpu.enqueue_indirect_dma source(%dma_start3A_72 : memref<50000x16xf32, #tpu.memory_space<hbm>>) target(%arg10 : memref<128x16xf32, #tpu.memory_space<vmem>>) offsets(%dma_start3A_69 : memref<128xi32, #tpu.memory_space<vmem>>) semaphore(%arg11 : memref<!tpu.dma_semaphore, #tpu.memory_space<semaphore_mem>>)
      %run_scoped3A_73 = arith.constant 2 : i32
      "tpu.region"() ({
        %run_scoped3A_142 = tpu.sem_alloc : memref<!tpu.dma_semaphore, #tpu.memory_space<semaphore_mem>>
        %dma_start3A_143 = arith.constant 0 : i32
        %dma_start3A_144 = tpu.memref_slice %arg8[%run_scoped3A_73, %dma_start3A_143] : memref<8x128xi32, #tpu.memory_space<vmem>> -> memref<1x128xi32, #tpu.memory_space<vmem>>
        %dma_start3A_145 = tpu.memref_squeeze %dma_start3A_144 : memref<1x128xi32, #tpu.memory_space<vmem>> -> memref<128xi32, #tpu.memory_space<vmem>>
        %dma_start3A_146 = arith.constant 0 : i32
        %dma_start3A_147 = arith.constant 0 : i32
        %dma_start3A_148 = tpu.memref_slice %arg7[%dma_start3A_146, %dma_start3A_147] : memref<100096x16xf32, #tpu.memory_space<vmem_shared>> -> memref<100096x16xf32, #tpu.memory_space<vmem_shared>>
        tpu.enqueue_indirect_dma source(%arg9 : memref<128x16xf32, #tpu.memory_space<vmem>>) target(%dma_start3A_148 : memref<100096x16xf32, #tpu.memory_space<vmem_shared>>) offsets(%dma_start3A_145 : memref<128xi32, #tpu.memory_space<vmem>>) semaphore(%run_scoped3A_142 : memref<!tpu.dma_semaphore, #tpu.memory_space<semaphore_mem>>) {add = true}
        %dma_wait3A_149 = arith.constant 0 : i32
        %dma_wait3A_150 = tpu.memref_slice %arg8[%run_scoped3A_73, %dma_wait3A_149] : memref<8x128xi32, #tpu.memory_space<vmem>> -> memref<1x128xi32, #tpu.memory_space<vmem>>
        %dma_wait3A_151 = tpu.memref_squeeze %dma_wait3A_150 : memref<1x128xi32, #tpu.memory_space<vmem>> -> memref<128xi32, #tpu.memory_space<vmem>>
        %dma_wait3A_152 = arith.constant 0 : i32
        %dma_wait3A_153 = arith.constant 0 : i32
        %dma_wait3A_154 = tpu.memref_slice %arg7[%dma_wait3A_152, %dma_wait3A_153] : memref<100096x16xf32, #tpu.memory_space<vmem_shared>> -> memref<100096x16xf32, #tpu.memory_space<vmem_shared>>
        tpu.wait_indirect_dma semaphore(%run_scoped3A_142 : memref<!tpu.dma_semaphore, #tpu.memory_space<semaphore_mem>>) src(%arg9 : memref<128x16xf32, #tpu.memory_space<vmem>>) dst(%dma_wait3A_154 : memref<100096x16xf32, #tpu.memory_space<vmem_shared>>)
        tpu.yield
      }) : () -> ()
      %dma_wait3A_74 = arith.constant 3 : i32
      %dma_wait3A_75 = arith.constant 0 : i32
      %dma_wait3A_76 = tpu.memref_slice %arg12[%dma_wait3A_74, %dma_wait3A_75] : memref<8x128xi32, #tpu.memory_space<vmem>> -> memref<1x128xi32, #tpu.memory_space<vmem>>
      %dma_wait3A_77 = tpu.memref_squeeze %dma_wait3A_76 : memref<1x128xi32, #tpu.memory_space<vmem>> -> memref<128xi32, #tpu.memory_space<vmem>>
      %dma_wait3A_78 = arith.constant 0 : i32
      %dma_wait3A_79 = arith.constant 0 : i32
      %dma_wait3A_80 = tpu.memref_slice %arg2[%dma_wait3A_78, %dma_wait3A_79] : memref<50000x16xf32, #tpu.memory_space<hbm>> -> memref<50000x16xf32, #tpu.memory_space<hbm>>
      tpu.wait_indirect_dma semaphore(%arg11 : memref<!tpu.dma_semaphore, #tpu.memory_space<semaphore_mem>>) src(%dma_wait3A_80 : memref<50000x16xf32, #tpu.memory_space<hbm>>) dst(%arg10 : memref<128x16xf32, #tpu.memory_space<vmem>>)
      %dma_start3A_81 = arith.constant 4 : i32
      %dma_start3A_82 = arith.constant 0 : i32
      %dma_start3A_83 = tpu.memref_slice %arg12[%dma_start3A_81, %dma_start3A_82] : memref<8x128xi32, #tpu.memory_space<vmem>> -> memref<1x128xi32, #tpu.memory_space<vmem>>
      %dma_start3A_84 = tpu.memref_squeeze %dma_start3A_83 : memref<1x128xi32, #tpu.memory_space<vmem>> -> memref<128xi32, #tpu.memory_space<vmem>>
      %dma_start3A_85 = arith.constant 0 : i32
      %dma_start3A_86 = arith.constant 0 : i32
      %dma_start3A_87 = tpu.memref_slice %arg2[%dma_start3A_85, %dma_start3A_86] : memref<50000x16xf32, #tpu.memory_space<hbm>> -> memref<50000x16xf32, #tpu.memory_space<hbm>>
      tpu.enqueue_indirect_dma source(%dma_start3A_87 : memref<50000x16xf32, #tpu.memory_space<hbm>>) target(%arg9 : memref<128x16xf32, #tpu.memory_space<vmem>>) offsets(%dma_start3A_84 : memref<128xi32, #tpu.memory_space<vmem>>) semaphore(%arg11 : memref<!tpu.dma_semaphore, #tpu.memory_space<semaphore_mem>>)
      %run_scoped3A_88 = arith.constant 3 : i32
      "tpu.region"() ({
        %run_scoped3A_142 = tpu.sem_alloc : memref<!tpu.dma_semaphore, #tpu.memory_space<semaphore_mem>>
        %dma_start3A_143 = arith.constant 0 : i32
        %dma_start3A_144 = tpu.memref_slice %arg8[%run_scoped3A_88, %dma_start3A_143] : memref<8x128xi32, #tpu.memory_space<vmem>> -> memref<1x128xi32, #tpu.memory_space<vmem>>
        %dma_start3A_145 = tpu.memref_squeeze %dma_start3A_144 : memref<1x128xi32, #tpu.memory_space<vmem>> -> memref<128xi32, #tpu.memory_space<vmem>>
        %dma_start3A_146 = arith.constant 0 : i32
        %dma_start3A_147 = arith.constant 0 : i32
        %dma_start3A_148 = tpu.memref_slice %arg7[%dma_start3A_146, %dma_start3A_147] : memref<100096x16xf32, #tpu.memory_space<vmem_shared>> -> memref<100096x16xf32, #tpu.memory_space<vmem_shared>>
        tpu.enqueue_indirect_dma source(%arg10 : memref<128x16xf32, #tpu.memory_space<vmem>>) target(%dma_start3A_148 : memref<100096x16xf32, #tpu.memory_space<vmem_shared>>) offsets(%dma_start3A_145 : memref<128xi32, #tpu.memory_space<vmem>>) semaphore(%run_scoped3A_142 : memref<!tpu.dma_semaphore, #tpu.memory_space<semaphore_mem>>) {add = true}
        %dma_wait3A_149 = arith.constant 0 : i32
        %dma_wait3A_150 = tpu.memref_slice %arg8[%run_scoped3A_88, %dma_wait3A_149] : memref<8x128xi32, #tpu.memory_space<vmem>> -> memref<1x128xi32, #tpu.memory_space<vmem>>
        %dma_wait3A_151 = tpu.memref_squeeze %dma_wait3A_150 : memref<1x128xi32, #tpu.memory_space<vmem>> -> memref<128xi32, #tpu.memory_space<vmem>>
        %dma_wait3A_152 = arith.constant 0 : i32
        %dma_wait3A_153 = arith.constant 0 : i32
        %dma_wait3A_154 = tpu.memref_slice %arg7[%dma_wait3A_152, %dma_wait3A_153] : memref<100096x16xf32, #tpu.memory_space<vmem_shared>> -> memref<100096x16xf32, #tpu.memory_space<vmem_shared>>
        tpu.wait_indirect_dma semaphore(%run_scoped3A_142 : memref<!tpu.dma_semaphore, #tpu.memory_space<semaphore_mem>>) src(%arg10 : memref<128x16xf32, #tpu.memory_space<vmem>>) dst(%dma_wait3A_154 : memref<100096x16xf32, #tpu.memory_space<vmem_shared>>)
        tpu.yield
      }) : () -> ()
      %dma_wait3A_89 = arith.constant 4 : i32
      %dma_wait3A_90 = arith.constant 0 : i32
      %dma_wait3A_91 = tpu.memref_slice %arg12[%dma_wait3A_89, %dma_wait3A_90] : memref<8x128xi32, #tpu.memory_space<vmem>> -> memref<1x128xi32, #tpu.memory_space<vmem>>
      %dma_wait3A_92 = tpu.memref_squeeze %dma_wait3A_91 : memref<1x128xi32, #tpu.memory_space<vmem>> -> memref<128xi32, #tpu.memory_space<vmem>>
      %dma_wait3A_93 = arith.constant 0 : i32
      %dma_wait3A_94 = arith.constant 0 : i32
      %dma_wait3A_95 = tpu.memref_slice %arg2[%dma_wait3A_93, %dma_wait3A_94] : memref<50000x16xf32, #tpu.memory_space<hbm>> -> memref<50000x16xf32, #tpu.memory_space<hbm>>
      tpu.wait_indirect_dma semaphore(%arg11 : memref<!tpu.dma_semaphore, #tpu.memory_space<semaphore_mem>>) src(%dma_wait3A_95 : memref<50000x16xf32, #tpu.memory_space<hbm>>) dst(%arg9 : memref<128x16xf32, #tpu.memory_space<vmem>>)
      %dma_start3A_96 = arith.constant 5 : i32
      %dma_start3A_97 = arith.constant 0 : i32
      %dma_start3A_98 = tpu.memref_slice %arg12[%dma_start3A_96, %dma_start3A_97] : memref<8x128xi32, #tpu.memory_space<vmem>> -> memref<1x128xi32, #tpu.memory_space<vmem>>
      %dma_start3A_99 = tpu.memref_squeeze %dma_start3A_98 : memref<1x128xi32, #tpu.memory_space<vmem>> -> memref<128xi32, #tpu.memory_space<vmem>>
      %dma_start3A_100 = arith.constant 0 : i32
      %dma_start3A_101 = arith.constant 0 : i32
      %dma_start3A_102 = tpu.memref_slice %arg2[%dma_start3A_100, %dma_start3A_101] : memref<50000x16xf32, #tpu.memory_space<hbm>> -> memref<50000x16xf32, #tpu.memory_space<hbm>>
      tpu.enqueue_indirect_dma source(%dma_start3A_102 : memref<50000x16xf32, #tpu.memory_space<hbm>>) target(%arg10 : memref<128x16xf32, #tpu.memory_space<vmem>>) offsets(%dma_start3A_99 : memref<128xi32, #tpu.memory_space<vmem>>) semaphore(%arg11 : memref<!tpu.dma_semaphore, #tpu.memory_space<semaphore_mem>>)
      %run_scoped3A_103 = arith.constant 4 : i32
      "tpu.region"() ({
        %run_scoped3A_142 = tpu.sem_alloc : memref<!tpu.dma_semaphore, #tpu.memory_space<semaphore_mem>>
        %dma_start3A_143 = arith.constant 0 : i32
        %dma_start3A_144 = tpu.memref_slice %arg8[%run_scoped3A_103, %dma_start3A_143] : memref<8x128xi32, #tpu.memory_space<vmem>> -> memref<1x128xi32, #tpu.memory_space<vmem>>
        %dma_start3A_145 = tpu.memref_squeeze %dma_start3A_144 : memref<1x128xi32, #tpu.memory_space<vmem>> -> memref<128xi32, #tpu.memory_space<vmem>>
        %dma_start3A_146 = arith.constant 0 : i32
        %dma_start3A_147 = arith.constant 0 : i32
        %dma_start3A_148 = tpu.memref_slice %arg7[%dma_start3A_146, %dma_start3A_147] : memref<100096x16xf32, #tpu.memory_space<vmem_shared>> -> memref<100096x16xf32, #tpu.memory_space<vmem_shared>>
        tpu.enqueue_indirect_dma source(%arg9 : memref<128x16xf32, #tpu.memory_space<vmem>>) target(%dma_start3A_148 : memref<100096x16xf32, #tpu.memory_space<vmem_shared>>) offsets(%dma_start3A_145 : memref<128xi32, #tpu.memory_space<vmem>>) semaphore(%run_scoped3A_142 : memref<!tpu.dma_semaphore, #tpu.memory_space<semaphore_mem>>) {add = true}
        %dma_wait3A_149 = arith.constant 0 : i32
        %dma_wait3A_150 = tpu.memref_slice %arg8[%run_scoped3A_103, %dma_wait3A_149] : memref<8x128xi32, #tpu.memory_space<vmem>> -> memref<1x128xi32, #tpu.memory_space<vmem>>
        %dma_wait3A_151 = tpu.memref_squeeze %dma_wait3A_150 : memref<1x128xi32, #tpu.memory_space<vmem>> -> memref<128xi32, #tpu.memory_space<vmem>>
        %dma_wait3A_152 = arith.constant 0 : i32
        %dma_wait3A_153 = arith.constant 0 : i32
        %dma_wait3A_154 = tpu.memref_slice %arg7[%dma_wait3A_152, %dma_wait3A_153] : memref<100096x16xf32, #tpu.memory_space<vmem_shared>> -> memref<100096x16xf32, #tpu.memory_space<vmem_shared>>
        tpu.wait_indirect_dma semaphore(%run_scoped3A_142 : memref<!tpu.dma_semaphore, #tpu.memory_space<semaphore_mem>>) src(%arg9 : memref<128x16xf32, #tpu.memory_space<vmem>>) dst(%dma_wait3A_154 : memref<100096x16xf32, #tpu.memory_space<vmem_shared>>)
        tpu.yield
      }) : () -> ()
      %dma_wait3A_104 = arith.constant 5 : i32
      %dma_wait3A_105 = arith.constant 0 : i32
      %dma_wait3A_106 = tpu.memref_slice %arg12[%dma_wait3A_104, %dma_wait3A_105] : memref<8x128xi32, #tpu.memory_space<vmem>> -> memref<1x128xi32, #tpu.memory_space<vmem>>
      %dma_wait3A_107 = tpu.memref_squeeze %dma_wait3A_106 : memref<1x128xi32, #tpu.memory_space<vmem>> -> memref<128xi32, #tpu.memory_space<vmem>>
      %dma_wait3A_108 = arith.constant 0 : i32
      %dma_wait3A_109 = arith.constant 0 : i32
      %dma_wait3A_110 = tpu.memref_slice %arg2[%dma_wait3A_108, %dma_wait3A_109] : memref<50000x16xf32, #tpu.memory_space<hbm>> -> memref<50000x16xf32, #tpu.memory_space<hbm>>
      tpu.wait_indirect_dma semaphore(%arg11 : memref<!tpu.dma_semaphore, #tpu.memory_space<semaphore_mem>>) src(%dma_wait3A_110 : memref<50000x16xf32, #tpu.memory_space<hbm>>) dst(%arg10 : memref<128x16xf32, #tpu.memory_space<vmem>>)
      %dma_start3A_111 = arith.constant 6 : i32
      %dma_start3A_112 = arith.constant 0 : i32
      %dma_start3A_113 = tpu.memref_slice %arg12[%dma_start3A_111, %dma_start3A_112] : memref<8x128xi32, #tpu.memory_space<vmem>> -> memref<1x128xi32, #tpu.memory_space<vmem>>
      %dma_start3A_114 = tpu.memref_squeeze %dma_start3A_113 : memref<1x128xi32, #tpu.memory_space<vmem>> -> memref<128xi32, #tpu.memory_space<vmem>>
      %dma_start3A_115 = arith.constant 0 : i32
      %dma_start3A_116 = arith.constant 0 : i32
      %dma_start3A_117 = tpu.memref_slice %arg2[%dma_start3A_115, %dma_start3A_116] : memref<50000x16xf32, #tpu.memory_space<hbm>> -> memref<50000x16xf32, #tpu.memory_space<hbm>>
      tpu.enqueue_indirect_dma source(%dma_start3A_117 : memref<50000x16xf32, #tpu.memory_space<hbm>>) target(%arg9 : memref<128x16xf32, #tpu.memory_space<vmem>>) offsets(%dma_start3A_114 : memref<128xi32, #tpu.memory_space<vmem>>) semaphore(%arg11 : memref<!tpu.dma_semaphore, #tpu.memory_space<semaphore_mem>>)
      %run_scoped3A_118 = arith.constant 5 : i32
      "tpu.region"() ({
        %run_scoped3A_142 = tpu.sem_alloc : memref<!tpu.dma_semaphore, #tpu.memory_space<semaphore_mem>>
        %dma_start3A_143 = arith.constant 0 : i32
        %dma_start3A_144 = tpu.memref_slice %arg8[%run_scoped3A_118, %dma_start3A_143] : memref<8x128xi32, #tpu.memory_space<vmem>> -> memref<1x128xi32, #tpu.memory_space<vmem>>
        %dma_start3A_145 = tpu.memref_squeeze %dma_start3A_144 : memref<1x128xi32, #tpu.memory_space<vmem>> -> memref<128xi32, #tpu.memory_space<vmem>>
        %dma_start3A_146 = arith.constant 0 : i32
        %dma_start3A_147 = arith.constant 0 : i32
        %dma_start3A_148 = tpu.memref_slice %arg7[%dma_start3A_146, %dma_start3A_147] : memref<100096x16xf32, #tpu.memory_space<vmem_shared>> -> memref<100096x16xf32, #tpu.memory_space<vmem_shared>>
        tpu.enqueue_indirect_dma source(%arg10 : memref<128x16xf32, #tpu.memory_space<vmem>>) target(%dma_start3A_148 : memref<100096x16xf32, #tpu.memory_space<vmem_shared>>) offsets(%dma_start3A_145 : memref<128xi32, #tpu.memory_space<vmem>>) semaphore(%run_scoped3A_142 : memref<!tpu.dma_semaphore, #tpu.memory_space<semaphore_mem>>) {add = true}
        %dma_wait3A_149 = arith.constant 0 : i32
        %dma_wait3A_150 = tpu.memref_slice %arg8[%run_scoped3A_118, %dma_wait3A_149] : memref<8x128xi32, #tpu.memory_space<vmem>> -> memref<1x128xi32, #tpu.memory_space<vmem>>
        %dma_wait3A_151 = tpu.memref_squeeze %dma_wait3A_150 : memref<1x128xi32, #tpu.memory_space<vmem>> -> memref<128xi32, #tpu.memory_space<vmem>>
        %dma_wait3A_152 = arith.constant 0 : i32
        %dma_wait3A_153 = arith.constant 0 : i32
        %dma_wait3A_154 = tpu.memref_slice %arg7[%dma_wait3A_152, %dma_wait3A_153] : memref<100096x16xf32, #tpu.memory_space<vmem_shared>> -> memref<100096x16xf32, #tpu.memory_space<vmem_shared>>
        tpu.wait_indirect_dma semaphore(%run_scoped3A_142 : memref<!tpu.dma_semaphore, #tpu.memory_space<semaphore_mem>>) src(%arg10 : memref<128x16xf32, #tpu.memory_space<vmem>>) dst(%dma_wait3A_154 : memref<100096x16xf32, #tpu.memory_space<vmem_shared>>)
        tpu.yield
      }) : () -> ()
      %dma_wait3A_119 = arith.constant 6 : i32
      %dma_wait3A_120 = arith.constant 0 : i32
      %dma_wait3A_121 = tpu.memref_slice %arg12[%dma_wait3A_119, %dma_wait3A_120] : memref<8x128xi32, #tpu.memory_space<vmem>> -> memref<1x128xi32, #tpu.memory_space<vmem>>
      %dma_wait3A_122 = tpu.memref_squeeze %dma_wait3A_121 : memref<1x128xi32, #tpu.memory_space<vmem>> -> memref<128xi32, #tpu.memory_space<vmem>>
      %dma_wait3A_123 = arith.constant 0 : i32
      %dma_wait3A_124 = arith.constant 0 : i32
      %dma_wait3A_125 = tpu.memref_slice %arg2[%dma_wait3A_123, %dma_wait3A_124] : memref<50000x16xf32, #tpu.memory_space<hbm>> -> memref<50000x16xf32, #tpu.memory_space<hbm>>
      tpu.wait_indirect_dma semaphore(%arg11 : memref<!tpu.dma_semaphore, #tpu.memory_space<semaphore_mem>>) src(%dma_wait3A_125 : memref<50000x16xf32, #tpu.memory_space<hbm>>) dst(%arg9 : memref<128x16xf32, #tpu.memory_space<vmem>>)
      %dma_start3A_126 = arith.constant 7 : i32
      %dma_start3A_127 = arith.constant 0 : i32
      %dma_start3A_128 = tpu.memref_slice %arg12[%dma_start3A_126, %dma_start3A_127] : memref<8x128xi32, #tpu.memory_space<vmem>> -> memref<1x128xi32, #tpu.memory_space<vmem>>
      %dma_start3A_129 = tpu.memref_squeeze %dma_start3A_128 : memref<1x128xi32, #tpu.memory_space<vmem>> -> memref<128xi32, #tpu.memory_space<vmem>>
      %dma_start3A_130 = arith.constant 0 : i32
      %dma_start3A_131 = arith.constant 0 : i32
      %dma_start3A_132 = tpu.memref_slice %arg2[%dma_start3A_130, %dma_start3A_131] : memref<50000x16xf32, #tpu.memory_space<hbm>> -> memref<50000x16xf32, #tpu.memory_space<hbm>>
      tpu.enqueue_indirect_dma source(%dma_start3A_132 : memref<50000x16xf32, #tpu.memory_space<hbm>>) target(%arg10 : memref<128x16xf32, #tpu.memory_space<vmem>>) offsets(%dma_start3A_129 : memref<128xi32, #tpu.memory_space<vmem>>) semaphore(%arg11 : memref<!tpu.dma_semaphore, #tpu.memory_space<semaphore_mem>>)
      %run_scoped3A_133 = arith.constant 6 : i32
      "tpu.region"() ({
        %run_scoped3A_142 = tpu.sem_alloc : memref<!tpu.dma_semaphore, #tpu.memory_space<semaphore_mem>>
        %dma_start3A_143 = arith.constant 0 : i32
        %dma_start3A_144 = tpu.memref_slice %arg8[%run_scoped3A_133, %dma_start3A_143] : memref<8x128xi32, #tpu.memory_space<vmem>> -> memref<1x128xi32, #tpu.memory_space<vmem>>
        %dma_start3A_145 = tpu.memref_squeeze %dma_start3A_144 : memref<1x128xi32, #tpu.memory_space<vmem>> -> memref<128xi32, #tpu.memory_space<vmem>>
        %dma_start3A_146 = arith.constant 0 : i32
        %dma_start3A_147 = arith.constant 0 : i32
        %dma_start3A_148 = tpu.memref_slice %arg7[%dma_start3A_146, %dma_start3A_147] : memref<100096x16xf32, #tpu.memory_space<vmem_shared>> -> memref<100096x16xf32, #tpu.memory_space<vmem_shared>>
        tpu.enqueue_indirect_dma source(%arg9 : memref<128x16xf32, #tpu.memory_space<vmem>>) target(%dma_start3A_148 : memref<100096x16xf32, #tpu.memory_space<vmem_shared>>) offsets(%dma_start3A_145 : memref<128xi32, #tpu.memory_space<vmem>>) semaphore(%run_scoped3A_142 : memref<!tpu.dma_semaphore, #tpu.memory_space<semaphore_mem>>) {add = true}
        %dma_wait3A_149 = arith.constant 0 : i32
        %dma_wait3A_150 = tpu.memref_slice %arg8[%run_scoped3A_133, %dma_wait3A_149] : memref<8x128xi32, #tpu.memory_space<vmem>> -> memref<1x128xi32, #tpu.memory_space<vmem>>
        %dma_wait3A_151 = tpu.memref_squeeze %dma_wait3A_150 : memref<1x128xi32, #tpu.memory_space<vmem>> -> memref<128xi32, #tpu.memory_space<vmem>>
        %dma_wait3A_152 = arith.constant 0 : i32
        %dma_wait3A_153 = arith.constant 0 : i32
        %dma_wait3A_154 = tpu.memref_slice %arg7[%dma_wait3A_152, %dma_wait3A_153] : memref<100096x16xf32, #tpu.memory_space<vmem_shared>> -> memref<100096x16xf32, #tpu.memory_space<vmem_shared>>
        tpu.wait_indirect_dma semaphore(%run_scoped3A_142 : memref<!tpu.dma_semaphore, #tpu.memory_space<semaphore_mem>>) src(%arg9 : memref<128x16xf32, #tpu.memory_space<vmem>>) dst(%dma_wait3A_154 : memref<100096x16xf32, #tpu.memory_space<vmem_shared>>)
        tpu.yield
      }) : () -> ()
      %dma_wait3A_134 = arith.constant 7 : i32
      %dma_wait3A_135 = arith.constant 0 : i32
      %dma_wait3A_136 = tpu.memref_slice %arg12[%dma_wait3A_134, %dma_wait3A_135] : memref<8x128xi32, #tpu.memory_space<vmem>> -> memref<1x128xi32, #tpu.memory_space<vmem>>
      %dma_wait3A_137 = tpu.memref_squeeze %dma_wait3A_136 : memref<1x128xi32, #tpu.memory_space<vmem>> -> memref<128xi32, #tpu.memory_space<vmem>>
      %dma_wait3A_138 = arith.constant 0 : i32
      %dma_wait3A_139 = arith.constant 0 : i32
      %dma_wait3A_140 = tpu.memref_slice %arg2[%dma_wait3A_138, %dma_wait3A_139] : memref<50000x16xf32, #tpu.memory_space<hbm>> -> memref<50000x16xf32, #tpu.memory_space<hbm>>
      tpu.wait_indirect_dma semaphore(%arg11 : memref<!tpu.dma_semaphore, #tpu.memory_space<semaphore_mem>>) src(%dma_wait3A_140 : memref<50000x16xf32, #tpu.memory_space<hbm>>) dst(%arg10 : memref<128x16xf32, #tpu.memory_space<vmem>>)
      %run_scoped3A_141 = arith.constant 7 : i32
      "tpu.region"() ({
        %run_scoped3A_142 = tpu.sem_alloc : memref<!tpu.dma_semaphore, #tpu.memory_space<semaphore_mem>>
        %dma_start3A_143 = arith.constant 0 : i32
        %dma_start3A_144 = tpu.memref_slice %arg8[%run_scoped3A_141, %dma_start3A_143] : memref<8x128xi32, #tpu.memory_space<vmem>> -> memref<1x128xi32, #tpu.memory_space<vmem>>
        %dma_start3A_145 = tpu.memref_squeeze %dma_start3A_144 : memref<1x128xi32, #tpu.memory_space<vmem>> -> memref<128xi32, #tpu.memory_space<vmem>>
        %dma_start3A_146 = arith.constant 0 : i32
        %dma_start3A_147 = arith.constant 0 : i32
        %dma_start3A_148 = tpu.memref_slice %arg7[%dma_start3A_146, %dma_start3A_147] : memref<100096x16xf32, #tpu.memory_space<vmem_shared>> -> memref<100096x16xf32, #tpu.memory_space<vmem_shared>>
        tpu.enqueue_indirect_dma source(%arg10 : memref<128x16xf32, #tpu.memory_space<vmem>>) target(%dma_start3A_148 : memref<100096x16xf32, #tpu.memory_space<vmem_shared>>) offsets(%dma_start3A_145 : memref<128xi32, #tpu.memory_space<vmem>>) semaphore(%run_scoped3A_142 : memref<!tpu.dma_semaphore, #tpu.memory_space<semaphore_mem>>) {add = true}
        %dma_wait3A_149 = arith.constant 0 : i32
        %dma_wait3A_150 = tpu.memref_slice %arg8[%run_scoped3A_141, %dma_wait3A_149] : memref<8x128xi32, #tpu.memory_space<vmem>> -> memref<1x128xi32, #tpu.memory_space<vmem>>
        %dma_wait3A_151 = tpu.memref_squeeze %dma_wait3A_150 : memref<1x128xi32, #tpu.memory_space<vmem>> -> memref<128xi32, #tpu.memory_space<vmem>>
        %dma_wait3A_152 = arith.constant 0 : i32
        %dma_wait3A_153 = arith.constant 0 : i32
        %dma_wait3A_154 = tpu.memref_slice %arg7[%dma_wait3A_152, %dma_wait3A_153] : memref<100096x16xf32, #tpu.memory_space<vmem_shared>> -> memref<100096x16xf32, #tpu.memory_space<vmem_shared>>
        tpu.wait_indirect_dma semaphore(%run_scoped3A_142 : memref<!tpu.dma_semaphore, #tpu.memory_space<semaphore_mem>>) src(%arg10 : memref<128x16xf32, #tpu.memory_space<vmem>>) dst(%dma_wait3A_154 : memref<100096x16xf32, #tpu.memory_space<vmem_shared>>)
        tpu.yield
      }) : () -> ()
    }
    %scan3A_15 = arith.constant 25 : i32
    %barrier3A_16 = arith.constant 0 : index
    tpu.barrier barrier_id(%barrier3A_16)
    %scan3A_17 = arith.constant 0 : i32
    %scan3A_18 = arith.constant 0 : i32
    %scan3A_19 = arith.constant 17 : i32
    %scan3A_20 = arith.addi %scan3A_18, %scan3A_19 : i32
    %scan3A_21 = arith.constant 1 : i32
    scf.for %scan3A_23 = %scan3A_18 to %scan3A_20 step %scan3A_21  : i32 {
      %mul3A_24 = arith.constant 368 : i32
      %mul3A_25 = arith.muli %scan3A_23, %mul3A_24 : i32
      %add3A_26 = arith.addi %mul3A_0, %mul3A_25 : i32
      "tpu.region"() ({
        %run_scoped3A = tpu.sem_alloc : memref<!tpu.dma_semaphore, #tpu.memory_space<semaphore_mem>>
        %dma_start3A = arith.constant 0 : i32
        %dma_start3A_27 = tpu.memref_slice %arg7[%add3A_26, %dma_start3A] : memref<100096x16xf32, #tpu.memory_space<vmem_shared>> -> memref<368x16xf32, #tpu.memory_space<vmem_shared>>
        %dma_start3A_28 = arith.constant 0 : i32
        %dma_start3A_29 = tpu.memref_slice %arg7[%add3A_26, %dma_start3A_28] : memref<100096x16xf32, #tpu.memory_space<vmem_shared>> -> memref<368x16xf32, #tpu.memory_space<vmem_shared>>
        tpu.enqueue_dma source(%dma_start3A_29 : memref<368x16xf32, #tpu.memory_space<vmem_shared>>) target(%arg13 : memref<368x16xf32, #tpu.memory_space<vmem>>) target_semaphore(%run_scoped3A : memref<!tpu.dma_semaphore, #tpu.memory_space<semaphore_mem>>)
        %dma_wait3A = arith.constant 0 : i32
        %dma_wait3A_30 = tpu.memref_slice %arg7[%add3A_26, %dma_wait3A] : memref<100096x16xf32, #tpu.memory_space<vmem_shared>> -> memref<368x16xf32, #tpu.memory_space<vmem_shared>>
        %dma_wait3A_31 = arith.constant 0 : i32
        %dma_wait3A_32 = tpu.memref_slice %arg7[%add3A_26, %dma_wait3A_31] : memref<100096x16xf32, #tpu.memory_space<vmem_shared>> -> memref<368x16xf32, #tpu.memory_space<vmem_shared>>
        tpu.wait_dma2 semaphore(%run_scoped3A : memref<!tpu.dma_semaphore, #tpu.memory_space<semaphore_mem>>) src(%dma_wait3A_32 : memref<368x16xf32, #tpu.memory_space<vmem_shared>>) dst(%arg13 : memref<368x16xf32, #tpu.memory_space<vmem>>)
        tpu.yield
      }) : () -> ()
      "tpu.region"() ({
        %run_scoped3A = tpu.sem_alloc : memref<!tpu.dma_semaphore, #tpu.memory_space<semaphore_mem>>
        %dma_start3A = arith.constant 0 : i32
        %dma_start3A_27 = tpu.memref_slice %arg6[%arg0, %add3A_26, %dma_start3A] : memref<2x100096x16xf32, #tpu.memory_space<hbm>> -> memref<1x368x16xf32, #tpu.memory_space<hbm>>
        %dma_start3A_28 = tpu.memref_squeeze %dma_start3A_27 : memref<1x368x16xf32, #tpu.memory_space<hbm>> -> memref<368x16xf32, #tpu.memory_space<hbm>>
        %dma_start3A_29 = arith.constant 0 : i32
        %dma_start3A_30 = tpu.memref_slice %arg6[%arg0, %add3A_26, %dma_start3A_29] : memref<2x100096x16xf32, #tpu.memory_space<hbm>> -> memref<1x368x16xf32, #tpu.memory_space<hbm>>
        %dma_start3A_31 = tpu.memref_squeeze %dma_start3A_30 : memref<1x368x16xf32, #tpu.memory_space<hbm>> -> memref<368x16xf32, #tpu.memory_space<hbm>>
        tpu.enqueue_dma source(%arg13 : memref<368x16xf32, #tpu.memory_space<vmem>>) target(%dma_start3A_31 : memref<368x16xf32, #tpu.memory_space<hbm>>) target_semaphore(%run_scoped3A : memref<!tpu.dma_semaphore, #tpu.memory_space<semaphore_mem>>)
        %dma_wait3A = arith.constant 0 : i32
        %dma_wait3A_32 = tpu.memref_slice %arg6[%arg0, %add3A_26, %dma_wait3A] : memref<2x100096x16xf32, #tpu.memory_space<hbm>> -> memref<1x368x16xf32, #tpu.memory_space<hbm>>
        %dma_wait3A_33 = tpu.memref_squeeze %dma_wait3A_32 : memref<1x368x16xf32, #tpu.memory_space<hbm>> -> memref<368x16xf32, #tpu.memory_space<hbm>>
        %dma_wait3A_34 = arith.constant 0 : i32
        %dma_wait3A_35 = tpu.memref_slice %arg6[%arg0, %add3A_26, %dma_wait3A_34] : memref<2x100096x16xf32, #tpu.memory_space<hbm>> -> memref<1x368x16xf32, #tpu.memory_space<hbm>>
        %dma_wait3A_36 = tpu.memref_squeeze %dma_wait3A_35 : memref<1x368x16xf32, #tpu.memory_space<hbm>> -> memref<368x16xf32, #tpu.memory_space<hbm>>
        tpu.wait_dma2 semaphore(%run_scoped3A : memref<!tpu.dma_semaphore, #tpu.memory_space<semaphore_mem>>) src(%arg13 : memref<368x16xf32, #tpu.memory_space<vmem>>) dst(%dma_wait3A_36 : memref<368x16xf32, #tpu.memory_space<hbm>>)
        tpu.yield
      }) : () -> ()
    }
    %scan3A_22 = arith.constant 17 : i32
    return
  }
}

#map = affine_map<(d0, d1) -> (0, 0)>
#map1 = affine_map<(d0, d1) -> (0, 0, 0)>
module attributes {stable_mosaic.version = 14 : i64} {
  func.func @sc_decode(%arg0: i32, %arg1: i32, %arg2: memref<150000x16xf32, #tpu.memory_space<hbm>>, %arg3: memref<224x8x128xi32, #tpu.memory_space<hbm>>, %arg4: memref<224x8x128xi32, #tpu.memory_space<hbm>>, %arg5: memref<224x8x128xi32, #tpu.memory_space<hbm>>, %arg6: memref<229376x16xf32, #tpu.memory_space<hbm>>, %arg7: memref<229376x16xf32, #tpu.memory_space<hbm>>, %arg8: memref<8x128xi32, #tpu.memory_space<vmem>>, %arg9: memref<!tpu.dma_semaphore, #tpu.memory_space<semaphore_mem>>, %arg10: memref<8x128xi32, #tpu.memory_space<vmem>>, %arg11: memref<1024x16xf32, #tpu.memory_space<vmem>>, %arg12: memref<1024x16xf32, #tpu.memory_space<vmem>>, %arg13: memref<8x128xi32, #tpu.memory_space<vmem>>) attributes {dimension_semantics = [#tpu.dimension_semantics<core_parallel>, #tpu.dimension_semantics<subcore_parallel>], iteration_bounds = array<i64: 2, 16>, scalar_prefetch = 0 : i64, scratch_operands = 6 : i64, tpu.core_type = #tpu.core_type<sc_vector_subcore>, window_params = [{transform_indices = #map}, {transform_indices = #map1}, {transform_indices = #map1}, {transform_indices = #map1}, {transform_indices = #map}, {transform_indices = #map}]} {
    %mul3A = arith.constant 2 : i32
    %mul3A_0 = arith.muli %arg1, %mul3A : i32
    %add3A = arith.addi %mul3A_0, %arg0 : i32
    %mul3A_1 = arith.constant 7 : i32
    %mul3A_2 = arith.muli %add3A, %mul3A_1 : i32
    %scan3A = arith.constant 0 : i32
    %scan3A_3 = arith.constant 0 : i32
    %scan3A_4 = arith.constant 7 : i32
    %scan3A_5 = arith.addi %scan3A_3, %scan3A_4 : i32
    %scan3A_6 = arith.constant 1 : i32
    scf.for %scan3A_8 = %scan3A_3 to %scan3A_5 step %scan3A_6  : i32 {
      %add3A_9 = arith.addi %mul3A_2, %scan3A_8 : i32
      "tpu.region"() ({
        %run_scoped3A = tpu.sem_alloc : memref<!tpu.dma_semaphore, #tpu.memory_space<semaphore_mem>>
        %dma_start3A_648 = arith.constant 0 : i32
        %dma_start3A_649 = arith.constant 0 : i32
        %dma_start3A_650 = tpu.memref_slice %arg3[%add3A_9, %dma_start3A_648, %dma_start3A_649] : memref<224x8x128xi32, #tpu.memory_space<hbm>> -> memref<1x8x128xi32, #tpu.memory_space<hbm>>
        %dma_start3A_651 = tpu.memref_squeeze %dma_start3A_650 : memref<1x8x128xi32, #tpu.memory_space<hbm>> -> memref<8x128xi32, #tpu.memory_space<hbm>>
        %dma_start3A_652 = arith.constant 0 : i32
        %dma_start3A_653 = arith.constant 0 : i32
        %dma_start3A_654 = tpu.memref_slice %arg3[%add3A_9, %dma_start3A_652, %dma_start3A_653] : memref<224x8x128xi32, #tpu.memory_space<hbm>> -> memref<1x8x128xi32, #tpu.memory_space<hbm>>
        %dma_start3A_655 = tpu.memref_squeeze %dma_start3A_654 : memref<1x8x128xi32, #tpu.memory_space<hbm>> -> memref<8x128xi32, #tpu.memory_space<hbm>>
        tpu.enqueue_dma source(%dma_start3A_655 : memref<8x128xi32, #tpu.memory_space<hbm>>) target(%arg13 : memref<8x128xi32, #tpu.memory_space<vmem>>) target_semaphore(%run_scoped3A : memref<!tpu.dma_semaphore, #tpu.memory_space<semaphore_mem>>)
        %dma_wait3A_656 = arith.constant 0 : i32
        %dma_wait3A_657 = arith.constant 0 : i32
        %dma_wait3A_658 = tpu.memref_slice %arg3[%add3A_9, %dma_wait3A_656, %dma_wait3A_657] : memref<224x8x128xi32, #tpu.memory_space<hbm>> -> memref<1x8x128xi32, #tpu.memory_space<hbm>>
        %dma_wait3A_659 = tpu.memref_squeeze %dma_wait3A_658 : memref<1x8x128xi32, #tpu.memory_space<hbm>> -> memref<8x128xi32, #tpu.memory_space<hbm>>
        %dma_wait3A_660 = arith.constant 0 : i32
        %dma_wait3A_661 = arith.constant 0 : i32
        %dma_wait3A_662 = tpu.memref_slice %arg3[%add3A_9, %dma_wait3A_660, %dma_wait3A_661] : memref<224x8x128xi32, #tpu.memory_space<hbm>> -> memref<1x8x128xi32, #tpu.memory_space<hbm>>
        %dma_wait3A_663 = tpu.memref_squeeze %dma_wait3A_662 : memref<1x8x128xi32, #tpu.memory_space<hbm>> -> memref<8x128xi32, #tpu.memory_space<hbm>>
        tpu.wait_dma2 semaphore(%run_scoped3A : memref<!tpu.dma_semaphore, #tpu.memory_space<semaphore_mem>>) src(%dma_wait3A_663 : memref<8x128xi32, #tpu.memory_space<hbm>>) dst(%arg13 : memref<8x128xi32, #tpu.memory_space<vmem>>)
        tpu.yield
      }) : () -> ()
      "tpu.region"() ({
        %run_scoped3A = tpu.sem_alloc : memref<!tpu.dma_semaphore, #tpu.memory_space<semaphore_mem>>
        %dma_start3A_648 = arith.constant 0 : i32
        %dma_start3A_649 = arith.constant 0 : i32
        %dma_start3A_650 = tpu.memref_slice %arg4[%add3A_9, %dma_start3A_648, %dma_start3A_649] : memref<224x8x128xi32, #tpu.memory_space<hbm>> -> memref<1x8x128xi32, #tpu.memory_space<hbm>>
        %dma_start3A_651 = tpu.memref_squeeze %dma_start3A_650 : memref<1x8x128xi32, #tpu.memory_space<hbm>> -> memref<8x128xi32, #tpu.memory_space<hbm>>
        %dma_start3A_652 = arith.constant 0 : i32
        %dma_start3A_653 = arith.constant 0 : i32
        %dma_start3A_654 = tpu.memref_slice %arg4[%add3A_9, %dma_start3A_652, %dma_start3A_653] : memref<224x8x128xi32, #tpu.memory_space<hbm>> -> memref<1x8x128xi32, #tpu.memory_space<hbm>>
        %dma_start3A_655 = tpu.memref_squeeze %dma_start3A_654 : memref<1x8x128xi32, #tpu.memory_space<hbm>> -> memref<8x128xi32, #tpu.memory_space<hbm>>
        tpu.enqueue_dma source(%dma_start3A_655 : memref<8x128xi32, #tpu.memory_space<hbm>>) target(%arg8 : memref<8x128xi32, #tpu.memory_space<vmem>>) target_semaphore(%run_scoped3A : memref<!tpu.dma_semaphore, #tpu.memory_space<semaphore_mem>>)
        %dma_wait3A_656 = arith.constant 0 : i32
        %dma_wait3A_657 = arith.constant 0 : i32
        %dma_wait3A_658 = tpu.memref_slice %arg4[%add3A_9, %dma_wait3A_656, %dma_wait3A_657] : memref<224x8x128xi32, #tpu.memory_space<hbm>> -> memref<1x8x128xi32, #tpu.memory_space<hbm>>
        %dma_wait3A_659 = tpu.memref_squeeze %dma_wait3A_658 : memref<1x8x128xi32, #tpu.memory_space<hbm>> -> memref<8x128xi32, #tpu.memory_space<hbm>>
        %dma_wait3A_660 = arith.constant 0 : i32
        %dma_wait3A_661 = arith.constant 0 : i32
        %dma_wait3A_662 = tpu.memref_slice %arg4[%add3A_9, %dma_wait3A_660, %dma_wait3A_661] : memref<224x8x128xi32, #tpu.memory_space<hbm>> -> memref<1x8x128xi32, #tpu.memory_space<hbm>>
        %dma_wait3A_663 = tpu.memref_squeeze %dma_wait3A_662 : memref<1x8x128xi32, #tpu.memory_space<hbm>> -> memref<8x128xi32, #tpu.memory_space<hbm>>
        tpu.wait_dma2 semaphore(%run_scoped3A : memref<!tpu.dma_semaphore, #tpu.memory_space<semaphore_mem>>) src(%dma_wait3A_663 : memref<8x128xi32, #tpu.memory_space<hbm>>) dst(%arg8 : memref<8x128xi32, #tpu.memory_space<vmem>>)
        tpu.yield
      }) : () -> ()
      "tpu.region"() ({
        %run_scoped3A = tpu.sem_alloc : memref<!tpu.dma_semaphore, #tpu.memory_space<semaphore_mem>>
        %dma_start3A_648 = arith.constant 0 : i32
        %dma_start3A_649 = arith.constant 0 : i32
        %dma_start3A_650 = tpu.memref_slice %arg5[%add3A_9, %dma_start3A_648, %dma_start3A_649] : memref<224x8x128xi32, #tpu.memory_space<hbm>> -> memref<1x8x128xi32, #tpu.memory_space<hbm>>
        %dma_start3A_651 = tpu.memref_squeeze %dma_start3A_650 : memref<1x8x128xi32, #tpu.memory_space<hbm>> -> memref<8x128xi32, #tpu.memory_space<hbm>>
        %dma_start3A_652 = arith.constant 0 : i32
        %dma_start3A_653 = arith.constant 0 : i32
        %dma_start3A_654 = tpu.memref_slice %arg5[%add3A_9, %dma_start3A_652, %dma_start3A_653] : memref<224x8x128xi32, #tpu.memory_space<hbm>> -> memref<1x8x128xi32, #tpu.memory_space<hbm>>
        %dma_start3A_655 = tpu.memref_squeeze %dma_start3A_654 : memref<1x8x128xi32, #tpu.memory_space<hbm>> -> memref<8x128xi32, #tpu.memory_space<hbm>>
        tpu.enqueue_dma source(%dma_start3A_655 : memref<8x128xi32, #tpu.memory_space<hbm>>) target(%arg10 : memref<8x128xi32, #tpu.memory_space<vmem>>) target_semaphore(%run_scoped3A : memref<!tpu.dma_semaphore, #tpu.memory_space<semaphore_mem>>)
        %dma_wait3A_656 = arith.constant 0 : i32
        %dma_wait3A_657 = arith.constant 0 : i32
        %dma_wait3A_658 = tpu.memref_slice %arg5[%add3A_9, %dma_wait3A_656, %dma_wait3A_657] : memref<224x8x128xi32, #tpu.memory_space<hbm>> -> memref<1x8x128xi32, #tpu.memory_space<hbm>>
        %dma_wait3A_659 = tpu.memref_squeeze %dma_wait3A_658 : memref<1x8x128xi32, #tpu.memory_space<hbm>> -> memref<8x128xi32, #tpu.memory_space<hbm>>
        %dma_wait3A_660 = arith.constant 0 : i32
        %dma_wait3A_661 = arith.constant 0 : i32
        %dma_wait3A_662 = tpu.memref_slice %arg5[%add3A_9, %dma_wait3A_660, %dma_wait3A_661] : memref<224x8x128xi32, #tpu.memory_space<hbm>> -> memref<1x8x128xi32, #tpu.memory_space<hbm>>
        %dma_wait3A_663 = tpu.memref_squeeze %dma_wait3A_662 : memref<1x8x128xi32, #tpu.memory_space<hbm>> -> memref<8x128xi32, #tpu.memory_space<hbm>>
        tpu.wait_dma2 semaphore(%run_scoped3A : memref<!tpu.dma_semaphore, #tpu.memory_space<semaphore_mem>>) src(%dma_wait3A_663 : memref<8x128xi32, #tpu.memory_space<hbm>>) dst(%arg10 : memref<8x128xi32, #tpu.memory_space<vmem>>)
        tpu.yield
      }) : () -> ()
      %dma_start3A = arith.constant 0 : i32
      %dma_start3A_10 = arith.constant 0 : i32
      %dma_start3A_11 = arith.constant 0 : i32
      %dma_start3A_12 = tpu.memref_slice %arg11[%dma_start3A_10, %dma_start3A_11] : memref<1024x16xf32, #tpu.memory_space<vmem>> -> memref<128x16xf32, #tpu.memory_space<vmem>>
      %dma_start3A_13 = arith.constant 0 : i32
      %dma_start3A_14 = tpu.memref_slice %arg13[%dma_start3A, %dma_start3A_13] : memref<8x128xi32, #tpu.memory_space<vmem>> -> memref<1x128xi32, #tpu.memory_space<vmem>>
      %dma_start3A_15 = tpu.memref_squeeze %dma_start3A_14 : memref<1x128xi32, #tpu.memory_space<vmem>> -> memref<128xi32, #tpu.memory_space<vmem>>
      %dma_start3A_16 = arith.constant 0 : i32
      %dma_start3A_17 = arith.constant 0 : i32
      %dma_start3A_18 = tpu.memref_slice %arg2[%dma_start3A_16, %dma_start3A_17] : memref<150000x16xf32, #tpu.memory_space<hbm>> -> memref<150000x16xf32, #tpu.memory_space<hbm>>
      tpu.enqueue_indirect_dma source(%dma_start3A_18 : memref<150000x16xf32, #tpu.memory_space<hbm>>) target(%dma_start3A_12 : memref<128x16xf32, #tpu.memory_space<vmem>>) offsets(%dma_start3A_15 : memref<128xi32, #tpu.memory_space<vmem>>) semaphore(%arg9 : memref<!tpu.dma_semaphore, #tpu.memory_space<semaphore_mem>>)
      %dma_start3A_19 = arith.constant 0 : i32
      %dma_start3A_20 = arith.constant 0 : i32
      %dma_start3A_21 = arith.constant 0 : i32
      %dma_start3A_22 = tpu.memref_slice %arg12[%dma_start3A_20, %dma_start3A_21] : memref<1024x16xf32, #tpu.memory_space<vmem>> -> memref<128x16xf32, #tpu.memory_space<vmem>>
      %dma_start3A_23 = arith.constant 0 : i32
      %dma_start3A_24 = tpu.memref_slice %arg8[%dma_start3A_19, %dma_start3A_23] : memref<8x128xi32, #tpu.memory_space<vmem>> -> memref<1x128xi32, #tpu.memory_space<vmem>>
      %dma_start3A_25 = tpu.memref_squeeze %dma_start3A_24 : memref<1x128xi32, #tpu.memory_space<vmem>> -> memref<128xi32, #tpu.memory_space<vmem>>
      %dma_start3A_26 = arith.constant 0 : i32
      %dma_start3A_27 = arith.constant 0 : i32
      %dma_start3A_28 = tpu.memref_slice %arg2[%dma_start3A_26, %dma_start3A_27] : memref<150000x16xf32, #tpu.memory_space<hbm>> -> memref<150000x16xf32, #tpu.memory_space<hbm>>
      tpu.enqueue_indirect_dma source(%dma_start3A_28 : memref<150000x16xf32, #tpu.memory_space<hbm>>) target(%dma_start3A_22 : memref<128x16xf32, #tpu.memory_space<vmem>>) offsets(%dma_start3A_25 : memref<128xi32, #tpu.memory_space<vmem>>) semaphore(%arg9 : memref<!tpu.dma_semaphore, #tpu.memory_space<semaphore_mem>>)
      %dma_start3A_29 = arith.constant 1 : i32
      %dma_start3A_30 = arith.constant 128 : i32
      %dma_start3A_31 = arith.constant 0 : i32
      %dma_start3A_32 = tpu.memref_slice %arg11[%dma_start3A_30, %dma_start3A_31] : memref<1024x16xf32, #tpu.memory_space<vmem>> -> memref<128x16xf32, #tpu.memory_space<vmem>>
      %dma_start3A_33 = arith.constant 0 : i32
      %dma_start3A_34 = tpu.memref_slice %arg13[%dma_start3A_29, %dma_start3A_33] : memref<8x128xi32, #tpu.memory_space<vmem>> -> memref<1x128xi32, #tpu.memory_space<vmem>>
      %dma_start3A_35 = tpu.memref_squeeze %dma_start3A_34 : memref<1x128xi32, #tpu.memory_space<vmem>> -> memref<128xi32, #tpu.memory_space<vmem>>
      %dma_start3A_36 = arith.constant 0 : i32
      %dma_start3A_37 = arith.constant 0 : i32
      %dma_start3A_38 = tpu.memref_slice %arg2[%dma_start3A_36, %dma_start3A_37] : memref<150000x16xf32, #tpu.memory_space<hbm>> -> memref<150000x16xf32, #tpu.memory_space<hbm>>
      tpu.enqueue_indirect_dma source(%dma_start3A_38 : memref<150000x16xf32, #tpu.memory_space<hbm>>) target(%dma_start3A_32 : memref<128x16xf32, #tpu.memory_space<vmem>>) offsets(%dma_start3A_35 : memref<128xi32, #tpu.memory_space<vmem>>) semaphore(%arg9 : memref<!tpu.dma_semaphore, #tpu.memory_space<semaphore_mem>>)
      %dma_start3A_39 = arith.constant 1 : i32
      %dma_start3A_40 = arith.constant 128 : i32
      %dma_start3A_41 = arith.constant 0 : i32
      %dma_start3A_42 = tpu.memref_slice %arg12[%dma_start3A_40, %dma_start3A_41] : memref<1024x16xf32, #tpu.memory_space<vmem>> -> memref<128x16xf32, #tpu.memory_space<vmem>>
      %dma_start3A_43 = arith.constant 0 : i32
      %dma_start3A_44 = tpu.memref_slice %arg8[%dma_start3A_39, %dma_start3A_43] : memref<8x128xi32, #tpu.memory_space<vmem>> -> memref<1x128xi32, #tpu.memory_space<vmem>>
      %dma_start3A_45 = tpu.memref_squeeze %dma_start3A_44 : memref<1x128xi32, #tpu.memory_space<vmem>> -> memref<128xi32, #tpu.memory_space<vmem>>
      %dma_start3A_46 = arith.constant 0 : i32
      %dma_start3A_47 = arith.constant 0 : i32
      %dma_start3A_48 = tpu.memref_slice %arg2[%dma_start3A_46, %dma_start3A_47] : memref<150000x16xf32, #tpu.memory_space<hbm>> -> memref<150000x16xf32, #tpu.memory_space<hbm>>
      tpu.enqueue_indirect_dma source(%dma_start3A_48 : memref<150000x16xf32, #tpu.memory_space<hbm>>) target(%dma_start3A_42 : memref<128x16xf32, #tpu.memory_space<vmem>>) offsets(%dma_start3A_45 : memref<128xi32, #tpu.memory_space<vmem>>) semaphore(%arg9 : memref<!tpu.dma_semaphore, #tpu.memory_space<semaphore_mem>>)
      %dma_start3A_49 = arith.constant 2 : i32
      %dma_start3A_50 = arith.constant 256 : i32
      %dma_start3A_51 = arith.constant 0 : i32
      %dma_start3A_52 = tpu.memref_slice %arg11[%dma_start3A_50, %dma_start3A_51] : memref<1024x16xf32, #tpu.memory_space<vmem>> -> memref<128x16xf32, #tpu.memory_space<vmem>>
      %dma_start3A_53 = arith.constant 0 : i32
      %dma_start3A_54 = tpu.memref_slice %arg13[%dma_start3A_49, %dma_start3A_53] : memref<8x128xi32, #tpu.memory_space<vmem>> -> memref<1x128xi32, #tpu.memory_space<vmem>>
      %dma_start3A_55 = tpu.memref_squeeze %dma_start3A_54 : memref<1x128xi32, #tpu.memory_space<vmem>> -> memref<128xi32, #tpu.memory_space<vmem>>
      %dma_start3A_56 = arith.constant 0 : i32
      %dma_start3A_57 = arith.constant 0 : i32
      %dma_start3A_58 = tpu.memref_slice %arg2[%dma_start3A_56, %dma_start3A_57] : memref<150000x16xf32, #tpu.memory_space<hbm>> -> memref<150000x16xf32, #tpu.memory_space<hbm>>
      tpu.enqueue_indirect_dma source(%dma_start3A_58 : memref<150000x16xf32, #tpu.memory_space<hbm>>) target(%dma_start3A_52 : memref<128x16xf32, #tpu.memory_space<vmem>>) offsets(%dma_start3A_55 : memref<128xi32, #tpu.memory_space<vmem>>) semaphore(%arg9 : memref<!tpu.dma_semaphore, #tpu.memory_space<semaphore_mem>>)
      %dma_start3A_59 = arith.constant 2 : i32
      %dma_start3A_60 = arith.constant 256 : i32
      %dma_start3A_61 = arith.constant 0 : i32
      %dma_start3A_62 = tpu.memref_slice %arg12[%dma_start3A_60, %dma_start3A_61] : memref<1024x16xf32, #tpu.memory_space<vmem>> -> memref<128x16xf32, #tpu.memory_space<vmem>>
      %dma_start3A_63 = arith.constant 0 : i32
      %dma_start3A_64 = tpu.memref_slice %arg8[%dma_start3A_59, %dma_start3A_63] : memref<8x128xi32, #tpu.memory_space<vmem>> -> memref<1x128xi32, #tpu.memory_space<vmem>>
      %dma_start3A_65 = tpu.memref_squeeze %dma_start3A_64 : memref<1x128xi32, #tpu.memory_space<vmem>> -> memref<128xi32, #tpu.memory_space<vmem>>
      %dma_start3A_66 = arith.constant 0 : i32
      %dma_start3A_67 = arith.constant 0 : i32
      %dma_start3A_68 = tpu.memref_slice %arg2[%dma_start3A_66, %dma_start3A_67] : memref<150000x16xf32, #tpu.memory_space<hbm>> -> memref<150000x16xf32, #tpu.memory_space<hbm>>
      tpu.enqueue_indirect_dma source(%dma_start3A_68 : memref<150000x16xf32, #tpu.memory_space<hbm>>) target(%dma_start3A_62 : memref<128x16xf32, #tpu.memory_space<vmem>>) offsets(%dma_start3A_65 : memref<128xi32, #tpu.memory_space<vmem>>) semaphore(%arg9 : memref<!tpu.dma_semaphore, #tpu.memory_space<semaphore_mem>>)
      %dma_start3A_69 = arith.constant 3 : i32
      %dma_start3A_70 = arith.constant 384 : i32
      %dma_start3A_71 = arith.constant 0 : i32
      %dma_start3A_72 = tpu.memref_slice %arg11[%dma_start3A_70, %dma_start3A_71] : memref<1024x16xf32, #tpu.memory_space<vmem>> -> memref<128x16xf32, #tpu.memory_space<vmem>>
      %dma_start3A_73 = arith.constant 0 : i32
      %dma_start3A_74 = tpu.memref_slice %arg13[%dma_start3A_69, %dma_start3A_73] : memref<8x128xi32, #tpu.memory_space<vmem>> -> memref<1x128xi32, #tpu.memory_space<vmem>>
      %dma_start3A_75 = tpu.memref_squeeze %dma_start3A_74 : memref<1x128xi32, #tpu.memory_space<vmem>> -> memref<128xi32, #tpu.memory_space<vmem>>
      %dma_start3A_76 = arith.constant 0 : i32
      %dma_start3A_77 = arith.constant 0 : i32
      %dma_start3A_78 = tpu.memref_slice %arg2[%dma_start3A_76, %dma_start3A_77] : memref<150000x16xf32, #tpu.memory_space<hbm>> -> memref<150000x16xf32, #tpu.memory_space<hbm>>
      tpu.enqueue_indirect_dma source(%dma_start3A_78 : memref<150000x16xf32, #tpu.memory_space<hbm>>) target(%dma_start3A_72 : memref<128x16xf32, #tpu.memory_space<vmem>>) offsets(%dma_start3A_75 : memref<128xi32, #tpu.memory_space<vmem>>) semaphore(%arg9 : memref<!tpu.dma_semaphore, #tpu.memory_space<semaphore_mem>>)
      %dma_start3A_79 = arith.constant 3 : i32
      %dma_start3A_80 = arith.constant 384 : i32
      %dma_start3A_81 = arith.constant 0 : i32
      %dma_start3A_82 = tpu.memref_slice %arg12[%dma_start3A_80, %dma_start3A_81] : memref<1024x16xf32, #tpu.memory_space<vmem>> -> memref<128x16xf32, #tpu.memory_space<vmem>>
      %dma_start3A_83 = arith.constant 0 : i32
      %dma_start3A_84 = tpu.memref_slice %arg8[%dma_start3A_79, %dma_start3A_83] : memref<8x128xi32, #tpu.memory_space<vmem>> -> memref<1x128xi32, #tpu.memory_space<vmem>>
      %dma_start3A_85 = tpu.memref_squeeze %dma_start3A_84 : memref<1x128xi32, #tpu.memory_space<vmem>> -> memref<128xi32, #tpu.memory_space<vmem>>
      %dma_start3A_86 = arith.constant 0 : i32
      %dma_start3A_87 = arith.constant 0 : i32
      %dma_start3A_88 = tpu.memref_slice %arg2[%dma_start3A_86, %dma_start3A_87] : memref<150000x16xf32, #tpu.memory_space<hbm>> -> memref<150000x16xf32, #tpu.memory_space<hbm>>
      tpu.enqueue_indirect_dma source(%dma_start3A_88 : memref<150000x16xf32, #tpu.memory_space<hbm>>) target(%dma_start3A_82 : memref<128x16xf32, #tpu.memory_space<vmem>>) offsets(%dma_start3A_85 : memref<128xi32, #tpu.memory_space<vmem>>) semaphore(%arg9 : memref<!tpu.dma_semaphore, #tpu.memory_space<semaphore_mem>>)
      %dma_start3A_89 = arith.constant 4 : i32
      %dma_start3A_90 = arith.constant 512 : i32
      %dma_start3A_91 = arith.constant 0 : i32
      %dma_start3A_92 = tpu.memref_slice %arg11[%dma_start3A_90, %dma_start3A_91] : memref<1024x16xf32, #tpu.memory_space<vmem>> -> memref<128x16xf32, #tpu.memory_space<vmem>>
      %dma_start3A_93 = arith.constant 0 : i32
      %dma_start3A_94 = tpu.memref_slice %arg13[%dma_start3A_89, %dma_start3A_93] : memref<8x128xi32, #tpu.memory_space<vmem>> -> memref<1x128xi32, #tpu.memory_space<vmem>>
      %dma_start3A_95 = tpu.memref_squeeze %dma_start3A_94 : memref<1x128xi32, #tpu.memory_space<vmem>> -> memref<128xi32, #tpu.memory_space<vmem>>
      %dma_start3A_96 = arith.constant 0 : i32
      %dma_start3A_97 = arith.constant 0 : i32
      %dma_start3A_98 = tpu.memref_slice %arg2[%dma_start3A_96, %dma_start3A_97] : memref<150000x16xf32, #tpu.memory_space<hbm>> -> memref<150000x16xf32, #tpu.memory_space<hbm>>
      tpu.enqueue_indirect_dma source(%dma_start3A_98 : memref<150000x16xf32, #tpu.memory_space<hbm>>) target(%dma_start3A_92 : memref<128x16xf32, #tpu.memory_space<vmem>>) offsets(%dma_start3A_95 : memref<128xi32, #tpu.memory_space<vmem>>) semaphore(%arg9 : memref<!tpu.dma_semaphore, #tpu.memory_space<semaphore_mem>>)
      %dma_start3A_99 = arith.constant 4 : i32
      %dma_start3A_100 = arith.constant 512 : i32
      %dma_start3A_101 = arith.constant 0 : i32
      %dma_start3A_102 = tpu.memref_slice %arg12[%dma_start3A_100, %dma_start3A_101] : memref<1024x16xf32, #tpu.memory_space<vmem>> -> memref<128x16xf32, #tpu.memory_space<vmem>>
      %dma_start3A_103 = arith.constant 0 : i32
      %dma_start3A_104 = tpu.memref_slice %arg8[%dma_start3A_99, %dma_start3A_103] : memref<8x128xi32, #tpu.memory_space<vmem>> -> memref<1x128xi32, #tpu.memory_space<vmem>>
      %dma_start3A_105 = tpu.memref_squeeze %dma_start3A_104 : memref<1x128xi32, #tpu.memory_space<vmem>> -> memref<128xi32, #tpu.memory_space<vmem>>
      %dma_start3A_106 = arith.constant 0 : i32
      %dma_start3A_107 = arith.constant 0 : i32
      %dma_start3A_108 = tpu.memref_slice %arg2[%dma_start3A_106, %dma_start3A_107] : memref<150000x16xf32, #tpu.memory_space<hbm>> -> memref<150000x16xf32, #tpu.memory_space<hbm>>
      tpu.enqueue_indirect_dma source(%dma_start3A_108 : memref<150000x16xf32, #tpu.memory_space<hbm>>) target(%dma_start3A_102 : memref<128x16xf32, #tpu.memory_space<vmem>>) offsets(%dma_start3A_105 : memref<128xi32, #tpu.memory_space<vmem>>) semaphore(%arg9 : memref<!tpu.dma_semaphore, #tpu.memory_space<semaphore_mem>>)
      %dma_start3A_109 = arith.constant 5 : i32
      %dma_start3A_110 = arith.constant 640 : i32
      %dma_start3A_111 = arith.constant 0 : i32
      %dma_start3A_112 = tpu.memref_slice %arg11[%dma_start3A_110, %dma_start3A_111] : memref<1024x16xf32, #tpu.memory_space<vmem>> -> memref<128x16xf32, #tpu.memory_space<vmem>>
      %dma_start3A_113 = arith.constant 0 : i32
      %dma_start3A_114 = tpu.memref_slice %arg13[%dma_start3A_109, %dma_start3A_113] : memref<8x128xi32, #tpu.memory_space<vmem>> -> memref<1x128xi32, #tpu.memory_space<vmem>>
      %dma_start3A_115 = tpu.memref_squeeze %dma_start3A_114 : memref<1x128xi32, #tpu.memory_space<vmem>> -> memref<128xi32, #tpu.memory_space<vmem>>
      %dma_start3A_116 = arith.constant 0 : i32
      %dma_start3A_117 = arith.constant 0 : i32
      %dma_start3A_118 = tpu.memref_slice %arg2[%dma_start3A_116, %dma_start3A_117] : memref<150000x16xf32, #tpu.memory_space<hbm>> -> memref<150000x16xf32, #tpu.memory_space<hbm>>
      tpu.enqueue_indirect_dma source(%dma_start3A_118 : memref<150000x16xf32, #tpu.memory_space<hbm>>) target(%dma_start3A_112 : memref<128x16xf32, #tpu.memory_space<vmem>>) offsets(%dma_start3A_115 : memref<128xi32, #tpu.memory_space<vmem>>) semaphore(%arg9 : memref<!tpu.dma_semaphore, #tpu.memory_space<semaphore_mem>>)
      %dma_start3A_119 = arith.constant 5 : i32
      %dma_start3A_120 = arith.constant 640 : i32
      %dma_start3A_121 = arith.constant 0 : i32
      %dma_start3A_122 = tpu.memref_slice %arg12[%dma_start3A_120, %dma_start3A_121] : memref<1024x16xf32, #tpu.memory_space<vmem>> -> memref<128x16xf32, #tpu.memory_space<vmem>>
      %dma_start3A_123 = arith.constant 0 : i32
      %dma_start3A_124 = tpu.memref_slice %arg8[%dma_start3A_119, %dma_start3A_123] : memref<8x128xi32, #tpu.memory_space<vmem>> -> memref<1x128xi32, #tpu.memory_space<vmem>>
      %dma_start3A_125 = tpu.memref_squeeze %dma_start3A_124 : memref<1x128xi32, #tpu.memory_space<vmem>> -> memref<128xi32, #tpu.memory_space<vmem>>
      %dma_start3A_126 = arith.constant 0 : i32
      %dma_start3A_127 = arith.constant 0 : i32
      %dma_start3A_128 = tpu.memref_slice %arg2[%dma_start3A_126, %dma_start3A_127] : memref<150000x16xf32, #tpu.memory_space<hbm>> -> memref<150000x16xf32, #tpu.memory_space<hbm>>
      tpu.enqueue_indirect_dma source(%dma_start3A_128 : memref<150000x16xf32, #tpu.memory_space<hbm>>) target(%dma_start3A_122 : memref<128x16xf32, #tpu.memory_space<vmem>>) offsets(%dma_start3A_125 : memref<128xi32, #tpu.memory_space<vmem>>) semaphore(%arg9 : memref<!tpu.dma_semaphore, #tpu.memory_space<semaphore_mem>>)
      %dma_start3A_129 = arith.constant 6 : i32
      %dma_start3A_130 = arith.constant 768 : i32
      %dma_start3A_131 = arith.constant 0 : i32
      %dma_start3A_132 = tpu.memref_slice %arg11[%dma_start3A_130, %dma_start3A_131] : memref<1024x16xf32, #tpu.memory_space<vmem>> -> memref<128x16xf32, #tpu.memory_space<vmem>>
      %dma_start3A_133 = arith.constant 0 : i32
      %dma_start3A_134 = tpu.memref_slice %arg13[%dma_start3A_129, %dma_start3A_133] : memref<8x128xi32, #tpu.memory_space<vmem>> -> memref<1x128xi32, #tpu.memory_space<vmem>>
      %dma_start3A_135 = tpu.memref_squeeze %dma_start3A_134 : memref<1x128xi32, #tpu.memory_space<vmem>> -> memref<128xi32, #tpu.memory_space<vmem>>
      %dma_start3A_136 = arith.constant 0 : i32
      %dma_start3A_137 = arith.constant 0 : i32
      %dma_start3A_138 = tpu.memref_slice %arg2[%dma_start3A_136, %dma_start3A_137] : memref<150000x16xf32, #tpu.memory_space<hbm>> -> memref<150000x16xf32, #tpu.memory_space<hbm>>
      tpu.enqueue_indirect_dma source(%dma_start3A_138 : memref<150000x16xf32, #tpu.memory_space<hbm>>) target(%dma_start3A_132 : memref<128x16xf32, #tpu.memory_space<vmem>>) offsets(%dma_start3A_135 : memref<128xi32, #tpu.memory_space<vmem>>) semaphore(%arg9 : memref<!tpu.dma_semaphore, #tpu.memory_space<semaphore_mem>>)
      %dma_start3A_139 = arith.constant 6 : i32
      %dma_start3A_140 = arith.constant 768 : i32
      %dma_start3A_141 = arith.constant 0 : i32
      %dma_start3A_142 = tpu.memref_slice %arg12[%dma_start3A_140, %dma_start3A_141] : memref<1024x16xf32, #tpu.memory_space<vmem>> -> memref<128x16xf32, #tpu.memory_space<vmem>>
      %dma_start3A_143 = arith.constant 0 : i32
      %dma_start3A_144 = tpu.memref_slice %arg8[%dma_start3A_139, %dma_start3A_143] : memref<8x128xi32, #tpu.memory_space<vmem>> -> memref<1x128xi32, #tpu.memory_space<vmem>>
      %dma_start3A_145 = tpu.memref_squeeze %dma_start3A_144 : memref<1x128xi32, #tpu.memory_space<vmem>> -> memref<128xi32, #tpu.memory_space<vmem>>
      %dma_start3A_146 = arith.constant 0 : i32
      %dma_start3A_147 = arith.constant 0 : i32
      %dma_start3A_148 = tpu.memref_slice %arg2[%dma_start3A_146, %dma_start3A_147] : memref<150000x16xf32, #tpu.memory_space<hbm>> -> memref<150000x16xf32, #tpu.memory_space<hbm>>
      tpu.enqueue_indirect_dma source(%dma_start3A_148 : memref<150000x16xf32, #tpu.memory_space<hbm>>) target(%dma_start3A_142 : memref<128x16xf32, #tpu.memory_space<vmem>>) offsets(%dma_start3A_145 : memref<128xi32, #tpu.memory_space<vmem>>) semaphore(%arg9 : memref<!tpu.dma_semaphore, #tpu.memory_space<semaphore_mem>>)
      %dma_start3A_149 = arith.constant 7 : i32
      %dma_start3A_150 = arith.constant 896 : i32
      %dma_start3A_151 = arith.constant 0 : i32
      %dma_start3A_152 = tpu.memref_slice %arg11[%dma_start3A_150, %dma_start3A_151] : memref<1024x16xf32, #tpu.memory_space<vmem>> -> memref<128x16xf32, #tpu.memory_space<vmem>>
      %dma_start3A_153 = arith.constant 0 : i32
      %dma_start3A_154 = tpu.memref_slice %arg13[%dma_start3A_149, %dma_start3A_153] : memref<8x128xi32, #tpu.memory_space<vmem>> -> memref<1x128xi32, #tpu.memory_space<vmem>>
      %dma_start3A_155 = tpu.memref_squeeze %dma_start3A_154 : memref<1x128xi32, #tpu.memory_space<vmem>> -> memref<128xi32, #tpu.memory_space<vmem>>
      %dma_start3A_156 = arith.constant 0 : i32
      %dma_start3A_157 = arith.constant 0 : i32
      %dma_start3A_158 = tpu.memref_slice %arg2[%dma_start3A_156, %dma_start3A_157] : memref<150000x16xf32, #tpu.memory_space<hbm>> -> memref<150000x16xf32, #tpu.memory_space<hbm>>
      tpu.enqueue_indirect_dma source(%dma_start3A_158 : memref<150000x16xf32, #tpu.memory_space<hbm>>) target(%dma_start3A_152 : memref<128x16xf32, #tpu.memory_space<vmem>>) offsets(%dma_start3A_155 : memref<128xi32, #tpu.memory_space<vmem>>) semaphore(%arg9 : memref<!tpu.dma_semaphore, #tpu.memory_space<semaphore_mem>>)
      %dma_start3A_159 = arith.constant 7 : i32
      %dma_start3A_160 = arith.constant 896 : i32
      %dma_start3A_161 = arith.constant 0 : i32
      %dma_start3A_162 = tpu.memref_slice %arg12[%dma_start3A_160, %dma_start3A_161] : memref<1024x16xf32, #tpu.memory_space<vmem>> -> memref<128x16xf32, #tpu.memory_space<vmem>>
      %dma_start3A_163 = arith.constant 0 : i32
      %dma_start3A_164 = tpu.memref_slice %arg8[%dma_start3A_159, %dma_start3A_163] : memref<8x128xi32, #tpu.memory_space<vmem>> -> memref<1x128xi32, #tpu.memory_space<vmem>>
      %dma_start3A_165 = tpu.memref_squeeze %dma_start3A_164 : memref<1x128xi32, #tpu.memory_space<vmem>> -> memref<128xi32, #tpu.memory_space<vmem>>
      %dma_start3A_166 = arith.constant 0 : i32
      %dma_start3A_167 = arith.constant 0 : i32
      %dma_start3A_168 = tpu.memref_slice %arg2[%dma_start3A_166, %dma_start3A_167] : memref<150000x16xf32, #tpu.memory_space<hbm>> -> memref<150000x16xf32, #tpu.memory_space<hbm>>
      tpu.enqueue_indirect_dma source(%dma_start3A_168 : memref<150000x16xf32, #tpu.memory_space<hbm>>) target(%dma_start3A_162 : memref<128x16xf32, #tpu.memory_space<vmem>>) offsets(%dma_start3A_165 : memref<128xi32, #tpu.memory_space<vmem>>) semaphore(%arg9 : memref<!tpu.dma_semaphore, #tpu.memory_space<semaphore_mem>>)
      %dma_wait3A = arith.constant 0 : i32
      %dma_wait3A_169 = arith.constant 0 : i32
      %dma_wait3A_170 = arith.constant 0 : i32
      %dma_wait3A_171 = tpu.memref_slice %arg11[%dma_wait3A_169, %dma_wait3A_170] : memref<1024x16xf32, #tpu.memory_space<vmem>> -> memref<128x16xf32, #tpu.memory_space<vmem>>
      %dma_wait3A_172 = arith.constant 0 : i32
      %dma_wait3A_173 = tpu.memref_slice %arg13[%dma_wait3A, %dma_wait3A_172] : memref<8x128xi32, #tpu.memory_space<vmem>> -> memref<1x128xi32, #tpu.memory_space<vmem>>
      %dma_wait3A_174 = tpu.memref_squeeze %dma_wait3A_173 : memref<1x128xi32, #tpu.memory_space<vmem>> -> memref<128xi32, #tpu.memory_space<vmem>>
      %dma_wait3A_175 = arith.constant 0 : i32
      %dma_wait3A_176 = arith.constant 0 : i32
      %dma_wait3A_177 = tpu.memref_slice %arg2[%dma_wait3A_175, %dma_wait3A_176] : memref<150000x16xf32, #tpu.memory_space<hbm>> -> memref<150000x16xf32, #tpu.memory_space<hbm>>
      tpu.wait_indirect_dma semaphore(%arg9 : memref<!tpu.dma_semaphore, #tpu.memory_space<semaphore_mem>>) src(%dma_wait3A_177 : memref<150000x16xf32, #tpu.memory_space<hbm>>) dst(%dma_wait3A_171 : memref<128x16xf32, #tpu.memory_space<vmem>>)
      %dma_wait3A_178 = arith.constant 0 : i32
      %dma_wait3A_179 = arith.constant 0 : i32
      %dma_wait3A_180 = arith.constant 0 : i32
      %dma_wait3A_181 = tpu.memref_slice %arg12[%dma_wait3A_179, %dma_wait3A_180] : memref<1024x16xf32, #tpu.memory_space<vmem>> -> memref<128x16xf32, #tpu.memory_space<vmem>>
      %dma_wait3A_182 = arith.constant 0 : i32
      %dma_wait3A_183 = tpu.memref_slice %arg8[%dma_wait3A_178, %dma_wait3A_182] : memref<8x128xi32, #tpu.memory_space<vmem>> -> memref<1x128xi32, #tpu.memory_space<vmem>>
      %dma_wait3A_184 = tpu.memref_squeeze %dma_wait3A_183 : memref<1x128xi32, #tpu.memory_space<vmem>> -> memref<128xi32, #tpu.memory_space<vmem>>
      %dma_wait3A_185 = arith.constant 0 : i32
      %dma_wait3A_186 = arith.constant 0 : i32
      %dma_wait3A_187 = tpu.memref_slice %arg2[%dma_wait3A_185, %dma_wait3A_186] : memref<150000x16xf32, #tpu.memory_space<hbm>> -> memref<150000x16xf32, #tpu.memory_space<hbm>>
      tpu.wait_indirect_dma semaphore(%arg9 : memref<!tpu.dma_semaphore, #tpu.memory_space<semaphore_mem>>) src(%dma_wait3A_187 : memref<150000x16xf32, #tpu.memory_space<hbm>>) dst(%dma_wait3A_181 : memref<128x16xf32, #tpu.memory_space<vmem>>)
      %dma_wait3A_188 = arith.constant 1 : i32
      %dma_wait3A_189 = arith.constant 128 : i32
      %dma_wait3A_190 = arith.constant 0 : i32
      %dma_wait3A_191 = tpu.memref_slice %arg11[%dma_wait3A_189, %dma_wait3A_190] : memref<1024x16xf32, #tpu.memory_space<vmem>> -> memref<128x16xf32, #tpu.memory_space<vmem>>
      %dma_wait3A_192 = arith.constant 0 : i32
      %dma_wait3A_193 = tpu.memref_slice %arg13[%dma_wait3A_188, %dma_wait3A_192] : memref<8x128xi32, #tpu.memory_space<vmem>> -> memref<1x128xi32, #tpu.memory_space<vmem>>
      %dma_wait3A_194 = tpu.memref_squeeze %dma_wait3A_193 : memref<1x128xi32, #tpu.memory_space<vmem>> -> memref<128xi32, #tpu.memory_space<vmem>>
      %dma_wait3A_195 = arith.constant 0 : i32
      %dma_wait3A_196 = arith.constant 0 : i32
      %dma_wait3A_197 = tpu.memref_slice %arg2[%dma_wait3A_195, %dma_wait3A_196] : memref<150000x16xf32, #tpu.memory_space<hbm>> -> memref<150000x16xf32, #tpu.memory_space<hbm>>
      tpu.wait_indirect_dma semaphore(%arg9 : memref<!tpu.dma_semaphore, #tpu.memory_space<semaphore_mem>>) src(%dma_wait3A_197 : memref<150000x16xf32, #tpu.memory_space<hbm>>) dst(%dma_wait3A_191 : memref<128x16xf32, #tpu.memory_space<vmem>>)
      %dma_wait3A_198 = arith.constant 1 : i32
      %dma_wait3A_199 = arith.constant 128 : i32
      %dma_wait3A_200 = arith.constant 0 : i32
      %dma_wait3A_201 = tpu.memref_slice %arg12[%dma_wait3A_199, %dma_wait3A_200] : memref<1024x16xf32, #tpu.memory_space<vmem>> -> memref<128x16xf32, #tpu.memory_space<vmem>>
      %dma_wait3A_202 = arith.constant 0 : i32
      %dma_wait3A_203 = tpu.memref_slice %arg8[%dma_wait3A_198, %dma_wait3A_202] : memref<8x128xi32, #tpu.memory_space<vmem>> -> memref<1x128xi32, #tpu.memory_space<vmem>>
      %dma_wait3A_204 = tpu.memref_squeeze %dma_wait3A_203 : memref<1x128xi32, #tpu.memory_space<vmem>> -> memref<128xi32, #tpu.memory_space<vmem>>
      %dma_wait3A_205 = arith.constant 0 : i32
      %dma_wait3A_206 = arith.constant 0 : i32
      %dma_wait3A_207 = tpu.memref_slice %arg2[%dma_wait3A_205, %dma_wait3A_206] : memref<150000x16xf32, #tpu.memory_space<hbm>> -> memref<150000x16xf32, #tpu.memory_space<hbm>>
      tpu.wait_indirect_dma semaphore(%arg9 : memref<!tpu.dma_semaphore, #tpu.memory_space<semaphore_mem>>) src(%dma_wait3A_207 : memref<150000x16xf32, #tpu.memory_space<hbm>>) dst(%dma_wait3A_201 : memref<128x16xf32, #tpu.memory_space<vmem>>)
      %dma_wait3A_208 = arith.constant 2 : i32
      %dma_wait3A_209 = arith.constant 256 : i32
      %dma_wait3A_210 = arith.constant 0 : i32
      %dma_wait3A_211 = tpu.memref_slice %arg11[%dma_wait3A_209, %dma_wait3A_210] : memref<1024x16xf32, #tpu.memory_space<vmem>> -> memref<128x16xf32, #tpu.memory_space<vmem>>
      %dma_wait3A_212 = arith.constant 0 : i32
      %dma_wait3A_213 = tpu.memref_slice %arg13[%dma_wait3A_208, %dma_wait3A_212] : memref<8x128xi32, #tpu.memory_space<vmem>> -> memref<1x128xi32, #tpu.memory_space<vmem>>
      %dma_wait3A_214 = tpu.memref_squeeze %dma_wait3A_213 : memref<1x128xi32, #tpu.memory_space<vmem>> -> memref<128xi32, #tpu.memory_space<vmem>>
      %dma_wait3A_215 = arith.constant 0 : i32
      %dma_wait3A_216 = arith.constant 0 : i32
      %dma_wait3A_217 = tpu.memref_slice %arg2[%dma_wait3A_215, %dma_wait3A_216] : memref<150000x16xf32, #tpu.memory_space<hbm>> -> memref<150000x16xf32, #tpu.memory_space<hbm>>
      tpu.wait_indirect_dma semaphore(%arg9 : memref<!tpu.dma_semaphore, #tpu.memory_space<semaphore_mem>>) src(%dma_wait3A_217 : memref<150000x16xf32, #tpu.memory_space<hbm>>) dst(%dma_wait3A_211 : memref<128x16xf32, #tpu.memory_space<vmem>>)
      %dma_wait3A_218 = arith.constant 2 : i32
      %dma_wait3A_219 = arith.constant 256 : i32
      %dma_wait3A_220 = arith.constant 0 : i32
      %dma_wait3A_221 = tpu.memref_slice %arg12[%dma_wait3A_219, %dma_wait3A_220] : memref<1024x16xf32, #tpu.memory_space<vmem>> -> memref<128x16xf32, #tpu.memory_space<vmem>>
      %dma_wait3A_222 = arith.constant 0 : i32
      %dma_wait3A_223 = tpu.memref_slice %arg8[%dma_wait3A_218, %dma_wait3A_222] : memref<8x128xi32, #tpu.memory_space<vmem>> -> memref<1x128xi32, #tpu.memory_space<vmem>>
      %dma_wait3A_224 = tpu.memref_squeeze %dma_wait3A_223 : memref<1x128xi32, #tpu.memory_space<vmem>> -> memref<128xi32, #tpu.memory_space<vmem>>
      %dma_wait3A_225 = arith.constant 0 : i32
      %dma_wait3A_226 = arith.constant 0 : i32
      %dma_wait3A_227 = tpu.memref_slice %arg2[%dma_wait3A_225, %dma_wait3A_226] : memref<150000x16xf32, #tpu.memory_space<hbm>> -> memref<150000x16xf32, #tpu.memory_space<hbm>>
      tpu.wait_indirect_dma semaphore(%arg9 : memref<!tpu.dma_semaphore, #tpu.memory_space<semaphore_mem>>) src(%dma_wait3A_227 : memref<150000x16xf32, #tpu.memory_space<hbm>>) dst(%dma_wait3A_221 : memref<128x16xf32, #tpu.memory_space<vmem>>)
      %dma_wait3A_228 = arith.constant 3 : i32
      %dma_wait3A_229 = arith.constant 384 : i32
      %dma_wait3A_230 = arith.constant 0 : i32
      %dma_wait3A_231 = tpu.memref_slice %arg11[%dma_wait3A_229, %dma_wait3A_230] : memref<1024x16xf32, #tpu.memory_space<vmem>> -> memref<128x16xf32, #tpu.memory_space<vmem>>
      %dma_wait3A_232 = arith.constant 0 : i32
      %dma_wait3A_233 = tpu.memref_slice %arg13[%dma_wait3A_228, %dma_wait3A_232] : memref<8x128xi32, #tpu.memory_space<vmem>> -> memref<1x128xi32, #tpu.memory_space<vmem>>
      %dma_wait3A_234 = tpu.memref_squeeze %dma_wait3A_233 : memref<1x128xi32, #tpu.memory_space<vmem>> -> memref<128xi32, #tpu.memory_space<vmem>>
      %dma_wait3A_235 = arith.constant 0 : i32
      %dma_wait3A_236 = arith.constant 0 : i32
      %dma_wait3A_237 = tpu.memref_slice %arg2[%dma_wait3A_235, %dma_wait3A_236] : memref<150000x16xf32, #tpu.memory_space<hbm>> -> memref<150000x16xf32, #tpu.memory_space<hbm>>
      tpu.wait_indirect_dma semaphore(%arg9 : memref<!tpu.dma_semaphore, #tpu.memory_space<semaphore_mem>>) src(%dma_wait3A_237 : memref<150000x16xf32, #tpu.memory_space<hbm>>) dst(%dma_wait3A_231 : memref<128x16xf32, #tpu.memory_space<vmem>>)
      %dma_wait3A_238 = arith.constant 3 : i32
      %dma_wait3A_239 = arith.constant 384 : i32
      %dma_wait3A_240 = arith.constant 0 : i32
      %dma_wait3A_241 = tpu.memref_slice %arg12[%dma_wait3A_239, %dma_wait3A_240] : memref<1024x16xf32, #tpu.memory_space<vmem>> -> memref<128x16xf32, #tpu.memory_space<vmem>>
      %dma_wait3A_242 = arith.constant 0 : i32
      %dma_wait3A_243 = tpu.memref_slice %arg8[%dma_wait3A_238, %dma_wait3A_242] : memref<8x128xi32, #tpu.memory_space<vmem>> -> memref<1x128xi32, #tpu.memory_space<vmem>>
      %dma_wait3A_244 = tpu.memref_squeeze %dma_wait3A_243 : memref<1x128xi32, #tpu.memory_space<vmem>> -> memref<128xi32, #tpu.memory_space<vmem>>
      %dma_wait3A_245 = arith.constant 0 : i32
      %dma_wait3A_246 = arith.constant 0 : i32
      %dma_wait3A_247 = tpu.memref_slice %arg2[%dma_wait3A_245, %dma_wait3A_246] : memref<150000x16xf32, #tpu.memory_space<hbm>> -> memref<150000x16xf32, #tpu.memory_space<hbm>>
      tpu.wait_indirect_dma semaphore(%arg9 : memref<!tpu.dma_semaphore, #tpu.memory_space<semaphore_mem>>) src(%dma_wait3A_247 : memref<150000x16xf32, #tpu.memory_space<hbm>>) dst(%dma_wait3A_241 : memref<128x16xf32, #tpu.memory_space<vmem>>)
      %dma_wait3A_248 = arith.constant 4 : i32
      %dma_wait3A_249 = arith.constant 512 : i32
      %dma_wait3A_250 = arith.constant 0 : i32
      %dma_wait3A_251 = tpu.memref_slice %arg11[%dma_wait3A_249, %dma_wait3A_250] : memref<1024x16xf32, #tpu.memory_space<vmem>> -> memref<128x16xf32, #tpu.memory_space<vmem>>
      %dma_wait3A_252 = arith.constant 0 : i32
      %dma_wait3A_253 = tpu.memref_slice %arg13[%dma_wait3A_248, %dma_wait3A_252] : memref<8x128xi32, #tpu.memory_space<vmem>> -> memref<1x128xi32, #tpu.memory_space<vmem>>
      %dma_wait3A_254 = tpu.memref_squeeze %dma_wait3A_253 : memref<1x128xi32, #tpu.memory_space<vmem>> -> memref<128xi32, #tpu.memory_space<vmem>>
      %dma_wait3A_255 = arith.constant 0 : i32
      %dma_wait3A_256 = arith.constant 0 : i32
      %dma_wait3A_257 = tpu.memref_slice %arg2[%dma_wait3A_255, %dma_wait3A_256] : memref<150000x16xf32, #tpu.memory_space<hbm>> -> memref<150000x16xf32, #tpu.memory_space<hbm>>
      tpu.wait_indirect_dma semaphore(%arg9 : memref<!tpu.dma_semaphore, #tpu.memory_space<semaphore_mem>>) src(%dma_wait3A_257 : memref<150000x16xf32, #tpu.memory_space<hbm>>) dst(%dma_wait3A_251 : memref<128x16xf32, #tpu.memory_space<vmem>>)
      %dma_wait3A_258 = arith.constant 4 : i32
      %dma_wait3A_259 = arith.constant 512 : i32
      %dma_wait3A_260 = arith.constant 0 : i32
      %dma_wait3A_261 = tpu.memref_slice %arg12[%dma_wait3A_259, %dma_wait3A_260] : memref<1024x16xf32, #tpu.memory_space<vmem>> -> memref<128x16xf32, #tpu.memory_space<vmem>>
      %dma_wait3A_262 = arith.constant 0 : i32
      %dma_wait3A_263 = tpu.memref_slice %arg8[%dma_wait3A_258, %dma_wait3A_262] : memref<8x128xi32, #tpu.memory_space<vmem>> -> memref<1x128xi32, #tpu.memory_space<vmem>>
      %dma_wait3A_264 = tpu.memref_squeeze %dma_wait3A_263 : memref<1x128xi32, #tpu.memory_space<vmem>> -> memref<128xi32, #tpu.memory_space<vmem>>
      %dma_wait3A_265 = arith.constant 0 : i32
      %dma_wait3A_266 = arith.constant 0 : i32
      %dma_wait3A_267 = tpu.memref_slice %arg2[%dma_wait3A_265, %dma_wait3A_266] : memref<150000x16xf32, #tpu.memory_space<hbm>> -> memref<150000x16xf32, #tpu.memory_space<hbm>>
      tpu.wait_indirect_dma semaphore(%arg9 : memref<!tpu.dma_semaphore, #tpu.memory_space<semaphore_mem>>) src(%dma_wait3A_267 : memref<150000x16xf32, #tpu.memory_space<hbm>>) dst(%dma_wait3A_261 : memref<128x16xf32, #tpu.memory_space<vmem>>)
      %dma_wait3A_268 = arith.constant 5 : i32
      %dma_wait3A_269 = arith.constant 640 : i32
      %dma_wait3A_270 = arith.constant 0 : i32
      %dma_wait3A_271 = tpu.memref_slice %arg11[%dma_wait3A_269, %dma_wait3A_270] : memref<1024x16xf32, #tpu.memory_space<vmem>> -> memref<128x16xf32, #tpu.memory_space<vmem>>
      %dma_wait3A_272 = arith.constant 0 : i32
      %dma_wait3A_273 = tpu.memref_slice %arg13[%dma_wait3A_268, %dma_wait3A_272] : memref<8x128xi32, #tpu.memory_space<vmem>> -> memref<1x128xi32, #tpu.memory_space<vmem>>
      %dma_wait3A_274 = tpu.memref_squeeze %dma_wait3A_273 : memref<1x128xi32, #tpu.memory_space<vmem>> -> memref<128xi32, #tpu.memory_space<vmem>>
      %dma_wait3A_275 = arith.constant 0 : i32
      %dma_wait3A_276 = arith.constant 0 : i32
      %dma_wait3A_277 = tpu.memref_slice %arg2[%dma_wait3A_275, %dma_wait3A_276] : memref<150000x16xf32, #tpu.memory_space<hbm>> -> memref<150000x16xf32, #tpu.memory_space<hbm>>
      tpu.wait_indirect_dma semaphore(%arg9 : memref<!tpu.dma_semaphore, #tpu.memory_space<semaphore_mem>>) src(%dma_wait3A_277 : memref<150000x16xf32, #tpu.memory_space<hbm>>) dst(%dma_wait3A_271 : memref<128x16xf32, #tpu.memory_space<vmem>>)
      %dma_wait3A_278 = arith.constant 5 : i32
      %dma_wait3A_279 = arith.constant 640 : i32
      %dma_wait3A_280 = arith.constant 0 : i32
      %dma_wait3A_281 = tpu.memref_slice %arg12[%dma_wait3A_279, %dma_wait3A_280] : memref<1024x16xf32, #tpu.memory_space<vmem>> -> memref<128x16xf32, #tpu.memory_space<vmem>>
      %dma_wait3A_282 = arith.constant 0 : i32
      %dma_wait3A_283 = tpu.memref_slice %arg8[%dma_wait3A_278, %dma_wait3A_282] : memref<8x128xi32, #tpu.memory_space<vmem>> -> memref<1x128xi32, #tpu.memory_space<vmem>>
      %dma_wait3A_284 = tpu.memref_squeeze %dma_wait3A_283 : memref<1x128xi32, #tpu.memory_space<vmem>> -> memref<128xi32, #tpu.memory_space<vmem>>
      %dma_wait3A_285 = arith.constant 0 : i32
      %dma_wait3A_286 = arith.constant 0 : i32
      %dma_wait3A_287 = tpu.memref_slice %arg2[%dma_wait3A_285, %dma_wait3A_286] : memref<150000x16xf32, #tpu.memory_space<hbm>> -> memref<150000x16xf32, #tpu.memory_space<hbm>>
      tpu.wait_indirect_dma semaphore(%arg9 : memref<!tpu.dma_semaphore, #tpu.memory_space<semaphore_mem>>) src(%dma_wait3A_287 : memref<150000x16xf32, #tpu.memory_space<hbm>>) dst(%dma_wait3A_281 : memref<128x16xf32, #tpu.memory_space<vmem>>)
      %dma_wait3A_288 = arith.constant 6 : i32
      %dma_wait3A_289 = arith.constant 768 : i32
      %dma_wait3A_290 = arith.constant 0 : i32
      %dma_wait3A_291 = tpu.memref_slice %arg11[%dma_wait3A_289, %dma_wait3A_290] : memref<1024x16xf32, #tpu.memory_space<vmem>> -> memref<128x16xf32, #tpu.memory_space<vmem>>
      %dma_wait3A_292 = arith.constant 0 : i32
      %dma_wait3A_293 = tpu.memref_slice %arg13[%dma_wait3A_288, %dma_wait3A_292] : memref<8x128xi32, #tpu.memory_space<vmem>> -> memref<1x128xi32, #tpu.memory_space<vmem>>
      %dma_wait3A_294 = tpu.memref_squeeze %dma_wait3A_293 : memref<1x128xi32, #tpu.memory_space<vmem>> -> memref<128xi32, #tpu.memory_space<vmem>>
      %dma_wait3A_295 = arith.constant 0 : i32
      %dma_wait3A_296 = arith.constant 0 : i32
      %dma_wait3A_297 = tpu.memref_slice %arg2[%dma_wait3A_295, %dma_wait3A_296] : memref<150000x16xf32, #tpu.memory_space<hbm>> -> memref<150000x16xf32, #tpu.memory_space<hbm>>
      tpu.wait_indirect_dma semaphore(%arg9 : memref<!tpu.dma_semaphore, #tpu.memory_space<semaphore_mem>>) src(%dma_wait3A_297 : memref<150000x16xf32, #tpu.memory_space<hbm>>) dst(%dma_wait3A_291 : memref<128x16xf32, #tpu.memory_space<vmem>>)
      %dma_wait3A_298 = arith.constant 6 : i32
      %dma_wait3A_299 = arith.constant 768 : i32
      %dma_wait3A_300 = arith.constant 0 : i32
      %dma_wait3A_301 = tpu.memref_slice %arg12[%dma_wait3A_299, %dma_wait3A_300] : memref<1024x16xf32, #tpu.memory_space<vmem>> -> memref<128x16xf32, #tpu.memory_space<vmem>>
      %dma_wait3A_302 = arith.constant 0 : i32
      %dma_wait3A_303 = tpu.memref_slice %arg8[%dma_wait3A_298, %dma_wait3A_302] : memref<8x128xi32, #tpu.memory_space<vmem>> -> memref<1x128xi32, #tpu.memory_space<vmem>>
      %dma_wait3A_304 = tpu.memref_squeeze %dma_wait3A_303 : memref<1x128xi32, #tpu.memory_space<vmem>> -> memref<128xi32, #tpu.memory_space<vmem>>
      %dma_wait3A_305 = arith.constant 0 : i32
      %dma_wait3A_306 = arith.constant 0 : i32
      %dma_wait3A_307 = tpu.memref_slice %arg2[%dma_wait3A_305, %dma_wait3A_306] : memref<150000x16xf32, #tpu.memory_space<hbm>> -> memref<150000x16xf32, #tpu.memory_space<hbm>>
      tpu.wait_indirect_dma semaphore(%arg9 : memref<!tpu.dma_semaphore, #tpu.memory_space<semaphore_mem>>) src(%dma_wait3A_307 : memref<150000x16xf32, #tpu.memory_space<hbm>>) dst(%dma_wait3A_301 : memref<128x16xf32, #tpu.memory_space<vmem>>)
      %dma_wait3A_308 = arith.constant 7 : i32
      %dma_wait3A_309 = arith.constant 896 : i32
      %dma_wait3A_310 = arith.constant 0 : i32
      %dma_wait3A_311 = tpu.memref_slice %arg11[%dma_wait3A_309, %dma_wait3A_310] : memref<1024x16xf32, #tpu.memory_space<vmem>> -> memref<128x16xf32, #tpu.memory_space<vmem>>
      %dma_wait3A_312 = arith.constant 0 : i32
      %dma_wait3A_313 = tpu.memref_slice %arg13[%dma_wait3A_308, %dma_wait3A_312] : memref<8x128xi32, #tpu.memory_space<vmem>> -> memref<1x128xi32, #tpu.memory_space<vmem>>
      %dma_wait3A_314 = tpu.memref_squeeze %dma_wait3A_313 : memref<1x128xi32, #tpu.memory_space<vmem>> -> memref<128xi32, #tpu.memory_space<vmem>>
      %dma_wait3A_315 = arith.constant 0 : i32
      %dma_wait3A_316 = arith.constant 0 : i32
      %dma_wait3A_317 = tpu.memref_slice %arg2[%dma_wait3A_315, %dma_wait3A_316] : memref<150000x16xf32, #tpu.memory_space<hbm>> -> memref<150000x16xf32, #tpu.memory_space<hbm>>
      tpu.wait_indirect_dma semaphore(%arg9 : memref<!tpu.dma_semaphore, #tpu.memory_space<semaphore_mem>>) src(%dma_wait3A_317 : memref<150000x16xf32, #tpu.memory_space<hbm>>) dst(%dma_wait3A_311 : memref<128x16xf32, #tpu.memory_space<vmem>>)
      %dma_wait3A_318 = arith.constant 7 : i32
      %dma_wait3A_319 = arith.constant 896 : i32
      %dma_wait3A_320 = arith.constant 0 : i32
      %dma_wait3A_321 = tpu.memref_slice %arg12[%dma_wait3A_319, %dma_wait3A_320] : memref<1024x16xf32, #tpu.memory_space<vmem>> -> memref<128x16xf32, #tpu.memory_space<vmem>>
      %dma_wait3A_322 = arith.constant 0 : i32
      %dma_wait3A_323 = tpu.memref_slice %arg8[%dma_wait3A_318, %dma_wait3A_322] : memref<8x128xi32, #tpu.memory_space<vmem>> -> memref<1x128xi32, #tpu.memory_space<vmem>>
      %dma_wait3A_324 = tpu.memref_squeeze %dma_wait3A_323 : memref<1x128xi32, #tpu.memory_space<vmem>> -> memref<128xi32, #tpu.memory_space<vmem>>
      %dma_wait3A_325 = arith.constant 0 : i32
      %dma_wait3A_326 = arith.constant 0 : i32
      %dma_wait3A_327 = tpu.memref_slice %arg2[%dma_wait3A_325, %dma_wait3A_326] : memref<150000x16xf32, #tpu.memory_space<hbm>> -> memref<150000x16xf32, #tpu.memory_space<hbm>>
      tpu.wait_indirect_dma semaphore(%arg9 : memref<!tpu.dma_semaphore, #tpu.memory_space<semaphore_mem>>) src(%dma_wait3A_327 : memref<150000x16xf32, #tpu.memory_space<hbm>>) dst(%dma_wait3A_321 : memref<128x16xf32, #tpu.memory_space<vmem>>)
      %dma_start3A_328 = arith.constant 0 : i32
      %dma_start3A_329 = arith.constant 0 : i32
      %dma_start3A_330 = arith.constant 0 : i32
      %dma_start3A_331 = tpu.memref_slice %arg11[%dma_start3A_329, %dma_start3A_330] : memref<1024x16xf32, #tpu.memory_space<vmem>> -> memref<128x16xf32, #tpu.memory_space<vmem>>
      %dma_start3A_332 = arith.constant 0 : i32
      %dma_start3A_333 = tpu.memref_slice %arg10[%dma_start3A_328, %dma_start3A_332] : memref<8x128xi32, #tpu.memory_space<vmem>> -> memref<1x128xi32, #tpu.memory_space<vmem>>
      %dma_start3A_334 = tpu.memref_squeeze %dma_start3A_333 : memref<1x128xi32, #tpu.memory_space<vmem>> -> memref<128xi32, #tpu.memory_space<vmem>>
      %dma_start3A_335 = arith.constant 0 : i32
      %dma_start3A_336 = arith.constant 0 : i32
      %dma_start3A_337 = tpu.memref_slice %arg6[%dma_start3A_335, %dma_start3A_336] : memref<229376x16xf32, #tpu.memory_space<hbm>> -> memref<229376x16xf32, #tpu.memory_space<hbm>>
      tpu.enqueue_indirect_dma source(%dma_start3A_331 : memref<128x16xf32, #tpu.memory_space<vmem>>) target(%dma_start3A_337 : memref<229376x16xf32, #tpu.memory_space<hbm>>) offsets(%dma_start3A_334 : memref<128xi32, #tpu.memory_space<vmem>>) semaphore(%arg9 : memref<!tpu.dma_semaphore, #tpu.memory_space<semaphore_mem>>)
      %dma_start3A_338 = arith.constant 0 : i32
      %dma_start3A_339 = arith.constant 0 : i32
      %dma_start3A_340 = arith.constant 0 : i32
      %dma_start3A_341 = tpu.memref_slice %arg12[%dma_start3A_339, %dma_start3A_340] : memref<1024x16xf32, #tpu.memory_space<vmem>> -> memref<128x16xf32, #tpu.memory_space<vmem>>
      %dma_start3A_342 = arith.constant 0 : i32
      %dma_start3A_343 = tpu.memref_slice %arg10[%dma_start3A_338, %dma_start3A_342] : memref<8x128xi32, #tpu.memory_space<vmem>> -> memref<1x128xi32, #tpu.memory_space<vmem>>
      %dma_start3A_344 = tpu.memref_squeeze %dma_start3A_343 : memref<1x128xi32, #tpu.memory_space<vmem>> -> memref<128xi32, #tpu.memory_space<vmem>>
      %dma_start3A_345 = arith.constant 0 : i32
      %dma_start3A_346 = arith.constant 0 : i32
      %dma_start3A_347 = tpu.memref_slice %arg7[%dma_start3A_345, %dma_start3A_346] : memref<229376x16xf32, #tpu.memory_space<hbm>> -> memref<229376x16xf32, #tpu.memory_space<hbm>>
      tpu.enqueue_indirect_dma source(%dma_start3A_341 : memref<128x16xf32, #tpu.memory_space<vmem>>) target(%dma_start3A_347 : memref<229376x16xf32, #tpu.memory_space<hbm>>) offsets(%dma_start3A_344 : memref<128xi32, #tpu.memory_space<vmem>>) semaphore(%arg9 : memref<!tpu.dma_semaphore, #tpu.memory_space<semaphore_mem>>)
      %dma_start3A_348 = arith.constant 1 : i32
      %dma_start3A_349 = arith.constant 128 : i32
      %dma_start3A_350 = arith.constant 0 : i32
      %dma_start3A_351 = tpu.memref_slice %arg11[%dma_start3A_349, %dma_start3A_350] : memref<1024x16xf32, #tpu.memory_space<vmem>> -> memref<128x16xf32, #tpu.memory_space<vmem>>
      %dma_start3A_352 = arith.constant 0 : i32
      %dma_start3A_353 = tpu.memref_slice %arg10[%dma_start3A_348, %dma_start3A_352] : memref<8x128xi32, #tpu.memory_space<vmem>> -> memref<1x128xi32, #tpu.memory_space<vmem>>
      %dma_start3A_354 = tpu.memref_squeeze %dma_start3A_353 : memref<1x128xi32, #tpu.memory_space<vmem>> -> memref<128xi32, #tpu.memory_space<vmem>>
      %dma_start3A_355 = arith.constant 0 : i32
      %dma_start3A_356 = arith.constant 0 : i32
      %dma_start3A_357 = tpu.memref_slice %arg6[%dma_start3A_355, %dma_start3A_356] : memref<229376x16xf32, #tpu.memory_space<hbm>> -> memref<229376x16xf32, #tpu.memory_space<hbm>>
      tpu.enqueue_indirect_dma source(%dma_start3A_351 : memref<128x16xf32, #tpu.memory_space<vmem>>) target(%dma_start3A_357 : memref<229376x16xf32, #tpu.memory_space<hbm>>) offsets(%dma_start3A_354 : memref<128xi32, #tpu.memory_space<vmem>>) semaphore(%arg9 : memref<!tpu.dma_semaphore, #tpu.memory_space<semaphore_mem>>)
      %dma_start3A_358 = arith.constant 1 : i32
      %dma_start3A_359 = arith.constant 128 : i32
      %dma_start3A_360 = arith.constant 0 : i32
      %dma_start3A_361 = tpu.memref_slice %arg12[%dma_start3A_359, %dma_start3A_360] : memref<1024x16xf32, #tpu.memory_space<vmem>> -> memref<128x16xf32, #tpu.memory_space<vmem>>
      %dma_start3A_362 = arith.constant 0 : i32
      %dma_start3A_363 = tpu.memref_slice %arg10[%dma_start3A_358, %dma_start3A_362] : memref<8x128xi32, #tpu.memory_space<vmem>> -> memref<1x128xi32, #tpu.memory_space<vmem>>
      %dma_start3A_364 = tpu.memref_squeeze %dma_start3A_363 : memref<1x128xi32, #tpu.memory_space<vmem>> -> memref<128xi32, #tpu.memory_space<vmem>>
      %dma_start3A_365 = arith.constant 0 : i32
      %dma_start3A_366 = arith.constant 0 : i32
      %dma_start3A_367 = tpu.memref_slice %arg7[%dma_start3A_365, %dma_start3A_366] : memref<229376x16xf32, #tpu.memory_space<hbm>> -> memref<229376x16xf32, #tpu.memory_space<hbm>>
      tpu.enqueue_indirect_dma source(%dma_start3A_361 : memref<128x16xf32, #tpu.memory_space<vmem>>) target(%dma_start3A_367 : memref<229376x16xf32, #tpu.memory_space<hbm>>) offsets(%dma_start3A_364 : memref<128xi32, #tpu.memory_space<vmem>>) semaphore(%arg9 : memref<!tpu.dma_semaphore, #tpu.memory_space<semaphore_mem>>)
      %dma_start3A_368 = arith.constant 2 : i32
      %dma_start3A_369 = arith.constant 256 : i32
      %dma_start3A_370 = arith.constant 0 : i32
      %dma_start3A_371 = tpu.memref_slice %arg11[%dma_start3A_369, %dma_start3A_370] : memref<1024x16xf32, #tpu.memory_space<vmem>> -> memref<128x16xf32, #tpu.memory_space<vmem>>
      %dma_start3A_372 = arith.constant 0 : i32
      %dma_start3A_373 = tpu.memref_slice %arg10[%dma_start3A_368, %dma_start3A_372] : memref<8x128xi32, #tpu.memory_space<vmem>> -> memref<1x128xi32, #tpu.memory_space<vmem>>
      %dma_start3A_374 = tpu.memref_squeeze %dma_start3A_373 : memref<1x128xi32, #tpu.memory_space<vmem>> -> memref<128xi32, #tpu.memory_space<vmem>>
      %dma_start3A_375 = arith.constant 0 : i32
      %dma_start3A_376 = arith.constant 0 : i32
      %dma_start3A_377 = tpu.memref_slice %arg6[%dma_start3A_375, %dma_start3A_376] : memref<229376x16xf32, #tpu.memory_space<hbm>> -> memref<229376x16xf32, #tpu.memory_space<hbm>>
      tpu.enqueue_indirect_dma source(%dma_start3A_371 : memref<128x16xf32, #tpu.memory_space<vmem>>) target(%dma_start3A_377 : memref<229376x16xf32, #tpu.memory_space<hbm>>) offsets(%dma_start3A_374 : memref<128xi32, #tpu.memory_space<vmem>>) semaphore(%arg9 : memref<!tpu.dma_semaphore, #tpu.memory_space<semaphore_mem>>)
      %dma_start3A_378 = arith.constant 2 : i32
      %dma_start3A_379 = arith.constant 256 : i32
      %dma_start3A_380 = arith.constant 0 : i32
      %dma_start3A_381 = tpu.memref_slice %arg12[%dma_start3A_379, %dma_start3A_380] : memref<1024x16xf32, #tpu.memory_space<vmem>> -> memref<128x16xf32, #tpu.memory_space<vmem>>
      %dma_start3A_382 = arith.constant 0 : i32
      %dma_start3A_383 = tpu.memref_slice %arg10[%dma_start3A_378, %dma_start3A_382] : memref<8x128xi32, #tpu.memory_space<vmem>> -> memref<1x128xi32, #tpu.memory_space<vmem>>
      %dma_start3A_384 = tpu.memref_squeeze %dma_start3A_383 : memref<1x128xi32, #tpu.memory_space<vmem>> -> memref<128xi32, #tpu.memory_space<vmem>>
      %dma_start3A_385 = arith.constant 0 : i32
      %dma_start3A_386 = arith.constant 0 : i32
      %dma_start3A_387 = tpu.memref_slice %arg7[%dma_start3A_385, %dma_start3A_386] : memref<229376x16xf32, #tpu.memory_space<hbm>> -> memref<229376x16xf32, #tpu.memory_space<hbm>>
      tpu.enqueue_indirect_dma source(%dma_start3A_381 : memref<128x16xf32, #tpu.memory_space<vmem>>) target(%dma_start3A_387 : memref<229376x16xf32, #tpu.memory_space<hbm>>) offsets(%dma_start3A_384 : memref<128xi32, #tpu.memory_space<vmem>>) semaphore(%arg9 : memref<!tpu.dma_semaphore, #tpu.memory_space<semaphore_mem>>)
      %dma_start3A_388 = arith.constant 3 : i32
      %dma_start3A_389 = arith.constant 384 : i32
      %dma_start3A_390 = arith.constant 0 : i32
      %dma_start3A_391 = tpu.memref_slice %arg11[%dma_start3A_389, %dma_start3A_390] : memref<1024x16xf32, #tpu.memory_space<vmem>> -> memref<128x16xf32, #tpu.memory_space<vmem>>
      %dma_start3A_392 = arith.constant 0 : i32
      %dma_start3A_393 = tpu.memref_slice %arg10[%dma_start3A_388, %dma_start3A_392] : memref<8x128xi32, #tpu.memory_space<vmem>> -> memref<1x128xi32, #tpu.memory_space<vmem>>
      %dma_start3A_394 = tpu.memref_squeeze %dma_start3A_393 : memref<1x128xi32, #tpu.memory_space<vmem>> -> memref<128xi32, #tpu.memory_space<vmem>>
      %dma_start3A_395 = arith.constant 0 : i32
      %dma_start3A_396 = arith.constant 0 : i32
      %dma_start3A_397 = tpu.memref_slice %arg6[%dma_start3A_395, %dma_start3A_396] : memref<229376x16xf32, #tpu.memory_space<hbm>> -> memref<229376x16xf32, #tpu.memory_space<hbm>>
      tpu.enqueue_indirect_dma source(%dma_start3A_391 : memref<128x16xf32, #tpu.memory_space<vmem>>) target(%dma_start3A_397 : memref<229376x16xf32, #tpu.memory_space<hbm>>) offsets(%dma_start3A_394 : memref<128xi32, #tpu.memory_space<vmem>>) semaphore(%arg9 : memref<!tpu.dma_semaphore, #tpu.memory_space<semaphore_mem>>)
      %dma_start3A_398 = arith.constant 3 : i32
      %dma_start3A_399 = arith.constant 384 : i32
      %dma_start3A_400 = arith.constant 0 : i32
      %dma_start3A_401 = tpu.memref_slice %arg12[%dma_start3A_399, %dma_start3A_400] : memref<1024x16xf32, #tpu.memory_space<vmem>> -> memref<128x16xf32, #tpu.memory_space<vmem>>
      %dma_start3A_402 = arith.constant 0 : i32
      %dma_start3A_403 = tpu.memref_slice %arg10[%dma_start3A_398, %dma_start3A_402] : memref<8x128xi32, #tpu.memory_space<vmem>> -> memref<1x128xi32, #tpu.memory_space<vmem>>
      %dma_start3A_404 = tpu.memref_squeeze %dma_start3A_403 : memref<1x128xi32, #tpu.memory_space<vmem>> -> memref<128xi32, #tpu.memory_space<vmem>>
      %dma_start3A_405 = arith.constant 0 : i32
      %dma_start3A_406 = arith.constant 0 : i32
      %dma_start3A_407 = tpu.memref_slice %arg7[%dma_start3A_405, %dma_start3A_406] : memref<229376x16xf32, #tpu.memory_space<hbm>> -> memref<229376x16xf32, #tpu.memory_space<hbm>>
      tpu.enqueue_indirect_dma source(%dma_start3A_401 : memref<128x16xf32, #tpu.memory_space<vmem>>) target(%dma_start3A_407 : memref<229376x16xf32, #tpu.memory_space<hbm>>) offsets(%dma_start3A_404 : memref<128xi32, #tpu.memory_space<vmem>>) semaphore(%arg9 : memref<!tpu.dma_semaphore, #tpu.memory_space<semaphore_mem>>)
      %dma_start3A_408 = arith.constant 4 : i32
      %dma_start3A_409 = arith.constant 512 : i32
      %dma_start3A_410 = arith.constant 0 : i32
      %dma_start3A_411 = tpu.memref_slice %arg11[%dma_start3A_409, %dma_start3A_410] : memref<1024x16xf32, #tpu.memory_space<vmem>> -> memref<128x16xf32, #tpu.memory_space<vmem>>
      %dma_start3A_412 = arith.constant 0 : i32
      %dma_start3A_413 = tpu.memref_slice %arg10[%dma_start3A_408, %dma_start3A_412] : memref<8x128xi32, #tpu.memory_space<vmem>> -> memref<1x128xi32, #tpu.memory_space<vmem>>
      %dma_start3A_414 = tpu.memref_squeeze %dma_start3A_413 : memref<1x128xi32, #tpu.memory_space<vmem>> -> memref<128xi32, #tpu.memory_space<vmem>>
      %dma_start3A_415 = arith.constant 0 : i32
      %dma_start3A_416 = arith.constant 0 : i32
      %dma_start3A_417 = tpu.memref_slice %arg6[%dma_start3A_415, %dma_start3A_416] : memref<229376x16xf32, #tpu.memory_space<hbm>> -> memref<229376x16xf32, #tpu.memory_space<hbm>>
      tpu.enqueue_indirect_dma source(%dma_start3A_411 : memref<128x16xf32, #tpu.memory_space<vmem>>) target(%dma_start3A_417 : memref<229376x16xf32, #tpu.memory_space<hbm>>) offsets(%dma_start3A_414 : memref<128xi32, #tpu.memory_space<vmem>>) semaphore(%arg9 : memref<!tpu.dma_semaphore, #tpu.memory_space<semaphore_mem>>)
      %dma_start3A_418 = arith.constant 4 : i32
      %dma_start3A_419 = arith.constant 512 : i32
      %dma_start3A_420 = arith.constant 0 : i32
      %dma_start3A_421 = tpu.memref_slice %arg12[%dma_start3A_419, %dma_start3A_420] : memref<1024x16xf32, #tpu.memory_space<vmem>> -> memref<128x16xf32, #tpu.memory_space<vmem>>
      %dma_start3A_422 = arith.constant 0 : i32
      %dma_start3A_423 = tpu.memref_slice %arg10[%dma_start3A_418, %dma_start3A_422] : memref<8x128xi32, #tpu.memory_space<vmem>> -> memref<1x128xi32, #tpu.memory_space<vmem>>
      %dma_start3A_424 = tpu.memref_squeeze %dma_start3A_423 : memref<1x128xi32, #tpu.memory_space<vmem>> -> memref<128xi32, #tpu.memory_space<vmem>>
      %dma_start3A_425 = arith.constant 0 : i32
      %dma_start3A_426 = arith.constant 0 : i32
      %dma_start3A_427 = tpu.memref_slice %arg7[%dma_start3A_425, %dma_start3A_426] : memref<229376x16xf32, #tpu.memory_space<hbm>> -> memref<229376x16xf32, #tpu.memory_space<hbm>>
      tpu.enqueue_indirect_dma source(%dma_start3A_421 : memref<128x16xf32, #tpu.memory_space<vmem>>) target(%dma_start3A_427 : memref<229376x16xf32, #tpu.memory_space<hbm>>) offsets(%dma_start3A_424 : memref<128xi32, #tpu.memory_space<vmem>>) semaphore(%arg9 : memref<!tpu.dma_semaphore, #tpu.memory_space<semaphore_mem>>)
      %dma_start3A_428 = arith.constant 5 : i32
      %dma_start3A_429 = arith.constant 640 : i32
      %dma_start3A_430 = arith.constant 0 : i32
      %dma_start3A_431 = tpu.memref_slice %arg11[%dma_start3A_429, %dma_start3A_430] : memref<1024x16xf32, #tpu.memory_space<vmem>> -> memref<128x16xf32, #tpu.memory_space<vmem>>
      %dma_start3A_432 = arith.constant 0 : i32
      %dma_start3A_433 = tpu.memref_slice %arg10[%dma_start3A_428, %dma_start3A_432] : memref<8x128xi32, #tpu.memory_space<vmem>> -> memref<1x128xi32, #tpu.memory_space<vmem>>
      %dma_start3A_434 = tpu.memref_squeeze %dma_start3A_433 : memref<1x128xi32, #tpu.memory_space<vmem>> -> memref<128xi32, #tpu.memory_space<vmem>>
      %dma_start3A_435 = arith.constant 0 : i32
      %dma_start3A_436 = arith.constant 0 : i32
      %dma_start3A_437 = tpu.memref_slice %arg6[%dma_start3A_435, %dma_start3A_436] : memref<229376x16xf32, #tpu.memory_space<hbm>> -> memref<229376x16xf32, #tpu.memory_space<hbm>>
      tpu.enqueue_indirect_dma source(%dma_start3A_431 : memref<128x16xf32, #tpu.memory_space<vmem>>) target(%dma_start3A_437 : memref<229376x16xf32, #tpu.memory_space<hbm>>) offsets(%dma_start3A_434 : memref<128xi32, #tpu.memory_space<vmem>>) semaphore(%arg9 : memref<!tpu.dma_semaphore, #tpu.memory_space<semaphore_mem>>)
      %dma_start3A_438 = arith.constant 5 : i32
      %dma_start3A_439 = arith.constant 640 : i32
      %dma_start3A_440 = arith.constant 0 : i32
      %dma_start3A_441 = tpu.memref_slice %arg12[%dma_start3A_439, %dma_start3A_440] : memref<1024x16xf32, #tpu.memory_space<vmem>> -> memref<128x16xf32, #tpu.memory_space<vmem>>
      %dma_start3A_442 = arith.constant 0 : i32
      %dma_start3A_443 = tpu.memref_slice %arg10[%dma_start3A_438, %dma_start3A_442] : memref<8x128xi32, #tpu.memory_space<vmem>> -> memref<1x128xi32, #tpu.memory_space<vmem>>
      %dma_start3A_444 = tpu.memref_squeeze %dma_start3A_443 : memref<1x128xi32, #tpu.memory_space<vmem>> -> memref<128xi32, #tpu.memory_space<vmem>>
      %dma_start3A_445 = arith.constant 0 : i32
      %dma_start3A_446 = arith.constant 0 : i32
      %dma_start3A_447 = tpu.memref_slice %arg7[%dma_start3A_445, %dma_start3A_446] : memref<229376x16xf32, #tpu.memory_space<hbm>> -> memref<229376x16xf32, #tpu.memory_space<hbm>>
      tpu.enqueue_indirect_dma source(%dma_start3A_441 : memref<128x16xf32, #tpu.memory_space<vmem>>) target(%dma_start3A_447 : memref<229376x16xf32, #tpu.memory_space<hbm>>) offsets(%dma_start3A_444 : memref<128xi32, #tpu.memory_space<vmem>>) semaphore(%arg9 : memref<!tpu.dma_semaphore, #tpu.memory_space<semaphore_mem>>)
      %dma_start3A_448 = arith.constant 6 : i32
      %dma_start3A_449 = arith.constant 768 : i32
      %dma_start3A_450 = arith.constant 0 : i32
      %dma_start3A_451 = tpu.memref_slice %arg11[%dma_start3A_449, %dma_start3A_450] : memref<1024x16xf32, #tpu.memory_space<vmem>> -> memref<128x16xf32, #tpu.memory_space<vmem>>
      %dma_start3A_452 = arith.constant 0 : i32
      %dma_start3A_453 = tpu.memref_slice %arg10[%dma_start3A_448, %dma_start3A_452] : memref<8x128xi32, #tpu.memory_space<vmem>> -> memref<1x128xi32, #tpu.memory_space<vmem>>
      %dma_start3A_454 = tpu.memref_squeeze %dma_start3A_453 : memref<1x128xi32, #tpu.memory_space<vmem>> -> memref<128xi32, #tpu.memory_space<vmem>>
      %dma_start3A_455 = arith.constant 0 : i32
      %dma_start3A_456 = arith.constant 0 : i32
      %dma_start3A_457 = tpu.memref_slice %arg6[%dma_start3A_455, %dma_start3A_456] : memref<229376x16xf32, #tpu.memory_space<hbm>> -> memref<229376x16xf32, #tpu.memory_space<hbm>>
      tpu.enqueue_indirect_dma source(%dma_start3A_451 : memref<128x16xf32, #tpu.memory_space<vmem>>) target(%dma_start3A_457 : memref<229376x16xf32, #tpu.memory_space<hbm>>) offsets(%dma_start3A_454 : memref<128xi32, #tpu.memory_space<vmem>>) semaphore(%arg9 : memref<!tpu.dma_semaphore, #tpu.memory_space<semaphore_mem>>)
      %dma_start3A_458 = arith.constant 6 : i32
      %dma_start3A_459 = arith.constant 768 : i32
      %dma_start3A_460 = arith.constant 0 : i32
      %dma_start3A_461 = tpu.memref_slice %arg12[%dma_start3A_459, %dma_start3A_460] : memref<1024x16xf32, #tpu.memory_space<vmem>> -> memref<128x16xf32, #tpu.memory_space<vmem>>
      %dma_start3A_462 = arith.constant 0 : i32
      %dma_start3A_463 = tpu.memref_slice %arg10[%dma_start3A_458, %dma_start3A_462] : memref<8x128xi32, #tpu.memory_space<vmem>> -> memref<1x128xi32, #tpu.memory_space<vmem>>
      %dma_start3A_464 = tpu.memref_squeeze %dma_start3A_463 : memref<1x128xi32, #tpu.memory_space<vmem>> -> memref<128xi32, #tpu.memory_space<vmem>>
      %dma_start3A_465 = arith.constant 0 : i32
      %dma_start3A_466 = arith.constant 0 : i32
      %dma_start3A_467 = tpu.memref_slice %arg7[%dma_start3A_465, %dma_start3A_466] : memref<229376x16xf32, #tpu.memory_space<hbm>> -> memref<229376x16xf32, #tpu.memory_space<hbm>>
      tpu.enqueue_indirect_dma source(%dma_start3A_461 : memref<128x16xf32, #tpu.memory_space<vmem>>) target(%dma_start3A_467 : memref<229376x16xf32, #tpu.memory_space<hbm>>) offsets(%dma_start3A_464 : memref<128xi32, #tpu.memory_space<vmem>>) semaphore(%arg9 : memref<!tpu.dma_semaphore, #tpu.memory_space<semaphore_mem>>)
      %dma_start3A_468 = arith.constant 7 : i32
      %dma_start3A_469 = arith.constant 896 : i32
      %dma_start3A_470 = arith.constant 0 : i32
      %dma_start3A_471 = tpu.memref_slice %arg11[%dma_start3A_469, %dma_start3A_470] : memref<1024x16xf32, #tpu.memory_space<vmem>> -> memref<128x16xf32, #tpu.memory_space<vmem>>
      %dma_start3A_472 = arith.constant 0 : i32
      %dma_start3A_473 = tpu.memref_slice %arg10[%dma_start3A_468, %dma_start3A_472] : memref<8x128xi32, #tpu.memory_space<vmem>> -> memref<1x128xi32, #tpu.memory_space<vmem>>
      %dma_start3A_474 = tpu.memref_squeeze %dma_start3A_473 : memref<1x128xi32, #tpu.memory_space<vmem>> -> memref<128xi32, #tpu.memory_space<vmem>>
      %dma_start3A_475 = arith.constant 0 : i32
      %dma_start3A_476 = arith.constant 0 : i32
      %dma_start3A_477 = tpu.memref_slice %arg6[%dma_start3A_475, %dma_start3A_476] : memref<229376x16xf32, #tpu.memory_space<hbm>> -> memref<229376x16xf32, #tpu.memory_space<hbm>>
      tpu.enqueue_indirect_dma source(%dma_start3A_471 : memref<128x16xf32, #tpu.memory_space<vmem>>) target(%dma_start3A_477 : memref<229376x16xf32, #tpu.memory_space<hbm>>) offsets(%dma_start3A_474 : memref<128xi32, #tpu.memory_space<vmem>>) semaphore(%arg9 : memref<!tpu.dma_semaphore, #tpu.memory_space<semaphore_mem>>)
      %dma_start3A_478 = arith.constant 7 : i32
      %dma_start3A_479 = arith.constant 896 : i32
      %dma_start3A_480 = arith.constant 0 : i32
      %dma_start3A_481 = tpu.memref_slice %arg12[%dma_start3A_479, %dma_start3A_480] : memref<1024x16xf32, #tpu.memory_space<vmem>> -> memref<128x16xf32, #tpu.memory_space<vmem>>
      %dma_start3A_482 = arith.constant 0 : i32
      %dma_start3A_483 = tpu.memref_slice %arg10[%dma_start3A_478, %dma_start3A_482] : memref<8x128xi32, #tpu.memory_space<vmem>> -> memref<1x128xi32, #tpu.memory_space<vmem>>
      %dma_start3A_484 = tpu.memref_squeeze %dma_start3A_483 : memref<1x128xi32, #tpu.memory_space<vmem>> -> memref<128xi32, #tpu.memory_space<vmem>>
      %dma_start3A_485 = arith.constant 0 : i32
      %dma_start3A_486 = arith.constant 0 : i32
      %dma_start3A_487 = tpu.memref_slice %arg7[%dma_start3A_485, %dma_start3A_486] : memref<229376x16xf32, #tpu.memory_space<hbm>> -> memref<229376x16xf32, #tpu.memory_space<hbm>>
      tpu.enqueue_indirect_dma source(%dma_start3A_481 : memref<128x16xf32, #tpu.memory_space<vmem>>) target(%dma_start3A_487 : memref<229376x16xf32, #tpu.memory_space<hbm>>) offsets(%dma_start3A_484 : memref<128xi32, #tpu.memory_space<vmem>>) semaphore(%arg9 : memref<!tpu.dma_semaphore, #tpu.memory_space<semaphore_mem>>)
      %dma_wait3A_488 = arith.constant 0 : i32
      %dma_wait3A_489 = arith.constant 0 : i32
      %dma_wait3A_490 = arith.constant 0 : i32
      %dma_wait3A_491 = tpu.memref_slice %arg11[%dma_wait3A_489, %dma_wait3A_490] : memref<1024x16xf32, #tpu.memory_space<vmem>> -> memref<128x16xf32, #tpu.memory_space<vmem>>
      %dma_wait3A_492 = arith.constant 0 : i32
      %dma_wait3A_493 = tpu.memref_slice %arg10[%dma_wait3A_488, %dma_wait3A_492] : memref<8x128xi32, #tpu.memory_space<vmem>> -> memref<1x128xi32, #tpu.memory_space<vmem>>
      %dma_wait3A_494 = tpu.memref_squeeze %dma_wait3A_493 : memref<1x128xi32, #tpu.memory_space<vmem>> -> memref<128xi32, #tpu.memory_space<vmem>>
      %dma_wait3A_495 = arith.constant 0 : i32
      %dma_wait3A_496 = arith.constant 0 : i32
      %dma_wait3A_497 = tpu.memref_slice %arg6[%dma_wait3A_495, %dma_wait3A_496] : memref<229376x16xf32, #tpu.memory_space<hbm>> -> memref<229376x16xf32, #tpu.memory_space<hbm>>
      tpu.wait_indirect_dma semaphore(%arg9 : memref<!tpu.dma_semaphore, #tpu.memory_space<semaphore_mem>>) src(%dma_wait3A_491 : memref<128x16xf32, #tpu.memory_space<vmem>>) dst(%dma_wait3A_497 : memref<229376x16xf32, #tpu.memory_space<hbm>>)
      %dma_wait3A_498 = arith.constant 0 : i32
      %dma_wait3A_499 = arith.constant 0 : i32
      %dma_wait3A_500 = arith.constant 0 : i32
      %dma_wait3A_501 = tpu.memref_slice %arg12[%dma_wait3A_499, %dma_wait3A_500] : memref<1024x16xf32, #tpu.memory_space<vmem>> -> memref<128x16xf32, #tpu.memory_space<vmem>>
      %dma_wait3A_502 = arith.constant 0 : i32
      %dma_wait3A_503 = tpu.memref_slice %arg10[%dma_wait3A_498, %dma_wait3A_502] : memref<8x128xi32, #tpu.memory_space<vmem>> -> memref<1x128xi32, #tpu.memory_space<vmem>>
      %dma_wait3A_504 = tpu.memref_squeeze %dma_wait3A_503 : memref<1x128xi32, #tpu.memory_space<vmem>> -> memref<128xi32, #tpu.memory_space<vmem>>
      %dma_wait3A_505 = arith.constant 0 : i32
      %dma_wait3A_506 = arith.constant 0 : i32
      %dma_wait3A_507 = tpu.memref_slice %arg7[%dma_wait3A_505, %dma_wait3A_506] : memref<229376x16xf32, #tpu.memory_space<hbm>> -> memref<229376x16xf32, #tpu.memory_space<hbm>>
      tpu.wait_indirect_dma semaphore(%arg9 : memref<!tpu.dma_semaphore, #tpu.memory_space<semaphore_mem>>) src(%dma_wait3A_501 : memref<128x16xf32, #tpu.memory_space<vmem>>) dst(%dma_wait3A_507 : memref<229376x16xf32, #tpu.memory_space<hbm>>)
      %dma_wait3A_508 = arith.constant 1 : i32
      %dma_wait3A_509 = arith.constant 128 : i32
      %dma_wait3A_510 = arith.constant 0 : i32
      %dma_wait3A_511 = tpu.memref_slice %arg11[%dma_wait3A_509, %dma_wait3A_510] : memref<1024x16xf32, #tpu.memory_space<vmem>> -> memref<128x16xf32, #tpu.memory_space<vmem>>
      %dma_wait3A_512 = arith.constant 0 : i32
      %dma_wait3A_513 = tpu.memref_slice %arg10[%dma_wait3A_508, %dma_wait3A_512] : memref<8x128xi32, #tpu.memory_space<vmem>> -> memref<1x128xi32, #tpu.memory_space<vmem>>
      %dma_wait3A_514 = tpu.memref_squeeze %dma_wait3A_513 : memref<1x128xi32, #tpu.memory_space<vmem>> -> memref<128xi32, #tpu.memory_space<vmem>>
      %dma_wait3A_515 = arith.constant 0 : i32
      %dma_wait3A_516 = arith.constant 0 : i32
      %dma_wait3A_517 = tpu.memref_slice %arg6[%dma_wait3A_515, %dma_wait3A_516] : memref<229376x16xf32, #tpu.memory_space<hbm>> -> memref<229376x16xf32, #tpu.memory_space<hbm>>
      tpu.wait_indirect_dma semaphore(%arg9 : memref<!tpu.dma_semaphore, #tpu.memory_space<semaphore_mem>>) src(%dma_wait3A_511 : memref<128x16xf32, #tpu.memory_space<vmem>>) dst(%dma_wait3A_517 : memref<229376x16xf32, #tpu.memory_space<hbm>>)
      %dma_wait3A_518 = arith.constant 1 : i32
      %dma_wait3A_519 = arith.constant 128 : i32
      %dma_wait3A_520 = arith.constant 0 : i32
      %dma_wait3A_521 = tpu.memref_slice %arg12[%dma_wait3A_519, %dma_wait3A_520] : memref<1024x16xf32, #tpu.memory_space<vmem>> -> memref<128x16xf32, #tpu.memory_space<vmem>>
      %dma_wait3A_522 = arith.constant 0 : i32
      %dma_wait3A_523 = tpu.memref_slice %arg10[%dma_wait3A_518, %dma_wait3A_522] : memref<8x128xi32, #tpu.memory_space<vmem>> -> memref<1x128xi32, #tpu.memory_space<vmem>>
      %dma_wait3A_524 = tpu.memref_squeeze %dma_wait3A_523 : memref<1x128xi32, #tpu.memory_space<vmem>> -> memref<128xi32, #tpu.memory_space<vmem>>
      %dma_wait3A_525 = arith.constant 0 : i32
      %dma_wait3A_526 = arith.constant 0 : i32
      %dma_wait3A_527 = tpu.memref_slice %arg7[%dma_wait3A_525, %dma_wait3A_526] : memref<229376x16xf32, #tpu.memory_space<hbm>> -> memref<229376x16xf32, #tpu.memory_space<hbm>>
      tpu.wait_indirect_dma semaphore(%arg9 : memref<!tpu.dma_semaphore, #tpu.memory_space<semaphore_mem>>) src(%dma_wait3A_521 : memref<128x16xf32, #tpu.memory_space<vmem>>) dst(%dma_wait3A_527 : memref<229376x16xf32, #tpu.memory_space<hbm>>)
      %dma_wait3A_528 = arith.constant 2 : i32
      %dma_wait3A_529 = arith.constant 256 : i32
      %dma_wait3A_530 = arith.constant 0 : i32
      %dma_wait3A_531 = tpu.memref_slice %arg11[%dma_wait3A_529, %dma_wait3A_530] : memref<1024x16xf32, #tpu.memory_space<vmem>> -> memref<128x16xf32, #tpu.memory_space<vmem>>
      %dma_wait3A_532 = arith.constant 0 : i32
      %dma_wait3A_533 = tpu.memref_slice %arg10[%dma_wait3A_528, %dma_wait3A_532] : memref<8x128xi32, #tpu.memory_space<vmem>> -> memref<1x128xi32, #tpu.memory_space<vmem>>
      %dma_wait3A_534 = tpu.memref_squeeze %dma_wait3A_533 : memref<1x128xi32, #tpu.memory_space<vmem>> -> memref<128xi32, #tpu.memory_space<vmem>>
      %dma_wait3A_535 = arith.constant 0 : i32
      %dma_wait3A_536 = arith.constant 0 : i32
      %dma_wait3A_537 = tpu.memref_slice %arg6[%dma_wait3A_535, %dma_wait3A_536] : memref<229376x16xf32, #tpu.memory_space<hbm>> -> memref<229376x16xf32, #tpu.memory_space<hbm>>
      tpu.wait_indirect_dma semaphore(%arg9 : memref<!tpu.dma_semaphore, #tpu.memory_space<semaphore_mem>>) src(%dma_wait3A_531 : memref<128x16xf32, #tpu.memory_space<vmem>>) dst(%dma_wait3A_537 : memref<229376x16xf32, #tpu.memory_space<hbm>>)
      %dma_wait3A_538 = arith.constant 2 : i32
      %dma_wait3A_539 = arith.constant 256 : i32
      %dma_wait3A_540 = arith.constant 0 : i32
      %dma_wait3A_541 = tpu.memref_slice %arg12[%dma_wait3A_539, %dma_wait3A_540] : memref<1024x16xf32, #tpu.memory_space<vmem>> -> memref<128x16xf32, #tpu.memory_space<vmem>>
      %dma_wait3A_542 = arith.constant 0 : i32
      %dma_wait3A_543 = tpu.memref_slice %arg10[%dma_wait3A_538, %dma_wait3A_542] : memref<8x128xi32, #tpu.memory_space<vmem>> -> memref<1x128xi32, #tpu.memory_space<vmem>>
      %dma_wait3A_544 = tpu.memref_squeeze %dma_wait3A_543 : memref<1x128xi32, #tpu.memory_space<vmem>> -> memref<128xi32, #tpu.memory_space<vmem>>
      %dma_wait3A_545 = arith.constant 0 : i32
      %dma_wait3A_546 = arith.constant 0 : i32
      %dma_wait3A_547 = tpu.memref_slice %arg7[%dma_wait3A_545, %dma_wait3A_546] : memref<229376x16xf32, #tpu.memory_space<hbm>> -> memref<229376x16xf32, #tpu.memory_space<hbm>>
      tpu.wait_indirect_dma semaphore(%arg9 : memref<!tpu.dma_semaphore, #tpu.memory_space<semaphore_mem>>) src(%dma_wait3A_541 : memref<128x16xf32, #tpu.memory_space<vmem>>) dst(%dma_wait3A_547 : memref<229376x16xf32, #tpu.memory_space<hbm>>)
      %dma_wait3A_548 = arith.constant 3 : i32
      %dma_wait3A_549 = arith.constant 384 : i32
      %dma_wait3A_550 = arith.constant 0 : i32
      %dma_wait3A_551 = tpu.memref_slice %arg11[%dma_wait3A_549, %dma_wait3A_550] : memref<1024x16xf32, #tpu.memory_space<vmem>> -> memref<128x16xf32, #tpu.memory_space<vmem>>
      %dma_wait3A_552 = arith.constant 0 : i32
      %dma_wait3A_553 = tpu.memref_slice %arg10[%dma_wait3A_548, %dma_wait3A_552] : memref<8x128xi32, #tpu.memory_space<vmem>> -> memref<1x128xi32, #tpu.memory_space<vmem>>
      %dma_wait3A_554 = tpu.memref_squeeze %dma_wait3A_553 : memref<1x128xi32, #tpu.memory_space<vmem>> -> memref<128xi32, #tpu.memory_space<vmem>>
      %dma_wait3A_555 = arith.constant 0 : i32
      %dma_wait3A_556 = arith.constant 0 : i32
      %dma_wait3A_557 = tpu.memref_slice %arg6[%dma_wait3A_555, %dma_wait3A_556] : memref<229376x16xf32, #tpu.memory_space<hbm>> -> memref<229376x16xf32, #tpu.memory_space<hbm>>
      tpu.wait_indirect_dma semaphore(%arg9 : memref<!tpu.dma_semaphore, #tpu.memory_space<semaphore_mem>>) src(%dma_wait3A_551 : memref<128x16xf32, #tpu.memory_space<vmem>>) dst(%dma_wait3A_557 : memref<229376x16xf32, #tpu.memory_space<hbm>>)
      %dma_wait3A_558 = arith.constant 3 : i32
      %dma_wait3A_559 = arith.constant 384 : i32
      %dma_wait3A_560 = arith.constant 0 : i32
      %dma_wait3A_561 = tpu.memref_slice %arg12[%dma_wait3A_559, %dma_wait3A_560] : memref<1024x16xf32, #tpu.memory_space<vmem>> -> memref<128x16xf32, #tpu.memory_space<vmem>>
      %dma_wait3A_562 = arith.constant 0 : i32
      %dma_wait3A_563 = tpu.memref_slice %arg10[%dma_wait3A_558, %dma_wait3A_562] : memref<8x128xi32, #tpu.memory_space<vmem>> -> memref<1x128xi32, #tpu.memory_space<vmem>>
      %dma_wait3A_564 = tpu.memref_squeeze %dma_wait3A_563 : memref<1x128xi32, #tpu.memory_space<vmem>> -> memref<128xi32, #tpu.memory_space<vmem>>
      %dma_wait3A_565 = arith.constant 0 : i32
      %dma_wait3A_566 = arith.constant 0 : i32
      %dma_wait3A_567 = tpu.memref_slice %arg7[%dma_wait3A_565, %dma_wait3A_566] : memref<229376x16xf32, #tpu.memory_space<hbm>> -> memref<229376x16xf32, #tpu.memory_space<hbm>>
      tpu.wait_indirect_dma semaphore(%arg9 : memref<!tpu.dma_semaphore, #tpu.memory_space<semaphore_mem>>) src(%dma_wait3A_561 : memref<128x16xf32, #tpu.memory_space<vmem>>) dst(%dma_wait3A_567 : memref<229376x16xf32, #tpu.memory_space<hbm>>)
      %dma_wait3A_568 = arith.constant 4 : i32
      %dma_wait3A_569 = arith.constant 512 : i32
      %dma_wait3A_570 = arith.constant 0 : i32
      %dma_wait3A_571 = tpu.memref_slice %arg11[%dma_wait3A_569, %dma_wait3A_570] : memref<1024x16xf32, #tpu.memory_space<vmem>> -> memref<128x16xf32, #tpu.memory_space<vmem>>
      %dma_wait3A_572 = arith.constant 0 : i32
      %dma_wait3A_573 = tpu.memref_slice %arg10[%dma_wait3A_568, %dma_wait3A_572] : memref<8x128xi32, #tpu.memory_space<vmem>> -> memref<1x128xi32, #tpu.memory_space<vmem>>
      %dma_wait3A_574 = tpu.memref_squeeze %dma_wait3A_573 : memref<1x128xi32, #tpu.memory_space<vmem>> -> memref<128xi32, #tpu.memory_space<vmem>>
      %dma_wait3A_575 = arith.constant 0 : i32
      %dma_wait3A_576 = arith.constant 0 : i32
      %dma_wait3A_577 = tpu.memref_slice %arg6[%dma_wait3A_575, %dma_wait3A_576] : memref<229376x16xf32, #tpu.memory_space<hbm>> -> memref<229376x16xf32, #tpu.memory_space<hbm>>
      tpu.wait_indirect_dma semaphore(%arg9 : memref<!tpu.dma_semaphore, #tpu.memory_space<semaphore_mem>>) src(%dma_wait3A_571 : memref<128x16xf32, #tpu.memory_space<vmem>>) dst(%dma_wait3A_577 : memref<229376x16xf32, #tpu.memory_space<hbm>>)
      %dma_wait3A_578 = arith.constant 4 : i32
      %dma_wait3A_579 = arith.constant 512 : i32
      %dma_wait3A_580 = arith.constant 0 : i32
      %dma_wait3A_581 = tpu.memref_slice %arg12[%dma_wait3A_579, %dma_wait3A_580] : memref<1024x16xf32, #tpu.memory_space<vmem>> -> memref<128x16xf32, #tpu.memory_space<vmem>>
      %dma_wait3A_582 = arith.constant 0 : i32
      %dma_wait3A_583 = tpu.memref_slice %arg10[%dma_wait3A_578, %dma_wait3A_582] : memref<8x128xi32, #tpu.memory_space<vmem>> -> memref<1x128xi32, #tpu.memory_space<vmem>>
      %dma_wait3A_584 = tpu.memref_squeeze %dma_wait3A_583 : memref<1x128xi32, #tpu.memory_space<vmem>> -> memref<128xi32, #tpu.memory_space<vmem>>
      %dma_wait3A_585 = arith.constant 0 : i32
      %dma_wait3A_586 = arith.constant 0 : i32
      %dma_wait3A_587 = tpu.memref_slice %arg7[%dma_wait3A_585, %dma_wait3A_586] : memref<229376x16xf32, #tpu.memory_space<hbm>> -> memref<229376x16xf32, #tpu.memory_space<hbm>>
      tpu.wait_indirect_dma semaphore(%arg9 : memref<!tpu.dma_semaphore, #tpu.memory_space<semaphore_mem>>) src(%dma_wait3A_581 : memref<128x16xf32, #tpu.memory_space<vmem>>) dst(%dma_wait3A_587 : memref<229376x16xf32, #tpu.memory_space<hbm>>)
      %dma_wait3A_588 = arith.constant 5 : i32
      %dma_wait3A_589 = arith.constant 640 : i32
      %dma_wait3A_590 = arith.constant 0 : i32
      %dma_wait3A_591 = tpu.memref_slice %arg11[%dma_wait3A_589, %dma_wait3A_590] : memref<1024x16xf32, #tpu.memory_space<vmem>> -> memref<128x16xf32, #tpu.memory_space<vmem>>
      %dma_wait3A_592 = arith.constant 0 : i32
      %dma_wait3A_593 = tpu.memref_slice %arg10[%dma_wait3A_588, %dma_wait3A_592] : memref<8x128xi32, #tpu.memory_space<vmem>> -> memref<1x128xi32, #tpu.memory_space<vmem>>
      %dma_wait3A_594 = tpu.memref_squeeze %dma_wait3A_593 : memref<1x128xi32, #tpu.memory_space<vmem>> -> memref<128xi32, #tpu.memory_space<vmem>>
      %dma_wait3A_595 = arith.constant 0 : i32
      %dma_wait3A_596 = arith.constant 0 : i32
      %dma_wait3A_597 = tpu.memref_slice %arg6[%dma_wait3A_595, %dma_wait3A_596] : memref<229376x16xf32, #tpu.memory_space<hbm>> -> memref<229376x16xf32, #tpu.memory_space<hbm>>
      tpu.wait_indirect_dma semaphore(%arg9 : memref<!tpu.dma_semaphore, #tpu.memory_space<semaphore_mem>>) src(%dma_wait3A_591 : memref<128x16xf32, #tpu.memory_space<vmem>>) dst(%dma_wait3A_597 : memref<229376x16xf32, #tpu.memory_space<hbm>>)
      %dma_wait3A_598 = arith.constant 5 : i32
      %dma_wait3A_599 = arith.constant 640 : i32
      %dma_wait3A_600 = arith.constant 0 : i32
      %dma_wait3A_601 = tpu.memref_slice %arg12[%dma_wait3A_599, %dma_wait3A_600] : memref<1024x16xf32, #tpu.memory_space<vmem>> -> memref<128x16xf32, #tpu.memory_space<vmem>>
      %dma_wait3A_602 = arith.constant 0 : i32
      %dma_wait3A_603 = tpu.memref_slice %arg10[%dma_wait3A_598, %dma_wait3A_602] : memref<8x128xi32, #tpu.memory_space<vmem>> -> memref<1x128xi32, #tpu.memory_space<vmem>>
      %dma_wait3A_604 = tpu.memref_squeeze %dma_wait3A_603 : memref<1x128xi32, #tpu.memory_space<vmem>> -> memref<128xi32, #tpu.memory_space<vmem>>
      %dma_wait3A_605 = arith.constant 0 : i32
      %dma_wait3A_606 = arith.constant 0 : i32
      %dma_wait3A_607 = tpu.memref_slice %arg7[%dma_wait3A_605, %dma_wait3A_606] : memref<229376x16xf32, #tpu.memory_space<hbm>> -> memref<229376x16xf32, #tpu.memory_space<hbm>>
      tpu.wait_indirect_dma semaphore(%arg9 : memref<!tpu.dma_semaphore, #tpu.memory_space<semaphore_mem>>) src(%dma_wait3A_601 : memref<128x16xf32, #tpu.memory_space<vmem>>) dst(%dma_wait3A_607 : memref<229376x16xf32, #tpu.memory_space<hbm>>)
      %dma_wait3A_608 = arith.constant 6 : i32
      %dma_wait3A_609 = arith.constant 768 : i32
      %dma_wait3A_610 = arith.constant 0 : i32
      %dma_wait3A_611 = tpu.memref_slice %arg11[%dma_wait3A_609, %dma_wait3A_610] : memref<1024x16xf32, #tpu.memory_space<vmem>> -> memref<128x16xf32, #tpu.memory_space<vmem>>
      %dma_wait3A_612 = arith.constant 0 : i32
      %dma_wait3A_613 = tpu.memref_slice %arg10[%dma_wait3A_608, %dma_wait3A_612] : memref<8x128xi32, #tpu.memory_space<vmem>> -> memref<1x128xi32, #tpu.memory_space<vmem>>
      %dma_wait3A_614 = tpu.memref_squeeze %dma_wait3A_613 : memref<1x128xi32, #tpu.memory_space<vmem>> -> memref<128xi32, #tpu.memory_space<vmem>>
      %dma_wait3A_615 = arith.constant 0 : i32
      %dma_wait3A_616 = arith.constant 0 : i32
      %dma_wait3A_617 = tpu.memref_slice %arg6[%dma_wait3A_615, %dma_wait3A_616] : memref<229376x16xf32, #tpu.memory_space<hbm>> -> memref<229376x16xf32, #tpu.memory_space<hbm>>
      tpu.wait_indirect_dma semaphore(%arg9 : memref<!tpu.dma_semaphore, #tpu.memory_space<semaphore_mem>>) src(%dma_wait3A_611 : memref<128x16xf32, #tpu.memory_space<vmem>>) dst(%dma_wait3A_617 : memref<229376x16xf32, #tpu.memory_space<hbm>>)
      %dma_wait3A_618 = arith.constant 6 : i32
      %dma_wait3A_619 = arith.constant 768 : i32
      %dma_wait3A_620 = arith.constant 0 : i32
      %dma_wait3A_621 = tpu.memref_slice %arg12[%dma_wait3A_619, %dma_wait3A_620] : memref<1024x16xf32, #tpu.memory_space<vmem>> -> memref<128x16xf32, #tpu.memory_space<vmem>>
      %dma_wait3A_622 = arith.constant 0 : i32
      %dma_wait3A_623 = tpu.memref_slice %arg10[%dma_wait3A_618, %dma_wait3A_622] : memref<8x128xi32, #tpu.memory_space<vmem>> -> memref<1x128xi32, #tpu.memory_space<vmem>>
      %dma_wait3A_624 = tpu.memref_squeeze %dma_wait3A_623 : memref<1x128xi32, #tpu.memory_space<vmem>> -> memref<128xi32, #tpu.memory_space<vmem>>
      %dma_wait3A_625 = arith.constant 0 : i32
      %dma_wait3A_626 = arith.constant 0 : i32
      %dma_wait3A_627 = tpu.memref_slice %arg7[%dma_wait3A_625, %dma_wait3A_626] : memref<229376x16xf32, #tpu.memory_space<hbm>> -> memref<229376x16xf32, #tpu.memory_space<hbm>>
      tpu.wait_indirect_dma semaphore(%arg9 : memref<!tpu.dma_semaphore, #tpu.memory_space<semaphore_mem>>) src(%dma_wait3A_621 : memref<128x16xf32, #tpu.memory_space<vmem>>) dst(%dma_wait3A_627 : memref<229376x16xf32, #tpu.memory_space<hbm>>)
      %dma_wait3A_628 = arith.constant 7 : i32
      %dma_wait3A_629 = arith.constant 896 : i32
      %dma_wait3A_630 = arith.constant 0 : i32
      %dma_wait3A_631 = tpu.memref_slice %arg11[%dma_wait3A_629, %dma_wait3A_630] : memref<1024x16xf32, #tpu.memory_space<vmem>> -> memref<128x16xf32, #tpu.memory_space<vmem>>
      %dma_wait3A_632 = arith.constant 0 : i32
      %dma_wait3A_633 = tpu.memref_slice %arg10[%dma_wait3A_628, %dma_wait3A_632] : memref<8x128xi32, #tpu.memory_space<vmem>> -> memref<1x128xi32, #tpu.memory_space<vmem>>
      %dma_wait3A_634 = tpu.memref_squeeze %dma_wait3A_633 : memref<1x128xi32, #tpu.memory_space<vmem>> -> memref<128xi32, #tpu.memory_space<vmem>>
      %dma_wait3A_635 = arith.constant 0 : i32
      %dma_wait3A_636 = arith.constant 0 : i32
      %dma_wait3A_637 = tpu.memref_slice %arg6[%dma_wait3A_635, %dma_wait3A_636] : memref<229376x16xf32, #tpu.memory_space<hbm>> -> memref<229376x16xf32, #tpu.memory_space<hbm>>
      tpu.wait_indirect_dma semaphore(%arg9 : memref<!tpu.dma_semaphore, #tpu.memory_space<semaphore_mem>>) src(%dma_wait3A_631 : memref<128x16xf32, #tpu.memory_space<vmem>>) dst(%dma_wait3A_637 : memref<229376x16xf32, #tpu.memory_space<hbm>>)
      %dma_wait3A_638 = arith.constant 7 : i32
      %dma_wait3A_639 = arith.constant 896 : i32
      %dma_wait3A_640 = arith.constant 0 : i32
      %dma_wait3A_641 = tpu.memref_slice %arg12[%dma_wait3A_639, %dma_wait3A_640] : memref<1024x16xf32, #tpu.memory_space<vmem>> -> memref<128x16xf32, #tpu.memory_space<vmem>>
      %dma_wait3A_642 = arith.constant 0 : i32
      %dma_wait3A_643 = tpu.memref_slice %arg10[%dma_wait3A_638, %dma_wait3A_642] : memref<8x128xi32, #tpu.memory_space<vmem>> -> memref<1x128xi32, #tpu.memory_space<vmem>>
      %dma_wait3A_644 = tpu.memref_squeeze %dma_wait3A_643 : memref<1x128xi32, #tpu.memory_space<vmem>> -> memref<128xi32, #tpu.memory_space<vmem>>
      %dma_wait3A_645 = arith.constant 0 : i32
      %dma_wait3A_646 = arith.constant 0 : i32
      %dma_wait3A_647 = tpu.memref_slice %arg7[%dma_wait3A_645, %dma_wait3A_646] : memref<229376x16xf32, #tpu.memory_space<hbm>> -> memref<229376x16xf32, #tpu.memory_space<hbm>>
      tpu.wait_indirect_dma semaphore(%arg9 : memref<!tpu.dma_semaphore, #tpu.memory_space<semaphore_mem>>) src(%dma_wait3A_641 : memref<128x16xf32, #tpu.memory_space<vmem>>) dst(%dma_wait3A_647 : memref<229376x16xf32, #tpu.memory_space<hbm>>)
    }
    %scan3A_7 = arith.constant 7 : i32
    return
  }
}

#map = affine_map<(d0, d1) -> (0, 0)>
#map1 = affine_map<(d0, d1) -> (0, 0, 0, 0)>
#map2 = affine_map<(d0, d1) -> (0, 0, 0)>
module attributes {stable_mosaic.version = 14 : i64} {
  func.func @sc_accumulate(%arg0: i32, %arg1: i32, %arg2: memref<100000x16xf32, #tpu.memory_space<hbm>>, %arg3: memref<2x800x8x128xi32, #tpu.memory_space<hbm>>, %arg4: memref<800x8x128xi32, #tpu.memory_space<hbm>>, %arg5: memref<368x16xf32, #tpu.memory_space<hbm>>, %arg6: memref<2x100096x16xf32, #tpu.memory_space<hbm>>, %arg7: memref<100096x16xf32, #tpu.memory_space<vmem_shared>>, %arg8: memref<8x128xi32, #tpu.memory_space<vmem>>, %arg9: memref<128x16xf32, #tpu.memory_space<vmem>>, %arg10: memref<128x16xf32, #tpu.memory_space<vmem>>, %arg11: memref<!tpu.dma_semaphore, #tpu.memory_space<semaphore_mem>>, %arg12: memref<8x128xi32, #tpu.memory_space<vmem>>, %arg13: memref<368x16xf32, #tpu.memory_space<vmem>>) attributes {dimension_semantics = [#tpu.dimension_semantics<core_parallel>, #tpu.dimension_semantics<subcore_parallel>], iteration_bounds = array<i64: 2, 16>, scalar_prefetch = 0 : i64, scratch_operands = 7 : i64, tpu.core_type = #tpu.core_type<sc_vector_subcore>, window_params = [{transform_indices = #map}, {transform_indices = #map1}, {transform_indices = #map2}, {transform_indices = #map}, {transform_indices = #map2}]} {
    %mul3A = arith.constant 6256 : i32
    %mul3A_0 = arith.muli %arg1, %mul3A : i32
    "tpu.region"() ({
      %run_scoped3A = tpu.sem_alloc : memref<!tpu.dma_semaphore, #tpu.memory_space<semaphore_mem>>
      tpu.enqueue_dma source(%arg5 : memref<368x16xf32, #tpu.memory_space<hbm>>) target(%arg13 : memref<368x16xf32, #tpu.memory_space<vmem>>) target_semaphore(%run_scoped3A : memref<!tpu.dma_semaphore, #tpu.memory_space<semaphore_mem>>)
      tpu.wait_dma2 semaphore(%run_scoped3A : memref<!tpu.dma_semaphore, #tpu.memory_space<semaphore_mem>>) src(%arg5 : memref<368x16xf32, #tpu.memory_space<hbm>>) dst(%arg13 : memref<368x16xf32, #tpu.memory_space<vmem>>)
      tpu.yield
    }) : () -> ()
    %scan3A = arith.constant 0 : i32
    %scan3A_1 = arith.constant 0 : i32
    %scan3A_2 = arith.constant 17 : i32
    %scan3A_3 = arith.addi %scan3A_1, %scan3A_2 : i32
    %scan3A_4 = arith.constant 1 : i32
    scf.for %scan3A_21 = %scan3A_1 to %scan3A_3 step %scan3A_4  : i32 {
      %mul3A_22 = arith.constant 368 : i32
      %mul3A_23 = arith.muli %scan3A_21, %mul3A_22 : i32
      %add3A = arith.addi %mul3A_0, %mul3A_23 : i32
      "tpu.region"() ({
        %run_scoped3A = tpu.sem_alloc : memref<!tpu.dma_semaphore, #tpu.memory_space<semaphore_mem>>
        %dma_start3A = arith.constant 0 : i32
        %dma_start3A_24 = tpu.memref_slice %arg7[%add3A, %dma_start3A] : memref<100096x16xf32, #tpu.memory_space<vmem_shared>> -> memref<368x16xf32, #tpu.memory_space<vmem_shared>>
        %dma_start3A_25 = arith.constant 0 : i32
        %dma_start3A_26 = tpu.memref_slice %arg7[%add3A, %dma_start3A_25] : memref<100096x16xf32, #tpu.memory_space<vmem_shared>> -> memref<368x16xf32, #tpu.memory_space<vmem_shared>>
        tpu.enqueue_dma source(%arg13 : memref<368x16xf32, #tpu.memory_space<vmem>>) target(%dma_start3A_26 : memref<368x16xf32, #tpu.memory_space<vmem_shared>>) target_semaphore(%run_scoped3A : memref<!tpu.dma_semaphore, #tpu.memory_space<semaphore_mem>>)
        %dma_wait3A = arith.constant 0 : i32
        %dma_wait3A_27 = tpu.memref_slice %arg7[%add3A, %dma_wait3A] : memref<100096x16xf32, #tpu.memory_space<vmem_shared>> -> memref<368x16xf32, #tpu.memory_space<vmem_shared>>
        %dma_wait3A_28 = arith.constant 0 : i32
        %dma_wait3A_29 = tpu.memref_slice %arg7[%add3A, %dma_wait3A_28] : memref<100096x16xf32, #tpu.memory_space<vmem_shared>> -> memref<368x16xf32, #tpu.memory_space<vmem_shared>>
        tpu.wait_dma2 semaphore(%run_scoped3A : memref<!tpu.dma_semaphore, #tpu.memory_space<semaphore_mem>>) src(%arg13 : memref<368x16xf32, #tpu.memory_space<vmem>>) dst(%dma_wait3A_29 : memref<368x16xf32, #tpu.memory_space<vmem_shared>>)
        tpu.yield
      }) : () -> ()
    }
    %scan3A_5 = arith.constant 17 : i32
    %barrier3A = arith.constant 0 : index
    tpu.barrier barrier_id(%barrier3A)
    %mul3A_6 = arith.constant 50 : i32
    %mul3A_7 = arith.muli %arg1, %mul3A_6 : i32
    %scan3A_8 = arith.constant 0 : i32
    %scan3A_9 = arith.constant 0 : i32
    %scan3A_10 = arith.constant 50 : i32
    %scan3A_11 = arith.addi %scan3A_9, %scan3A_10 : i32
    %scan3A_12 = arith.constant 1 : i32
    scf.for %scan3A_21 = %scan3A_9 to %scan3A_11 step %scan3A_12  : i32 {
      %add3A = arith.addi %mul3A_7, %scan3A_21 : i32
      "tpu.region"() ({
        %run_scoped3A_139 = tpu.sem_alloc : memref<!tpu.dma_semaphore, #tpu.memory_space<semaphore_mem>>
        %dma_start3A_140 = arith.constant 0 : i32
        %dma_start3A_141 = arith.constant 0 : i32
        %dma_start3A_142 = tpu.memref_slice %arg3[%arg0, %add3A, %dma_start3A_140, %dma_start3A_141] : memref<2x800x8x128xi32, #tpu.memory_space<hbm>> -> memref<1x1x8x128xi32, #tpu.memory_space<hbm>>
        %dma_start3A_143 = tpu.memref_squeeze %dma_start3A_142 : memref<1x1x8x128xi32, #tpu.memory_space<hbm>> -> memref<8x128xi32, #tpu.memory_space<hbm>>
        %dma_start3A_144 = arith.constant 0 : i32
        %dma_start3A_145 = arith.constant 0 : i32
        %dma_start3A_146 = tpu.memref_slice %arg3[%arg0, %add3A, %dma_start3A_144, %dma_start3A_145] : memref<2x800x8x128xi32, #tpu.memory_space<hbm>> -> memref<1x1x8x128xi32, #tpu.memory_space<hbm>>
        %dma_start3A_147 = tpu.memref_squeeze %dma_start3A_146 : memref<1x1x8x128xi32, #tpu.memory_space<hbm>> -> memref<8x128xi32, #tpu.memory_space<hbm>>
        tpu.enqueue_dma source(%dma_start3A_147 : memref<8x128xi32, #tpu.memory_space<hbm>>) target(%arg12 : memref<8x128xi32, #tpu.memory_space<vmem>>) target_semaphore(%run_scoped3A_139 : memref<!tpu.dma_semaphore, #tpu.memory_space<semaphore_mem>>)
        %dma_wait3A_148 = arith.constant 0 : i32
        %dma_wait3A_149 = arith.constant 0 : i32
        %dma_wait3A_150 = tpu.memref_slice %arg3[%arg0, %add3A, %dma_wait3A_148, %dma_wait3A_149] : memref<2x800x8x128xi32, #tpu.memory_space<hbm>> -> memref<1x1x8x128xi32, #tpu.memory_space<hbm>>
        %dma_wait3A_151 = tpu.memref_squeeze %dma_wait3A_150 : memref<1x1x8x128xi32, #tpu.memory_space<hbm>> -> memref<8x128xi32, #tpu.memory_space<hbm>>
        %dma_wait3A_152 = arith.constant 0 : i32
        %dma_wait3A_153 = arith.constant 0 : i32
        %dma_wait3A_154 = tpu.memref_slice %arg3[%arg0, %add3A, %dma_wait3A_152, %dma_wait3A_153] : memref<2x800x8x128xi32, #tpu.memory_space<hbm>> -> memref<1x1x8x128xi32, #tpu.memory_space<hbm>>
        %dma_wait3A_155 = tpu.memref_squeeze %dma_wait3A_154 : memref<1x1x8x128xi32, #tpu.memory_space<hbm>> -> memref<8x128xi32, #tpu.memory_space<hbm>>
        tpu.wait_dma2 semaphore(%run_scoped3A_139 : memref<!tpu.dma_semaphore, #tpu.memory_space<semaphore_mem>>) src(%dma_wait3A_155 : memref<8x128xi32, #tpu.memory_space<hbm>>) dst(%arg12 : memref<8x128xi32, #tpu.memory_space<vmem>>)
        tpu.yield
      }) : () -> ()
      "tpu.region"() ({
        %run_scoped3A_139 = tpu.sem_alloc : memref<!tpu.dma_semaphore, #tpu.memory_space<semaphore_mem>>
        %dma_start3A_140 = arith.constant 0 : i32
        %dma_start3A_141 = arith.constant 0 : i32
        %dma_start3A_142 = tpu.memref_slice %arg4[%add3A, %dma_start3A_140, %dma_start3A_141] : memref<800x8x128xi32, #tpu.memory_space<hbm>> -> memref<1x8x128xi32, #tpu.memory_space<hbm>>
        %dma_start3A_143 = tpu.memref_squeeze %dma_start3A_142 : memref<1x8x128xi32, #tpu.memory_space<hbm>> -> memref<8x128xi32, #tpu.memory_space<hbm>>
        %dma_start3A_144 = arith.constant 0 : i32
        %dma_start3A_145 = arith.constant 0 : i32
        %dma_start3A_146 = tpu.memref_slice %arg4[%add3A, %dma_start3A_144, %dma_start3A_145] : memref<800x8x128xi32, #tpu.memory_space<hbm>> -> memref<1x8x128xi32, #tpu.memory_space<hbm>>
        %dma_start3A_147 = tpu.memref_squeeze %dma_start3A_146 : memref<1x8x128xi32, #tpu.memory_space<hbm>> -> memref<8x128xi32, #tpu.memory_space<hbm>>
        tpu.enqueue_dma source(%dma_start3A_147 : memref<8x128xi32, #tpu.memory_space<hbm>>) target(%arg8 : memref<8x128xi32, #tpu.memory_space<vmem>>) target_semaphore(%run_scoped3A_139 : memref<!tpu.dma_semaphore, #tpu.memory_space<semaphore_mem>>)
        %dma_wait3A_148 = arith.constant 0 : i32
        %dma_wait3A_149 = arith.constant 0 : i32
        %dma_wait3A_150 = tpu.memref_slice %arg4[%add3A, %dma_wait3A_148, %dma_wait3A_149] : memref<800x8x128xi32, #tpu.memory_space<hbm>> -> memref<1x8x128xi32, #tpu.memory_space<hbm>>
        %dma_wait3A_151 = tpu.memref_squeeze %dma_wait3A_150 : memref<1x8x128xi32, #tpu.memory_space<hbm>> -> memref<8x128xi32, #tpu.memory_space<hbm>>
        %dma_wait3A_152 = arith.constant 0 : i32
        %dma_wait3A_153 = arith.constant 0 : i32
        %dma_wait3A_154 = tpu.memref_slice %arg4[%add3A, %dma_wait3A_152, %dma_wait3A_153] : memref<800x8x128xi32, #tpu.memory_space<hbm>> -> memref<1x8x128xi32, #tpu.memory_space<hbm>>
        %dma_wait3A_155 = tpu.memref_squeeze %dma_wait3A_154 : memref<1x8x128xi32, #tpu.memory_space<hbm>> -> memref<8x128xi32, #tpu.memory_space<hbm>>
        tpu.wait_dma2 semaphore(%run_scoped3A_139 : memref<!tpu.dma_semaphore, #tpu.memory_space<semaphore_mem>>) src(%dma_wait3A_155 : memref<8x128xi32, #tpu.memory_space<hbm>>) dst(%arg8 : memref<8x128xi32, #tpu.memory_space<vmem>>)
        tpu.yield
      }) : () -> ()
      %dma_start3A = arith.constant 0 : i32
      %dma_start3A_22 = arith.constant 0 : i32
      %dma_start3A_23 = tpu.memref_slice %arg12[%dma_start3A, %dma_start3A_22] : memref<8x128xi32, #tpu.memory_space<vmem>> -> memref<1x128xi32, #tpu.memory_space<vmem>>
      %dma_start3A_24 = tpu.memref_squeeze %dma_start3A_23 : memref<1x128xi32, #tpu.memory_space<vmem>> -> memref<128xi32, #tpu.memory_space<vmem>>
      %dma_start3A_25 = arith.constant 0 : i32
      %dma_start3A_26 = arith.constant 0 : i32
      %dma_start3A_27 = tpu.memref_slice %arg2[%dma_start3A_25, %dma_start3A_26] : memref<100000x16xf32, #tpu.memory_space<hbm>> -> memref<100000x16xf32, #tpu.memory_space<hbm>>
      tpu.enqueue_indirect_dma source(%dma_start3A_27 : memref<100000x16xf32, #tpu.memory_space<hbm>>) target(%arg9 : memref<128x16xf32, #tpu.memory_space<vmem>>) offsets(%dma_start3A_24 : memref<128xi32, #tpu.memory_space<vmem>>) semaphore(%arg11 : memref<!tpu.dma_semaphore, #tpu.memory_space<semaphore_mem>>)
      %dma_wait3A = arith.constant 0 : i32
      %dma_wait3A_28 = arith.constant 0 : i32
      %dma_wait3A_29 = tpu.memref_slice %arg12[%dma_wait3A, %dma_wait3A_28] : memref<8x128xi32, #tpu.memory_space<vmem>> -> memref<1x128xi32, #tpu.memory_space<vmem>>
      %dma_wait3A_30 = tpu.memref_squeeze %dma_wait3A_29 : memref<1x128xi32, #tpu.memory_space<vmem>> -> memref<128xi32, #tpu.memory_space<vmem>>
      %dma_wait3A_31 = arith.constant 0 : i32
      %dma_wait3A_32 = arith.constant 0 : i32
      %dma_wait3A_33 = tpu.memref_slice %arg2[%dma_wait3A_31, %dma_wait3A_32] : memref<100000x16xf32, #tpu.memory_space<hbm>> -> memref<100000x16xf32, #tpu.memory_space<hbm>>
      tpu.wait_indirect_dma semaphore(%arg11 : memref<!tpu.dma_semaphore, #tpu.memory_space<semaphore_mem>>) src(%dma_wait3A_33 : memref<100000x16xf32, #tpu.memory_space<hbm>>) dst(%arg9 : memref<128x16xf32, #tpu.memory_space<vmem>>)
      %dma_start3A_34 = arith.constant 1 : i32
      %dma_start3A_35 = arith.constant 0 : i32
      %dma_start3A_36 = tpu.memref_slice %arg12[%dma_start3A_34, %dma_start3A_35] : memref<8x128xi32, #tpu.memory_space<vmem>> -> memref<1x128xi32, #tpu.memory_space<vmem>>
      %dma_start3A_37 = tpu.memref_squeeze %dma_start3A_36 : memref<1x128xi32, #tpu.memory_space<vmem>> -> memref<128xi32, #tpu.memory_space<vmem>>
      %dma_start3A_38 = arith.constant 0 : i32
      %dma_start3A_39 = arith.constant 0 : i32
      %dma_start3A_40 = tpu.memref_slice %arg2[%dma_start3A_38, %dma_start3A_39] : memref<100000x16xf32, #tpu.memory_space<hbm>> -> memref<100000x16xf32, #tpu.memory_space<hbm>>
      tpu.enqueue_indirect_dma source(%dma_start3A_40 : memref<100000x16xf32, #tpu.memory_space<hbm>>) target(%arg10 : memref<128x16xf32, #tpu.memory_space<vmem>>) offsets(%dma_start3A_37 : memref<128xi32, #tpu.memory_space<vmem>>) semaphore(%arg11 : memref<!tpu.dma_semaphore, #tpu.memory_space<semaphore_mem>>)
      %run_scoped3A = arith.constant 0 : i32
      "tpu.region"() ({
        %run_scoped3A_139 = tpu.sem_alloc : memref<!tpu.dma_semaphore, #tpu.memory_space<semaphore_mem>>
        %dma_start3A_140 = arith.constant 0 : i32
        %dma_start3A_141 = tpu.memref_slice %arg8[%run_scoped3A, %dma_start3A_140] : memref<8x128xi32, #tpu.memory_space<vmem>> -> memref<1x128xi32, #tpu.memory_space<vmem>>
        %dma_start3A_142 = tpu.memref_squeeze %dma_start3A_141 : memref<1x128xi32, #tpu.memory_space<vmem>> -> memref<128xi32, #tpu.memory_space<vmem>>
        %dma_start3A_143 = arith.constant 0 : i32
        %dma_start3A_144 = arith.constant 0 : i32
        %dma_start3A_145 = tpu.memref_slice %arg7[%dma_start3A_143, %dma_start3A_144] : memref<100096x16xf32, #tpu.memory_space<vmem_shared>> -> memref<100096x16xf32, #tpu.memory_space<vmem_shared>>
        tpu.enqueue_indirect_dma source(%arg9 : memref<128x16xf32, #tpu.memory_space<vmem>>) target(%dma_start3A_145 : memref<100096x16xf32, #tpu.memory_space<vmem_shared>>) offsets(%dma_start3A_142 : memref<128xi32, #tpu.memory_space<vmem>>) semaphore(%run_scoped3A_139 : memref<!tpu.dma_semaphore, #tpu.memory_space<semaphore_mem>>) {add = true}
        %dma_wait3A_146 = arith.constant 0 : i32
        %dma_wait3A_147 = tpu.memref_slice %arg8[%run_scoped3A, %dma_wait3A_146] : memref<8x128xi32, #tpu.memory_space<vmem>> -> memref<1x128xi32, #tpu.memory_space<vmem>>
        %dma_wait3A_148 = tpu.memref_squeeze %dma_wait3A_147 : memref<1x128xi32, #tpu.memory_space<vmem>> -> memref<128xi32, #tpu.memory_space<vmem>>
        %dma_wait3A_149 = arith.constant 0 : i32
        %dma_wait3A_150 = arith.constant 0 : i32
        %dma_wait3A_151 = tpu.memref_slice %arg7[%dma_wait3A_149, %dma_wait3A_150] : memref<100096x16xf32, #tpu.memory_space<vmem_shared>> -> memref<100096x16xf32, #tpu.memory_space<vmem_shared>>
        tpu.wait_indirect_dma semaphore(%run_scoped3A_139 : memref<!tpu.dma_semaphore, #tpu.memory_space<semaphore_mem>>) src(%arg9 : memref<128x16xf32, #tpu.memory_space<vmem>>) dst(%dma_wait3A_151 : memref<100096x16xf32, #tpu.memory_space<vmem_shared>>)
        tpu.yield
      }) : () -> ()
      %dma_wait3A_41 = arith.constant 1 : i32
      %dma_wait3A_42 = arith.constant 0 : i32
      %dma_wait3A_43 = tpu.memref_slice %arg12[%dma_wait3A_41, %dma_wait3A_42] : memref<8x128xi32, #tpu.memory_space<vmem>> -> memref<1x128xi32, #tpu.memory_space<vmem>>
      %dma_wait3A_44 = tpu.memref_squeeze %dma_wait3A_43 : memref<1x128xi32, #tpu.memory_space<vmem>> -> memref<128xi32, #tpu.memory_space<vmem>>
      %dma_wait3A_45 = arith.constant 0 : i32
      %dma_wait3A_46 = arith.constant 0 : i32
      %dma_wait3A_47 = tpu.memref_slice %arg2[%dma_wait3A_45, %dma_wait3A_46] : memref<100000x16xf32, #tpu.memory_space<hbm>> -> memref<100000x16xf32, #tpu.memory_space<hbm>>
      tpu.wait_indirect_dma semaphore(%arg11 : memref<!tpu.dma_semaphore, #tpu.memory_space<semaphore_mem>>) src(%dma_wait3A_47 : memref<100000x16xf32, #tpu.memory_space<hbm>>) dst(%arg10 : memref<128x16xf32, #tpu.memory_space<vmem>>)
      %dma_start3A_48 = arith.constant 2 : i32
      %dma_start3A_49 = arith.constant 0 : i32
      %dma_start3A_50 = tpu.memref_slice %arg12[%dma_start3A_48, %dma_start3A_49] : memref<8x128xi32, #tpu.memory_space<vmem>> -> memref<1x128xi32, #tpu.memory_space<vmem>>
      %dma_start3A_51 = tpu.memref_squeeze %dma_start3A_50 : memref<1x128xi32, #tpu.memory_space<vmem>> -> memref<128xi32, #tpu.memory_space<vmem>>
      %dma_start3A_52 = arith.constant 0 : i32
      %dma_start3A_53 = arith.constant 0 : i32
      %dma_start3A_54 = tpu.memref_slice %arg2[%dma_start3A_52, %dma_start3A_53] : memref<100000x16xf32, #tpu.memory_space<hbm>> -> memref<100000x16xf32, #tpu.memory_space<hbm>>
      tpu.enqueue_indirect_dma source(%dma_start3A_54 : memref<100000x16xf32, #tpu.memory_space<hbm>>) target(%arg9 : memref<128x16xf32, #tpu.memory_space<vmem>>) offsets(%dma_start3A_51 : memref<128xi32, #tpu.memory_space<vmem>>) semaphore(%arg11 : memref<!tpu.dma_semaphore, #tpu.memory_space<semaphore_mem>>)
      %run_scoped3A_55 = arith.constant 1 : i32
      "tpu.region"() ({
        %run_scoped3A_139 = tpu.sem_alloc : memref<!tpu.dma_semaphore, #tpu.memory_space<semaphore_mem>>
        %dma_start3A_140 = arith.constant 0 : i32
        %dma_start3A_141 = tpu.memref_slice %arg8[%run_scoped3A_55, %dma_start3A_140] : memref<8x128xi32, #tpu.memory_space<vmem>> -> memref<1x128xi32, #tpu.memory_space<vmem>>
        %dma_start3A_142 = tpu.memref_squeeze %dma_start3A_141 : memref<1x128xi32, #tpu.memory_space<vmem>> -> memref<128xi32, #tpu.memory_space<vmem>>
        %dma_start3A_143 = arith.constant 0 : i32
        %dma_start3A_144 = arith.constant 0 : i32
        %dma_start3A_145 = tpu.memref_slice %arg7[%dma_start3A_143, %dma_start3A_144] : memref<100096x16xf32, #tpu.memory_space<vmem_shared>> -> memref<100096x16xf32, #tpu.memory_space<vmem_shared>>
        tpu.enqueue_indirect_dma source(%arg10 : memref<128x16xf32, #tpu.memory_space<vmem>>) target(%dma_start3A_145 : memref<100096x16xf32, #tpu.memory_space<vmem_shared>>) offsets(%dma_start3A_142 : memref<128xi32, #tpu.memory_space<vmem>>) semaphore(%run_scoped3A_139 : memref<!tpu.dma_semaphore, #tpu.memory_space<semaphore_mem>>) {add = true}
        %dma_wait3A_146 = arith.constant 0 : i32
        %dma_wait3A_147 = tpu.memref_slice %arg8[%run_scoped3A_55, %dma_wait3A_146] : memref<8x128xi32, #tpu.memory_space<vmem>> -> memref<1x128xi32, #tpu.memory_space<vmem>>
        %dma_wait3A_148 = tpu.memref_squeeze %dma_wait3A_147 : memref<1x128xi32, #tpu.memory_space<vmem>> -> memref<128xi32, #tpu.memory_space<vmem>>
        %dma_wait3A_149 = arith.constant 0 : i32
        %dma_wait3A_150 = arith.constant 0 : i32
        %dma_wait3A_151 = tpu.memref_slice %arg7[%dma_wait3A_149, %dma_wait3A_150] : memref<100096x16xf32, #tpu.memory_space<vmem_shared>> -> memref<100096x16xf32, #tpu.memory_space<vmem_shared>>
        tpu.wait_indirect_dma semaphore(%run_scoped3A_139 : memref<!tpu.dma_semaphore, #tpu.memory_space<semaphore_mem>>) src(%arg10 : memref<128x16xf32, #tpu.memory_space<vmem>>) dst(%dma_wait3A_151 : memref<100096x16xf32, #tpu.memory_space<vmem_shared>>)
        tpu.yield
      }) : () -> ()
      %dma_wait3A_56 = arith.constant 2 : i32
      %dma_wait3A_57 = arith.constant 0 : i32
      %dma_wait3A_58 = tpu.memref_slice %arg12[%dma_wait3A_56, %dma_wait3A_57] : memref<8x128xi32, #tpu.memory_space<vmem>> -> memref<1x128xi32, #tpu.memory_space<vmem>>
      %dma_wait3A_59 = tpu.memref_squeeze %dma_wait3A_58 : memref<1x128xi32, #tpu.memory_space<vmem>> -> memref<128xi32, #tpu.memory_space<vmem>>
      %dma_wait3A_60 = arith.constant 0 : i32
      %dma_wait3A_61 = arith.constant 0 : i32
      %dma_wait3A_62 = tpu.memref_slice %arg2[%dma_wait3A_60, %dma_wait3A_61] : memref<100000x16xf32, #tpu.memory_space<hbm>> -> memref<100000x16xf32, #tpu.memory_space<hbm>>
      tpu.wait_indirect_dma semaphore(%arg11 : memref<!tpu.dma_semaphore, #tpu.memory_space<semaphore_mem>>) src(%dma_wait3A_62 : memref<100000x16xf32, #tpu.memory_space<hbm>>) dst(%arg9 : memref<128x16xf32, #tpu.memory_space<vmem>>)
      %dma_start3A_63 = arith.constant 3 : i32
      %dma_start3A_64 = arith.constant 0 : i32
      %dma_start3A_65 = tpu.memref_slice %arg12[%dma_start3A_63, %dma_start3A_64] : memref<8x128xi32, #tpu.memory_space<vmem>> -> memref<1x128xi32, #tpu.memory_space<vmem>>
      %dma_start3A_66 = tpu.memref_squeeze %dma_start3A_65 : memref<1x128xi32, #tpu.memory_space<vmem>> -> memref<128xi32, #tpu.memory_space<vmem>>
      %dma_start3A_67 = arith.constant 0 : i32
      %dma_start3A_68 = arith.constant 0 : i32
      %dma_start3A_69 = tpu.memref_slice %arg2[%dma_start3A_67, %dma_start3A_68] : memref<100000x16xf32, #tpu.memory_space<hbm>> -> memref<100000x16xf32, #tpu.memory_space<hbm>>
      tpu.enqueue_indirect_dma source(%dma_start3A_69 : memref<100000x16xf32, #tpu.memory_space<hbm>>) target(%arg10 : memref<128x16xf32, #tpu.memory_space<vmem>>) offsets(%dma_start3A_66 : memref<128xi32, #tpu.memory_space<vmem>>) semaphore(%arg11 : memref<!tpu.dma_semaphore, #tpu.memory_space<semaphore_mem>>)
      %run_scoped3A_70 = arith.constant 2 : i32
      "tpu.region"() ({
        %run_scoped3A_139 = tpu.sem_alloc : memref<!tpu.dma_semaphore, #tpu.memory_space<semaphore_mem>>
        %dma_start3A_140 = arith.constant 0 : i32
        %dma_start3A_141 = tpu.memref_slice %arg8[%run_scoped3A_70, %dma_start3A_140] : memref<8x128xi32, #tpu.memory_space<vmem>> -> memref<1x128xi32, #tpu.memory_space<vmem>>
        %dma_start3A_142 = tpu.memref_squeeze %dma_start3A_141 : memref<1x128xi32, #tpu.memory_space<vmem>> -> memref<128xi32, #tpu.memory_space<vmem>>
        %dma_start3A_143 = arith.constant 0 : i32
        %dma_start3A_144 = arith.constant 0 : i32
        %dma_start3A_145 = tpu.memref_slice %arg7[%dma_start3A_143, %dma_start3A_144] : memref<100096x16xf32, #tpu.memory_space<vmem_shared>> -> memref<100096x16xf32, #tpu.memory_space<vmem_shared>>
        tpu.enqueue_indirect_dma source(%arg9 : memref<128x16xf32, #tpu.memory_space<vmem>>) target(%dma_start3A_145 : memref<100096x16xf32, #tpu.memory_space<vmem_shared>>) offsets(%dma_start3A_142 : memref<128xi32, #tpu.memory_space<vmem>>) semaphore(%run_scoped3A_139 : memref<!tpu.dma_semaphore, #tpu.memory_space<semaphore_mem>>) {add = true}
        %dma_wait3A_146 = arith.constant 0 : i32
        %dma_wait3A_147 = tpu.memref_slice %arg8[%run_scoped3A_70, %dma_wait3A_146] : memref<8x128xi32, #tpu.memory_space<vmem>> -> memref<1x128xi32, #tpu.memory_space<vmem>>
        %dma_wait3A_148 = tpu.memref_squeeze %dma_wait3A_147 : memref<1x128xi32, #tpu.memory_space<vmem>> -> memref<128xi32, #tpu.memory_space<vmem>>
        %dma_wait3A_149 = arith.constant 0 : i32
        %dma_wait3A_150 = arith.constant 0 : i32
        %dma_wait3A_151 = tpu.memref_slice %arg7[%dma_wait3A_149, %dma_wait3A_150] : memref<100096x16xf32, #tpu.memory_space<vmem_shared>> -> memref<100096x16xf32, #tpu.memory_space<vmem_shared>>
        tpu.wait_indirect_dma semaphore(%run_scoped3A_139 : memref<!tpu.dma_semaphore, #tpu.memory_space<semaphore_mem>>) src(%arg9 : memref<128x16xf32, #tpu.memory_space<vmem>>) dst(%dma_wait3A_151 : memref<100096x16xf32, #tpu.memory_space<vmem_shared>>)
        tpu.yield
      }) : () -> ()
      %dma_wait3A_71 = arith.constant 3 : i32
      %dma_wait3A_72 = arith.constant 0 : i32
      %dma_wait3A_73 = tpu.memref_slice %arg12[%dma_wait3A_71, %dma_wait3A_72] : memref<8x128xi32, #tpu.memory_space<vmem>> -> memref<1x128xi32, #tpu.memory_space<vmem>>
      %dma_wait3A_74 = tpu.memref_squeeze %dma_wait3A_73 : memref<1x128xi32, #tpu.memory_space<vmem>> -> memref<128xi32, #tpu.memory_space<vmem>>
      %dma_wait3A_75 = arith.constant 0 : i32
      %dma_wait3A_76 = arith.constant 0 : i32
      %dma_wait3A_77 = tpu.memref_slice %arg2[%dma_wait3A_75, %dma_wait3A_76] : memref<100000x16xf32, #tpu.memory_space<hbm>> -> memref<100000x16xf32, #tpu.memory_space<hbm>>
      tpu.wait_indirect_dma semaphore(%arg11 : memref<!tpu.dma_semaphore, #tpu.memory_space<semaphore_mem>>) src(%dma_wait3A_77 : memref<100000x16xf32, #tpu.memory_space<hbm>>) dst(%arg10 : memref<128x16xf32, #tpu.memory_space<vmem>>)
      %dma_start3A_78 = arith.constant 4 : i32
      %dma_start3A_79 = arith.constant 0 : i32
      %dma_start3A_80 = tpu.memref_slice %arg12[%dma_start3A_78, %dma_start3A_79] : memref<8x128xi32, #tpu.memory_space<vmem>> -> memref<1x128xi32, #tpu.memory_space<vmem>>
      %dma_start3A_81 = tpu.memref_squeeze %dma_start3A_80 : memref<1x128xi32, #tpu.memory_space<vmem>> -> memref<128xi32, #tpu.memory_space<vmem>>
      %dma_start3A_82 = arith.constant 0 : i32
      %dma_start3A_83 = arith.constant 0 : i32
      %dma_start3A_84 = tpu.memref_slice %arg2[%dma_start3A_82, %dma_start3A_83] : memref<100000x16xf32, #tpu.memory_space<hbm>> -> memref<100000x16xf32, #tpu.memory_space<hbm>>
      tpu.enqueue_indirect_dma source(%dma_start3A_84 : memref<100000x16xf32, #tpu.memory_space<hbm>>) target(%arg9 : memref<128x16xf32, #tpu.memory_space<vmem>>) offsets(%dma_start3A_81 : memref<128xi32, #tpu.memory_space<vmem>>) semaphore(%arg11 : memref<!tpu.dma_semaphore, #tpu.memory_space<semaphore_mem>>)
      %run_scoped3A_85 = arith.constant 3 : i32
      "tpu.region"() ({
        %run_scoped3A_139 = tpu.sem_alloc : memref<!tpu.dma_semaphore, #tpu.memory_space<semaphore_mem>>
        %dma_start3A_140 = arith.constant 0 : i32
        %dma_start3A_141 = tpu.memref_slice %arg8[%run_scoped3A_85, %dma_start3A_140] : memref<8x128xi32, #tpu.memory_space<vmem>> -> memref<1x128xi32, #tpu.memory_space<vmem>>
        %dma_start3A_142 = tpu.memref_squeeze %dma_start3A_141 : memref<1x128xi32, #tpu.memory_space<vmem>> -> memref<128xi32, #tpu.memory_space<vmem>>
        %dma_start3A_143 = arith.constant 0 : i32
        %dma_start3A_144 = arith.constant 0 : i32
        %dma_start3A_145 = tpu.memref_slice %arg7[%dma_start3A_143, %dma_start3A_144] : memref<100096x16xf32, #tpu.memory_space<vmem_shared>> -> memref<100096x16xf32, #tpu.memory_space<vmem_shared>>
        tpu.enqueue_indirect_dma source(%arg10 : memref<128x16xf32, #tpu.memory_space<vmem>>) target(%dma_start3A_145 : memref<100096x16xf32, #tpu.memory_space<vmem_shared>>) offsets(%dma_start3A_142 : memref<128xi32, #tpu.memory_space<vmem>>) semaphore(%run_scoped3A_139 : memref<!tpu.dma_semaphore, #tpu.memory_space<semaphore_mem>>) {add = true}
        %dma_wait3A_146 = arith.constant 0 : i32
        %dma_wait3A_147 = tpu.memref_slice %arg8[%run_scoped3A_85, %dma_wait3A_146] : memref<8x128xi32, #tpu.memory_space<vmem>> -> memref<1x128xi32, #tpu.memory_space<vmem>>
        %dma_wait3A_148 = tpu.memref_squeeze %dma_wait3A_147 : memref<1x128xi32, #tpu.memory_space<vmem>> -> memref<128xi32, #tpu.memory_space<vmem>>
        %dma_wait3A_149 = arith.constant 0 : i32
        %dma_wait3A_150 = arith.constant 0 : i32
        %dma_wait3A_151 = tpu.memref_slice %arg7[%dma_wait3A_149, %dma_wait3A_150] : memref<100096x16xf32, #tpu.memory_space<vmem_shared>> -> memref<100096x16xf32, #tpu.memory_space<vmem_shared>>
        tpu.wait_indirect_dma semaphore(%run_scoped3A_139 : memref<!tpu.dma_semaphore, #tpu.memory_space<semaphore_mem>>) src(%arg10 : memref<128x16xf32, #tpu.memory_space<vmem>>) dst(%dma_wait3A_151 : memref<100096x16xf32, #tpu.memory_space<vmem_shared>>)
        tpu.yield
      }) : () -> ()
      %dma_wait3A_86 = arith.constant 4 : i32
      %dma_wait3A_87 = arith.constant 0 : i32
      %dma_wait3A_88 = tpu.memref_slice %arg12[%dma_wait3A_86, %dma_wait3A_87] : memref<8x128xi32, #tpu.memory_space<vmem>> -> memref<1x128xi32, #tpu.memory_space<vmem>>
      %dma_wait3A_89 = tpu.memref_squeeze %dma_wait3A_88 : memref<1x128xi32, #tpu.memory_space<vmem>> -> memref<128xi32, #tpu.memory_space<vmem>>
      %dma_wait3A_90 = arith.constant 0 : i32
      %dma_wait3A_91 = arith.constant 0 : i32
      %dma_wait3A_92 = tpu.memref_slice %arg2[%dma_wait3A_90, %dma_wait3A_91] : memref<100000x16xf32, #tpu.memory_space<hbm>> -> memref<100000x16xf32, #tpu.memory_space<hbm>>
      tpu.wait_indirect_dma semaphore(%arg11 : memref<!tpu.dma_semaphore, #tpu.memory_space<semaphore_mem>>) src(%dma_wait3A_92 : memref<100000x16xf32, #tpu.memory_space<hbm>>) dst(%arg9 : memref<128x16xf32, #tpu.memory_space<vmem>>)
      %dma_start3A_93 = arith.constant 5 : i32
      %dma_start3A_94 = arith.constant 0 : i32
      %dma_start3A_95 = tpu.memref_slice %arg12[%dma_start3A_93, %dma_start3A_94] : memref<8x128xi32, #tpu.memory_space<vmem>> -> memref<1x128xi32, #tpu.memory_space<vmem>>
      %dma_start3A_96 = tpu.memref_squeeze %dma_start3A_95 : memref<1x128xi32, #tpu.memory_space<vmem>> -> memref<128xi32, #tpu.memory_space<vmem>>
      %dma_start3A_97 = arith.constant 0 : i32
      %dma_start3A_98 = arith.constant 0 : i32
      %dma_start3A_99 = tpu.memref_slice %arg2[%dma_start3A_97, %dma_start3A_98] : memref<100000x16xf32, #tpu.memory_space<hbm>> -> memref<100000x16xf32, #tpu.memory_space<hbm>>
      tpu.enqueue_indirect_dma source(%dma_start3A_99 : memref<100000x16xf32, #tpu.memory_space<hbm>>) target(%arg10 : memref<128x16xf32, #tpu.memory_space<vmem>>) offsets(%dma_start3A_96 : memref<128xi32, #tpu.memory_space<vmem>>) semaphore(%arg11 : memref<!tpu.dma_semaphore, #tpu.memory_space<semaphore_mem>>)
      %run_scoped3A_100 = arith.constant 4 : i32
      "tpu.region"() ({
        %run_scoped3A_139 = tpu.sem_alloc : memref<!tpu.dma_semaphore, #tpu.memory_space<semaphore_mem>>
        %dma_start3A_140 = arith.constant 0 : i32
        %dma_start3A_141 = tpu.memref_slice %arg8[%run_scoped3A_100, %dma_start3A_140] : memref<8x128xi32, #tpu.memory_space<vmem>> -> memref<1x128xi32, #tpu.memory_space<vmem>>
        %dma_start3A_142 = tpu.memref_squeeze %dma_start3A_141 : memref<1x128xi32, #tpu.memory_space<vmem>> -> memref<128xi32, #tpu.memory_space<vmem>>
        %dma_start3A_143 = arith.constant 0 : i32
        %dma_start3A_144 = arith.constant 0 : i32
        %dma_start3A_145 = tpu.memref_slice %arg7[%dma_start3A_143, %dma_start3A_144] : memref<100096x16xf32, #tpu.memory_space<vmem_shared>> -> memref<100096x16xf32, #tpu.memory_space<vmem_shared>>
        tpu.enqueue_indirect_dma source(%arg9 : memref<128x16xf32, #tpu.memory_space<vmem>>) target(%dma_start3A_145 : memref<100096x16xf32, #tpu.memory_space<vmem_shared>>) offsets(%dma_start3A_142 : memref<128xi32, #tpu.memory_space<vmem>>) semaphore(%run_scoped3A_139 : memref<!tpu.dma_semaphore, #tpu.memory_space<semaphore_mem>>) {add = true}
        %dma_wait3A_146 = arith.constant 0 : i32
        %dma_wait3A_147 = tpu.memref_slice %arg8[%run_scoped3A_100, %dma_wait3A_146] : memref<8x128xi32, #tpu.memory_space<vmem>> -> memref<1x128xi32, #tpu.memory_space<vmem>>
        %dma_wait3A_148 = tpu.memref_squeeze %dma_wait3A_147 : memref<1x128xi32, #tpu.memory_space<vmem>> -> memref<128xi32, #tpu.memory_space<vmem>>
        %dma_wait3A_149 = arith.constant 0 : i32
        %dma_wait3A_150 = arith.constant 0 : i32
        %dma_wait3A_151 = tpu.memref_slice %arg7[%dma_wait3A_149, %dma_wait3A_150] : memref<100096x16xf32, #tpu.memory_space<vmem_shared>> -> memref<100096x16xf32, #tpu.memory_space<vmem_shared>>
        tpu.wait_indirect_dma semaphore(%run_scoped3A_139 : memref<!tpu.dma_semaphore, #tpu.memory_space<semaphore_mem>>) src(%arg9 : memref<128x16xf32, #tpu.memory_space<vmem>>) dst(%dma_wait3A_151 : memref<100096x16xf32, #tpu.memory_space<vmem_shared>>)
        tpu.yield
      }) : () -> ()
      %dma_wait3A_101 = arith.constant 5 : i32
      %dma_wait3A_102 = arith.constant 0 : i32
      %dma_wait3A_103 = tpu.memref_slice %arg12[%dma_wait3A_101, %dma_wait3A_102] : memref<8x128xi32, #tpu.memory_space<vmem>> -> memref<1x128xi32, #tpu.memory_space<vmem>>
      %dma_wait3A_104 = tpu.memref_squeeze %dma_wait3A_103 : memref<1x128xi32, #tpu.memory_space<vmem>> -> memref<128xi32, #tpu.memory_space<vmem>>
      %dma_wait3A_105 = arith.constant 0 : i32
      %dma_wait3A_106 = arith.constant 0 : i32
      %dma_wait3A_107 = tpu.memref_slice %arg2[%dma_wait3A_105, %dma_wait3A_106] : memref<100000x16xf32, #tpu.memory_space<hbm>> -> memref<100000x16xf32, #tpu.memory_space<hbm>>
      tpu.wait_indirect_dma semaphore(%arg11 : memref<!tpu.dma_semaphore, #tpu.memory_space<semaphore_mem>>) src(%dma_wait3A_107 : memref<100000x16xf32, #tpu.memory_space<hbm>>) dst(%arg10 : memref<128x16xf32, #tpu.memory_space<vmem>>)
      %dma_start3A_108 = arith.constant 6 : i32
      %dma_start3A_109 = arith.constant 0 : i32
      %dma_start3A_110 = tpu.memref_slice %arg12[%dma_start3A_108, %dma_start3A_109] : memref<8x128xi32, #tpu.memory_space<vmem>> -> memref<1x128xi32, #tpu.memory_space<vmem>>
      %dma_start3A_111 = tpu.memref_squeeze %dma_start3A_110 : memref<1x128xi32, #tpu.memory_space<vmem>> -> memref<128xi32, #tpu.memory_space<vmem>>
      %dma_start3A_112 = arith.constant 0 : i32
      %dma_start3A_113 = arith.constant 0 : i32
      %dma_start3A_114 = tpu.memref_slice %arg2[%dma_start3A_112, %dma_start3A_113] : memref<100000x16xf32, #tpu.memory_space<hbm>> -> memref<100000x16xf32, #tpu.memory_space<hbm>>
      tpu.enqueue_indirect_dma source(%dma_start3A_114 : memref<100000x16xf32, #tpu.memory_space<hbm>>) target(%arg9 : memref<128x16xf32, #tpu.memory_space<vmem>>) offsets(%dma_start3A_111 : memref<128xi32, #tpu.memory_space<vmem>>) semaphore(%arg11 : memref<!tpu.dma_semaphore, #tpu.memory_space<semaphore_mem>>)
      %run_scoped3A_115 = arith.constant 5 : i32
      "tpu.region"() ({
        %run_scoped3A_139 = tpu.sem_alloc : memref<!tpu.dma_semaphore, #tpu.memory_space<semaphore_mem>>
        %dma_start3A_140 = arith.constant 0 : i32
        %dma_start3A_141 = tpu.memref_slice %arg8[%run_scoped3A_115, %dma_start3A_140] : memref<8x128xi32, #tpu.memory_space<vmem>> -> memref<1x128xi32, #tpu.memory_space<vmem>>
        %dma_start3A_142 = tpu.memref_squeeze %dma_start3A_141 : memref<1x128xi32, #tpu.memory_space<vmem>> -> memref<128xi32, #tpu.memory_space<vmem>>
        %dma_start3A_143 = arith.constant 0 : i32
        %dma_start3A_144 = arith.constant 0 : i32
        %dma_start3A_145 = tpu.memref_slice %arg7[%dma_start3A_143, %dma_start3A_144] : memref<100096x16xf32, #tpu.memory_space<vmem_shared>> -> memref<100096x16xf32, #tpu.memory_space<vmem_shared>>
        tpu.enqueue_indirect_dma source(%arg10 : memref<128x16xf32, #tpu.memory_space<vmem>>) target(%dma_start3A_145 : memref<100096x16xf32, #tpu.memory_space<vmem_shared>>) offsets(%dma_start3A_142 : memref<128xi32, #tpu.memory_space<vmem>>) semaphore(%run_scoped3A_139 : memref<!tpu.dma_semaphore, #tpu.memory_space<semaphore_mem>>) {add = true}
        %dma_wait3A_146 = arith.constant 0 : i32
        %dma_wait3A_147 = tpu.memref_slice %arg8[%run_scoped3A_115, %dma_wait3A_146] : memref<8x128xi32, #tpu.memory_space<vmem>> -> memref<1x128xi32, #tpu.memory_space<vmem>>
        %dma_wait3A_148 = tpu.memref_squeeze %dma_wait3A_147 : memref<1x128xi32, #tpu.memory_space<vmem>> -> memref<128xi32, #tpu.memory_space<vmem>>
        %dma_wait3A_149 = arith.constant 0 : i32
        %dma_wait3A_150 = arith.constant 0 : i32
        %dma_wait3A_151 = tpu.memref_slice %arg7[%dma_wait3A_149, %dma_wait3A_150] : memref<100096x16xf32, #tpu.memory_space<vmem_shared>> -> memref<100096x16xf32, #tpu.memory_space<vmem_shared>>
        tpu.wait_indirect_dma semaphore(%run_scoped3A_139 : memref<!tpu.dma_semaphore, #tpu.memory_space<semaphore_mem>>) src(%arg10 : memref<128x16xf32, #tpu.memory_space<vmem>>) dst(%dma_wait3A_151 : memref<100096x16xf32, #tpu.memory_space<vmem_shared>>)
        tpu.yield
      }) : () -> ()
      %dma_wait3A_116 = arith.constant 6 : i32
      %dma_wait3A_117 = arith.constant 0 : i32
      %dma_wait3A_118 = tpu.memref_slice %arg12[%dma_wait3A_116, %dma_wait3A_117] : memref<8x128xi32, #tpu.memory_space<vmem>> -> memref<1x128xi32, #tpu.memory_space<vmem>>
      %dma_wait3A_119 = tpu.memref_squeeze %dma_wait3A_118 : memref<1x128xi32, #tpu.memory_space<vmem>> -> memref<128xi32, #tpu.memory_space<vmem>>
      %dma_wait3A_120 = arith.constant 0 : i32
      %dma_wait3A_121 = arith.constant 0 : i32
      %dma_wait3A_122 = tpu.memref_slice %arg2[%dma_wait3A_120, %dma_wait3A_121] : memref<100000x16xf32, #tpu.memory_space<hbm>> -> memref<100000x16xf32, #tpu.memory_space<hbm>>
      tpu.wait_indirect_dma semaphore(%arg11 : memref<!tpu.dma_semaphore, #tpu.memory_space<semaphore_mem>>) src(%dma_wait3A_122 : memref<100000x16xf32, #tpu.memory_space<hbm>>) dst(%arg9 : memref<128x16xf32, #tpu.memory_space<vmem>>)
      %dma_start3A_123 = arith.constant 7 : i32
      %dma_start3A_124 = arith.constant 0 : i32
      %dma_start3A_125 = tpu.memref_slice %arg12[%dma_start3A_123, %dma_start3A_124] : memref<8x128xi32, #tpu.memory_space<vmem>> -> memref<1x128xi32, #tpu.memory_space<vmem>>
      %dma_start3A_126 = tpu.memref_squeeze %dma_start3A_125 : memref<1x128xi32, #tpu.memory_space<vmem>> -> memref<128xi32, #tpu.memory_space<vmem>>
      %dma_start3A_127 = arith.constant 0 : i32
      %dma_start3A_128 = arith.constant 0 : i32
      %dma_start3A_129 = tpu.memref_slice %arg2[%dma_start3A_127, %dma_start3A_128] : memref<100000x16xf32, #tpu.memory_space<hbm>> -> memref<100000x16xf32, #tpu.memory_space<hbm>>
      tpu.enqueue_indirect_dma source(%dma_start3A_129 : memref<100000x16xf32, #tpu.memory_space<hbm>>) target(%arg10 : memref<128x16xf32, #tpu.memory_space<vmem>>) offsets(%dma_start3A_126 : memref<128xi32, #tpu.memory_space<vmem>>) semaphore(%arg11 : memref<!tpu.dma_semaphore, #tpu.memory_space<semaphore_mem>>)
      %run_scoped3A_130 = arith.constant 6 : i32
      "tpu.region"() ({
        %run_scoped3A_139 = tpu.sem_alloc : memref<!tpu.dma_semaphore, #tpu.memory_space<semaphore_mem>>
        %dma_start3A_140 = arith.constant 0 : i32
        %dma_start3A_141 = tpu.memref_slice %arg8[%run_scoped3A_130, %dma_start3A_140] : memref<8x128xi32, #tpu.memory_space<vmem>> -> memref<1x128xi32, #tpu.memory_space<vmem>>
        %dma_start3A_142 = tpu.memref_squeeze %dma_start3A_141 : memref<1x128xi32, #tpu.memory_space<vmem>> -> memref<128xi32, #tpu.memory_space<vmem>>
        %dma_start3A_143 = arith.constant 0 : i32
        %dma_start3A_144 = arith.constant 0 : i32
        %dma_start3A_145 = tpu.memref_slice %arg7[%dma_start3A_143, %dma_start3A_144] : memref<100096x16xf32, #tpu.memory_space<vmem_shared>> -> memref<100096x16xf32, #tpu.memory_space<vmem_shared>>
        tpu.enqueue_indirect_dma source(%arg9 : memref<128x16xf32, #tpu.memory_space<vmem>>) target(%dma_start3A_145 : memref<100096x16xf32, #tpu.memory_space<vmem_shared>>) offsets(%dma_start3A_142 : memref<128xi32, #tpu.memory_space<vmem>>) semaphore(%run_scoped3A_139 : memref<!tpu.dma_semaphore, #tpu.memory_space<semaphore_mem>>) {add = true}
        %dma_wait3A_146 = arith.constant 0 : i32
        %dma_wait3A_147 = tpu.memref_slice %arg8[%run_scoped3A_130, %dma_wait3A_146] : memref<8x128xi32, #tpu.memory_space<vmem>> -> memref<1x128xi32, #tpu.memory_space<vmem>>
        %dma_wait3A_148 = tpu.memref_squeeze %dma_wait3A_147 : memref<1x128xi32, #tpu.memory_space<vmem>> -> memref<128xi32, #tpu.memory_space<vmem>>
        %dma_wait3A_149 = arith.constant 0 : i32
        %dma_wait3A_150 = arith.constant 0 : i32
        %dma_wait3A_151 = tpu.memref_slice %arg7[%dma_wait3A_149, %dma_wait3A_150] : memref<100096x16xf32, #tpu.memory_space<vmem_shared>> -> memref<100096x16xf32, #tpu.memory_space<vmem_shared>>
        tpu.wait_indirect_dma semaphore(%run_scoped3A_139 : memref<!tpu.dma_semaphore, #tpu.memory_space<semaphore_mem>>) src(%arg9 : memref<128x16xf32, #tpu.memory_space<vmem>>) dst(%dma_wait3A_151 : memref<100096x16xf32, #tpu.memory_space<vmem_shared>>)
        tpu.yield
      }) : () -> ()
      %dma_wait3A_131 = arith.constant 7 : i32
      %dma_wait3A_132 = arith.constant 0 : i32
      %dma_wait3A_133 = tpu.memref_slice %arg12[%dma_wait3A_131, %dma_wait3A_132] : memref<8x128xi32, #tpu.memory_space<vmem>> -> memref<1x128xi32, #tpu.memory_space<vmem>>
      %dma_wait3A_134 = tpu.memref_squeeze %dma_wait3A_133 : memref<1x128xi32, #tpu.memory_space<vmem>> -> memref<128xi32, #tpu.memory_space<vmem>>
      %dma_wait3A_135 = arith.constant 0 : i32
      %dma_wait3A_136 = arith.constant 0 : i32
      %dma_wait3A_137 = tpu.memref_slice %arg2[%dma_wait3A_135, %dma_wait3A_136] : memref<100000x16xf32, #tpu.memory_space<hbm>> -> memref<100000x16xf32, #tpu.memory_space<hbm>>
      tpu.wait_indirect_dma semaphore(%arg11 : memref<!tpu.dma_semaphore, #tpu.memory_space<semaphore_mem>>) src(%dma_wait3A_137 : memref<100000x16xf32, #tpu.memory_space<hbm>>) dst(%arg10 : memref<128x16xf32, #tpu.memory_space<vmem>>)
      %run_scoped3A_138 = arith.constant 7 : i32
      "tpu.region"() ({
        %run_scoped3A_139 = tpu.sem_alloc : memref<!tpu.dma_semaphore, #tpu.memory_space<semaphore_mem>>
        %dma_start3A_140 = arith.constant 0 : i32
        %dma_start3A_141 = tpu.memref_slice %arg8[%run_scoped3A_138, %dma_start3A_140] : memref<8x128xi32, #tpu.memory_space<vmem>> -> memref<1x128xi32, #tpu.memory_space<vmem>>
        %dma_start3A_142 = tpu.memref_squeeze %dma_start3A_141 : memref<1x128xi32, #tpu.memory_space<vmem>> -> memref<128xi32, #tpu.memory_space<vmem>>
        %dma_start3A_143 = arith.constant 0 : i32
        %dma_start3A_144 = arith.constant 0 : i32
        %dma_start3A_145 = tpu.memref_slice %arg7[%dma_start3A_143, %dma_start3A_144] : memref<100096x16xf32, #tpu.memory_space<vmem_shared>> -> memref<100096x16xf32, #tpu.memory_space<vmem_shared>>
        tpu.enqueue_indirect_dma source(%arg10 : memref<128x16xf32, #tpu.memory_space<vmem>>) target(%dma_start3A_145 : memref<100096x16xf32, #tpu.memory_space<vmem_shared>>) offsets(%dma_start3A_142 : memref<128xi32, #tpu.memory_space<vmem>>) semaphore(%run_scoped3A_139 : memref<!tpu.dma_semaphore, #tpu.memory_space<semaphore_mem>>) {add = true}
        %dma_wait3A_146 = arith.constant 0 : i32
        %dma_wait3A_147 = tpu.memref_slice %arg8[%run_scoped3A_138, %dma_wait3A_146] : memref<8x128xi32, #tpu.memory_space<vmem>> -> memref<1x128xi32, #tpu.memory_space<vmem>>
        %dma_wait3A_148 = tpu.memref_squeeze %dma_wait3A_147 : memref<1x128xi32, #tpu.memory_space<vmem>> -> memref<128xi32, #tpu.memory_space<vmem>>
        %dma_wait3A_149 = arith.constant 0 : i32
        %dma_wait3A_150 = arith.constant 0 : i32
        %dma_wait3A_151 = tpu.memref_slice %arg7[%dma_wait3A_149, %dma_wait3A_150] : memref<100096x16xf32, #tpu.memory_space<vmem_shared>> -> memref<100096x16xf32, #tpu.memory_space<vmem_shared>>
        tpu.wait_indirect_dma semaphore(%run_scoped3A_139 : memref<!tpu.dma_semaphore, #tpu.memory_space<semaphore_mem>>) src(%arg10 : memref<128x16xf32, #tpu.memory_space<vmem>>) dst(%dma_wait3A_151 : memref<100096x16xf32, #tpu.memory_space<vmem_shared>>)
        tpu.yield
      }) : () -> ()
    }
    %scan3A_13 = arith.constant 50 : i32
    %barrier3A_14 = arith.constant 0 : index
    tpu.barrier barrier_id(%barrier3A_14)
    %scan3A_15 = arith.constant 0 : i32
    %scan3A_16 = arith.constant 0 : i32
    %scan3A_17 = arith.constant 17 : i32
    %scan3A_18 = arith.addi %scan3A_16, %scan3A_17 : i32
    %scan3A_19 = arith.constant 1 : i32
    scf.for %scan3A_21 = %scan3A_16 to %scan3A_18 step %scan3A_19  : i32 {
      %mul3A_22 = arith.constant 368 : i32
      %mul3A_23 = arith.muli %scan3A_21, %mul3A_22 : i32
      %add3A = arith.addi %mul3A_0, %mul3A_23 : i32
      "tpu.region"() ({
        %run_scoped3A = tpu.sem_alloc : memref<!tpu.dma_semaphore, #tpu.memory_space<semaphore_mem>>
        %dma_start3A = arith.constant 0 : i32
        %dma_start3A_24 = tpu.memref_slice %arg7[%add3A, %dma_start3A] : memref<100096x16xf32, #tpu.memory_space<vmem_shared>> -> memref<368x16xf32, #tpu.memory_space<vmem_shared>>
        %dma_start3A_25 = arith.constant 0 : i32
        %dma_start3A_26 = tpu.memref_slice %arg7[%add3A, %dma_start3A_25] : memref<100096x16xf32, #tpu.memory_space<vmem_shared>> -> memref<368x16xf32, #tpu.memory_space<vmem_shared>>
        tpu.enqueue_dma source(%dma_start3A_26 : memref<368x16xf32, #tpu.memory_space<vmem_shared>>) target(%arg13 : memref<368x16xf32, #tpu.memory_space<vmem>>) target_semaphore(%run_scoped3A : memref<!tpu.dma_semaphore, #tpu.memory_space<semaphore_mem>>)
        %dma_wait3A = arith.constant 0 : i32
        %dma_wait3A_27 = tpu.memref_slice %arg7[%add3A, %dma_wait3A] : memref<100096x16xf32, #tpu.memory_space<vmem_shared>> -> memref<368x16xf32, #tpu.memory_space<vmem_shared>>
        %dma_wait3A_28 = arith.constant 0 : i32
        %dma_wait3A_29 = tpu.memref_slice %arg7[%add3A, %dma_wait3A_28] : memref<100096x16xf32, #tpu.memory_space<vmem_shared>> -> memref<368x16xf32, #tpu.memory_space<vmem_shared>>
        tpu.wait_dma2 semaphore(%run_scoped3A : memref<!tpu.dma_semaphore, #tpu.memory_space<semaphore_mem>>) src(%dma_wait3A_29 : memref<368x16xf32, #tpu.memory_space<vmem_shared>>) dst(%arg13 : memref<368x16xf32, #tpu.memory_space<vmem>>)
        tpu.yield
      }) : () -> ()
      "tpu.region"() ({
        %run_scoped3A = tpu.sem_alloc : memref<!tpu.dma_semaphore, #tpu.memory_space<semaphore_mem>>
        %dma_start3A = arith.constant 0 : i32
        %dma_start3A_24 = tpu.memref_slice %arg6[%arg0, %add3A, %dma_start3A] : memref<2x100096x16xf32, #tpu.memory_space<hbm>> -> memref<1x368x16xf32, #tpu.memory_space<hbm>>
        %dma_start3A_25 = tpu.memref_squeeze %dma_start3A_24 : memref<1x368x16xf32, #tpu.memory_space<hbm>> -> memref<368x16xf32, #tpu.memory_space<hbm>>
        %dma_start3A_26 = arith.constant 0 : i32
        %dma_start3A_27 = tpu.memref_slice %arg6[%arg0, %add3A, %dma_start3A_26] : memref<2x100096x16xf32, #tpu.memory_space<hbm>> -> memref<1x368x16xf32, #tpu.memory_space<hbm>>
        %dma_start3A_28 = tpu.memref_squeeze %dma_start3A_27 : memref<1x368x16xf32, #tpu.memory_space<hbm>> -> memref<368x16xf32, #tpu.memory_space<hbm>>
        tpu.enqueue_dma source(%arg13 : memref<368x16xf32, #tpu.memory_space<vmem>>) target(%dma_start3A_28 : memref<368x16xf32, #tpu.memory_space<hbm>>) target_semaphore(%run_scoped3A : memref<!tpu.dma_semaphore, #tpu.memory_space<semaphore_mem>>)
        %dma_wait3A = arith.constant 0 : i32
        %dma_wait3A_29 = tpu.memref_slice %arg6[%arg0, %add3A, %dma_wait3A] : memref<2x100096x16xf32, #tpu.memory_space<hbm>> -> memref<1x368x16xf32, #tpu.memory_space<hbm>>
        %dma_wait3A_30 = tpu.memref_squeeze %dma_wait3A_29 : memref<1x368x16xf32, #tpu.memory_space<hbm>> -> memref<368x16xf32, #tpu.memory_space<hbm>>
        %dma_wait3A_31 = arith.constant 0 : i32
        %dma_wait3A_32 = tpu.memref_slice %arg6[%arg0, %add3A, %dma_wait3A_31] : memref<2x100096x16xf32, #tpu.memory_space<hbm>> -> memref<1x368x16xf32, #tpu.memory_space<hbm>>
        %dma_wait3A_33 = tpu.memref_squeeze %dma_wait3A_32 : memref<1x368x16xf32, #tpu.memory_space<hbm>> -> memref<368x16xf32, #tpu.memory_space<hbm>>
        tpu.wait_dma2 semaphore(%run_scoped3A : memref<!tpu.dma_semaphore, #tpu.memory_space<semaphore_mem>>) src(%arg13 : memref<368x16xf32, #tpu.memory_space<vmem>>) dst(%dma_wait3A_33 : memref<368x16xf32, #tpu.memory_space<hbm>>)
        tpu.yield
      }) : () -> ()
    }
    %scan3A_20 = arith.constant 17 : i32
    return
  }
}

module attributes {stable_mosaic.version = 14 : i64} {
  func.func @_encode_body(%arg0: i32, %arg1: memref<1000x128xf32, #tpu.memory_space<vmem>>, %arg2: memref<128x16xf32, #tpu.memory_space<vmem>>, %arg3: memref<1x16xf32, #tpu.memory_space<vmem>>, %arg4: memref<128x16xf32, #tpu.memory_space<vmem>>, %arg5: memref<1x16xf32, #tpu.memory_space<vmem>>, %arg6: memref<1000x16xf32, #tpu.memory_space<vmem>>) attributes {dimension_semantics = [#tpu.dimension_semantics<arbitrary>], iteration_bounds = array<i64: 50>, scalar_prefetch = 0 : i64, scratch_operands = 0 : i64, tpu.core_type = #tpu.core_type<tc>, window_params = [{transform_indices = @transform_0, window_bounds = array<i64: 1000, 128>}, {pipeline_mode = #tpu.pipeline_mode<synchronous>, transform_indices = @transform_1, window_bounds = array<i64: 128, 16>}, {pipeline_mode = #tpu.pipeline_mode<synchronous>, transform_indices = @transform_2, window_bounds = array<i64: 1, 16>}, {pipeline_mode = #tpu.pipeline_mode<synchronous>, transform_indices = @transform_3, window_bounds = array<i64: 128, 16>}, {pipeline_mode = #tpu.pipeline_mode<synchronous>, transform_indices = @transform_4, window_bounds = array<i64: 1, 16>}, {transform_indices = @transform_5, window_bounds = array<i64: 1000, 16>}]} {
    %lt3A = arith.constant 45 : i32
    %lt3A_0 = arith.cmpi slt, %arg0, %lt3A : i32
    %get3A = arith.constant 0 : index
    %get3A_1 = arith.constant 0 : index
    %get3A_2 = vector.load %arg2[%get3A, %get3A_1] : memref<128x16xf32, #tpu.memory_space<vmem>>, vector<128x16xf32>
    %get3A_3 = arith.constant 0 : index
    %get3A_4 = arith.constant 0 : index
    %get3A_5 = vector.load %arg4[%get3A_3, %get3A_4] : memref<128x16xf32, #tpu.memory_space<vmem>>, vector<128x16xf32>
    %select_n3A = arith.select %lt3A_0, %get3A_2, %get3A_5 : vector<128x16xf32>
    %get3A_6 = arith.constant 0 : index
    %get3A_7 = arith.constant 0 : index
    %get3A_8 = vector.load %arg3[%get3A_6, %get3A_7] : memref<1x16xf32, #tpu.memory_space<vmem>>, vector<1x16xf32>
    %get3A_9 = arith.constant 0 : index
    %get3A_10 = arith.constant 0 : index
    %get3A_11 = vector.load %arg5[%get3A_9, %get3A_10] : memref<1x16xf32, #tpu.memory_space<vmem>>, vector<1x16xf32>
    %select_n3A_12 = arith.select %lt3A_0, %get3A_8, %get3A_11 : vector<1x16xf32>
    %get3A_13 = arith.constant 0 : index
    %get3A_14 = arith.constant 0 : index
    %get3A_15 = vector.load %arg1[%get3A_13, %get3A_14] : memref<1000x128xf32, #tpu.memory_space<vmem>>, vector<1000x128xf32>
    %dot_general3A = arith.constant dense<0.000000e+00> : vector<1000x16xf32>
    %dot_general3A_16 = tpu.matmul %get3A_15, %select_n3A, %dot_general3A {dimension_numbers = #tpu.dot_dimension_numbers<[1], [0], [0], [1], [0, 0, 1, 1], [], []>, transpose_lhs_hint = false} : vector<1000x128xf32>, vector<128x16xf32>, vector<1000x16xf32> -> vector<1000x16xf32>
    %add3A = vector.broadcast %select_n3A_12 : vector<1x16xf32> to vector<1000x16xf32>
    %add3A_17 = arith.addf %dot_general3A_16, %add3A : vector<1000x16xf32>
    %swap3A = arith.constant 0 : index
    %swap3A_18 = arith.constant 0 : index
    %swap3A_19 = vector.load %arg6[%swap3A, %swap3A_18] : memref<1000x16xf32, #tpu.memory_space<vmem>>, vector<1000x16xf32>
    tpu.vector_store %arg6[%swap3A, %swap3A_18], %add3A_17 {strides = array<i32>} : memref<1000x16xf32, #tpu.memory_space<vmem>>, vector<1000x16xf32>,
    return
  }
  func.func @transform_0(%arg0: i32) -> (i32, i32) {
    %c0_i32 = arith.constant 0 : i32
    %c0_i32_0 = arith.constant 0 : i32
    return %arg0, %c0_i32 : i32, i32
  }
  func.func @transform_1(%arg0: i32) -> (i32, i32) {
    %c0_i32 = arith.constant 0 : i32
    %c0_i32_0 = arith.constant 0 : i32
    %c0_i32_1 = arith.constant 0 : i32
    return %c0_i32, %c0_i32_0 : i32, i32
  }
  func.func @transform_2(%arg0: i32) -> (i32, i32) {
    %c0_i32 = arith.constant 0 : i32
    %c0_i32_0 = arith.constant 0 : i32
    %c0_i32_1 = arith.constant 0 : i32
    return %c0_i32, %c0_i32_0 : i32, i32
  }
  func.func @transform_3(%arg0: i32) -> (i32, i32) {
    %c0_i32 = arith.constant 0 : i32
    %c0_i32_0 = arith.constant 0 : i32
    %c0_i32_1 = arith.constant 0 : i32
    return %c0_i32, %c0_i32_0 : i32, i32
  }
  func.func @transform_4(%arg0: i32) -> (i32, i32) {
    %c0_i32 = arith.constant 0 : i32
    %c0_i32_0 = arith.constant 0 : i32
    %c0_i32_1 = arith.constant 0 : i32
    return %c0_i32, %c0_i32_0 : i32, i32
  }
  func.func @transform_5(%arg0: i32) -> (i32, i32) {
    %c0_i32 = arith.constant 0 : i32
    %c0_i32_0 = arith.constant 0 : i32
    return %arg0, %c0_i32 : i32, i32
  }
}

module attributes {stable_mosaic.version = 14 : i64} {
  func.func @body(%arg0: i32, %arg1: memref<2000x16xf32, #tpu.memory_space<vmem>>, %arg2: memref<1x2000x16xf32, #tpu.memory_space<vmem>>, %arg3: memref<1x2000x16xf32, #tpu.memory_space<vmem>>, %arg4: memref<1x2000x16xf32, #tpu.memory_space<vmem>>, %arg5: memref<1x2000x16xf32, #tpu.memory_space<vmem>>, %arg6: memref<2000x1xf32, #tpu.memory_space<vmem>>, %arg7: memref<2000x1xf32, #tpu.memory_space<vmem>>, %arg8: memref<2000x1xf32, #tpu.memory_space<vmem>>, %arg9: memref<2000x1xf32, #tpu.memory_space<vmem>>, %arg10: memref<2x4xf32, #tpu.memory_space<smem>>, %arg11: memref<4x16x32xf32, #tpu.memory_space<vmem>>, %arg12: memref<16x32xf32, #tpu.memory_space<vmem>>, %arg13: memref<1x32xf32, #tpu.memory_space<vmem>>, %arg14: memref<2000x32xf32, #tpu.memory_space<vmem>>) attributes {dimension_semantics = [#tpu.dimension_semantics<arbitrary>], iteration_bounds = array<i64: 25>, scalar_prefetch = 0 : i64, scratch_operands = 0 : i64, tpu.core_type = #tpu.core_type<tc>, window_params = [{transform_indices = @transform_0, window_bounds = array<i64: 2000, 16>}, {transform_indices = @transform_1, window_bounds = array<i64: 1, 2000, 16>}, {transform_indices = @transform_2, window_bounds = array<i64: 1, 2000, 16>}, {transform_indices = @transform_3, window_bounds = array<i64: 1, 2000, 16>}, {transform_indices = @transform_4, window_bounds = array<i64: 1, 2000, 16>}, {transform_indices = @transform_5, window_bounds = array<i64: 2000, 1>}, {transform_indices = @transform_6, window_bounds = array<i64: 2000, 1>}, {transform_indices = @transform_7, window_bounds = array<i64: 2000, 1>}, {transform_indices = @transform_8, window_bounds = array<i64: 2000, 1>}, {transform_indices = @transform_9, window_bounds = array<i64: 2, 4>}, {pipeline_mode = #tpu.pipeline_mode<synchronous>, transform_indices = @transform_10, window_bounds = array<i64: 4, 16, 32>}, {pipeline_mode = #tpu.pipeline_mode<synchronous>, transform_indices = @transform_11, window_bounds = array<i64: 16, 32>}, {pipeline_mode = #tpu.pipeline_mode<synchronous>, transform_indices = @transform_12, window_bounds = array<i64: 1, 32>}, {transform_indices = @transform_13, window_bounds = array<i64: 2000, 32>}]} {
    %get3A = arith.constant 0 : index
    %get3A_0 = arith.constant 0 : index
    %get3A_1 = vector.load %arg1[%get3A, %get3A_0] : memref<2000x16xf32, #tpu.memory_space<vmem>>, vector<2000x16xf32>
    %get3A_2 = arith.constant 0 : index
    %get3A_3 = arith.constant 0 : index
    %get3A_4 = arith.constant 0 : index
    %get3A_5 = vector.load %arg11[%get3A_2, %get3A_3, %get3A_4] : memref<4x16x32xf32, #tpu.memory_space<vmem>>, vector<4x16x32xf32>
    %get3A_6 = arith.constant 0 : index
    %get3A_7 = arith.constant 0 : index
    %get3A_8 = memref.load %arg10[%get3A_6, %get3A_7] : memref<2x4xf32, #tpu.memory_space<smem>>
    %slice3A = vector.extract_strided_slice %get3A_5 {offsets = [0, 0, 0], sizes = [1, 16, 32], strides = [1, 1, 1]} : vector<4x16x32xf32> to vector<1x16x32xf32>
    %squeeze3A = vector.shape_cast %slice3A : vector<1x16x32xf32> to vector<16x32xf32>
    %mul3A = vector.broadcast %get3A_8 : f32 to vector<16x32xf32>
    %mul3A_9 = arith.mulf %mul3A, %squeeze3A : vector<16x32xf32>
    %add3A = arith.constant 0.000000e+00 : f32
    %add3A_10 = vector.broadcast %add3A : f32 to vector<16x32xf32>
    %add3A_11 = arith.addf %add3A_10, %mul3A_9 : vector<16x32xf32>
    %get3A_12 = arith.constant 0 : index
    %get3A_13 = arith.constant 1 : index
    %get3A_14 = memref.load %arg10[%get3A_12, %get3A_13] : memref<2x4xf32, #tpu.memory_space<smem>>
    %slice3A_15 = vector.extract_strided_slice %get3A_5 {offsets = [1, 0, 0], sizes = [1, 16, 32], strides = [1, 1, 1]} : vector<4x16x32xf32> to vector<1x16x32xf32>
    %squeeze3A_16 = vector.shape_cast %slice3A_15 : vector<1x16x32xf32> to vector<16x32xf32>
    %mul3A_17 = vector.broadcast %get3A_14 : f32 to vector<16x32xf32>
    %mul3A_18 = arith.mulf %mul3A_17, %squeeze3A_16 : vector<16x32xf32>
    %add3A_19 = arith.addf %add3A_11, %mul3A_18 : vector<16x32xf32>
    %get3A_20 = arith.constant 0 : index
    %get3A_21 = arith.constant 2 : index
    %get3A_22 = memref.load %arg10[%get3A_20, %get3A_21] : memref<2x4xf32, #tpu.memory_space<smem>>
    %slice3A_23 = vector.extract_strided_slice %get3A_5 {offsets = [2, 0, 0], sizes = [1, 16, 32], strides = [1, 1, 1]} : vector<4x16x32xf32> to vector<1x16x32xf32>
    %squeeze3A_24 = vector.shape_cast %slice3A_23 : vector<1x16x32xf32> to vector<16x32xf32>
    %mul3A_25 = vector.broadcast %get3A_22 : f32 to vector<16x32xf32>
    %mul3A_26 = arith.mulf %mul3A_25, %squeeze3A_24 : vector<16x32xf32>
    %add3A_27 = arith.addf %add3A_19, %mul3A_26 : vector<16x32xf32>
    %get3A_28 = arith.constant 0 : index
    %get3A_29 = arith.constant 3 : index
    %get3A_30 = memref.load %arg10[%get3A_28, %get3A_29] : memref<2x4xf32, #tpu.memory_space<smem>>
    %slice3A_31 = vector.extract_strided_slice %get3A_5 {offsets = [3, 0, 0], sizes = [1, 16, 32], strides = [1, 1, 1]} : vector<4x16x32xf32> to vector<1x16x32xf32>
    %squeeze3A_32 = vector.shape_cast %slice3A_31 : vector<1x16x32xf32> to vector<16x32xf32>
    %mul3A_33 = vector.broadcast %get3A_30 : f32 to vector<16x32xf32>
    %mul3A_34 = arith.mulf %mul3A_33, %squeeze3A_32 : vector<16x32xf32>
    %add3A_35 = arith.addf %add3A_27, %mul3A_34 : vector<16x32xf32>
    %get3A_36 = arith.constant 1 : index
    %get3A_37 = arith.constant 0 : index
    %get3A_38 = memref.load %arg10[%get3A_36, %get3A_37] : memref<2x4xf32, #tpu.memory_space<smem>>
    %slice3A_39 = vector.extract_strided_slice %get3A_5 {offsets = [0, 0, 0], sizes = [1, 16, 32], strides = [1, 1, 1]} : vector<4x16x32xf32> to vector<1x16x32xf32>
    %squeeze3A_40 = vector.shape_cast %slice3A_39 : vector<1x16x32xf32> to vector<16x32xf32>
    %mul3A_41 = vector.broadcast %get3A_38 : f32 to vector<16x32xf32>
    %mul3A_42 = arith.mulf %mul3A_41, %squeeze3A_40 : vector<16x32xf32>
    %add3A_43 = arith.constant 0.000000e+00 : f32
    %add3A_44 = vector.broadcast %add3A_43 : f32 to vector<16x32xf32>
    %add3A_45 = arith.addf %add3A_44, %mul3A_42 : vector<16x32xf32>
    %get3A_46 = arith.constant 1 : index
    %get3A_47 = arith.constant 1 : index
    %get3A_48 = memref.load %arg10[%get3A_46, %get3A_47] : memref<2x4xf32, #tpu.memory_space<smem>>
    %slice3A_49 = vector.extract_strided_slice %get3A_5 {offsets = [1, 0, 0], sizes = [1, 16, 32], strides = [1, 1, 1]} : vector<4x16x32xf32> to vector<1x16x32xf32>
    %squeeze3A_50 = vector.shape_cast %slice3A_49 : vector<1x16x32xf32> to vector<16x32xf32>
    %mul3A_51 = vector.broadcast %get3A_48 : f32 to vector<16x32xf32>
    %mul3A_52 = arith.mulf %mul3A_51, %squeeze3A_50 : vector<16x32xf32>
    %add3A_53 = arith.addf %add3A_45, %mul3A_52 : vector<16x32xf32>
    %get3A_54 = arith.constant 1 : index
    %get3A_55 = arith.constant 2 : index
    %get3A_56 = memref.load %arg10[%get3A_54, %get3A_55] : memref<2x4xf32, #tpu.memory_space<smem>>
    %slice3A_57 = vector.extract_strided_slice %get3A_5 {offsets = [2, 0, 0], sizes = [1, 16, 32], strides = [1, 1, 1]} : vector<4x16x32xf32> to vector<1x16x32xf32>
    %squeeze3A_58 = vector.shape_cast %slice3A_57 : vector<1x16x32xf32> to vector<16x32xf32>
    %mul3A_59 = vector.broadcast %get3A_56 : f32 to vector<16x32xf32>
    %mul3A_60 = arith.mulf %mul3A_59, %squeeze3A_58 : vector<16x32xf32>
    %add3A_61 = arith.addf %add3A_53, %mul3A_60 : vector<16x32xf32>
    %get3A_62 = arith.constant 1 : index
    %get3A_63 = arith.constant 3 : index
    %get3A_64 = memref.load %arg10[%get3A_62, %get3A_63] : memref<2x4xf32, #tpu.memory_space<smem>>
    %slice3A_65 = vector.extract_strided_slice %get3A_5 {offsets = [3, 0, 0], sizes = [1, 16, 32], strides = [1, 1, 1]} : vector<4x16x32xf32> to vector<1x16x32xf32>
    %squeeze3A_66 = vector.shape_cast %slice3A_65 : vector<1x16x32xf32> to vector<16x32xf32>
    %mul3A_67 = vector.broadcast %get3A_64 : f32 to vector<16x32xf32>
    %mul3A_68 = arith.mulf %mul3A_67, %squeeze3A_66 : vector<16x32xf32>
    %add3A_69 = arith.addf %add3A_61, %mul3A_68 : vector<16x32xf32>
    %get3A_70 = arith.constant 0 : index
    %get3A_71 = arith.constant 0 : index
    %get3A_72 = arith.constant 0 : index
    %get3A_73 = vector.load %arg2[%get3A_70, %get3A_71, %get3A_72] : memref<1x2000x16xf32, #tpu.memory_space<vmem>>, vector<1x2000x16xf32>
    %get3A_74 = vector.shape_cast %get3A_73 : vector<1x2000x16xf32> to vector<2000x16xf32>
    %get3A_75 = arith.constant 0 : index
    %get3A_76 = arith.constant 0 : index
    %get3A_77 = arith.constant 0 : index
    %get3A_78 = vector.load %arg4[%get3A_75, %get3A_76, %get3A_77] : memref<1x2000x16xf32, #tpu.memory_space<vmem>>, vector<1x2000x16xf32>
    %get3A_79 = vector.shape_cast %get3A_78 : vector<1x2000x16xf32> to vector<2000x16xf32>
    %add3A_80 = arith.addf %get3A_74, %get3A_79 : vector<2000x16xf32>
    %get3A_81 = arith.constant 0 : index
    %get3A_82 = arith.constant 0 : index
    %get3A_83 = arith.constant 0 : index
    %get3A_84 = vector.load %arg3[%get3A_81, %get3A_82, %get3A_83] : memref<1x2000x16xf32, #tpu.memory_space<vmem>>, vector<1x2000x16xf32>
    %get3A_85 = vector.shape_cast %get3A_84 : vector<1x2000x16xf32> to vector<2000x16xf32>
    %get3A_86 = arith.constant 0 : index
    %get3A_87 = arith.constant 0 : index
    %get3A_88 = arith.constant 0 : index
    %get3A_89 = vector.load %arg5[%get3A_86, %get3A_87, %get3A_88] : memref<1x2000x16xf32, #tpu.memory_space<vmem>>, vector<1x2000x16xf32>
    %get3A_90 = vector.shape_cast %get3A_89 : vector<1x2000x16xf32> to vector<2000x16xf32>
    %add3A_91 = arith.addf %get3A_85, %get3A_90 : vector<2000x16xf32>
    %get3A_92 = arith.constant 0 : index
    %get3A_93 = arith.constant 0 : index
    %get3A_94 = vector.load %arg6[%get3A_92, %get3A_93] : memref<2000x1xf32, #tpu.memory_space<vmem>>, vector<2000x1xf32>
    %get3A_95 = arith.constant 0 : index
    %get3A_96 = arith.constant 0 : index
    %get3A_97 = vector.load %arg8[%get3A_95, %get3A_96] : memref<2000x1xf32, #tpu.memory_space<vmem>>, vector<2000x1xf32>
    %add3A_98 = arith.addf %get3A_94, %get3A_97 : vector<2000x1xf32>
    %max3A = arith.constant 1.000000e+00 : f32
    %max3A_99 = vector.broadcast %max3A : f32 to vector<2000x1xf32>
    %max3A_100 = arith.maximumf %add3A_98, %max3A_99 : vector<2000x1xf32>
    %div3A = arith.constant 1.000000e+00 : f32
    %div3A_101 = vector.broadcast %div3A : f32 to vector<2000x1xf32>
    %div3A_102 = arith.divf %div3A_101, %max3A_100 : vector<2000x1xf32>
    %get3A_103 = arith.constant 0 : index
    %get3A_104 = arith.constant 0 : index
    %get3A_105 = vector.load %arg7[%get3A_103, %get3A_104] : memref<2000x1xf32, #tpu.memory_space<vmem>>, vector<2000x1xf32>
    %get3A_106 = arith.constant 0 : index
    %get3A_107 = arith.constant 0 : index
    %get3A_108 = vector.load %arg9[%get3A_106, %get3A_107] : memref<2000x1xf32, #tpu.memory_space<vmem>>, vector<2000x1xf32>
    %add3A_109 = arith.addf %get3A_105, %get3A_108 : vector<2000x1xf32>
    %max3A_110 = arith.constant 1.000000e+00 : f32
    %max3A_111 = vector.broadcast %max3A_110 : f32 to vector<2000x1xf32>
    %max3A_112 = arith.maximumf %add3A_109, %max3A_111 : vector<2000x1xf32>
    %div3A_113 = arith.constant 1.000000e+00 : f32
    %div3A_114 = vector.broadcast %div3A_113 : f32 to vector<2000x1xf32>
    %div3A_115 = arith.divf %div3A_114, %max3A_112 : vector<2000x1xf32>
    %mul3A_116 = vector.broadcast %div3A_102 : vector<2000x1xf32> to vector<2000x16xf32>
    %mul3A_117 = arith.mulf %add3A_80, %mul3A_116 : vector<2000x16xf32>
    %mul3A_118 = vector.broadcast %div3A_115 : vector<2000x1xf32> to vector<2000x16xf32>
    %mul3A_119 = arith.mulf %add3A_91, %mul3A_118 : vector<2000x16xf32>
    %concatenate3A = tpu.concatenate %get3A_1, %mul3A_117, %mul3A_119 in 1 : vector<2000x16xf32>, vector<2000x16xf32>, vector<2000x16xf32> -> vector<2000x48xf32>
    %get3A_120 = arith.constant 0 : index
    %get3A_121 = arith.constant 0 : index
    %get3A_122 = vector.load %arg12[%get3A_120, %get3A_121] : memref<16x32xf32, #tpu.memory_space<vmem>>, vector<16x32xf32>
    %concatenate3A_123 = tpu.concatenate %get3A_122, %add3A_35, %add3A_69 in 0 : vector<16x32xf32>, vector<16x32xf32>, vector<16x32xf32> -> vector<48x32xf32>
    %dot_general3A = arith.constant dense<0.000000e+00> : vector<2000x32xf32>
    %dot_general3A_124 = tpu.matmul %concatenate3A, %concatenate3A_123, %dot_general3A {dimension_numbers = #tpu.dot_dimension_numbers<[1], [0], [0], [1], [0, 0, 1, 1], [], []>, transpose_lhs_hint = false} : vector<2000x48xf32>, vector<48x32xf32>, vector<2000x32xf32> -> vector<2000x32xf32>
    %get3A_125 = arith.constant 0 : index
    %get3A_126 = arith.constant 0 : index
    %get3A_127 = vector.load %arg13[%get3A_125, %get3A_126] : memref<1x32xf32, #tpu.memory_space<vmem>>, vector<1x32xf32>
    %add3A_128 = vector.broadcast %get3A_127 : vector<1x32xf32> to vector<2000x32xf32>
    %add3A_129 = arith.addf %dot_general3A_124, %add3A_128 : vector<2000x32xf32>
    %max3A_130 = arith.constant 0.000000e+00 : f32
    %max3A_131 = vector.broadcast %max3A_130 : f32 to vector<2000x32xf32>
    %max3A_132 = arith.maximumf %add3A_129, %max3A_131 : vector<2000x32xf32>
    %swap3A = arith.constant 0 : index
    %swap3A_133 = arith.constant 0 : index
    %swap3A_134 = vector.load %arg14[%swap3A, %swap3A_133] : memref<2000x32xf32, #tpu.memory_space<vmem>>, vector<2000x32xf32>
    tpu.vector_store %arg14[%swap3A, %swap3A_133], %max3A_132 {strides = array<i32>} : memref<2000x32xf32, #tpu.memory_space<vmem>>, vector<2000x32xf32>,
    return
  }
  func.func @transform_0(%arg0: i32) -> (i32, i32) {
    %c0_i32 = arith.constant 0 : i32
    %c0_i32_0 = arith.constant 0 : i32
    return %arg0, %c0_i32 : i32, i32
  }
  func.func @transform_1(%arg0: i32) -> (i32, i32, i32) {
    %c0_i32 = arith.constant 0 : i32
    %c0_i32_0 = arith.constant 0 : i32
    %c0_i32_1 = arith.constant 0 : i32
    return %c0_i32, %arg0, %c0_i32_0 : i32, i32, i32
  }
  func.func @transform_2(%arg0: i32) -> (i32, i32, i32) {
    %add3A = arith.constant 25 : i32
    %add3A_0 = arith.addi %add3A, %arg0 : i32
    %c0_i32 = arith.constant 0 : i32
    %c0_i32_1 = arith.constant 0 : i32
    %c0_i32_2 = arith.constant 0 : i32
    return %c0_i32, %add3A_0, %c0_i32_1 : i32, i32, i32
  }
  func.func @transform_3(%arg0: i32) -> (i32, i32, i32) {
    %c1_i32 = arith.constant 1 : i32
    %c0_i32 = arith.constant 0 : i32
    %c0_i32_0 = arith.constant 0 : i32
    return %c1_i32, %arg0, %c0_i32 : i32, i32, i32
  }
  func.func @transform_4(%arg0: i32) -> (i32, i32, i32) {
    %add3A = arith.constant 25 : i32
    %add3A_0 = arith.addi %add3A, %arg0 : i32
    %c1_i32 = arith.constant 1 : i32
    %c0_i32 = arith.constant 0 : i32
    %c0_i32_1 = arith.constant 0 : i32
    return %c1_i32, %add3A_0, %c0_i32 : i32, i32, i32
  }
  func.func @transform_5(%arg0: i32) -> (i32, i32) {
    %c0_i32 = arith.constant 0 : i32
    %c0_i32_0 = arith.constant 0 : i32
    return %arg0, %c0_i32 : i32, i32
  }
  func.func @transform_6(%arg0: i32) -> (i32, i32) {
    %add3A = arith.constant 25 : i32
    %add3A_0 = arith.addi %add3A, %arg0 : i32
    %c0_i32 = arith.constant 0 : i32
    %c0_i32_1 = arith.constant 0 : i32
    return %add3A_0, %c0_i32 : i32, i32
  }
  func.func @transform_7(%arg0: i32) -> (i32, i32) {
    %c0_i32 = arith.constant 0 : i32
    %c0_i32_0 = arith.constant 0 : i32
    return %arg0, %c0_i32 : i32, i32
  }
  func.func @transform_8(%arg0: i32) -> (i32, i32) {
    %add3A = arith.constant 25 : i32
    %add3A_0 = arith.addi %add3A, %arg0 : i32
    %c0_i32 = arith.constant 0 : i32
    %c0_i32_1 = arith.constant 0 : i32
    return %add3A_0, %c0_i32 : i32, i32
  }
  func.func @transform_9(%arg0: i32) -> (i32, i32) {
    %c0_i32 = arith.constant 0 : i32
    %c0_i32_0 = arith.constant 0 : i32
    %c0_i32_1 = arith.constant 0 : i32
    return %c0_i32, %c0_i32_0 : i32, i32
  }
  func.func @transform_10(%arg0: i32) -> (i32, i32, i32) {
    %c0_i32 = arith.constant 0 : i32
    %c0_i32_0 = arith.constant 0 : i32
    %c0_i32_1 = arith.constant 0 : i32
    %c0_i32_2 = arith.constant 0 : i32
    return %c0_i32, %c0_i32_0, %c0_i32_1 : i32, i32, i32
  }
  func.func @transform_11(%arg0: i32) -> (i32, i32) {
    %c0_i32 = arith.constant 0 : i32
    %c0_i32_0 = arith.constant 0 : i32
    %c0_i32_1 = arith.constant 0 : i32
    return %c0_i32, %c0_i32_0 : i32, i32
  }
  func.func @transform_12(%arg0: i32) -> (i32, i32) {
    %c0_i32 = arith.constant 0 : i32
    %c0_i32_0 = arith.constant 0 : i32
    %c0_i32_1 = arith.constant 0 : i32
    return %c0_i32, %c0_i32_0 : i32, i32
  }
  func.func @transform_13(%arg0: i32) -> (i32, i32) {
    %c0_i32 = arith.constant 0 : i32
    %c0_i32_0 = arith.constant 0 : i32
    return %arg0, %c0_i32 : i32, i32
  }
}

module attributes {stable_mosaic.version = 14 : i64} {
  func.func @body(%arg0: i32, %arg1: memref<2000x32xf32, #tpu.memory_space<vmem>>, %arg2: memref<1x2000x16xf32, #tpu.memory_space<vmem>>, %arg3: memref<1x2000x16xf32, #tpu.memory_space<vmem>>, %arg4: memref<1x2000x16xf32, #tpu.memory_space<vmem>>, %arg5: memref<1x2000x16xf32, #tpu.memory_space<vmem>>, %arg6: memref<2000x1xf32, #tpu.memory_space<vmem>>, %arg7: memref<2000x1xf32, #tpu.memory_space<vmem>>, %arg8: memref<2000x1xf32, #tpu.memory_space<vmem>>, %arg9: memref<2000x1xf32, #tpu.memory_space<vmem>>, %arg10: memref<2x4xf32, #tpu.memory_space<smem>>, %arg11: memref<4x32x32xf32, #tpu.memory_space<vmem>>, %arg12: memref<32x32xf32, #tpu.memory_space<vmem>>, %arg13: memref<1x32xf32, #tpu.memory_space<vmem>>, %arg14: memref<2000x32xf32, #tpu.memory_space<vmem>>) attributes {dimension_semantics = [#tpu.dimension_semantics<arbitrary>], iteration_bounds = array<i64: 25>, scalar_prefetch = 0 : i64, scratch_operands = 0 : i64, tpu.core_type = #tpu.core_type<tc>, window_params = [{transform_indices = @transform_0, window_bounds = array<i64: 2000, 32>}, {transform_indices = @transform_1, window_bounds = array<i64: 1, 2000, 16>}, {transform_indices = @transform_2, window_bounds = array<i64: 1, 2000, 16>}, {transform_indices = @transform_3, window_bounds = array<i64: 1, 2000, 16>}, {transform_indices = @transform_4, window_bounds = array<i64: 1, 2000, 16>}, {transform_indices = @transform_5, window_bounds = array<i64: 2000, 1>}, {transform_indices = @transform_6, window_bounds = array<i64: 2000, 1>}, {transform_indices = @transform_7, window_bounds = array<i64: 2000, 1>}, {transform_indices = @transform_8, window_bounds = array<i64: 2000, 1>}, {transform_indices = @transform_9, window_bounds = array<i64: 2, 4>}, {pipeline_mode = #tpu.pipeline_mode<synchronous>, transform_indices = @transform_10, window_bounds = array<i64: 4, 32, 32>}, {pipeline_mode = #tpu.pipeline_mode<synchronous>, transform_indices = @transform_11, window_bounds = array<i64: 32, 32>}, {pipeline_mode = #tpu.pipeline_mode<synchronous>, transform_indices = @transform_12, window_bounds = array<i64: 1, 32>}, {transform_indices = @transform_13, window_bounds = array<i64: 2000, 32>}]} {
    %get3A = arith.constant 0 : index
    %get3A_0 = arith.constant 0 : index
    %get3A_1 = vector.load %arg1[%get3A, %get3A_0] : memref<2000x32xf32, #tpu.memory_space<vmem>>, vector<2000x32xf32>
    %get3A_2 = arith.constant 0 : index
    %get3A_3 = arith.constant 0 : index
    %get3A_4 = arith.constant 0 : index
    %get3A_5 = vector.load %arg11[%get3A_2, %get3A_3, %get3A_4] : memref<4x32x32xf32, #tpu.memory_space<vmem>>, vector<4x32x32xf32>
    %get3A_6 = arith.constant 0 : index
    %get3A_7 = arith.constant 0 : index
    %get3A_8 = memref.load %arg10[%get3A_6, %get3A_7] : memref<2x4xf32, #tpu.memory_space<smem>>
    %slice3A = vector.extract_strided_slice %get3A_5 {offsets = [0, 0, 0], sizes = [1, 32, 32], strides = [1, 1, 1]} : vector<4x32x32xf32> to vector<1x32x32xf32>
    %squeeze3A = vector.shape_cast %slice3A : vector<1x32x32xf32> to vector<32x32xf32>
    %mul3A = vector.broadcast %get3A_8 : f32 to vector<32x32xf32>
    %mul3A_9 = arith.mulf %mul3A, %squeeze3A : vector<32x32xf32>
    %add3A = arith.constant 0.000000e+00 : f32
    %add3A_10 = vector.broadcast %add3A : f32 to vector<32x32xf32>
    %add3A_11 = arith.addf %add3A_10, %mul3A_9 : vector<32x32xf32>
    %get3A_12 = arith.constant 0 : index
    %get3A_13 = arith.constant 1 : index
    %get3A_14 = memref.load %arg10[%get3A_12, %get3A_13] : memref<2x4xf32, #tpu.memory_space<smem>>
    %slice3A_15 = vector.extract_strided_slice %get3A_5 {offsets = [1, 0, 0], sizes = [1, 32, 32], strides = [1, 1, 1]} : vector<4x32x32xf32> to vector<1x32x32xf32>
    %squeeze3A_16 = vector.shape_cast %slice3A_15 : vector<1x32x32xf32> to vector<32x32xf32>
    %mul3A_17 = vector.broadcast %get3A_14 : f32 to vector<32x32xf32>
    %mul3A_18 = arith.mulf %mul3A_17, %squeeze3A_16 : vector<32x32xf32>
    %add3A_19 = arith.addf %add3A_11, %mul3A_18 : vector<32x32xf32>
    %get3A_20 = arith.constant 0 : index
    %get3A_21 = arith.constant 2 : index
    %get3A_22 = memref.load %arg10[%get3A_20, %get3A_21] : memref<2x4xf32, #tpu.memory_space<smem>>
    %slice3A_23 = vector.extract_strided_slice %get3A_5 {offsets = [2, 0, 0], sizes = [1, 32, 32], strides = [1, 1, 1]} : vector<4x32x32xf32> to vector<1x32x32xf32>
    %squeeze3A_24 = vector.shape_cast %slice3A_23 : vector<1x32x32xf32> to vector<32x32xf32>
    %mul3A_25 = vector.broadcast %get3A_22 : f32 to vector<32x32xf32>
    %mul3A_26 = arith.mulf %mul3A_25, %squeeze3A_24 : vector<32x32xf32>
    %add3A_27 = arith.addf %add3A_19, %mul3A_26 : vector<32x32xf32>
    %get3A_28 = arith.constant 0 : index
    %get3A_29 = arith.constant 3 : index
    %get3A_30 = memref.load %arg10[%get3A_28, %get3A_29] : memref<2x4xf32, #tpu.memory_space<smem>>
    %slice3A_31 = vector.extract_strided_slice %get3A_5 {offsets = [3, 0, 0], sizes = [1, 32, 32], strides = [1, 1, 1]} : vector<4x32x32xf32> to vector<1x32x32xf32>
    %squeeze3A_32 = vector.shape_cast %slice3A_31 : vector<1x32x32xf32> to vector<32x32xf32>
    %mul3A_33 = vector.broadcast %get3A_30 : f32 to vector<32x32xf32>
    %mul3A_34 = arith.mulf %mul3A_33, %squeeze3A_32 : vector<32x32xf32>
    %add3A_35 = arith.addf %add3A_27, %mul3A_34 : vector<32x32xf32>
    %get3A_36 = arith.constant 1 : index
    %get3A_37 = arith.constant 0 : index
    %get3A_38 = memref.load %arg10[%get3A_36, %get3A_37] : memref<2x4xf32, #tpu.memory_space<smem>>
    %slice3A_39 = vector.extract_strided_slice %get3A_5 {offsets = [0, 0, 0], sizes = [1, 32, 32], strides = [1, 1, 1]} : vector<4x32x32xf32> to vector<1x32x32xf32>
    %squeeze3A_40 = vector.shape_cast %slice3A_39 : vector<1x32x32xf32> to vector<32x32xf32>
    %mul3A_41 = vector.broadcast %get3A_38 : f32 to vector<32x32xf32>
    %mul3A_42 = arith.mulf %mul3A_41, %squeeze3A_40 : vector<32x32xf32>
    %add3A_43 = arith.constant 0.000000e+00 : f32
    %add3A_44 = vector.broadcast %add3A_43 : f32 to vector<32x32xf32>
    %add3A_45 = arith.addf %add3A_44, %mul3A_42 : vector<32x32xf32>
    %get3A_46 = arith.constant 1 : index
    %get3A_47 = arith.constant 1 : index
    %get3A_48 = memref.load %arg10[%get3A_46, %get3A_47] : memref<2x4xf32, #tpu.memory_space<smem>>
    %slice3A_49 = vector.extract_strided_slice %get3A_5 {offsets = [1, 0, 0], sizes = [1, 32, 32], strides = [1, 1, 1]} : vector<4x32x32xf32> to vector<1x32x32xf32>
    %squeeze3A_50 = vector.shape_cast %slice3A_49 : vector<1x32x32xf32> to vector<32x32xf32>
    %mul3A_51 = vector.broadcast %get3A_48 : f32 to vector<32x32xf32>
    %mul3A_52 = arith.mulf %mul3A_51, %squeeze3A_50 : vector<32x32xf32>
    %add3A_53 = arith.addf %add3A_45, %mul3A_52 : vector<32x32xf32>
    %get3A_54 = arith.constant 1 : index
    %get3A_55 = arith.constant 2 : index
    %get3A_56 = memref.load %arg10[%get3A_54, %get3A_55] : memref<2x4xf32, #tpu.memory_space<smem>>
    %slice3A_57 = vector.extract_strided_slice %get3A_5 {offsets = [2, 0, 0], sizes = [1, 32, 32], strides = [1, 1, 1]} : vector<4x32x32xf32> to vector<1x32x32xf32>
    %squeeze3A_58 = vector.shape_cast %slice3A_57 : vector<1x32x32xf32> to vector<32x32xf32>
    %mul3A_59 = vector.broadcast %get3A_56 : f32 to vector<32x32xf32>
    %mul3A_60 = arith.mulf %mul3A_59, %squeeze3A_58 : vector<32x32xf32>
    %add3A_61 = arith.addf %add3A_53, %mul3A_60 : vector<32x32xf32>
    %get3A_62 = arith.constant 1 : index
    %get3A_63 = arith.constant 3 : index
    %get3A_64 = memref.load %arg10[%get3A_62, %get3A_63] : memref<2x4xf32, #tpu.memory_space<smem>>
    %slice3A_65 = vector.extract_strided_slice %get3A_5 {offsets = [3, 0, 0], sizes = [1, 32, 32], strides = [1, 1, 1]} : vector<4x32x32xf32> to vector<1x32x32xf32>
    %squeeze3A_66 = vector.shape_cast %slice3A_65 : vector<1x32x32xf32> to vector<32x32xf32>
    %mul3A_67 = vector.broadcast %get3A_64 : f32 to vector<32x32xf32>
    %mul3A_68 = arith.mulf %mul3A_67, %squeeze3A_66 : vector<32x32xf32>
    %add3A_69 = arith.addf %add3A_61, %mul3A_68 : vector<32x32xf32>
    %get3A_70 = arith.constant 0 : index
    %get3A_71 = arith.constant 0 : index
    %get3A_72 = arith.constant 0 : index
    %get3A_73 = vector.load %arg2[%get3A_70, %get3A_71, %get3A_72] : memref<1x2000x16xf32, #tpu.memory_space<vmem>>, vector<1x2000x16xf32>
    %get3A_74 = vector.shape_cast %get3A_73 : vector<1x2000x16xf32> to vector<2000x16xf32>
    %get3A_75 = arith.constant 0 : index
    %get3A_76 = arith.constant 0 : index
    %get3A_77 = arith.constant 0 : index
    %get3A_78 = vector.load %arg4[%get3A_75, %get3A_76, %get3A_77] : memref<1x2000x16xf32, #tpu.memory_space<vmem>>, vector<1x2000x16xf32>
    %get3A_79 = vector.shape_cast %get3A_78 : vector<1x2000x16xf32> to vector<2000x16xf32>
    %concatenate3A = tpu.concatenate %get3A_74, %get3A_79 in 1 : vector<2000x16xf32>, vector<2000x16xf32> -> vector<2000x32xf32>
    %get3A_80 = arith.constant 0 : index
    %get3A_81 = arith.constant 0 : index
    %get3A_82 = arith.constant 0 : index
    %get3A_83 = vector.load %arg3[%get3A_80, %get3A_81, %get3A_82] : memref<1x2000x16xf32, #tpu.memory_space<vmem>>, vector<1x2000x16xf32>
    %get3A_84 = vector.shape_cast %get3A_83 : vector<1x2000x16xf32> to vector<2000x16xf32>
    %get3A_85 = arith.constant 0 : index
    %get3A_86 = arith.constant 0 : index
    %get3A_87 = arith.constant 0 : index
    %get3A_88 = vector.load %arg5[%get3A_85, %get3A_86, %get3A_87] : memref<1x2000x16xf32, #tpu.memory_space<vmem>>, vector<1x2000x16xf32>
    %get3A_89 = vector.shape_cast %get3A_88 : vector<1x2000x16xf32> to vector<2000x16xf32>
    %concatenate3A_90 = tpu.concatenate %get3A_84, %get3A_89 in 1 : vector<2000x16xf32>, vector<2000x16xf32> -> vector<2000x32xf32>
    %get3A_91 = arith.constant 0 : index
    %get3A_92 = arith.constant 0 : index
    %get3A_93 = vector.load %arg6[%get3A_91, %get3A_92] : memref<2000x1xf32, #tpu.memory_space<vmem>>, vector<2000x1xf32>
    %get3A_94 = arith.constant 0 : index
    %get3A_95 = arith.constant 0 : index
    %get3A_96 = vector.load %arg8[%get3A_94, %get3A_95] : memref<2000x1xf32, #tpu.memory_space<vmem>>, vector<2000x1xf32>
    %add3A_97 = arith.addf %get3A_93, %get3A_96 : vector<2000x1xf32>
    %max3A = arith.constant 1.000000e+00 : f32
    %max3A_98 = vector.broadcast %max3A : f32 to vector<2000x1xf32>
    %max3A_99 = arith.maximumf %add3A_97, %max3A_98 : vector<2000x1xf32>
    %div3A = arith.constant 1.000000e+00 : f32
    %div3A_100 = vector.broadcast %div3A : f32 to vector<2000x1xf32>
    %div3A_101 = arith.divf %div3A_100, %max3A_99 : vector<2000x1xf32>
    %get3A_102 = arith.constant 0 : index
    %get3A_103 = arith.constant 0 : index
    %get3A_104 = vector.load %arg7[%get3A_102, %get3A_103] : memref<2000x1xf32, #tpu.memory_space<vmem>>, vector<2000x1xf32>
    %get3A_105 = arith.constant 0 : index
    %get3A_106 = arith.constant 0 : index
    %get3A_107 = vector.load %arg9[%get3A_105, %get3A_106] : memref<2000x1xf32, #tpu.memory_space<vmem>>, vector<2000x1xf32>
    %add3A_108 = arith.addf %get3A_104, %get3A_107 : vector<2000x1xf32>
    %max3A_109 = arith.constant 1.000000e+00 : f32
    %max3A_110 = vector.broadcast %max3A_109 : f32 to vector<2000x1xf32>
    %max3A_111 = arith.maximumf %add3A_108, %max3A_110 : vector<2000x1xf32>
    %div3A_112 = arith.constant 1.000000e+00 : f32
    %div3A_113 = vector.broadcast %div3A_112 : f32 to vector<2000x1xf32>
    %div3A_114 = arith.divf %div3A_113, %max3A_111 : vector<2000x1xf32>
    %mul3A_115 = vector.broadcast %div3A_101 : vector<2000x1xf32> to vector<2000x32xf32>
    %mul3A_116 = arith.mulf %concatenate3A, %mul3A_115 : vector<2000x32xf32>
    %mul3A_117 = vector.broadcast %div3A_114 : vector<2000x1xf32> to vector<2000x32xf32>
    %mul3A_118 = arith.mulf %concatenate3A_90, %mul3A_117 : vector<2000x32xf32>
    %concatenate3A_119 = tpu.concatenate %get3A_1, %mul3A_116, %mul3A_118 in 1 : vector<2000x32xf32>, vector<2000x32xf32>, vector<2000x32xf32> -> vector<2000x96xf32>
    %get3A_120 = arith.constant 0 : index
    %get3A_121 = arith.constant 0 : index
    %get3A_122 = vector.load %arg12[%get3A_120, %get3A_121] : memref<32x32xf32, #tpu.memory_space<vmem>>, vector<32x32xf32>
    %concatenate3A_123 = tpu.concatenate %get3A_122, %add3A_35, %add3A_69 in 0 : vector<32x32xf32>, vector<32x32xf32>, vector<32x32xf32> -> vector<96x32xf32>
    %dot_general3A = arith.constant dense<0.000000e+00> : vector<2000x32xf32>
    %dot_general3A_124 = tpu.matmul %concatenate3A_119, %concatenate3A_123, %dot_general3A {dimension_numbers = #tpu.dot_dimension_numbers<[1], [0], [0], [1], [0, 0, 1, 1], [], []>, transpose_lhs_hint = false} : vector<2000x96xf32>, vector<96x32xf32>, vector<2000x32xf32> -> vector<2000x32xf32>
    %get3A_125 = arith.constant 0 : index
    %get3A_126 = arith.constant 0 : index
    %get3A_127 = vector.load %arg13[%get3A_125, %get3A_126] : memref<1x32xf32, #tpu.memory_space<vmem>>, vector<1x32xf32>
    %add3A_128 = vector.broadcast %get3A_127 : vector<1x32xf32> to vector<2000x32xf32>
    %add3A_129 = arith.addf %dot_general3A_124, %add3A_128 : vector<2000x32xf32>
    %max3A_130 = arith.constant 0.000000e+00 : f32
    %max3A_131 = vector.broadcast %max3A_130 : f32 to vector<2000x32xf32>
    %max3A_132 = arith.maximumf %add3A_129, %max3A_131 : vector<2000x32xf32>
    %swap3A = arith.constant 0 : index
    %swap3A_133 = arith.constant 0 : index
    %swap3A_134 = vector.load %arg14[%swap3A, %swap3A_133] : memref<2000x32xf32, #tpu.memory_space<vmem>>, vector<2000x32xf32>
    tpu.vector_store %arg14[%swap3A, %swap3A_133], %max3A_132 {strides = array<i32>} : memref<2000x32xf32, #tpu.memory_space<vmem>>, vector<2000x32xf32>,
    return
  }
  func.func @transform_0(%arg0: i32) -> (i32, i32) {
    %c0_i32 = arith.constant 0 : i32
    %c0_i32_0 = arith.constant 0 : i32
    return %arg0, %c0_i32 : i32, i32
  }
  func.func @transform_1(%arg0: i32) -> (i32, i32, i32) {
    %c0_i32 = arith.constant 0 : i32
    %c0_i32_0 = arith.constant 0 : i32
    %c0_i32_1 = arith.constant 0 : i32
    return %c0_i32, %arg0, %c0_i32_0 : i32, i32, i32
  }
  func.func @transform_2(%arg0: i32) -> (i32, i32, i32) {
    %add3A = arith.constant 25 : i32
    %add3A_0 = arith.addi %add3A, %arg0 : i32
    %c0_i32 = arith.constant 0 : i32
    %c0_i32_1 = arith.constant 0 : i32
    %c0_i32_2 = arith.constant 0 : i32
    return %c0_i32, %add3A_0, %c0_i32_1 : i32, i32, i32
  }
  func.func @transform_3(%arg0: i32) -> (i32, i32, i32) {
    %c1_i32 = arith.constant 1 : i32
    %c0_i32 = arith.constant 0 : i32
    %c0_i32_0 = arith.constant 0 : i32
    return %c1_i32, %arg0, %c0_i32 : i32, i32, i32
  }
  func.func @transform_4(%arg0: i32) -> (i32, i32, i32) {
    %add3A = arith.constant 25 : i32
    %add3A_0 = arith.addi %add3A, %arg0 : i32
    %c1_i32 = arith.constant 1 : i32
    %c0_i32 = arith.constant 0 : i32
    %c0_i32_1 = arith.constant 0 : i32
    return %c1_i32, %add3A_0, %c0_i32 : i32, i32, i32
  }
  func.func @transform_5(%arg0: i32) -> (i32, i32) {
    %c0_i32 = arith.constant 0 : i32
    %c0_i32_0 = arith.constant 0 : i32
    return %arg0, %c0_i32 : i32, i32
  }
  func.func @transform_6(%arg0: i32) -> (i32, i32) {
    %add3A = arith.constant 25 : i32
    %add3A_0 = arith.addi %add3A, %arg0 : i32
    %c0_i32 = arith.constant 0 : i32
    %c0_i32_1 = arith.constant 0 : i32
    return %add3A_0, %c0_i32 : i32, i32
  }
  func.func @transform_7(%arg0: i32) -> (i32, i32) {
    %c0_i32 = arith.constant 0 : i32
    %c0_i32_0 = arith.constant 0 : i32
    return %arg0, %c0_i32 : i32, i32
  }
  func.func @transform_8(%arg0: i32) -> (i32, i32) {
    %add3A = arith.constant 25 : i32
    %add3A_0 = arith.addi %add3A, %arg0 : i32
    %c0_i32 = arith.constant 0 : i32
    %c0_i32_1 = arith.constant 0 : i32
    return %add3A_0, %c0_i32 : i32, i32
  }
  func.func @transform_9(%arg0: i32) -> (i32, i32) {
    %c0_i32 = arith.constant 0 : i32
    %c0_i32_0 = arith.constant 0 : i32
    %c0_i32_1 = arith.constant 0 : i32
    return %c0_i32, %c0_i32_0 : i32, i32
  }
  func.func @transform_10(%arg0: i32) -> (i32, i32, i32) {
    %c0_i32 = arith.constant 0 : i32
    %c0_i32_0 = arith.constant 0 : i32
    %c0_i32_1 = arith.constant 0 : i32
    %c0_i32_2 = arith.constant 0 : i32
    return %c0_i32, %c0_i32_0, %c0_i32_1 : i32, i32, i32
  }
  func.func @transform_11(%arg0: i32) -> (i32, i32) {
    %c0_i32 = arith.constant 0 : i32
    %c0_i32_0 = arith.constant 0 : i32
    %c0_i32_1 = arith.constant 0 : i32
    return %c0_i32, %c0_i32_0 : i32, i32
  }
  func.func @transform_12(%arg0: i32) -> (i32, i32) {
    %c0_i32 = arith.constant 0 : i32
    %c0_i32_0 = arith.constant 0 : i32
    %c0_i32_1 = arith.constant 0 : i32
    return %c0_i32, %c0_i32_0 : i32, i32
  }
  func.func @transform_13(%arg0: i32) -> (i32, i32) {
    %c0_i32 = arith.constant 0 : i32
    %c0_i32_0 = arith.constant 0 : i32
    return %arg0, %c0_i32 : i32, i32
  }
}

module attributes {stable_mosaic.version = 14 : i64} {
  func.func @body(%arg0: i32, %arg1: memref<2000x32xf32, #tpu.memory_space<vmem>>, %arg2: memref<1x2000x16xf32, #tpu.memory_space<vmem>>, %arg3: memref<1x2000x16xf32, #tpu.memory_space<vmem>>, %arg4: memref<1x2000x16xf32, #tpu.memory_space<vmem>>, %arg5: memref<1x2000x16xf32, #tpu.memory_space<vmem>>, %arg6: memref<2000x1xf32, #tpu.memory_space<vmem>>, %arg7: memref<2000x1xf32, #tpu.memory_space<vmem>>, %arg8: memref<2000x1xf32, #tpu.memory_space<vmem>>, %arg9: memref<2000x1xf32, #tpu.memory_space<vmem>>, %arg10: memref<2x4xf32, #tpu.memory_space<smem>>, %arg11: memref<4x32x16xf32, #tpu.memory_space<vmem>>, %arg12: memref<32x16xf32, #tpu.memory_space<vmem>>, %arg13: memref<1x16xf32, #tpu.memory_space<vmem>>, %arg14: memref<16x16xf32, #tpu.memory_space<vmem>>, %arg15: memref<1x16xf32, #tpu.memory_space<vmem>>, %arg16: memref<16x16xf32, #tpu.memory_space<vmem>>, %arg17: memref<1x16xf32, #tpu.memory_space<vmem>>, %arg18: memref<2000x16xf32, #tpu.memory_space<vmem>>, %arg19: memref<2000x16xf32, #tpu.memory_space<vmem>>, %arg20: memref<2000x16xf32, #tpu.memory_space<vmem>>) attributes {dimension_semantics = [#tpu.dimension_semantics<arbitrary>], iteration_bounds = array<i64: 25>, scalar_prefetch = 0 : i64, scratch_operands = 0 : i64, tpu.core_type = #tpu.core_type<tc>, window_params = [{transform_indices = @transform_0, window_bounds = array<i64: 2000, 32>}, {transform_indices = @transform_1, window_bounds = array<i64: 1, 2000, 16>}, {transform_indices = @transform_2, window_bounds = array<i64: 1, 2000, 16>}, {transform_indices = @transform_3, window_bounds = array<i64: 1, 2000, 16>}, {transform_indices = @transform_4, window_bounds = array<i64: 1, 2000, 16>}, {transform_indices = @transform_5, window_bounds = array<i64: 2000, 1>}, {transform_indices = @transform_6, window_bounds = array<i64: 2000, 1>}, {transform_indices = @transform_7, window_bounds = array<i64: 2000, 1>}, {transform_indices = @transform_8, window_bounds = array<i64: 2000, 1>}, {transform_indices = @transform_9, window_bounds = array<i64: 2, 4>}, {pipeline_mode = #tpu.pipeline_mode<synchronous>, transform_indices = @transform_10, window_bounds = array<i64: 4, 32, 16>}, {pipeline_mode = #tpu.pipeline_mode<synchronous>, transform_indices = @transform_11, window_bounds = array<i64: 32, 16>}, {pipeline_mode = #tpu.pipeline_mode<synchronous>, transform_indices = @transform_12, window_bounds = array<i64: 1, 16>}, {pipeline_mode = #tpu.pipeline_mode<synchronous>, transform_indices = @transform_13, window_bounds = array<i64: 16, 16>}, {pipeline_mode = #tpu.pipeline_mode<synchronous>, transform_indices = @transform_14, window_bounds = array<i64: 1, 16>}, {pipeline_mode = #tpu.pipeline_mode<synchronous>, transform_indices = @transform_15, window_bounds = array<i64: 16, 16>}, {pipeline_mode = #tpu.pipeline_mode<synchronous>, transform_indices = @transform_16, window_bounds = array<i64: 1, 16>}, {transform_indices = @transform_17, window_bounds = array<i64: 2000, 16>}, {transform_indices = @transform_18, window_bounds = array<i64: 2000, 16>}, {transform_indices = @transform_19, window_bounds = array<i64: 2000, 16>}]} {
    %get3A = arith.constant 0 : index
    %get3A_0 = arith.constant 0 : index
    %get3A_1 = vector.load %arg1[%get3A, %get3A_0] : memref<2000x32xf32, #tpu.memory_space<vmem>>, vector<2000x32xf32>
    %get3A_2 = arith.constant 0 : index
    %get3A_3 = arith.constant 0 : index
    %get3A_4 = arith.constant 0 : index
    %get3A_5 = vector.load %arg11[%get3A_2, %get3A_3, %get3A_4] : memref<4x32x16xf32, #tpu.memory_space<vmem>>, vector<4x32x16xf32>
    %get3A_6 = arith.constant 0 : index
    %get3A_7 = arith.constant 0 : index
    %get3A_8 = memref.load %arg10[%get3A_6, %get3A_7] : memref<2x4xf32, #tpu.memory_space<smem>>
    %slice3A = vector.extract_strided_slice %get3A_5 {offsets = [0, 0, 0], sizes = [1, 32, 16], strides = [1, 1, 1]} : vector<4x32x16xf32> to vector<1x32x16xf32>
    %squeeze3A = vector.shape_cast %slice3A : vector<1x32x16xf32> to vector<32x16xf32>
    %mul3A = vector.broadcast %get3A_8 : f32 to vector<32x16xf32>
    %mul3A_9 = arith.mulf %mul3A, %squeeze3A : vector<32x16xf32>
    %add3A = arith.constant 0.000000e+00 : f32
    %add3A_10 = vector.broadcast %add3A : f32 to vector<32x16xf32>
    %add3A_11 = arith.addf %add3A_10, %mul3A_9 : vector<32x16xf32>
    %get3A_12 = arith.constant 0 : index
    %get3A_13 = arith.constant 1 : index
    %get3A_14 = memref.load %arg10[%get3A_12, %get3A_13] : memref<2x4xf32, #tpu.memory_space<smem>>
    %slice3A_15 = vector.extract_strided_slice %get3A_5 {offsets = [1, 0, 0], sizes = [1, 32, 16], strides = [1, 1, 1]} : vector<4x32x16xf32> to vector<1x32x16xf32>
    %squeeze3A_16 = vector.shape_cast %slice3A_15 : vector<1x32x16xf32> to vector<32x16xf32>
    %mul3A_17 = vector.broadcast %get3A_14 : f32 to vector<32x16xf32>
    %mul3A_18 = arith.mulf %mul3A_17, %squeeze3A_16 : vector<32x16xf32>
    %add3A_19 = arith.addf %add3A_11, %mul3A_18 : vector<32x16xf32>
    %get3A_20 = arith.constant 0 : index
    %get3A_21 = arith.constant 2 : index
    %get3A_22 = memref.load %arg10[%get3A_20, %get3A_21] : memref<2x4xf32, #tpu.memory_space<smem>>
    %slice3A_23 = vector.extract_strided_slice %get3A_5 {offsets = [2, 0, 0], sizes = [1, 32, 16], strides = [1, 1, 1]} : vector<4x32x16xf32> to vector<1x32x16xf32>
    %squeeze3A_24 = vector.shape_cast %slice3A_23 : vector<1x32x16xf32> to vector<32x16xf32>
    %mul3A_25 = vector.broadcast %get3A_22 : f32 to vector<32x16xf32>
    %mul3A_26 = arith.mulf %mul3A_25, %squeeze3A_24 : vector<32x16xf32>
    %add3A_27 = arith.addf %add3A_19, %mul3A_26 : vector<32x16xf32>
    %get3A_28 = arith.constant 0 : index
    %get3A_29 = arith.constant 3 : index
    %get3A_30 = memref.load %arg10[%get3A_28, %get3A_29] : memref<2x4xf32, #tpu.memory_space<smem>>
    %slice3A_31 = vector.extract_strided_slice %get3A_5 {offsets = [3, 0, 0], sizes = [1, 32, 16], strides = [1, 1, 1]} : vector<4x32x16xf32> to vector<1x32x16xf32>
    %squeeze3A_32 = vector.shape_cast %slice3A_31 : vector<1x32x16xf32> to vector<32x16xf32>
    %mul3A_33 = vector.broadcast %get3A_30 : f32 to vector<32x16xf32>
    %mul3A_34 = arith.mulf %mul3A_33, %squeeze3A_32 : vector<32x16xf32>
    %add3A_35 = arith.addf %add3A_27, %mul3A_34 : vector<32x16xf32>
    %get3A_36 = arith.constant 1 : index
    %get3A_37 = arith.constant 0 : index
    %get3A_38 = memref.load %arg10[%get3A_36, %get3A_37] : memref<2x4xf32, #tpu.memory_space<smem>>
    %slice3A_39 = vector.extract_strided_slice %get3A_5 {offsets = [0, 0, 0], sizes = [1, 32, 16], strides = [1, 1, 1]} : vector<4x32x16xf32> to vector<1x32x16xf32>
    %squeeze3A_40 = vector.shape_cast %slice3A_39 : vector<1x32x16xf32> to vector<32x16xf32>
    %mul3A_41 = vector.broadcast %get3A_38 : f32 to vector<32x16xf32>
    %mul3A_42 = arith.mulf %mul3A_41, %squeeze3A_40 : vector<32x16xf32>
    %add3A_43 = arith.constant 0.000000e+00 : f32
    %add3A_44 = vector.broadcast %add3A_43 : f32 to vector<32x16xf32>
    %add3A_45 = arith.addf %add3A_44, %mul3A_42 : vector<32x16xf32>
    %get3A_46 = arith.constant 1 : index
    %get3A_47 = arith.constant 1 : index
    %get3A_48 = memref.load %arg10[%get3A_46, %get3A_47] : memref<2x4xf32, #tpu.memory_space<smem>>
    %slice3A_49 = vector.extract_strided_slice %get3A_5 {offsets = [1, 0, 0], sizes = [1, 32, 16], strides = [1, 1, 1]} : vector<4x32x16xf32> to vector<1x32x16xf32>
    %squeeze3A_50 = vector.shape_cast %slice3A_49 : vector<1x32x16xf32> to vector<32x16xf32>
    %mul3A_51 = vector.broadcast %get3A_48 : f32 to vector<32x16xf32>
    %mul3A_52 = arith.mulf %mul3A_51, %squeeze3A_50 : vector<32x16xf32>
    %add3A_53 = arith.addf %add3A_45, %mul3A_52 : vector<32x16xf32>
    %get3A_54 = arith.constant 1 : index
    %get3A_55 = arith.constant 2 : index
    %get3A_56 = memref.load %arg10[%get3A_54, %get3A_55] : memref<2x4xf32, #tpu.memory_space<smem>>
    %slice3A_57 = vector.extract_strided_slice %get3A_5 {offsets = [2, 0, 0], sizes = [1, 32, 16], strides = [1, 1, 1]} : vector<4x32x16xf32> to vector<1x32x16xf32>
    %squeeze3A_58 = vector.shape_cast %slice3A_57 : vector<1x32x16xf32> to vector<32x16xf32>
    %mul3A_59 = vector.broadcast %get3A_56 : f32 to vector<32x16xf32>
    %mul3A_60 = arith.mulf %mul3A_59, %squeeze3A_58 : vector<32x16xf32>
    %add3A_61 = arith.addf %add3A_53, %mul3A_60 : vector<32x16xf32>
    %get3A_62 = arith.constant 1 : index
    %get3A_63 = arith.constant 3 : index
    %get3A_64 = memref.load %arg10[%get3A_62, %get3A_63] : memref<2x4xf32, #tpu.memory_space<smem>>
    %slice3A_65 = vector.extract_strided_slice %get3A_5 {offsets = [3, 0, 0], sizes = [1, 32, 16], strides = [1, 1, 1]} : vector<4x32x16xf32> to vector<1x32x16xf32>
    %squeeze3A_66 = vector.shape_cast %slice3A_65 : vector<1x32x16xf32> to vector<32x16xf32>
    %mul3A_67 = vector.broadcast %get3A_64 : f32 to vector<32x16xf32>
    %mul3A_68 = arith.mulf %mul3A_67, %squeeze3A_66 : vector<32x16xf32>
    %add3A_69 = arith.addf %add3A_61, %mul3A_68 : vector<32x16xf32>
    %get3A_70 = arith.constant 0 : index
    %get3A_71 = arith.constant 0 : index
    %get3A_72 = arith.constant 0 : index
    %get3A_73 = vector.load %arg2[%get3A_70, %get3A_71, %get3A_72] : memref<1x2000x16xf32, #tpu.memory_space<vmem>>, vector<1x2000x16xf32>
    %get3A_74 = vector.shape_cast %get3A_73 : vector<1x2000x16xf32> to vector<2000x16xf32>
    %get3A_75 = arith.constant 0 : index
    %get3A_76 = arith.constant 0 : index
    %get3A_77 = arith.constant 0 : index
    %get3A_78 = vector.load %arg4[%get3A_75, %get3A_76, %get3A_77] : memref<1x2000x16xf32, #tpu.memory_space<vmem>>, vector<1x2000x16xf32>
    %get3A_79 = vector.shape_cast %get3A_78 : vector<1x2000x16xf32> to vector<2000x16xf32>
    %concatenate3A = tpu.concatenate %get3A_74, %get3A_79 in 1 : vector<2000x16xf32>, vector<2000x16xf32> -> vector<2000x32xf32>
    %get3A_80 = arith.constant 0 : index
    %get3A_81 = arith.constant 0 : index
    %get3A_82 = arith.constant 0 : index
    %get3A_83 = vector.load %arg3[%get3A_80, %get3A_81, %get3A_82] : memref<1x2000x16xf32, #tpu.memory_space<vmem>>, vector<1x2000x16xf32>
    %get3A_84 = vector.shape_cast %get3A_83 : vector<1x2000x16xf32> to vector<2000x16xf32>
    %get3A_85 = arith.constant 0 : index
    %get3A_86 = arith.constant 0 : index
    %get3A_87 = arith.constant 0 : index
    %get3A_88 = vector.load %arg5[%get3A_85, %get3A_86, %get3A_87] : memref<1x2000x16xf32, #tpu.memory_space<vmem>>, vector<1x2000x16xf32>
    %get3A_89 = vector.shape_cast %get3A_88 : vector<1x2000x16xf32> to vector<2000x16xf32>
    %concatenate3A_90 = tpu.concatenate %get3A_84, %get3A_89 in 1 : vector<2000x16xf32>, vector<2000x16xf32> -> vector<2000x32xf32>
    %get3A_91 = arith.constant 0 : index
    %get3A_92 = arith.constant 0 : index
    %get3A_93 = vector.load %arg6[%get3A_91, %get3A_92] : memref<2000x1xf32, #tpu.memory_space<vmem>>, vector<2000x1xf32>
    %get3A_94 = arith.constant 0 : index
    %get3A_95 = arith.constant 0 : index
    %get3A_96 = vector.load %arg8[%get3A_94, %get3A_95] : memref<2000x1xf32, #tpu.memory_space<vmem>>, vector<2000x1xf32>
    %add3A_97 = arith.addf %get3A_93, %get3A_96 : vector<2000x1xf32>
    %max3A = arith.constant 1.000000e+00 : f32
    %max3A_98 = vector.broadcast %max3A : f32 to vector<2000x1xf32>
    %max3A_99 = arith.maximumf %add3A_97, %max3A_98 : vector<2000x1xf32>
    %div3A = arith.constant 1.000000e+00 : f32
    %div3A_100 = vector.broadcast %div3A : f32 to vector<2000x1xf32>
    %div3A_101 = arith.divf %div3A_100, %max3A_99 : vector<2000x1xf32>
    %get3A_102 = arith.constant 0 : index
    %get3A_103 = arith.constant 0 : index
    %get3A_104 = vector.load %arg7[%get3A_102, %get3A_103] : memref<2000x1xf32, #tpu.memory_space<vmem>>, vector<2000x1xf32>
    %get3A_105 = arith.constant 0 : index
    %get3A_106 = arith.constant 0 : index
    %get3A_107 = vector.load %arg9[%get3A_105, %get3A_106] : memref<2000x1xf32, #tpu.memory_space<vmem>>, vector<2000x1xf32>
    %add3A_108 = arith.addf %get3A_104, %get3A_107 : vector<2000x1xf32>
    %max3A_109 = arith.constant 1.000000e+00 : f32
    %max3A_110 = vector.broadcast %max3A_109 : f32 to vector<2000x1xf32>
    %max3A_111 = arith.maximumf %add3A_108, %max3A_110 : vector<2000x1xf32>
    %div3A_112 = arith.constant 1.000000e+00 : f32
    %div3A_113 = vector.broadcast %div3A_112 : f32 to vector<2000x1xf32>
    %div3A_114 = arith.divf %div3A_113, %max3A_111 : vector<2000x1xf32>
    %mul3A_115 = vector.broadcast %div3A_101 : vector<2000x1xf32> to vector<2000x32xf32>
    %mul3A_116 = arith.mulf %concatenate3A, %mul3A_115 : vector<2000x32xf32>
    %mul3A_117 = vector.broadcast %div3A_114 : vector<2000x1xf32> to vector<2000x32xf32>
    %mul3A_118 = arith.mulf %concatenate3A_90, %mul3A_117 : vector<2000x32xf32>
    %concatenate3A_119 = tpu.concatenate %get3A_1, %mul3A_116, %mul3A_118 in 1 : vector<2000x32xf32>, vector<2000x32xf32>, vector<2000x32xf32> -> vector<2000x96xf32>
    %get3A_120 = arith.constant 0 : index
    %get3A_121 = arith.constant 0 : index
    %get3A_122 = vector.load %arg12[%get3A_120, %get3A_121] : memref<32x16xf32, #tpu.memory_space<vmem>>, vector<32x16xf32>
    %concatenate3A_123 = tpu.concatenate %get3A_122, %add3A_35, %add3A_69 in 0 : vector<32x16xf32>, vector<32x16xf32>, vector<32x16xf32> -> vector<96x16xf32>
    %dot_general3A = arith.constant dense<0.000000e+00> : vector<2000x16xf32>
    %dot_general3A_124 = tpu.matmul %concatenate3A_119, %concatenate3A_123, %dot_general3A {dimension_numbers = #tpu.dot_dimension_numbers<[1], [0], [0], [1], [0, 0, 1, 1], [], []>, transpose_lhs_hint = false} : vector<2000x96xf32>, vector<96x16xf32>, vector<2000x16xf32> -> vector<2000x16xf32>
    %get3A_125 = arith.constant 0 : index
    %get3A_126 = arith.constant 0 : index
    %get3A_127 = vector.load %arg13[%get3A_125, %get3A_126] : memref<1x16xf32, #tpu.memory_space<vmem>>, vector<1x16xf32>
    %add3A_128 = vector.broadcast %get3A_127 : vector<1x16xf32> to vector<2000x16xf32>
    %add3A_129 = arith.addf %dot_general3A_124, %add3A_128 : vector<2000x16xf32>
    %swap3A = arith.constant 0 : index
    %swap3A_130 = arith.constant 0 : index
    %swap3A_131 = vector.load %arg18[%swap3A, %swap3A_130] : memref<2000x16xf32, #tpu.memory_space<vmem>>, vector<2000x16xf32>
    tpu.vector_store %arg18[%swap3A, %swap3A_130], %add3A_129 {strides = array<i32>} : memref<2000x16xf32, #tpu.memory_space<vmem>>, vector<2000x16xf32>,
    %get3A_132 = arith.constant 0 : index
    %get3A_133 = arith.constant 0 : index
    %get3A_134 = vector.load %arg14[%get3A_132, %get3A_133] : memref<16x16xf32, #tpu.memory_space<vmem>>, vector<16x16xf32>
    %dot_general3A_135 = arith.constant dense<0.000000e+00> : vector<2000x16xf32>
    %dot_general3A_136 = tpu.matmul %add3A_129, %get3A_134, %dot_general3A_135 {dimension_numbers = #tpu.dot_dimension_numbers<[1], [0], [0], [1], [0, 0, 1, 1], [], []>, transpose_lhs_hint = false} : vector<2000x16xf32>, vector<16x16xf32>, vector<2000x16xf32> -> vector<2000x16xf32>
    %get3A_137 = arith.constant 0 : index
    %get3A_138 = arith.constant 0 : index
    %get3A_139 = vector.load %arg15[%get3A_137, %get3A_138] : memref<1x16xf32, #tpu.memory_space<vmem>>, vector<1x16xf32>
    %add3A_140 = vector.broadcast %get3A_139 : vector<1x16xf32> to vector<2000x16xf32>
    %add3A_141 = arith.addf %dot_general3A_136, %add3A_140 : vector<2000x16xf32>
    %swap3A_142 = arith.constant 0 : index
    %swap3A_143 = arith.constant 0 : index
    %swap3A_144 = vector.load %arg19[%swap3A_142, %swap3A_143] : memref<2000x16xf32, #tpu.memory_space<vmem>>, vector<2000x16xf32>
    tpu.vector_store %arg19[%swap3A_142, %swap3A_143], %add3A_141 {strides = array<i32>} : memref<2000x16xf32, #tpu.memory_space<vmem>>, vector<2000x16xf32>,
    %get3A_145 = arith.constant 0 : index
    %get3A_146 = arith.constant 0 : index
    %get3A_147 = vector.load %arg16[%get3A_145, %get3A_146] : memref<16x16xf32, #tpu.memory_space<vmem>>, vector<16x16xf32>
    %dot_general3A_148 = arith.constant dense<0.000000e+00> : vector<2000x16xf32>
    %dot_general3A_149 = tpu.matmul %add3A_129, %get3A_147, %dot_general3A_148 {dimension_numbers = #tpu.dot_dimension_numbers<[1], [0], [0], [1], [0, 0, 1, 1], [], []>, transpose_lhs_hint = false} : vector<2000x16xf32>, vector<16x16xf32>, vector<2000x16xf32> -> vector<2000x16xf32>
    %get3A_150 = arith.constant 0 : index
    %get3A_151 = arith.constant 0 : index
    %get3A_152 = vector.load %arg17[%get3A_150, %get3A_151] : memref<1x16xf32, #tpu.memory_space<vmem>>, vector<1x16xf32>
    %add3A_153 = vector.broadcast %get3A_152 : vector<1x16xf32> to vector<2000x16xf32>
    %add3A_154 = arith.addf %dot_general3A_149, %add3A_153 : vector<2000x16xf32>
    %swap3A_155 = arith.constant 0 : index
    %swap3A_156 = arith.constant 0 : index
    %swap3A_157 = vector.load %arg20[%swap3A_155, %swap3A_156] : memref<2000x16xf32, #tpu.memory_space<vmem>>, vector<2000x16xf32>
    tpu.vector_store %arg20[%swap3A_155, %swap3A_156], %add3A_154 {strides = array<i32>} : memref<2000x16xf32, #tpu.memory_space<vmem>>, vector<2000x16xf32>,
    return
  }
  func.func @transform_0(%arg0: i32) -> (i32, i32) {
    %c0_i32 = arith.constant 0 : i32
    %c0_i32_0 = arith.constant 0 : i32
    return %arg0, %c0_i32 : i32, i32
  }
  func.func @transform_1(%arg0: i32) -> (i32, i32, i32) {
    %c0_i32 = arith.constant 0 : i32
    %c0_i32_0 = arith.constant 0 : i32
    %c0_i32_1 = arith.constant 0 : i32
    return %c0_i32, %arg0, %c0_i32_0 : i32, i32, i32
  }
  func.func @transform_2(%arg0: i32) -> (i32, i32, i32) {
    %add3A = arith.constant 25 : i32
    %add3A_0 = arith.addi %add3A, %arg0 : i32
    %c0_i32 = arith.constant 0 : i32
    %c0_i32_1 = arith.constant 0 : i32
    %c0_i32_2 = arith.constant 0 : i32
    return %c0_i32, %add3A_0, %c0_i32_1 : i32, i32, i32
  }
  func.func @transform_3(%arg0: i32) -> (i32, i32, i32) {
    %c1_i32 = arith.constant 1 : i32
    %c0_i32 = arith.constant 0 : i32
    %c0_i32_0 = arith.constant 0 : i32
    return %c1_i32, %arg0, %c0_i32 : i32, i32, i32
  }
  func.func @transform_4(%arg0: i32) -> (i32, i32, i32) {
    %add3A = arith.constant 25 : i32
    %add3A_0 = arith.addi %add3A, %arg0 : i32
    %c1_i32 = arith.constant 1 : i32
    %c0_i32 = arith.constant 0 : i32
    %c0_i32_1 = arith.constant 0 : i32
    return %c1_i32, %add3A_0, %c0_i32 : i32, i32, i32
  }
  func.func @transform_5(%arg0: i32) -> (i32, i32) {
    %c0_i32 = arith.constant 0 : i32
    %c0_i32_0 = arith.constant 0 : i32
    return %arg0, %c0_i32 : i32, i32
  }
  func.func @transform_6(%arg0: i32) -> (i32, i32) {
    %add3A = arith.constant 25 : i32
    %add3A_0 = arith.addi %add3A, %arg0 : i32
    %c0_i32 = arith.constant 0 : i32
    %c0_i32_1 = arith.constant 0 : i32
    return %add3A_0, %c0_i32 : i32, i32
  }
  func.func @transform_7(%arg0: i32) -> (i32, i32) {
    %c0_i32 = arith.constant 0 : i32
    %c0_i32_0 = arith.constant 0 : i32
    return %arg0, %c0_i32 : i32, i32
  }
  func.func @transform_8(%arg0: i32) -> (i32, i32) {
    %add3A = arith.constant 25 : i32
    %add3A_0 = arith.addi %add3A, %arg0 : i32
    %c0_i32 = arith.constant 0 : i32
    %c0_i32_1 = arith.constant 0 : i32
    return %add3A_0, %c0_i32 : i32, i32
  }
  func.func @transform_9(%arg0: i32) -> (i32, i32) {
    %c0_i32 = arith.constant 0 : i32
    %c0_i32_0 = arith.constant 0 : i32
    %c0_i32_1 = arith.constant 0 : i32
    return %c0_i32, %c0_i32_0 : i32, i32
  }
  func.func @transform_10(%arg0: i32) -> (i32, i32, i32) {
    %c0_i32 = arith.constant 0 : i32
    %c0_i32_0 = arith.constant 0 : i32
    %c0_i32_1 = arith.constant 0 : i32
    %c0_i32_2 = arith.constant 0 : i32
    return %c0_i32, %c0_i32_0, %c0_i32_1 : i32, i32, i32
  }
  func.func @transform_11(%arg0: i32) -> (i32, i32) {
    %c0_i32 = arith.constant 0 : i32
    %c0_i32_0 = arith.constant 0 : i32
    %c0_i32_1 = arith.constant 0 : i32
    return %c0_i32, %c0_i32_0 : i32, i32
  }
  func.func @transform_12(%arg0: i32) -> (i32, i32) {
    %c0_i32 = arith.constant 0 : i32
    %c0_i32_0 = arith.constant 0 : i32
    %c0_i32_1 = arith.constant 0 : i32
    return %c0_i32, %c0_i32_0 : i32, i32
  }
  func.func @transform_13(%arg0: i32) -> (i32, i32) {
    %c0_i32 = arith.constant 0 : i32
    %c0_i32_0 = arith.constant 0 : i32
    %c0_i32_1 = arith.constant 0 : i32
    return %c0_i32, %c0_i32_0 : i32, i32
  }
  func.func @transform_14(%arg0: i32) -> (i32, i32) {
    %c0_i32 = arith.constant 0 : i32
    %c0_i32_0 = arith.constant 0 : i32
    %c0_i32_1 = arith.constant 0 : i32
    return %c0_i32, %c0_i32_0 : i32, i32
  }
  func.func @transform_15(%arg0: i32) -> (i32, i32) {
    %c0_i32 = arith.constant 0 : i32
    %c0_i32_0 = arith.constant 0 : i32
    %c0_i32_1 = arith.constant 0 : i32
    return %c0_i32, %c0_i32_0 : i32, i32
  }
  func.func @transform_16(%arg0: i32) -> (i32, i32) {
    %c0_i32 = arith.constant 0 : i32
    %c0_i32_0 = arith.constant 0 : i32
    %c0_i32_1 = arith.constant 0 : i32
    return %c0_i32, %c0_i32_0 : i32, i32
  }
  func.func @transform_17(%arg0: i32) -> (i32, i32) {
    %c0_i32 = arith.constant 0 : i32
    %c0_i32_0 = arith.constant 0 : i32
    return %arg0, %c0_i32 : i32, i32
  }
  func.func @transform_18(%arg0: i32) -> (i32, i32) {
    %c0_i32 = arith.constant 0 : i32
    %c0_i32_0 = arith.constant 0 : i32
    return %arg0, %c0_i32 : i32, i32
  }
  func.func @transform_19(%arg0: i32) -> (i32, i32) {
    %c0_i32 = arith.constant 0 : i32
    %c0_i32_0 = arith.constant 0 : i32
    return %arg0, %c0_i32 : i32, i32
  }
}

module attributes {stable_mosaic.version = 14 : i64} {
  func.func @_dot_body(%arg0: i32, %arg1: memref<2048x16xf32, #tpu.memory_space<vmem>>, %arg2: memref<2048x16xf32, #tpu.memory_space<vmem>>, %arg3: memref<2048x1xf32, #tpu.memory_space<vmem>>) attributes {dimension_semantics = [#tpu.dimension_semantics<arbitrary>], iteration_bounds = array<i64: 112>, scalar_prefetch = 0 : i64, scratch_operands = 0 : i64, tpu.core_type = #tpu.core_type<tc>, window_params = [{transform_indices = @transform_0, window_bounds = array<i64: 2048, 16>}, {transform_indices = @transform_1, window_bounds = array<i64: 2048, 16>}, {transform_indices = @transform_2, window_bounds = array<i64: 2048, 1>}]} {
    %get3A = arith.constant 0 : index
    %get3A_0 = arith.constant 0 : index
    %get3A_1 = vector.load %arg1[%get3A, %get3A_0] : memref<2048x16xf32, #tpu.memory_space<vmem>>, vector<2048x16xf32>
    %get3A_2 = arith.constant 0 : index
    %get3A_3 = arith.constant 0 : index
    %get3A_4 = vector.load %arg2[%get3A_2, %get3A_3] : memref<2048x16xf32, #tpu.memory_space<vmem>>, vector<2048x16xf32>
    %mul3A = arith.mulf %get3A_1, %get3A_4 : vector<2048x16xf32>
    %reduce_sum3A = arith.constant dense<0.000000e+00> : vector<2048xf32>
    %reduce_sum3A_5 = vector.multi_reduction <add>, %mul3A, %reduce_sum3A [1] : vector<2048x16xf32> to vector<2048xf32>
    %broadcast_in_dim3A = vector.shape_cast %reduce_sum3A_5 : vector<2048xf32> to vector<2048x1xf32>
    %swap3A = arith.constant 0 : index
    %swap3A_6 = arith.constant 0 : index
    %swap3A_7 = vector.load %arg3[%swap3A, %swap3A_6] : memref<2048x1xf32, #tpu.memory_space<vmem>>, vector<2048x1xf32>
    tpu.vector_store %arg3[%swap3A, %swap3A_6], %broadcast_in_dim3A {strides = array<i32>} : memref<2048x1xf32, #tpu.memory_space<vmem>>, vector<2048x1xf32>,
    return
  }
  func.func @transform_0(%arg0: i32) -> (i32, i32) {
    %c0_i32 = arith.constant 0 : i32
    %c0_i32_0 = arith.constant 0 : i32
    return %arg0, %c0_i32 : i32, i32
  }
  func.func @transform_1(%arg0: i32) -> (i32, i32) {
    %c0_i32 = arith.constant 0 : i32
    %c0_i32_0 = arith.constant 0 : i32
    return %arg0, %c0_i32 : i32, i32
  }
  func.func @transform_2(%arg0: i32) -> (i32, i32) {
    %c0_i32 = arith.constant 0 : i32
    %c0_i32_0 = arith.constant 0 : i32
    return %arg0, %c0_i32 : i32, i32
  }
}

</mosaic_0001>

<sc_bundles>
// kernel: kernel.11.cloned.1.call-start
scs
__scs_entry_jumppad:
0x0: {  	(pc) =	sbr.rel $0x88, $3  }
0x1: {  	(tag) =	ssettag $0x0;
	lr =	simm.s32 $0x1  }
0x2: {  	[smem:$0x3F85] =	sst lr;
	_ =	strace $0xD0000000  }
0x3: {  	_ = 	snop  }
0x4: {  	_ = 	snop  }
0x5: {  	_ = 	snop  }
0x6: {  	_ = 	snop  }
0x7: {  	_ = 	snop  }
__scs_overlays_trampoline_lowered:
0x8: {  	[smem:$0x3F94] =	sst s0  }
0x9: {  	[smem:$0x3F95] =	sst s1  }
0xa: {  	[smem:$0x3F96] =	sst s2  }
0xb: {  	[smem:$0x3F97] =	sst s3  }
0xc: {  	[smem:$0x3F98] =	sst s4  }
0xd: {  	[smem:$0x3F99] =	sst s5  }
0xe: {  	[smem:$0x3F9A] =	sst s6  }
0xf: {  	[smem:$0x3F9B] =	sst s7  }
0x10: {  	[smem:$0x3F9C] =	sst s8  }
0x11: {  	[smem:$0x3F9D] =	sst s9;
	s0 =	simm.s32 @!p0 $0x0  }
0x12: {  	s1 =	sld [smem:$0x3F83];
	s0 =	simm.s32 @p0 $0x1  }
0x13: {  	[smem:$0x3F9E] =	sst s0;
	s0 =	simm.s32 @!p1 $0x0  }
0x14: {  	s2 =	sld [smem:$0x3F82];
	s0 =	simm.s32 @p1 $0x1  }
0x15: {  	[smem:$0x3F9F] =	sst s0;
	s0 =	simm.s32 @!p2 $0x0  }
0x16: {  	s3 =	sld [smem:$0x3FDB];
	s0 =	simm.s32 @p2 $0x1  }
0x17: {  	s4 =	simm.s32 $0x1BF5;
	[smem:$0x3FA1] =	sst s0  }
0x18: {  	s0 =	sld [smem:$0x3F84];
	_ =	swait.ge [sflag:s4], $0x0  }
0x19: {  	s7 =	sld [smem:$0x3F85]  }
0x1a: {  	s8 =	sadd.s32 $0xFFFFE003, lr  }
0x1b: {  	s9 =	sadd.s32 $0xFFFFFEF7, lr;
	s5 =	simm.s32 $0xFFFFFFFF;
	p2 =	slt.u32 s8, $0xFFFFF086  }
0x1c: {  	p1 =	slt.u32 s9, $0xF7A;
	s5 =	simm.s32 @!p2 $0x0  }
0x1d: {  	s5 =	simm.s32 @p1 $0x1;
	p0 =	seq.s32 s7, s2  }
0x1e: {  	s7 =	smul.u32 @!p0 $0xF7A, s2;
	p2 =	seq.s32 @!p0 s5, $0x0  }
0x1f: {  	s9 =	smul.u32 $0xF7A, s1;
	s8 =	simm.s32 @!p0 $0x1BF5;
	p2 =	por !p2, p0  }
0x20: {  	[sflag:s8] =	ssyncset.s32 @!p0 $0xFFFFF086;
	s6 =	sadd.s32 @!p0 s3, s7;
	s7 =	simm.s32 @!p0 $0x108  }
0x21: {  	s3 =	sadd.s32 s3, s9;
	s6 =	sadd.s32 @!p0 $0x88, s6;
	s7 =	simm.s32 @p2 $0x1082  }
0x22: {  	[simem:s7], [sflag:s8] =	dma.local @!p0 [hbm:s6], $0xF7A  }
0x23: {  	s9 =	sor.u32 $0xD0000000, s2;
	s6 =	simm.s32 $0x108;
	_ =	swait.ge @!p0 [sflag:s8], $0x0  }
0x24: {  	s3 =	sadd.s32 $0x88, s3;
	s6 =	simm.s32 @!p1 $0x1082;
	[sflag:s4] =	ssyncset.s32 $0xFFFFF086  }
0x25: {  	[simem:s6], [sflag:s4] =	dma.local [hbm:s3], $0xF7A  }
0x26: {  	[smem:$0x3F85] =	sst s1;
	(tag) =	ssettag s2;
	_ =	strace s9  }
0x27: {  	s1 =	sld [smem:$0x3F95]  }
0x28: {  	s2 =	sld [smem:$0x3F96]  }
0x29: {  	s4 =	sld [smem:$0x3F98]  }
0x2a: {  	p0 =	seq.s32 s5, $0x0;
	s5 =	sld [smem:$0x3F99]  }
0x2b: {  	s6 =	sld [smem:$0x3F9A]  }
0x2c: {  	s7 =	sld [smem:$0x3F9B]  }
0x2d: {  	s3 =	simm.s32 $0x108;
	s8 =	sld [smem:$0x3F9C]  }
0x2e: {  	s3 =	simm.s32 @!p0 $0x1082;
	s9 =	sld [smem:$0x3F9D]  }
0x2f: {  	lr =	sadd.s32 s0, s3;
	s0 =	sld [smem:$0x3F94]  }
0x30: {  	s3 =	sld [smem:$0x3F97]  }
0x31: {  	[smem:$0x3FA0] =	sst s10  }
0x32: {  	s10 =	sld [smem:$0x3F9E];
	_ =	sdelay $0x3  }
0x33: {  	p0 =	seq.s32 s10, $0x1;
	s10 =	sld [smem:$0x3FA0];
	_ =	sdelay $0x3  }
0x34: {  	[smem:$0x3FA0] =	sst s10  }
0x35: {  	s10 =	sld [smem:$0x3F9F];
	_ =	sdelay $0x3  }
0x36: {  	p1 =	seq.s32 s10, $0x1;
	s10 =	sld [smem:$0x3FA0];
	_ =	sdelay $0x3  }
0x37: {  	[smem:$0x3FA0] =	sst s10  }
0x38: {  	s10 =	sld [smem:$0x3FA1]  }
0x39: {  	_ = 	snop;
	(pc) =	sbr.ind lr, $3  }
0x3a: {  	_ = 	snop  }
0x3b: {  	_ = 	snop  }
0x3c: {  	p2 =	seq.s32 s10, $0x1;
	s10 =	sld [smem:$0x3FA0]  }
0x3d: {  	_ =	shalt  }
0x3e: {  	_ =	shalt  }
0x3f: {  	_ =	shalt  }
0x40: {  	_ =	shalt  }
0x41: {  	_ =	shalt  }
0x42: {  	_ =	shalt  }
0x43: {  	_ =	shalt  }
0x44: {  	_ =	shalt  }
0x45: {  	_ =	shalt  }
0x46: {  	_ =	shalt  }
0x47: {  	_ =	shalt  }
0x48: {  	_ =	shalt  }
0x49: {  	_ =	shalt  }
0x4a: {  	_ =	shalt  }
0x4b: {  	_ =	shalt  }
0x4c: {  	_ =	shalt  }
0x4d: {  	_ =	shalt  }
0x4e: {  	_ =	shalt  }
0x4f: {  	_ =	shalt  }
0x50: {  	_ =	shalt  }
0x51: {  	_ =	shalt  }
0x52: {  	_ =	shalt  }
0x53: {  	_ =	shalt  }
0x54: {  	_ =	shalt  }
0x55: {  	_ =	shalt  }
0x56: {  	_ =	shalt  }
0x57: {  	_ =	shalt  }
0x58: {  	_ =	shalt  }
0x59: {  	_ =	shalt  }
0x5a: {  	_ =	shalt  }
0x5b: {  	_ =	shalt  }
0x5c: {  	_ =	shalt  }
0x5d: {  	_ =	shalt  }
0x5e: {  	_ =	shalt  }
0x5f: {  	_ =	shalt  }
0x60: {  	_ =	shalt  }
0x61: {  	_ =	shalt  }
0x62: {  	_ =	shalt  }
0x63: {  	_ =	shalt  }
0x64: {  	_ =	shalt  }
0x65: {  	_ =	shalt  }
0x66: {  	_ =	shalt  }
0x67: {  	_ =	shalt  }
0x68: {  	_ =	shalt  }
0x69: {  	_ =	shalt  }
0x6a: {  	_ =	shalt  }
0x6b: {  	_ =	shalt  }
0x6c: {  	_ =	shalt  }
0x6d: {  	_ =	shalt  }
0x6e: {  	_ =	shalt  }
0x6f: {  	_ =	shalt  }
0x70: {  	_ =	shalt  }
0x71: {  	_ =	shalt  }
0x72: {  	_ =	shalt  }
0x73: {  	_ =	shalt  }
0x74: {  	_ =	shalt  }
0x75: {  	_ =	shalt  }
0x76: {  	_ =	shalt  }
0x77: {  	_ =	shalt  }
0x78: {  	_ =	shalt  }
0x79: {  	_ =	shalt  }
0x7a: {  	_ =	shalt  }
0x7b: {  	_ =	shalt  }
0x7c: {  	_ =	shalt  }
0x7d: {  	_ =	shalt  }
0x7e: {  	_ =	shalt  }
0x7f: {  	_ =	shalt  }
0x80: {  	_ =	shalt  }
0x81: {  	_ =	shalt  }
0x82: {  	_ =	shalt  }
0x83: {  	_ =	shalt  }
0x84: {  	_ =	shalt  }
0x85: {  	_ =	shalt  }
0x86: {  	_ =	shalt  }
0x87: {  	_ =	shalt  }
.Lfunc_end0:
.L_simem_size_0:
called_computation.1_lowered:
.L_overlay_start_0:
0x88: {  	s2 =	sld [smem:$0x3FD9]  }
0x89: {  	s3 =	sld [smem:$0x3FFE];
	_ =	sdelay $0x1  }
0x8a: {  	s1 =	srdreg.scid  }
0x8b: {  	s0 =	sand.u32 $0x1, s1  }
0x8c: {  	s17 =	sshll.u32 s0, $0xA;
	s2 =	sadd.s32 s3, s2  }
0x8d: {  	s2 =	sadd.s32 s2, s17  }
0x8e: {  	[smem:$0x3FAC] =	sst s2  }
0x8f: {  	_ = 	snop  }
0x90: {  	(tm) =	ssettm $0x1  }
0x91: {  	s18 =	sld [smem:$0x3FFB];
	_ =	sdelay $0x3  }
0x92: {  	_ =	strace s18  }
0x93: {  	s2 =	sld [smem:$0x3FFC];
	_ =	sdelay $0x3  }
0x94: {  	_ =	strace s2  }
0x95: {  	s2 =	sld [smem:$0x3FFD];
	_ =	sdelay $0x3  }
0x96: {  	_ =	strace s2  }
0x97: {  	_ =	strace $0x8FFFFFFF  }
0x98: {  	s19 =	sld [smem:$0x3FDB];
	_ =	sdelay $0x1  }
0x99: {  	s20 =	simm.s32 $_scs_section_size  }
0x9a: {  	s4 =	simm.s32 $_size__tile_overlayer_lowered;
	s5 =	simm.s32 $_tile_overlayer_lowered  }
0x9b: {  	s6 =	simm.s32 $0x1BFF;
	s21 =	sshll.u32 s5, $0x1;
	s3 =	sadd.s32 s20, s19  }
0x9c: {  	s22 =	simm.s32 $0x0;
	s4 =	sshll.u32 s4, $0x1;
	s5 =	sadd.s32 s21, s3  }
0x9d: {  	[timem:s22], [sflag:s6] =	dma.local [hbm:s5], s4  }
0x9e: {  	_ =	swait.ge [sflag:s6], s4  }
0x9f: {  	s4 =	ssub.s32 $0x0, s4;
	[sflag:s6] =	ssyncset.done $0x0  }
0xa0: {  	[sflag:s6] =	ssyncadd.s32 s4;
	_ =	sdelay $0x1  }
0xa1: {  	s23 =	simm.s32 $0x1B8B  }
0xa2: {  	_ =	swait.ge [sflag:s23], $0x1  }
0xa3: {  	[sflag:s23] =	ssyncset.done $0x0  }
0xa4: {  	[sflag:s23] =	ssyncadd.s32 $0xFFFFFFFF  }
0xa5: {  	s4 =	sld [smem:$0x0]  }
0xa6: {  	s5 =	sand.u32 $0xFFFFFFFE, s1  }
0xa7: {  	p0 =	sne.s32 s1, s5  }
0xa8: {  	s5 =	sshll.u32 @p0 s5, $0xE  }
0xa9: {  	s5 =	sadd.s32 @p0 $0x11B8D, s5;
	s6 =	sshll.u32 @p0 s4, $0x11  }
0xaa: {  	s5 =	sor.u32 @p0 s6, s5  }
0xab: {  	[sflag:s5] =	ssyncadd.remote.s32 @p0 $0x1;
	_ =	sdelay $0x1  }
0xac: {  	s5 =	simm.s32 @p0 $0x1B8D  }
0xad: {  	_ =	swait.eq @p0 [sflag:s5], $0x1  }
0xae: {  	[sflag:s5] =	ssyncadd.s32 @p0 $0xFFFFFFFF  }
0xaf: {  	s6 =	sshll.u32 @!p0 s1, $0xE  }
0xb0: {  	s6 =	sor.u32 @!p0 $0x4000, s6;
	s5 =	simm.s32 @!p0 $0x1B8D  }
0xb1: {  	s4 =	sshll.u32 @!p0 s4, $0x11;
	s6 =	sadd.s32 @!p0 $0x11B8D, s6;
	_ =	swait.eq @!p0 [sflag:s5], $0x1  }
0xb2: {  	s4 =	sor.u32 @!p0 s4, s6;
	[sflag:s5] =	ssyncadd.s32 @!p0 $0xFFFFFFFF  }
0xb3: {  	s25 =	simm.s32 $0x1B8E;
	s24 =	sld [smem:$0x3FFE];
	[sflag:s4] =	ssyncadd.remote.s32 @!p0 $0x1  }
0xb4: {  	s26 =	simm.s32 $execute0_lowered;
	[smem:$0x3FD2] =	sst s25  }
0xb5: {  	s5 =	sshll.u32 s26, $0x1;
	_ =	strace $0x80000049;
	[dreg:$0x1] =	wrdreg $0xFFFFFFFF  }
0xb6: {  	s28 =	simm.s32 $_size_execute0_lowered;
	s3 =	sadd.s32 s3, s5;
	[dreg:$0x0] =	wrdreg $0x0  }
0xb7: {  	s5 =	sshll.u32 s28, $0x1;
	[dreg:$0x2] =	wrdreg s3  }
0xb8: {  	[dreg:$0x3] =	wrdreg s5  }
0xb9: {  	[dreg:$0x4] =	wrdreg $0xC0  }
0xba: {  	_ =	task [dreg:s22], $0x5FFFF  }
0xbb: {  	[dreg:$0x1] =	wrdreg $0xFFFFFFFF  }
0xbc: {  	[dreg:$0x0] =	wrdreg $0x60  }
0xbd: {  	[dreg:$0x2] =	wrdreg s24  }
0xbe: {  	[dreg:$0x3] =	wrdreg $0x0  }
0xbf: {  	[dreg:$0x4] =	wrdreg $0xA  }
0xc0: {  	_ =	task.clear_ibuf [dreg:s22], $0x5FFFF;
	_ =	strace $0x90000049  }
0xc1: {  	s29 =	simm.s32 $0xA;
	_ =	strace $0x8000004B  }
0xc2: {  	_ =	swait.ge [sflag:s29], $0x1  }
0xc3: {  	[sflag:s29] =	ssyncadd.s32 $0xFFFFFFFF  }
0xc4: {  	_ =	strace $0x9000004B  }
0xc5: {  	_ =	sfence  }
0xc6: {  	s30 =	sld [smem:$0x0];
	_ =	sdelay $0x2  }
0xc7: {  	s31 =	sshll.u32 s1, $0xD;
	s1 =	sshrl.u32 s1, $0x2  }
0xc8: {  	s4 =	sand.u32 $0x4000, s31;
	s1 =	sadd.s32 s1, s30  }
0xc9: {  	s0 =	sor.u32 s4, s0;
	s1 =	sshll.u32 s1, $0x11  }
0xca: {  	s0 =	sor.u32 s1, s0  }
0xcb: {  	s0 =	sadd.s32 $0x8F2B, s0  }
0xcc: {  	[sflag:s0] =	ssyncadd.remote.s32 $0x1  }
0xcd: {  	_ =	sfence.sel $0xFFFF  }
0xce: {  	[dreg:$0x0] =	wrdreg $0xFFFFFFFF;
	(pc) =	sbr.abs _section_cstart, $3  }
0xcf: {  	[dreg:$0x1] =	wrdreg $0xFFFFFFFF  }
0xd0: {  	_ =	task.clear_ibuf [dreg:s22], $0x2FFFF;
	_ =	strace $0x9FFFFFFF  }
0xd1: {  	(tm) =	ssettm $0x7FFFFFFF  }
tec
execute0_lowered:
.L_overlay_start_1:
0x0: {  	(tag) =	ssettag $0x1  }
0x1: {  	s8 =	stileid.u32  }
0x2: {  	s2 =	smul.u32 $0xC800, s8  }
0x3: {  	s6 =	smul.u32 $0x1900, s8  }
0x4: {  	s0 =	srdreg.scid;
	s7 =	smul.u32 $0x18700, s8  }
0x5: {  	s10 =	rddreg [dreg:$0x0];
	s0 =	sand.u32 $0x1, s0;
	s8 =	smul.u32 $0x61C00, s8  }
0x6: {  	s3 =	rddreg [dreg:$0x1];
	s4 =	simm.s32 $0x0;
	s1 =	smul.u32 $0xCE400, s0  }
0x7: {  	[smem:$0x7FF] =	sst s4;
	s25 =	smul.u32 $0x187000, s0;
	s26 =	ssub.s32 $0x2, s0  }
0x8: {  	s9 =	sshrl.u32 s26, $0x1;
	s8 =	sshrl.u32 s8, $0x2;
	s1 =	sadd.s32 s2, s1  }
0x9: {  	s2 =	sadd.s32 s7, s25;
	s7 =	ssub.s32 s26, s9;
	s9 =	sadd.s32 s8, s3  }
0xa: {  	_ =	strace $0x8000004A;
	s7 =	smax.u32 s7, $0x1;
	[dreg:$0x3] =	wrdreg s9  }
0xb: {  	s11 =	sadd.s32 $0x1700, s9;
	[dreg:$0x4] =	wrdreg s7  }
0xc: {  	s12 =	sadd.s32 $0x2E00, s9;
	[dreg:$0x5] =	wrdreg s11  }
0xd: {  	s28 =	simm.s32 $0x19F00;
	s13 =	sadd.s32 $0x4500, s9;
	[dreg:$0x6] =	wrdreg s12  }
0xe: {  	s29 =	simm.s32 $0x2;
	s14 =	sadd.s32 $0x5C00, s9;
	[dreg:$0x7] =	wrdreg s13  }
0xf: {  	s30 =	simm.s32 $0x19B00;
	s15 =	sadd.s32 $0x7300, s9;
	[dreg:$0x8] =	wrdreg s14  }
0x10: {  	s31 =	simm.s32 $0x18700;
	s16 =	sadd.s32 $0x8A00, s9;
	[dreg:$0x9] =	wrdreg s15  }
0x11: {  	s5 =	sadd.s32 $0x62800, s10;
	s17 =	sadd.s32 $0xA100, s9;
	[dreg:$0xa] =	wrdreg s16  }
0x12: {  	s0 =	smul.u32 $0xC80, s0;
	s18 =	sadd.s32 $0xB800, s9;
	[dreg:$0xb] =	wrdreg s17  }
0x13: {  	s6 =	sadd.s32 s6, s10;
	s19 =	sadd.s32 $0xCF00, s9;
	[dreg:$0xc] =	wrdreg s18  }
0x14: {  	s0 =	sadd.s32 s0, s6;
	s20 =	sadd.s32 $0xE600, s9;
	[dreg:$0xd] =	wrdreg s19  }
0x15: {  	s8 =	simm.s32 $0x19300;
	s21 =	sadd.s32 $0xFD00, s9;
	[dreg:$0xe] =	wrdreg s20  }
0x16: {  	s1 =	sshrl.u32 s1, $0x3;
	s22 =	sadd.s32 $0x11400, s9;
	[dreg:$0xf] =	wrdreg s21  }
0x17: {  	s2 =	sshrl.u32 s2, $0x3;
	s23 =	sadd.s32 $0x12B00, s9;
	[dreg:$0x10] =	wrdreg s22  }
0x18: {  	s24 =	sadd.s32 $0x14200, s9;
	s25 =	sadd.s32 $0x15900, s9;
	[dreg:$0x11] =	wrdreg s23  }
0x19: {  	s26 =	sadd.s32 $0x17000, s9;
	s1 =	sadd.s32 s1, s10;
	[dreg:$0x12] =	wrdreg s24  }
0x1a: {  	s2 =	sadd.s32 s2, s10;
	[dreg:$0x13] =	wrdreg s25;
	s23 =	sadd.s32 $0x18800, s0  }
0x1b: {  	[dreg:$0x14] =	wrdreg s26;
	s0 =	simm.s32 $0x18B00;
	s7 =	simm.s32 $0x19B80  }
0x1c: {  	s10 =	simm.s32 $0x19C00;
	s11 =	simm.s32 $0x18780;
	s12 =	simm.s32 $0x19C80  }
0x1d: {  	s13 =	simm.s32 $0x18800;
	s14 =	simm.s32 $0x19D00;
	s15 =	simm.s32 $0x18880  }
0x1e: {  	s16 =	simm.s32 $0x19D80;
	s17 =	simm.s32 $0x18900;
	s18 =	simm.s32 $0x19E00  }
0x1f: {  	s19 =	simm.s32 $0x18980;
	s20 =	simm.s32 $0x19E80;
	s21 =	simm.s32 $0x18A00  }
0x20: {  	s22 =	simm.s32 $0x18A80;
	s26 =	simm.s32 $0x0;
	s24 =	sadd.s32 $0x7B000, s1  }
0x21: {  	s25 =	sadd.s32 $0x1E9400, s2;
	s1 =	simm.s32 $0x80;
	s2 =	simm.s32 $0x1  }
.LBB2_1:
0x22: {  	[dreg:$0x15] =	wrdreg s26  }
0x23: {  	s6 =	rddreg [dreg:$0x0]  }
0x24: {  	[tilespmem:s28], [sflag:$0x2] =	stream.linear.gather [hbm4b:s6+s4], $0x1700, $0x38;
	[tilespmem:$0x1B600] =	vst v63  }
0x25: {  	_ =	swait.ge [sflag:s29], $0x1700  }
0x26: {  	[sflag:s29] =	ssyncset.done $0x0  }
0x27: {  	[sflag:s29] =	ssyncadd.s32 $0xFFFFE900  }
0x28: {  	[spmem:s9] =	stream.linear.scatter [tilespmem:s28], [sflag:$0x2], $0x1700, $0x38;
	[tilespmem:$0x1B600] =	vst v63  }
0x29: {  	_ =	swait.ge [sflag:s29], $0x1700  }
0x2a: {  	[sflag:s29] =	ssyncset.done $0x0  }
0x2b: {  	s9 =	rddreg [dreg:$0x5];
	[sflag:s29] =	ssyncadd.s32 $0xFFFFE900  }
0x2c: {  	[spmem:s9] =	stream.linear.scatter [tilespmem:s28], [sflag:$0x2], $0x1700, $0x38;
	[tilespmem:$0x1B600] =	vst v63  }
0x2d: {  	_ =	swait.ge [sflag:s29], $0x1700  }
0x2e: {  	[sflag:s29] =	ssyncset.done $0x0  }
0x2f: {  	s26 =	rddreg [dreg:$0x6];
	[sflag:s29] =	ssyncadd.s32 $0xFFFFE900  }
0x30: {  	[spmem:s26] =	stream.linear.scatter [tilespmem:s28], [sflag:$0x2], $0x1700, $0x38;
	[tilespmem:$0x1B600] =	vst v63  }
0x31: {  	_ =	swait.ge [sflag:s29], $0x1700  }
0x32: {  	[sflag:s29] =	ssyncset.done $0x0  }
0x33: {  	s9 =	rddreg [dreg:$0x7];
	[sflag:s29] =	ssyncadd.s32 $0xFFFFE900  }
0x34: {  	[spmem:s9] =	stream.linear.scatter [tilespmem:s28], [sflag:$0x2], $0x1700, $0x38;
	[tilespmem:$0x1B600] =	vst v63  }
0x35: {  	_ =	swait.ge [sflag:s29], $0x1700  }
0x36: {  	[sflag:s29] =	ssyncset.done $0x0  }
0x37: {  	s26 =	rddreg [dreg:$0x8];
	[sflag:s29] =	ssyncadd.s32 $0xFFFFE900  }
0x38: {  	[spmem:s26] =	stream.linear.scatter [tilespmem:s28], [sflag:$0x2], $0x1700, $0x38;
	[tilespmem:$0x1B600] =	vst v63  }
0x39: {  	_ =	swait.ge [sflag:s29], $0x1700  }
0x3a: {  	[sflag:s29] =	ssyncset.done $0x0  }
0x3b: {  	s9 =	rddreg [dreg:$0x9];
	[sflag:s29] =	ssyncadd.s32 $0xFFFFE900  }
0x3c: {  	[spmem:s9] =	stream.linear.scatter [tilespmem:s28], [sflag:$0x2], $0x1700, $0x38;
	[tilespmem:$0x1B600] =	vst v63  }
0x3d: {  	_ =	swait.ge [sflag:s29], $0x1700  }
0x3e: {  	[sflag:s29] =	ssyncset.done $0x0  }
0x3f: {  	s26 =	rddreg [dreg:$0xa];
	[sflag:s29] =	ssyncadd.s32 $0xFFFFE900  }
0x40: {  	[spmem:s26] =	stream.linear.scatter [tilespmem:s28], [sflag:$0x2], $0x1700, $0x38;
	[tilespmem:$0x1B600] =	vst v63  }
0x41: {  	_ =	swait.ge [sflag:s29], $0x1700  }
0x42: {  	[sflag:s29] =	ssyncset.done $0x0  }
0x43: {  	s9 =	rddreg [dreg:$0xb];
	[sflag:s29] =	ssyncadd.s32 $0xFFFFE900  }
0x44: {  	[spmem:s9] =	stream.linear.scatter [tilespmem:s28], [sflag:$0x2], $0x1700, $0x38;
	[tilespmem:$0x1B600] =	vst v63  }
0x45: {  	_ =	swait.ge [sflag:s29], $0x1700  }
0x46: {  	[sflag:s29] =	ssyncset.done $0x0  }
0x47: {  	s26 =	rddreg [dreg:$0xc];
	[sflag:s29] =	ssyncadd.s32 $0xFFFFE900  }
0x48: {  	[spmem:s26] =	stream.linear.scatter [tilespmem:s28], [sflag:$0x2], $0x1700, $0x38;
	[tilespmem:$0x1B600] =	vst v63  }
0x49: {  	_ =	swait.ge [sflag:s29], $0x1700  }
0x4a: {  	[sflag:s29] =	ssyncset.done $0x0  }
0x4b: {  	s9 =	rddreg [dreg:$0xd];
	[sflag:s29] =	ssyncadd.s32 $0xFFFFE900  }
0x4c: {  	[spmem:s9] =	stream.linear.scatter [tilespmem:s28], [sflag:$0x2], $0x1700, $0x38;
	[tilespmem:$0x1B600] =	vst v63  }
0x4d: {  	_ =	swait.ge [sflag:s29], $0x1700  }
0x4e: {  	[sflag:s29] =	ssyncset.done $0x0  }
0x4f: {  	s26 =	rddreg [dreg:$0xe];
	[sflag:s29] =	ssyncadd.s32 $0xFFFFE900  }
0x50: {  	[spmem:s26] =	stream.linear.scatter [tilespmem:s28], [sflag:$0x2], $0x1700, $0x38;
	[tilespmem:$0x1B600] =	vst v63  }
0x51: {  	_ =	swait.ge [sflag:s29], $0x1700  }
0x52: {  	[sflag:s29] =	ssyncset.done $0x0  }
0x53: {  	s9 =	rddreg [dreg:$0xf];
	[sflag:s29] =	ssyncadd.s32 $0xFFFFE900  }
0x54: {  	[spmem:s9] =	stream.linear.scatter [tilespmem:s28], [sflag:$0x2], $0x1700, $0x38;
	[tilespmem:$0x1B600] =	vst v63  }
0x55: {  	_ =	swait.ge [sflag:s29], $0x1700  }
0x56: {  	[sflag:s29] =	ssyncset.done $0x0  }
0x57: {  	s26 =	rddreg [dreg:$0x10];
	[sflag:s29] =	ssyncadd.s32 $0xFFFFE900  }
0x58: {  	[spmem:s26] =	stream.linear.scatter [tilespmem:s28], [sflag:$0x2], $0x1700, $0x38;
	[tilespmem:$0x1B600] =	vst v63  }
0x59: {  	_ =	swait.ge [sflag:s29], $0x1700  }
0x5a: {  	[sflag:s29] =	ssyncset.done $0x0  }
0x5b: {  	s9 =	rddreg [dreg:$0x11];
	[sflag:s29] =	ssyncadd.s32 $0xFFFFE900  }
0x5c: {  	[spmem:s9] =	stream.linear.scatter [tilespmem:s28], [sflag:$0x2], $0x1700, $0x38;
	[tilespmem:$0x1B600] =	vst v63  }
0x5d: {  	_ =	swait.ge [sflag:s29], $0x1700  }
0x5e: {  	[sflag:s29] =	ssyncset.done $0x0  }
0x5f: {  	s26 =	rddreg [dreg:$0x12];
	[sflag:s29] =	ssyncadd.s32 $0xFFFFE900  }
0x60: {  	[spmem:s26] =	stream.linear.scatter [tilespmem:s28], [sflag:$0x2], $0x1700, $0x38;
	[tilespmem:$0x1B600] =	vst v63  }
0x61: {  	_ =	swait.ge [sflag:s29], $0x1700  }
0x62: {  	[sflag:s29] =	ssyncset.done $0x0  }
0x63: {  	s9 =	rddreg [dreg:$0x13];
	[sflag:s29] =	ssyncadd.s32 $0xFFFFE900  }
0x64: {  	[spmem:s9] =	stream.linear.scatter [tilespmem:s28], [sflag:$0x2], $0x1700, $0x38;
	[tilespmem:$0x1B600] =	vst v63  }
0x65: {  	_ =	swait.ge [sflag:s29], $0x1700  }
0x66: {  	[sflag:s29] =	ssyncset.done $0x0  }
0x67: {  	s26 =	rddreg [dreg:$0x14];
	[sflag:s29] =	ssyncadd.s32 $0xFFFFE900  }
0x68: {  	[spmem:s26] =	stream.linear.scatter [tilespmem:s28], [sflag:$0x2], $0x1700, $0x38;
	[tilespmem:$0x1B600] =	vst v63  }
0x69: {  	_ =	swait.ge [sflag:s29], $0x1700  }
0x6a: {  	[sflag:s29] =	ssyncset.done $0x0  }
0x6b: {  	[sflag:s29] =	ssyncadd.s32 $0xFFFFE900  }
0x6c: {  	s9 =	sadd.s32 $0x0, s24;
	[bflag:$0x0] =	sbarrier.arrive $0xFFFF  }
0x6d: {  	[tilespmem:s30], [sflag:$0x2] =	stream.linear.gather [hbm4b:s9+s4], $0x400, $0x38;
	[tilespmem:$0x1B600] =	vst v63  }
0x6e: {  	_ =	swait.ge [sflag:s29], $0x400  }
0x6f: {  	[sflag:s29] =	ssyncset.done $0x0  }
0x70: {  	s26 =	sadd.s32 $0x0, s23;
	[sflag:s29] =	ssyncadd.s32 $0xFFFFFC00  }
0x71: {  	[tilespmem:s31], [sflag:$0x2] =	stream.linear.gather [hbm4b:s26+s4], $0x400, $0x38;
	[tilespmem:$0x1B600] =	vst v63  }
0x72: {  	_ =	swait.ge [sflag:s29], $0x400  }
0x73: {  	[sflag:s29] =	ssyncset.done $0x0  }
0x74: {  	[sflag:s29] =	ssyncadd.s32 $0xFFFFFC00  }
0x75: {  	[tilespmem:s0], [sflag:$0x1] =	stream.indirect.gather [hbm4b:s5+s1], $0x10, s30, s1, $0xb8;
	[tilespmem:$0x1B600] =	vst v63  }
0x76: {  	_ =	swait.ge [sflag:s2], $0x800  }
0x77: {  	[sflag:s2] =	ssyncset.done $0x0  }
0x78: {  	[sflag:s2] =	ssyncadd.s32 $0xFFFFF800  }
0x79: {  	[tilespmem:s8], [sflag:$0x1] =	stream.indirect.gather [hbm4b:s5+s1], $0x10, s7, s1, $0xb8;
	[tilespmem:$0x1B600] =	vst v63  }
0x7a: {  	_ = 	snop  }
0x7b: {  	[spmem:s3] =	stream.indirect.scatter.add.f32 [tilespmem:s0], [sflag:$0x2], $0x10, s31, s1, $0xb8;
	[tilespmem:$0x1B600] =	vst v63  }
0x7c: {  	_ =	swait.ge [sflag:s29], $0x800  }
0x7d: {  	[sflag:s29] =	ssyncset.done $0x0  }
0x7e: {  	[sflag:s29] =	ssyncadd.s32 $0xFFFFF800  }
0x7f: {  	_ =	swait.ge [sflag:s2], $0x800  }
0x80: {  	[sflag:s2] =	ssyncset.done $0x0  }
0x81: {  	[sflag:s2] =	ssyncadd.s32 $0xFFFFF800  }
0x82: {  	[tilespmem:s0], [sflag:$0x1] =	stream.indirect.gather [hbm4b:s5+s1], $0x10, s10, s1, $0xb8;
	[tilespmem:$0x1B600] =	vst v63  }
0x83: {  	_ = 	snop  }
0x84: {  	[spmem:s3] =	stream.indirect.scatter.add.f32 [tilespmem:s8], [sflag:$0x2], $0x10, s11, s1, $0xb8;
	[tilespmem:$0x1B600] =	vst v63  }
0x85: {  	_ =	swait.ge [sflag:s29], $0x800  }
0x86: {  	[sflag:s29] =	ssyncset.done $0x0  }
0x87: {  	[sflag:s29] =	ssyncadd.s32 $0xFFFFF800  }
0x88: {  	_ =	swait.ge [sflag:s2], $0x800  }
0x89: {  	[sflag:s2] =	ssyncset.done $0x0  }
0x8a: {  	[sflag:s2] =	ssyncadd.s32 $0xFFFFF800  }
0x8b: {  	[tilespmem:s8], [sflag:$0x1] =	stream.indirect.gather [hbm4b:s5+s1], $0x10, s12, s1, $0xb8;
	[tilespmem:$0x1B600] =	vst v63  }
0x8c: {  	_ = 	snop  }
0x8d: {  	[spmem:s3] =	stream.indirect.scatter.add.f32 [tilespmem:s0], [sflag:$0x2], $0x10, s13, s1, $0xb8;
	[tilespmem:$0x1B600] =	vst v63  }
0x8e: {  	_ =	swait.ge [sflag:s29], $0x800  }
0x8f: {  	[sflag:s29] =	ssyncset.done $0x0  }
0x90: {  	[sflag:s29] =	ssyncadd.s32 $0xFFFFF800  }
0x91: {  	_ =	swait.ge [sflag:s2], $0x800  }
0x92: {  	[sflag:s2] =	ssyncset.done $0x0  }
0x93: {  	[sflag:s2] =	ssyncadd.s32 $0xFFFFF800  }
0x94: {  	[tilespmem:s0], [sflag:$0x1] =	stream.indirect.gather [hbm4b:s5+s1], $0x10, s14, s1, $0xb8;
	[tilespmem:$0x1B600] =	vst v63  }
0x95: {  	_ = 	snop  }
0x96: {  	[spmem:s3] =	stream.indirect.scatter.add.f32 [tilespmem:s8], [sflag:$0x2], $0x10, s15, s1, $0xb8;
	[tilespmem:$0x1B600] =	vst v63  }
0x97: {  	_ =	swait.ge [sflag:s29], $0x800  }
0x98: {  	[sflag:s29] =	ssyncset.done $0x0  }
0x99: {  	[sflag:s29] =	ssyncadd.s32 $0xFFFFF800  }
0x9a: {  	_ =	swait.ge [sflag:s2], $0x800  }
0x9b: {  	[sflag:s2] =	ssyncset.done $0x0  }
0x9c: {  	[sflag:s2] =	ssyncadd.s32 $0xFFFFF800  }
0x9d: {  	[tilespmem:s8], [sflag:$0x1] =	stream.indirect.gather [hbm4b:s5+s1], $0x10, s16, s1, $0xb8;
	[tilespmem:$0x1B600] =	vst v63  }
0x9e: {  	_ = 	snop  }
0x9f: {  	[spmem:s3] =	stream.indirect.scatter.add.f32 [tilespmem:s0], [sflag:$0x2], $0x10, s17, s1, $0xb8;
	[tilespmem:$0x1B600] =	vst v63  }
0xa0: {  	_ =	swait.ge [sflag:s29], $0x800  }
0xa1: {  	[sflag:s29] =	ssyncset.done $0x0  }
0xa2: {  	[sflag:s29] =	ssyncadd.s32 $0xFFFFF800  }
0xa3: {  	_ =	swait.ge [sflag:s2], $0x800  }
0xa4: {  	[sflag:s2] =	ssyncset.done $0x0  }
0xa5: {  	[sflag:s2] =	ssyncadd.s32 $0xFFFFF800  }
0xa6: {  	[tilespmem:s0], [sflag:$0x1] =	stream.indirect.gather [hbm4b:s5+s1], $0x10, s18, s1, $0xb8;
	[tilespmem:$0x1B600] =	vst v63  }
0xa7: {  	_ = 	snop  }
0xa8: {  	[spmem:s3] =	stream.indirect.scatter.add.f32 [tilespmem:s8], [sflag:$0x2], $0x10, s19, s1, $0xb8;
	[tilespmem:$0x1B600] =	vst v63  }
0xa9: {  	_ =	swait.ge [sflag:s29], $0x800  }
0xaa: {  	[sflag:s29] =	ssyncset.done $0x0  }
0xab: {  	[sflag:s29] =	ssyncadd.s32 $0xFFFFF800  }
0xac: {  	_ =	swait.ge [sflag:s2], $0x800  }
0xad: {  	[sflag:s2] =	ssyncset.done $0x0  }
0xae: {  	[sflag:s2] =	ssyncadd.s32 $0xFFFFF800  }
0xaf: {  	[tilespmem:s8], [sflag:$0x1] =	stream.indirect.gather [hbm4b:s5+s1], $0x10, s20, s1, $0xb8;
	[tilespmem:$0x1B600] =	vst v63  }
0xb0: {  	_ = 	snop  }
0xb1: {  	[spmem:s3] =	stream.indirect.scatter.add.f32 [tilespmem:s0], [sflag:$0x2], $0x10, s21, s1, $0xb8;
	[tilespmem:$0x1B600] =	vst v63  }
0xb2: {  	_ =	swait.ge [sflag:s29], $0x800  }
0xb3: {  	s6 =	simm.s32 $0x100;
	s26 =	simm.s32 $0x80;
	[sflag:s29] =	ssyncset.done $0x0  }
0xb4: {  	s10 =	simm.s32 $0x19C00;
	s11 =	simm.s32 $0x18780;
	[sflag:s29] =	ssyncadd.s32 $0xFFFFF800  }
0xb5: {  	s12 =	simm.s32 $0x19C80;
	s13 =	simm.s32 $0x18800;
	_ =	swait.ge [sflag:s2], $0x800  }
0xb6: {  	s14 =	simm.s32 $0x19D00;
	s15 =	simm.s32 $0x18880;
	[sflag:s2] =	ssyncset.done $0x0  }
0xb7: {  	s16 =	simm.s32 $0x19D80;
	s17 =	simm.s32 $0x18900;
	[sflag:s2] =	ssyncadd.s32 $0xFFFFF800  }
0xb8: {  	[spmem:s3] =	stream.indirect.scatter.add.f32 [tilespmem:s8], [sflag:$0x2], $0x10, s22, s1, $0xb8;
	[tilespmem:$0x1B600] =	vst v63  }
0xb9: {  	s18 =	simm.s32 $0x19E00;
	s19 =	simm.s32 $0x18980;
	_ =	swait.ge [sflag:s29], $0x800  }
0xba: {  	s20 =	simm.s32 $0x19E80;
	s21 =	simm.s32 $0x18A00;
	[sflag:s29] =	ssyncset.done $0x0  }
.LBB2_2:
0xbb: {  	s7 =	sadd.s32 s26, s24  }
0xbc: {  	[sflag:s29] =	ssyncadd.s32 $0xFFFFF800;
	s9 =	smov.u32 s6;
	s22 =	sadd.s32 $0x80, s6  }
0xbd: {  	[tilespmem:s30], [sflag:$0x2] =	stream.linear.gather [hbm4b:s7+s4], $0x400, $0x38;
	[tilespmem:$0x1B600] =	vst v63  }
0xbe: {  	s7 =	simm.s32 $0x19B80  }
0xbf: {  	p0 =	sne.s32 s6, $0xC00;
	_ =	swait.ge [sflag:s29], $0x400  }
0xc0: {  	[sflag:s29] =	ssyncset.done $0x0  }
0xc1: {  	s6 =	sadd.s32 s26, s23;
	s26 =	smov.u32 s9;
	[sflag:s29] =	ssyncadd.s32 $0xFFFFFC00  }
0xc2: {  	[tilespmem:s31], [sflag:$0x2] =	stream.linear.gather [hbm4b:s6+s4], $0x400, $0x38;
	[tilespmem:$0x1B600] =	vst v63  }
0xc3: {  	_ =	swait.ge [sflag:s29], $0x400  }
0xc4: {  	[sflag:s29] =	ssyncset.done $0x0  }
0xc5: {  	[sflag:s29] =	ssyncadd.s32 $0xFFFFFC00  }
0xc6: {  	[tilespmem:s0], [sflag:$0x1] =	stream.indirect.gather [hbm4b:s5+s1], $0x10, s30, s1, $0xb8;
	[tilespmem:$0x1B600] =	vst v63  }
0xc7: {  	_ =	swait.ge [sflag:s2], $0x800  }
0xc8: {  	[sflag:s2] =	ssyncset.done $0x0  }
0xc9: {  	[sflag:s2] =	ssyncadd.s32 $0xFFFFF800  }
0xca: {  	[tilespmem:s8], [sflag:$0x1] =	stream.indirect.gather [hbm4b:s5+s1], $0x10, s7, s1, $0xb8;
	[tilespmem:$0x1B600] =	vst v63  }
0xcb: {  	_ = 	snop  }
0xcc: {  	[spmem:s3] =	stream.indirect.scatter.add.f32 [tilespmem:s0], [sflag:$0x2], $0x10, s31, s1, $0xb8;
	[tilespmem:$0x1B600] =	vst v63  }
0xcd: {  	_ =	swait.ge [sflag:s29], $0x800  }
0xce: {  	[sflag:s29] =	ssyncset.done $0x0  }
0xcf: {  	[sflag:s29] =	ssyncadd.s32 $0xFFFFF800  }
0xd0: {  	_ =	swait.ge [sflag:s2], $0x800  }
0xd1: {  	[sflag:s2] =	ssyncset.done $0x0  }
0xd2: {  	[sflag:s2] =	ssyncadd.s32 $0xFFFFF800  }
0xd3: {  	[tilespmem:s0], [sflag:$0x1] =	stream.indirect.gather [hbm4b:s5+s1], $0x10, s10, s1, $0xb8;
	[tilespmem:$0x1B600] =	vst v63  }
0xd4: {  	_ = 	snop  }
0xd5: {  	[spmem:s3] =	stream.indirect.scatter.add.f32 [tilespmem:s8], [sflag:$0x2], $0x10, s11, s1, $0xb8;
	[tilespmem:$0x1B600] =	vst v63  }
0xd6: {  	_ =	swait.ge [sflag:s29], $0x800  }
0xd7: {  	[sflag:s29] =	ssyncset.done $0x0  }
0xd8: {  	[sflag:s29] =	ssyncadd.s32 $0xFFFFF800  }
0xd9: {  	_ =	swait.ge [sflag:s2], $0x800  }
0xda: {  	[sflag:s2] =	ssyncset.done $0x0  }
0xdb: {  	[sflag:s2] =	ssyncadd.s32 $0xFFFFF800  }
0xdc: {  	[tilespmem:s8], [sflag:$0x1] =	stream.indirect.gather [hbm4b:s5+s1], $0x10, s12, s1, $0xb8;
	[tilespmem:$0x1B600] =	vst v63  }
0xdd: {  	_ = 	snop  }
0xde: {  	[spmem:s3] =	stream.indirect.scatter.add.f32 [tilespmem:s0], [sflag:$0x2], $0x10, s13, s1, $0xb8;
	[tilespmem:$0x1B600] =	vst v63  }
0xdf: {  	_ =	swait.ge [sflag:s29], $0x800  }
0xe0: {  	[sflag:s29] =	ssyncset.done $0x0  }
0xe1: {  	[sflag:s29] =	ssyncadd.s32 $0xFFFFF800  }
0xe2: {  	_ =	swait.ge [sflag:s2], $0x800  }
0xe3: {  	[sflag:s2] =	ssyncset.done $0x0  }
0xe4: {  	[sflag:s2] =	ssyncadd.s32 $0xFFFFF800  }
0xe5: {  	[tilespmem:s0], [sflag:$0x1] =	stream.indirect.gather [hbm4b:s5+s1], $0x10, s14, s1, $0xb8;
	[tilespmem:$0x1B600] =	vst v63  }
0xe6: {  	_ = 	snop  }
0xe7: {  	[spmem:s3] =	stream.indirect.scatter.add.f32 [tilespmem:s8], [sflag:$0x2], $0x10, s15, s1, $0xb8;
	[tilespmem:$0x1B600] =	vst v63  }
0xe8: {  	_ =	swait.ge [sflag:s29], $0x800  }
0xe9: {  	[sflag:s29] =	ssyncset.done $0x0  }
0xea: {  	[sflag:s29] =	ssyncadd.s32 $0xFFFFF800  }
0xeb: {  	_ =	swait.ge [sflag:s2], $0x800  }
0xec: {  	[sflag:s2] =	ssyncset.done $0x0  }
0xed: {  	[sflag:s2] =	ssyncadd.s32 $0xFFFFF800  }
0xee: {  	[tilespmem:s8], [sflag:$0x1] =	stream.indirect.gather [hbm4b:s5+s1], $0x10, s16, s1, $0xb8;
	[tilespmem:$0x1B600] =	vst v63  }
0xef: {  	_ = 	snop  }
0xf0: {  	[spmem:s3] =	stream.indirect.scatter.add.f32 [tilespmem:s0], [sflag:$0x2], $0x10, s17, s1, $0xb8;
	[tilespmem:$0x1B600] =	vst v63  }
0xf1: {  	_ =	swait.ge [sflag:s29], $0x800  }
0xf2: {  	[sflag:s29] =	ssyncset.done $0x0  }
0xf3: {  	[sflag:s29] =	ssyncadd.s32 $0xFFFFF800  }
0xf4: {  	_ =	swait.ge [sflag:s2], $0x800  }
0xf5: {  	[sflag:s2] =	ssyncset.done $0x0  }
0xf6: {  	[sflag:s2] =	ssyncadd.s32 $0xFFFFF800  }
0xf7: {  	[tilespmem:s0], [sflag:$0x1] =	stream.indirect.gather [hbm4b:s5+s1], $0x10, s18, s1, $0xb8;
	[tilespmem:$0x1B600] =	vst v63  }
0xf8: {  	_ = 	snop  }
0xf9: {  	[spmem:s3] =	stream.indirect.scatter.add.f32 [tilespmem:s8], [sflag:$0x2], $0x10, s19, s1, $0xb8;
	[tilespmem:$0x1B600] =	vst v63  }
0xfa: {  	_ =	swait.ge [sflag:s29], $0x800  }
0xfb: {  	[sflag:s29] =	ssyncset.done $0x0  }
0xfc: {  	[sflag:s29] =	ssyncadd.s32 $0xFFFFF800  }
0xfd: {  	_ =	swait.ge [sflag:s2], $0x800  }
0xfe: {  	[sflag:s2] =	ssyncset.done $0x0  }
0xff: {  	[sflag:s2] =	ssyncadd.s32 $0xFFFFF800  }
0x100: {  	[tilespmem:s8], [sflag:$0x1] =	stream.indirect.gather [hbm4b:s5+s1], $0x10, s20, s1, $0xb8;
	[tilespmem:$0x1B600] =	vst v63  }
0x101: {  	_ = 	snop  }
0x102: {  	[spmem:s3] =	stream.indirect.scatter.add.f32 [tilespmem:s0], [sflag:$0x2], $0x10, s21, s1, $0xb8;
	[tilespmem:$0x1B600] =	vst v63  }
0x103: {  	_ =	swait.ge [sflag:s29], $0x800  }
0x104: {  	[sflag:s29] =	ssyncset.done $0x0  }
0x105: {  	[sflag:s29] =	ssyncadd.s32 $0xFFFFF800  }
0x106: {  	_ =	swait.ge [sflag:s2], $0x800  }
.Ltmp0:
0x107: {  	[sflag:s2] =	ssyncset.done $0x0;
	(pc) =	sbr.rel @p0 .LBB2_2-.Ltmp0, $4  }
0x108: {  	s6 =	simm.s32 $0x18A80;
	[sflag:s2] =	ssyncadd.s32 $0xFFFFF800  }
0x109: {  	[spmem:s3] =	stream.indirect.scatter.add.f32 [tilespmem:s8], [sflag:$0x2], $0x10, s6, s1, $0xb8;
	[tilespmem:$0x1B600] =	vst v63  }
0x10a: {  	_ =	swait.ge [sflag:s29], $0x800  }
0x10b: {  	s6 =	smov.u32 s22;
	[sflag:s29] =	ssyncset.done $0x0  }
0x10c: {  	s6 =	sadd.s32 s26, s24;
	[sflag:s29] =	ssyncadd.s32 $0xFFFFF800  }
0x10d: {  	[tilespmem:s30], [sflag:$0x2] =	stream.linear.gather [hbm4b:s6+s4], $0x400, $0x38;
	[tilespmem:$0x1B600] =	vst v63  }
0x10e: {  	_ =	swait.ge [sflag:s29], $0x400  }
0x10f: {  	[sflag:s29] =	ssyncset.done $0x0  }
0x110: {  	s9 =	sadd.s32 s26, s23;
	[sflag:s29] =	ssyncadd.s32 $0xFFFFFC00  }
0x111: {  	[tilespmem:s31], [sflag:$0x2] =	stream.linear.gather [hbm4b:s9+s4], $0x400, $0x38;
	[tilespmem:$0x1B600] =	vst v63  }
0x112: {  	_ =	swait.ge [sflag:s29], $0x400  }
0x113: {  	[sflag:s29] =	ssyncset.done $0x0  }
0x114: {  	[sflag:s29] =	ssyncadd.s32 $0xFFFFFC00  }
0x115: {  	[tilespmem:s0], [sflag:$0x1] =	stream.indirect.gather [hbm4b:s5+s1], $0x10, s30, s1, $0xb8;
	[tilespmem:$0x1B600] =	vst v63  }
0x116: {  	_ =	swait.ge [sflag:s2], $0x800  }
0x117: {  	[sflag:s2] =	ssyncset.done $0x0  }
0x118: {  	[sflag:s2] =	ssyncadd.s32 $0xFFFFF800  }
0x119: {  	[tilespmem:s8], [sflag:$0x1] =	stream.indirect.gather [hbm4b:s5+s1], $0x10, s7, s1, $0xb8;
	[tilespmem:$0x1B600] =	vst v63  }
0x11a: {  	_ = 	snop  }
0x11b: {  	[spmem:s3] =	stream.indirect.scatter.add.f32 [tilespmem:s0], [sflag:$0x2], $0x10, s31, s1, $0xb8;
	[tilespmem:$0x1B600] =	vst v63  }
0x11c: {  	_ =	swait.ge [sflag:s29], $0x800  }
0x11d: {  	[sflag:s29] =	ssyncset.done $0x0  }
0x11e: {  	[sflag:s29] =	ssyncadd.s32 $0xFFFFF800  }
0x11f: {  	_ =	swait.ge [sflag:s2], $0x800  }
0x120: {  	[sflag:s2] =	ssyncset.done $0x0  }
0x121: {  	[sflag:s2] =	ssyncadd.s32 $0xFFFFF800  }
0x122: {  	[tilespmem:s0], [sflag:$0x1] =	stream.indirect.gather [hbm4b:s5+s1], $0x10, s10, s1, $0xb8;
	[tilespmem:$0x1B600] =	vst v63  }
0x123: {  	_ = 	snop  }
0x124: {  	[spmem:s3] =	stream.indirect.scatter.add.f32 [tilespmem:s8], [sflag:$0x2], $0x10, s11, s1, $0xb8;
	[tilespmem:$0x1B600] =	vst v63  }
0x125: {  	_ =	swait.ge [sflag:s29], $0x800  }
0x126: {  	[sflag:s29] =	ssyncset.done $0x0  }
0x127: {  	[sflag:s29] =	ssyncadd.s32 $0xFFFFF800  }
0x128: {  	_ =	swait.ge [sflag:s2], $0x800  }
0x129: {  	[sflag:s2] =	ssyncset.done $0x0  }
0x12a: {  	[sflag:s2] =	ssyncadd.s32 $0xFFFFF800  }
0x12b: {  	[tilespmem:s8], [sflag:$0x1] =	stream.indirect.gather [hbm4b:s5+s1], $0x10, s12, s1, $0xb8;
	[tilespmem:$0x1B600] =	vst v63  }
0x12c: {  	_ = 	snop  }
0x12d: {  	[spmem:s3] =	stream.indirect.scatter.add.f32 [tilespmem:s0], [sflag:$0x2], $0x10, s13, s1, $0xb8;
	[tilespmem:$0x1B600] =	vst v63  }
0x12e: {  	_ =	swait.ge [sflag:s29], $0x800  }
0x12f: {  	[sflag:s29] =	ssyncset.done $0x0  }
0x130: {  	[sflag:s29] =	ssyncadd.s32 $0xFFFFF800  }
0x131: {  	_ =	swait.ge [sflag:s2], $0x800  }
0x132: {  	[sflag:s2] =	ssyncset.done $0x0  }
0x133: {  	[sflag:s2] =	ssyncadd.s32 $0xFFFFF800  }
0x134: {  	[tilespmem:s0], [sflag:$0x1] =	stream.indirect.gather [hbm4b:s5+s1], $0x10, s14, s1, $0xb8;
	[tilespmem:$0x1B600] =	vst v63  }
0x135: {  	_ = 	snop  }
0x136: {  	[spmem:s3] =	stream.indirect.scatter.add.f32 [tilespmem:s8], [sflag:$0x2], $0x10, s15, s1, $0xb8;
	[tilespmem:$0x1B600] =	vst v63  }
0x137: {  	_ =	swait.ge [sflag:s29], $0x800  }
0x138: {  	[sflag:s29] =	ssyncset.done $0x0  }
0x139: {  	[sflag:s29] =	ssyncadd.s32 $0xFFFFF800  }
0x13a: {  	_ =	swait.ge [sflag:s2], $0x800  }
0x13b: {  	[sflag:s2] =	ssyncset.done $0x0  }
0x13c: {  	[sflag:s2] =	ssyncadd.s32 $0xFFFFF800  }
0x13d: {  	[tilespmem:s8], [sflag:$0x1] =	stream.indirect.gather [hbm4b:s5+s1], $0x10, s16, s1, $0xb8;
	[tilespmem:$0x1B600] =	vst v63  }
0x13e: {  	_ = 	snop  }
0x13f: {  	[spmem:s3] =	stream.indirect.scatter.add.f32 [tilespmem:s0], [sflag:$0x2], $0x10, s17, s1, $0xb8;
	[tilespmem:$0x1B600] =	vst v63  }
0x140: {  	_ =	swait.ge [sflag:s29], $0x800  }
0x141: {  	[sflag:s29] =	ssyncset.done $0x0  }
0x142: {  	[sflag:s29] =	ssyncadd.s32 $0xFFFFF800  }
0x143: {  	_ =	swait.ge [sflag:s2], $0x800  }
0x144: {  	[sflag:s2] =	ssyncset.done $0x0  }
0x145: {  	[sflag:s2] =	ssyncadd.s32 $0xFFFFF800  }
0x146: {  	[tilespmem:s0], [sflag:$0x1] =	stream.indirect.gather [hbm4b:s5+s1], $0x10, s18, s1, $0xb8;
	[tilespmem:$0x1B600] =	vst v63  }
0x147: {  	_ = 	snop  }
0x148: {  	[spmem:s3] =	stream.indirect.scatter.add.f32 [tilespmem:s8], [sflag:$0x2], $0x10, s19, s1, $0xb8;
	[tilespmem:$0x1B600] =	vst v63  }
0x149: {  	_ =	swait.ge [sflag:s29], $0x800  }
0x14a: {  	[sflag:s29] =	ssyncset.done $0x0  }
0x14b: {  	[sflag:s29] =	ssyncadd.s32 $0xFFFFF800  }
0x14c: {  	_ =	swait.ge [sflag:s2], $0x800  }
0x14d: {  	[sflag:s2] =	ssyncset.done $0x0  }
0x14e: {  	[sflag:s2] =	ssyncadd.s32 $0xFFFFF800  }
0x14f: {  	[tilespmem:s8], [sflag:$0x1] =	stream.indirect.gather [hbm4b:s5+s1], $0x10, s20, s1, $0xb8;
	[tilespmem:$0x1B600] =	vst v63  }
0x150: {  	_ = 	snop  }
0x151: {  	[spmem:s3] =	stream.indirect.scatter.add.f32 [tilespmem:s0], [sflag:$0x2], $0x10, s21, s1, $0xb8;
	[tilespmem:$0x1B600] =	vst v63  }
0x152: {  	_ =	swait.ge [sflag:s29], $0x800  }
0x153: {  	[sflag:s29] =	ssyncset.done $0x0  }
0x154: {  	[sflag:s29] =	ssyncadd.s32 $0xFFFFF800  }
0x155: {  	_ =	swait.ge [sflag:s2], $0x800  }
0x156: {  	[sflag:s2] =	ssyncset.done $0x0  }
0x157: {  	s22 =	simm.s32 $0x18A80;
	[sflag:s2] =	ssyncadd.s32 $0xFFFFF800  }
0x158: {  	[spmem:s3] =	stream.indirect.scatter.add.f32 [tilespmem:s8], [sflag:$0x2], $0x10, s22, s1, $0xb8;
	[tilespmem:$0x1B600] =	vst v63  }
0x159: {  	_ =	swait.ge [sflag:s29], $0x800  }
0x15a: {  	[sflag:s29] =	ssyncset.done $0x0  }
0x15b: {  	s26 =	sadd.s32 $0x0, s25;
	s6 =	simm.s32 $0x2E0;
	[sflag:s29] =	ssyncadd.s32 $0xFFFFF800  }
0x15c: {  	s10 =	simm.s32 $0x19C00;
	s11 =	simm.s32 $0x18780;
	[bflag:$0x0] =	sbarrier.arrive $0xFFFF  }
0x15d: {  	s12 =	simm.s32 $0x19C80;
	s13 =	simm.s32 $0x18800;
	s9 =	rddreg [dreg:$0x3]  }
0x15e: {  	[tilespmem:s28], [sflag:$0x2] =	stream.linear.gather [spmem:s9], $0x1700, $0x38;
	[tilespmem:$0x1B600] =	vst v63  }
0x15f: {  	s14 =	simm.s32 $0x19D00;
	s15 =	simm.s32 $0x18880;
	_ =	swait.ge [sflag:s29], $0x1700  }
0x160: {  	s16 =	simm.s32 $0x19D80;
	s17 =	simm.s32 $0x18900;
	[sflag:s29] =	ssyncset.done $0x0  }
0x161: {  	s18 =	simm.s32 $0x19E00;
	s19 =	simm.s32 $0x18980;
	[sflag:s29] =	ssyncadd.s32 $0xFFFFE900  }
0x162: {  	[hbm4b:s26+s4] =	stream.linear.scatter [tilespmem:s28], [sflag:$0x2], $0x1700, $0x38;
	[tilespmem:$0x1B600] =	vst v63  }
0x163: {  	s20 =	simm.s32 $0x19E80;
	s21 =	simm.s32 $0x18A00;
	_ =	swait.ge [sflag:s29], $0x1700  }
0x164: {  	s22 =	simm.s32 $0x18A80;
	s26 =	smov.u32 s9;
	[sflag:s29] =	ssyncset.done $0x0  }
.LBB2_4:
0x165: {  	p0 =	sne.s32 s6, $0x2E00;
	[sflag:s29] =	ssyncadd.s32 $0xFFFFE900;
	s26 =	sadd.s32 $0x1700, s26  }
0x166: {  	[tilespmem:s28], [sflag:$0x2] =	stream.linear.gather [spmem:s26], $0x1700, $0x38;
	[tilespmem:$0x1B600] =	vst v63  }
0x167: {  	s7 =	smov.u32 s6;
	s6 =	sadd.s32 $0x2E0, s6;
	_ =	swait.ge [sflag:s29], $0x1700  }
.Ltmp1:
0x168: {  	[sflag:s29] =	ssyncset.done $0x0;
	(pc) =	sbr.rel @p0 .LBB2_4-.Ltmp1, $4  }
0x169: {  	s7 =	sadd.s32 s7, s25;
	[sflag:s29] =	ssyncadd.s32 $0xFFFFE900  }
0x16a: {  	[hbm4b:s7+s4] =	stream.linear.scatter [tilespmem:s28], [sflag:$0x2], $0x1700, $0x38;
	[tilespmem:$0x1B600] =	vst v63  }
0x16b: {  	_ =	swait.ge [sflag:s29], $0x1700  }
0x16c: {  	[sflag:s29] =	ssyncset.done $0x0  }
0x16d: {  	s26 =	rddreg [dreg:$0x15]  }
0x16e: {  	s6 =	rddreg [dreg:$0x4];
	s26 =	sadd.s32 $0x1, s26  }
0x16f: {  	p0 =	sne.s32 s26, s6  }
.Ltmp2:
0x170: {  	_ = 	snop;
	(pc) =	sbr.rel @p0 .LBB2_1-.Ltmp2, $2  }
0x171: {  	_ =	sdelay $0x2  }
0x172: {  	[sflag:s29] =	ssyncadd.s32 $0xFFFFE900;
	s7 =	simm.s32 $0x19B80  }
0x173: {  	_ =	sfence.sel $0x180000  }
0x174: {  	[bflag:$0x0] =	sbarrier.arrive $0xFFFF  }
0x175: {  	_ =	strace $0x9000004A  }
0x176: {  	s0 =	stileid.u32;
	[bflag:$0x2] =	sbarrier.arrive $0xFFFF  }
0x177: {  	p0 =	sne.s32 s0, $0x0;
	s0 =	rddreg [dreg:$0x2]  }
0x178: {  	s0 =	sadd.s32 @!p0 $0x100000, s0  }
0x179: {  	[sflag:s0] =	ssyncadd.tile.s32 @!p0 $0x1;
	_ =	shalt  }
.Lfunc_end2:
_tile_overlayer_lowered:
.L_overlay_start_2:
0x17a: {  	(tag) =	ssettag $0x2  }
0x17b: {  	s0 =	rddreg [dreg:$0x0];
	s2 =	stileid.u32  }
0x17c: {  	s1 =	rddreg [dreg:$0x1];
	p0 =	sne.s32 s2, $0x0  }
0x17d: {  	s3 =	rddreg [dreg:$0x2];
	[bflag:$0x3] =	sbarrier.arrive $0xFFFF;
	s2 =	simm.s32 @!p0 $0x1C02  }
0x17e: {  	[timem:s3], [sflag:s2] =	dma.local @!p0 [hbm:s0], s1  }
0x17f: {  	s0 =	simm.s32 @!p0 $0x2  }
0x180: {  	_ =	swait.ge @!p0 [sflag:s0], s1  }
0x181: {  	s1 =	ssub.s32 @!p0 $0x0, s1;
	[sflag:s0] =	ssyncset.done @!p0 $0x0  }
0x182: {  	[sflag:s0] =	ssyncadd.s32 @!p0 s1  }
0x183: {  	[bflag:$0x3] =	sbarrier.arrive $0xFFFF  }
0x184: {  	_ =	shalt  }

// kernel: kernel.14.cloned.1.call-start
scs
__scs_entry_jumppad:
0x0: {  	(pc) =	sbr.rel $0x88, $3  }
0x1: {  	(tag) =	ssettag $0x0;
	lr =	simm.s32 $0x1  }
0x2: {  	[smem:$0x3F85] =	sst lr;
	_ =	strace $0xD0000000  }
0x3: {  	_ = 	snop  }
0x4: {  	_ = 	snop  }
0x5: {  	_ = 	snop  }
0x6: {  	_ = 	snop  }
0x7: {  	_ = 	snop  }
__scs_overlays_trampoline_lowered:
0x8: {  	[smem:$0x3F94] =	sst s0  }
0x9: {  	[smem:$0x3F95] =	sst s1  }
0xa: {  	[smem:$0x3F96] =	sst s2  }
0xb: {  	[smem:$0x3F97] =	sst s3  }
0xc: {  	[smem:$0x3F98] =	sst s4  }
0xd: {  	[smem:$0x3F99] =	sst s5  }
0xe: {  	[smem:$0x3F9A] =	sst s6  }
0xf: {  	[smem:$0x3F9B] =	sst s7  }
0x10: {  	[smem:$0x3F9C] =	sst s8  }
0x11: {  	[smem:$0x3F9D] =	sst s9;
	s0 =	simm.s32 @!p0 $0x0  }
0x12: {  	s1 =	sld [smem:$0x3F83];
	s0 =	simm.s32 @p0 $0x1  }
0x13: {  	[smem:$0x3F9E] =	sst s0;
	s0 =	simm.s32 @!p1 $0x0  }
0x14: {  	s2 =	sld [smem:$0x3F82];
	s0 =	simm.s32 @p1 $0x1  }
0x15: {  	[smem:$0x3F9F] =	sst s0;
	s0 =	simm.s32 @!p2 $0x0  }
0x16: {  	s3 =	sld [smem:$0x3FDB];
	s0 =	simm.s32 @p2 $0x1  }
0x17: {  	s4 =	simm.s32 $0x1BF5;
	[smem:$0x3FA1] =	sst s0  }
0x18: {  	s0 =	sld [smem:$0x3F84];
	_ =	swait.ge [sflag:s4], $0x0  }
0x19: {  	s7 =	sld [smem:$0x3F85]  }
0x1a: {  	s8 =	sadd.s32 $0xFFFFE003, lr  }
0x1b: {  	s9 =	sadd.s32 $0xFFFFFEF7, lr;
	s5 =	simm.s32 $0xFFFFFFFF;
	p2 =	slt.u32 s8, $0xFFFFF086  }
0x1c: {  	p1 =	slt.u32 s9, $0xF7A;
	s5 =	simm.s32 @!p2 $0x0  }
0x1d: {  	s5 =	simm.s32 @p1 $0x1;
	p0 =	seq.s32 s7, s2  }
0x1e: {  	s7 =	smul.u32 @!p0 $0xF7A, s2;
	p2 =	seq.s32 @!p0 s5, $0x0  }
0x1f: {  	s9 =	smul.u32 $0xF7A, s1;
	s8 =	simm.s32 @!p0 $0x1BF5;
	p2 =	por !p2, p0  }
0x20: {  	[sflag:s8] =	ssyncset.s32 @!p0 $0xFFFFF086;
	s6 =	sadd.s32 @!p0 s3, s7;
	s7 =	simm.s32 @!p0 $0x108  }
0x21: {  	s3 =	sadd.s32 s3, s9;
	s6 =	sadd.s32 @!p0 $0x88, s6;
	s7 =	simm.s32 @p2 $0x1082  }
0x22: {  	[simem:s7], [sflag:s8] =	dma.local @!p0 [hbm:s6], $0xF7A  }
0x23: {  	s9 =	sor.u32 $0xD0000000, s2;
	s6 =	simm.s32 $0x108;
	_ =	swait.ge @!p0 [sflag:s8], $0x0  }
0x24: {  	s3 =	sadd.s32 $0x88, s3;
	s6 =	simm.s32 @!p1 $0x1082;
	[sflag:s4] =	ssyncset.s32 $0xFFFFF086  }
0x25: {  	[simem:s6], [sflag:s4] =	dma.local [hbm:s3], $0xF7A  }
0x26: {  	[smem:$0x3F85] =	sst s1;
	(tag) =	ssettag s2;
	_ =	strace s9  }
0x27: {  	s1 =	sld [smem:$0x3F95]  }
0x28: {  	s2 =	sld [smem:$0x3F96]  }
0x29: {  	s4 =	sld [smem:$0x3F98]  }
0x2a: {  	p0 =	seq.s32 s5, $0x0;
	s5 =	sld [smem:$0x3F99]  }
0x2b: {  	s6 =	sld [smem:$0x3F9A]  }
0x2c: {  	s7 =	sld [smem:$0x3F9B]  }
0x2d: {  	s3 =	simm.s32 $0x108;
	s8 =	sld [smem:$0x3F9C]  }
0x2e: {  	s3 =	simm.s32 @!p0 $0x1082;
	s9 =	sld [smem:$0x3F9D]  }
0x2f: {  	lr =	sadd.s32 s0, s3;
	s0 =	sld [smem:$0x3F94]  }
0x30: {  	s3 =	sld [smem:$0x3F97]  }
0x31: {  	[smem:$0x3FA0] =	sst s10  }
0x32: {  	s10 =	sld [smem:$0x3F9E];
	_ =	sdelay $0x3  }
0x33: {  	p0 =	seq.s32 s10, $0x1;
	s10 =	sld [smem:$0x3FA0];
	_ =	sdelay $0x3  }
0x34: {  	[smem:$0x3FA0] =	sst s10  }
0x35: {  	s10 =	sld [smem:$0x3F9F];
	_ =	sdelay $0x3  }
0x36: {  	p1 =	seq.s32 s10, $0x1;
	s10 =	sld [smem:$0x3FA0];
	_ =	sdelay $0x3  }
0x37: {  	[smem:$0x3FA0] =	sst s10  }
0x38: {  	s10 =	sld [smem:$0x3FA1]  }
0x39: {  	_ = 	snop;
	(pc) =	sbr.ind lr, $3  }
0x3a: {  	_ = 	snop  }
0x3b: {  	_ = 	snop  }
0x3c: {  	p2 =	seq.s32 s10, $0x1;
	s10 =	sld [smem:$0x3FA0]  }
0x3d: {  	_ =	shalt  }
0x3e: {  	_ =	shalt  }
0x3f: {  	_ =	shalt  }
0x40: {  	_ =	shalt  }
0x41: {  	_ =	shalt  }
0x42: {  	_ =	shalt  }
0x43: {  	_ =	shalt  }
0x44: {  	_ =	shalt  }
0x45: {  	_ =	shalt  }
0x46: {  	_ =	shalt  }
0x47: {  	_ =	shalt  }
0x48: {  	_ =	shalt  }
0x49: {  	_ =	shalt  }
0x4a: {  	_ =	shalt  }
0x4b: {  	_ =	shalt  }
0x4c: {  	_ =	shalt  }
0x4d: {  	_ =	shalt  }
0x4e: {  	_ =	shalt  }
0x4f: {  	_ =	shalt  }
0x50: {  	_ =	shalt  }
0x51: {  	_ =	shalt  }
0x52: {  	_ =	shalt  }
0x53: {  	_ =	shalt  }
0x54: {  	_ =	shalt  }
0x55: {  	_ =	shalt  }
0x56: {  	_ =	shalt  }
0x57: {  	_ =	shalt  }
0x58: {  	_ =	shalt  }
0x59: {  	_ =	shalt  }
0x5a: {  	_ =	shalt  }
0x5b: {  	_ =	shalt  }
0x5c: {  	_ =	shalt  }
0x5d: {  	_ =	shalt  }
0x5e: {  	_ =	shalt  }
0x5f: {  	_ =	shalt  }
0x60: {  	_ =	shalt  }
0x61: {  	_ =	shalt  }
0x62: {  	_ =	shalt  }
0x63: {  	_ =	shalt  }
0x64: {  	_ =	shalt  }
0x65: {  	_ =	shalt  }
0x66: {  	_ =	shalt  }
0x67: {  	_ =	shalt  }
0x68: {  	_ =	shalt  }
0x69: {  	_ =	shalt  }
0x6a: {  	_ =	shalt  }
0x6b: {  	_ =	shalt  }
0x6c: {  	_ =	shalt  }
0x6d: {  	_ =	shalt  }
0x6e: {  	_ =	shalt  }
0x6f: {  	_ =	shalt  }
0x70: {  	_ =	shalt  }
0x71: {  	_ =	shalt  }
0x72: {  	_ =	shalt  }
0x73: {  	_ =	shalt  }
0x74: {  	_ =	shalt  }
0x75: {  	_ =	shalt  }
0x76: {  	_ =	shalt  }
0x77: {  	_ =	shalt  }
0x78: {  	_ =	shalt  }
0x79: {  	_ =	shalt  }
0x7a: {  	_ =	shalt  }
0x7b: {  	_ =	shalt  }
0x7c: {  	_ =	shalt  }
0x7d: {  	_ =	shalt  }
0x7e: {  	_ =	shalt  }
0x7f: {  	_ =	shalt  }
0x80: {  	_ =	shalt  }
0x81: {  	_ =	shalt  }
0x82: {  	_ =	shalt  }
0x83: {  	_ =	shalt  }
0x84: {  	_ =	shalt  }
0x85: {  	_ =	shalt  }
0x86: {  	_ =	shalt  }
0x87: {  	_ =	shalt  }
.Lfunc_end0:
.L_simem_size_0:
called_computation.2_lowered:
.L_overlay_start_0:
0x88: {  	s2 =	sld [smem:$0x3FD9]  }
0x89: {  	s3 =	sld [smem:$0x3FFE];
	_ =	sdelay $0x1  }
0x8a: {  	s1 =	srdreg.scid  }
0x8b: {  	s0 =	sand.u32 $0x1, s1  }
0x8c: {  	s16 =	sshll.u32 s0, $0xA;
	s2 =	sadd.s32 s3, s2  }
0x8d: {  	s2 =	sadd.s32 s2, s16  }
0x8e: {  	[smem:$0x3FAC] =	sst s2  }
0x8f: {  	_ = 	snop  }
0x90: {  	(tm) =	ssettm $0x1  }
0x91: {  	s17 =	sld [smem:$0x3FFB];
	_ =	sdelay $0x3  }
0x92: {  	_ =	strace s17  }
0x93: {  	s2 =	sld [smem:$0x3FFC];
	_ =	sdelay $0x3  }
0x94: {  	_ =	strace s2  }
0x95: {  	s2 =	sld [smem:$0x3FFD];
	_ =	sdelay $0x3  }
0x96: {  	_ =	strace s2  }
0x97: {  	_ =	strace $0x8FFFFFFF  }
0x98: {  	s18 =	sld [smem:$0x3FDB];
	_ =	sdelay $0x1  }
0x99: {  	s19 =	simm.s32 $_scs_section_size  }
0x9a: {  	s4 =	simm.s32 $_size__tile_overlayer_lowered;
	s5 =	simm.s32 $_tile_overlayer_lowered  }
0x9b: {  	s22 =	simm.s32 $0x1BFF;
	s21 =	sshll.u32 s5, $0x1;
	s2 =	sadd.s32 s19, s18  }
0x9c: {  	s6 =	simm.s32 $0x0;
	s20 =	sshll.u32 s4, $0x1;
	s4 =	sadd.s32 s21, s2  }
0x9d: {  	[timem:s6], [sflag:s22] =	dma.local [hbm:s4], s20  }
0x9e: {  	_ =	swait.ge [sflag:s22], s20  }
0x9f: {  	s3 =	ssub.s32 $0x0, s20;
	[sflag:s22] =	ssyncset.done $0x0  }
0xa0: {  	[sflag:s22] =	ssyncadd.s32 s3;
	_ =	sdelay $0x1  }
0xa1: {  	s23 =	simm.s32 $0x1B8B  }
0xa2: {  	_ =	swait.ge [sflag:s23], $0x1  }
0xa3: {  	[sflag:s23] =	ssyncset.done $0x0  }
0xa4: {  	s25 =	simm.s32 $0x1B8E;
	s24 =	sld [smem:$0x3FFE];
	[sflag:s23] =	ssyncadd.s32 $0xFFFFFFFF  }
0xa5: {  	s26 =	simm.s32 $execute0_lowered;
	[smem:$0x3FD2] =	sst s25  }
0xa6: {  	s4 =	sshll.u32 s26, $0x1;
	_ =	strace $0x8000004C;
	[dreg:$0x1] =	wrdreg $0xFFFFFFFF  }
0xa7: {  	s28 =	simm.s32 $_size_execute0_lowered;
	s2 =	sadd.s32 s2, s4;
	[dreg:$0x0] =	wrdreg $0x0  }
0xa8: {  	s4 =	sshll.u32 s28, $0x1;
	[dreg:$0x2] =	wrdreg s2  }
0xa9: {  	[dreg:$0x3] =	wrdreg s4  }
0xaa: {  	[dreg:$0x4] =	wrdreg $0xC0  }
0xab: {  	_ =	task [dreg:s6], $0x5FFFF  }
0xac: {  	[dreg:$0x1] =	wrdreg $0xFFFFFFFF  }
0xad: {  	[dreg:$0x0] =	wrdreg $0x60  }
0xae: {  	[dreg:$0x2] =	wrdreg s24  }
0xaf: {  	[dreg:$0x3] =	wrdreg $0x0  }
0xb0: {  	[dreg:$0x4] =	wrdreg $0x9  }
0xb1: {  	_ =	task.clear_ibuf [dreg:s6], $0x5FFFF;
	_ =	strace $0x9000004C  }
0xb2: {  	s29 =	simm.s32 $0x9;
	_ =	strace $0x8000004E  }
0xb3: {  	_ =	swait.ge [sflag:s29], $0x1  }
0xb4: {  	[sflag:s29] =	ssyncadd.s32 $0xFFFFFFFF  }
0xb5: {  	_ =	strace $0x9000004E  }
0xb6: {  	_ =	sfence  }
0xb7: {  	s30 =	sld [smem:$0x0];
	_ =	sdelay $0x2  }
0xb8: {  	s31 =	sshll.u32 s1, $0xD;
	s1 =	sshrl.u32 s1, $0x2  }
0xb9: {  	s3 =	sand.u32 $0x4000, s31;
	s1 =	sadd.s32 s1, s30  }
0xba: {  	s0 =	sor.u32 s3, s0;
	s1 =	sshll.u32 s1, $0x11  }
0xbb: {  	s0 =	sor.u32 s1, s0  }
0xbc: {  	s0 =	sadd.s32 $0x8F2B, s0  }
0xbd: {  	[sflag:s0] =	ssyncadd.remote.s32 $0x1  }
0xbe: {  	_ =	sfence.sel $0xFFFF  }
0xbf: {  	[dreg:$0x0] =	wrdreg $0xFFFFFFFF;
	(pc) =	sbr.abs _section_cstart, $3  }
0xc0: {  	[dreg:$0x1] =	wrdreg $0xFFFFFFFF  }
0xc1: {  	_ =	task.clear_ibuf [dreg:s6], $0x2FFFF;
	_ =	strace $0x9FFFFFFF  }
0xc2: {  	(tm) =	ssettm $0x7FFFFFFF  }
0xc3: {  	_ =	shalt  }
tec
execute0_lowered:
.L_overlay_start_1:
0x0: {  	(tag) =	ssettag $0x1  }
0x1: {  	s8 =	stileid.u32  }
0x2: {  	s9 =	rddreg [dreg:$0x0];
	s2 =	smul.u32 $0xC800, s8  }
0x3: {  	s0 =	srdreg.scid;
	s6 =	smul.u32 $0x1900, s8  }
0x4: {  	s4 =	simm.s32 $0x0;
	s0 =	sand.u32 $0x1, s0;
	s7 =	smul.u32 $0x18700, s8  }
0x5: {  	[smem:$0x7FF] =	sst s4;
	s5 =	sadd.s32 $0x370400, s9;
	s8 =	smul.u32 $0x61C00, s8  }
0x6: {  	s3 =	rddreg [dreg:$0x1];
	s1 =	smul.u32 $0xC8000, s0;
	_ =	strace $0x8000004D  }
0x7: {  	s25 =	smul.u32 $0x187000, s0;
	s0 =	ssub.s32 $0x2, s0;
	s6 =	sadd.s32 s6, s9  }
0x8: {  	s26 =	sshrl.u32 s0, $0x1;
	s10 =	sshrl.u32 s8, $0x2;
	s1 =	sadd.s32 s2, s1  }
0x9: {  	s2 =	sadd.s32 s7, s25;
	s0 =	ssub.s32 s0, s26;
	s1 =	sshrl.u32 s1, $0x3  }
0xa: {  	s2 =	sshrl.u32 s2, $0x3;
	s0 =	smax.u32 s0, $0x1;
	s1 =	sadd.s32 s1, s9  }
0xb: {  	s2 =	sadd.s32 s2, s9;
	[dreg:$0x3] =	wrdreg s0;
	s9 =	sadd.s32 s10, s3  }
0xc: {  	s11 =	sadd.s32 $0x1700, s9;
	[dreg:$0x4] =	wrdreg s9  }
0xd: {  	s12 =	sadd.s32 $0x2E00, s9;
	[dreg:$0x5] =	wrdreg s11  }
0xe: {  	s13 =	sadd.s32 $0x4500, s9;
	[dreg:$0x6] =	wrdreg s12  }
0xf: {  	s14 =	sadd.s32 $0x5C00, s9;
	[dreg:$0x7] =	wrdreg s13  }
0x10: {  	s15 =	sadd.s32 $0x7300, s9;
	[dreg:$0x8] =	wrdreg s14  }
0x11: {  	s16 =	sadd.s32 $0x8A00, s9;
	[dreg:$0x9] =	wrdreg s15  }
0x12: {  	s17 =	sadd.s32 $0xA100, s9;
	[dreg:$0xa] =	wrdreg s16  }
0x13: {  	s18 =	sadd.s32 $0xB800, s9;
	[dreg:$0xb] =	wrdreg s17  }
0x14: {  	s28 =	simm.s32 $0x19F00;
	s19 =	sadd.s32 $0xCF00, s9;
	[dreg:$0xc] =	wrdreg s18  }
0x15: {  	s29 =	simm.s32 $0x2;
	s20 =	sadd.s32 $0xE600, s9;
	[dreg:$0xd] =	wrdreg s19  }
0x16: {  	s30 =	simm.s32 $0x19B00;
	s21 =	sadd.s32 $0xFD00, s9;
	[dreg:$0xe] =	wrdreg s20  }
0x17: {  	s31 =	simm.s32 $0x18700;
	s22 =	sadd.s32 $0x11400, s9;
	[dreg:$0xf] =	wrdreg s21  }
0x18: {  	s8 =	simm.s32 $0x19300;
	s23 =	sadd.s32 $0x12B00, s9;
	[dreg:$0x10] =	wrdreg s22  }
0x19: {  	s7 =	simm.s32 $0x0;
	s24 =	sadd.s32 $0x14200, s9;
	[dreg:$0x11] =	wrdreg s23  }
0x1a: {  	s0 =	simm.s32 $0x80;
	s25 =	sadd.s32 $0x15900, s9;
	[dreg:$0x12] =	wrdreg s24  }
0x1b: {  	s10 =	simm.s32 $0x19B80;
	s26 =	sadd.s32 $0x17000, s9;
	[dreg:$0x13] =	wrdreg s25  }
0x1c: {  	s23 =	sadd.s32 $0x18800, s6;
	s24 =	sadd.s32 $0xAD000, s1;
	s25 =	sadd.s32 $0x31800, s2  }
0x1d: {  	[dreg:$0x14] =	wrdreg s26;
	s1 =	simm.s32 $0x18B00;
	s2 =	simm.s32 $0x1  }
0x1e: {  	s11 =	simm.s32 $0x19C00;
	s12 =	simm.s32 $0x18780;
	s13 =	simm.s32 $0x19C80  }
0x1f: {  	s14 =	simm.s32 $0x18800;
	s15 =	simm.s32 $0x19D00;
	s16 =	simm.s32 $0x18880  }
0x20: {  	s17 =	simm.s32 $0x19D80;
	s18 =	simm.s32 $0x18900;
	s19 =	simm.s32 $0x19E00  }
0x21: {  	s20 =	simm.s32 $0x18980;
	s21 =	simm.s32 $0x19E80;
	s22 =	simm.s32 $0x18A00  }
.LBB2_1:
0x22: {  	[dreg:$0x15] =	wrdreg s7  }
0x23: {  	s6 =	rddreg [dreg:$0x0]  }
0x24: {  	[tilespmem:s28], [sflag:$0x2] =	stream.linear.gather [hbm4b:s6+s4], $0x1700, $0x38;
	[tilespmem:$0x1B600] =	vst v63  }
0x25: {  	_ =	swait.ge [sflag:s29], $0x1700  }
0x26: {  	[sflag:s29] =	ssyncset.done $0x0  }
0x27: {  	[sflag:s29] =	ssyncadd.s32 $0xFFFFE900  }
0x28: {  	[spmem:s9] =	stream.linear.scatter [tilespmem:s28], [sflag:$0x2], $0x1700, $0x38;
	[tilespmem:$0x1B600] =	vst v63  }
0x29: {  	_ =	swait.ge [sflag:s29], $0x1700  }
0x2a: {  	[sflag:s29] =	ssyncset.done $0x0  }
0x2b: {  	s26 =	rddreg [dreg:$0x5];
	[sflag:s29] =	ssyncadd.s32 $0xFFFFE900  }
0x2c: {  	[spmem:s26] =	stream.linear.scatter [tilespmem:s28], [sflag:$0x2], $0x1700, $0x38;
	[tilespmem:$0x1B600] =	vst v63  }
0x2d: {  	_ =	swait.ge [sflag:s29], $0x1700  }
0x2e: {  	[sflag:s29] =	ssyncset.done $0x0  }
0x2f: {  	s7 =	rddreg [dreg:$0x6];
	[sflag:s29] =	ssyncadd.s32 $0xFFFFE900  }
0x30: {  	[spmem:s7] =	stream.linear.scatter [tilespmem:s28], [sflag:$0x2], $0x1700, $0x38;
	[tilespmem:$0x1B600] =	vst v63  }
0x31: {  	_ =	swait.ge [sflag:s29], $0x1700  }
0x32: {  	[sflag:s29] =	ssyncset.done $0x0  }
0x33: {  	s9 =	rddreg [dreg:$0x7];
	[sflag:s29] =	ssyncadd.s32 $0xFFFFE900  }
0x34: {  	[spmem:s9] =	stream.linear.scatter [tilespmem:s28], [sflag:$0x2], $0x1700, $0x38;
	[tilespmem:$0x1B600] =	vst v63  }
0x35: {  	_ =	swait.ge [sflag:s29], $0x1700  }
0x36: {  	[sflag:s29] =	ssyncset.done $0x0  }
0x37: {  	s26 =	rddreg [dreg:$0x8];
	[sflag:s29] =	ssyncadd.s32 $0xFFFFE900  }
0x38: {  	[spmem:s26] =	stream.linear.scatter [tilespmem:s28], [sflag:$0x2], $0x1700, $0x38;
	[tilespmem:$0x1B600] =	vst v63  }
0x39: {  	_ =	swait.ge [sflag:s29], $0x1700  }
0x3a: {  	[sflag:s29] =	ssyncset.done $0x0  }
0x3b: {  	s7 =	rddreg [dreg:$0x9];
	[sflag:s29] =	ssyncadd.s32 $0xFFFFE900  }
0x3c: {  	[spmem:s7] =	stream.linear.scatter [tilespmem:s28], [sflag:$0x2], $0x1700, $0x38;
	[tilespmem:$0x1B600] =	vst v63  }
0x3d: {  	_ =	swait.ge [sflag:s29], $0x1700  }
0x3e: {  	[sflag:s29] =	ssyncset.done $0x0  }
0x3f: {  	s9 =	rddreg [dreg:$0xa];
	[sflag:s29] =	ssyncadd.s32 $0xFFFFE900  }
0x40: {  	[spmem:s9] =	stream.linear.scatter [tilespmem:s28], [sflag:$0x2], $0x1700, $0x38;
	[tilespmem:$0x1B600] =	vst v63  }
0x41: {  	_ =	swait.ge [sflag:s29], $0x1700  }
0x42: {  	[sflag:s29] =	ssyncset.done $0x0  }
0x43: {  	s26 =	rddreg [dreg:$0xb];
	[sflag:s29] =	ssyncadd.s32 $0xFFFFE900  }
0x44: {  	[spmem:s26] =	stream.linear.scatter [tilespmem:s28], [sflag:$0x2], $0x1700, $0x38;
	[tilespmem:$0x1B600] =	vst v63  }
0x45: {  	_ =	swait.ge [sflag:s29], $0x1700  }
0x46: {  	[sflag:s29] =	ssyncset.done $0x0  }
0x47: {  	s7 =	rddreg [dreg:$0xc];
	[sflag:s29] =	ssyncadd.s32 $0xFFFFE900  }
0x48: {  	[spmem:s7] =	stream.linear.scatter [tilespmem:s28], [sflag:$0x2], $0x1700, $0x38;
	[tilespmem:$0x1B600] =	vst v63  }
0x49: {  	_ =	swait.ge [sflag:s29], $0x1700  }
0x4a: {  	[sflag:s29] =	ssyncset.done $0x0  }
0x4b: {  	s9 =	rddreg [dreg:$0xd];
	[sflag:s29] =	ssyncadd.s32 $0xFFFFE900  }
0x4c: {  	[spmem:s9] =	stream.linear.scatter [tilespmem:s28], [sflag:$0x2], $0x1700, $0x38;
	[tilespmem:$0x1B600] =	vst v63  }
0x4d: {  	_ =	swait.ge [sflag:s29], $0x1700  }
0x4e: {  	[sflag:s29] =	ssyncset.done $0x0  }
0x4f: {  	s26 =	rddreg [dreg:$0xe];
	[sflag:s29] =	ssyncadd.s32 $0xFFFFE900  }
0x50: {  	[spmem:s26] =	stream.linear.scatter [tilespmem:s28], [sflag:$0x2], $0x1700, $0x38;
	[tilespmem:$0x1B600] =	vst v63  }
0x51: {  	_ =	swait.ge [sflag:s29], $0x1700  }
0x52: {  	[sflag:s29] =	ssyncset.done $0x0  }
0x53: {  	s7 =	rddreg [dreg:$0xf];
	[sflag:s29] =	ssyncadd.s32 $0xFFFFE900  }
0x54: {  	[spmem:s7] =	stream.linear.scatter [tilespmem:s28], [sflag:$0x2], $0x1700, $0x38;
	[tilespmem:$0x1B600] =	vst v63  }
0x55: {  	_ =	swait.ge [sflag:s29], $0x1700  }
0x56: {  	[sflag:s29] =	ssyncset.done $0x0  }
0x57: {  	s9 =	rddreg [dreg:$0x10];
	[sflag:s29] =	ssyncadd.s32 $0xFFFFE900  }
0x58: {  	[spmem:s9] =	stream.linear.scatter [tilespmem:s28], [sflag:$0x2], $0x1700, $0x38;
	[tilespmem:$0x1B600] =	vst v63  }
0x59: {  	_ =	swait.ge [sflag:s29], $0x1700  }
0x5a: {  	[sflag:s29] =	ssyncset.done $0x0  }
0x5b: {  	s26 =	rddreg [dreg:$0x11];
	[sflag:s29] =	ssyncadd.s32 $0xFFFFE900  }
0x5c: {  	[spmem:s26] =	stream.linear.scatter [tilespmem:s28], [sflag:$0x2], $0x1700, $0x38;
	[tilespmem:$0x1B600] =	vst v63  }
0x5d: {  	_ =	swait.ge [sflag:s29], $0x1700  }
0x5e: {  	[sflag:s29] =	ssyncset.done $0x0  }
0x5f: {  	s7 =	rddreg [dreg:$0x12];
	[sflag:s29] =	ssyncadd.s32 $0xFFFFE900  }
0x60: {  	[spmem:s7] =	stream.linear.scatter [tilespmem:s28], [sflag:$0x2], $0x1700, $0x38;
	[tilespmem:$0x1B600] =	vst v63  }
0x61: {  	_ =	swait.ge [sflag:s29], $0x1700  }
0x62: {  	[sflag:s29] =	ssyncset.done $0x0  }
0x63: {  	s9 =	rddreg [dreg:$0x13];
	[sflag:s29] =	ssyncadd.s32 $0xFFFFE900  }
0x64: {  	[spmem:s9] =	stream.linear.scatter [tilespmem:s28], [sflag:$0x2], $0x1700, $0x38;
	[tilespmem:$0x1B600] =	vst v63  }
0x65: {  	_ =	swait.ge [sflag:s29], $0x1700  }
0x66: {  	[sflag:s29] =	ssyncset.done $0x0  }
0x67: {  	s26 =	rddreg [dreg:$0x14];
	[sflag:s29] =	ssyncadd.s32 $0xFFFFE900  }
0x68: {  	[spmem:s26] =	stream.linear.scatter [tilespmem:s28], [sflag:$0x2], $0x1700, $0x38;
	[tilespmem:$0x1B600] =	vst v63  }
0x69: {  	_ =	swait.ge [sflag:s29], $0x1700  }
0x6a: {  	[sflag:s29] =	ssyncset.done $0x0  }
0x6b: {  	[sflag:s29] =	ssyncadd.s32 $0xFFFFE900  }
0x6c: {  	s6 =	sadd.s32 $0x0, s24;
	[bflag:$0x0] =	sbarrier.arrive $0xFFFF  }
0x6d: {  	[tilespmem:s30], [sflag:$0x2] =	stream.linear.gather [hbm4b:s6+s4], $0x400, $0x38;
	[tilespmem:$0x1B600] =	vst v63  }
0x6e: {  	_ =	swait.ge [sflag:s29], $0x400  }
0x6f: {  	[sflag:s29] =	ssyncset.done $0x0  }
0x70: {  	s9 =	sadd.s32 $0x0, s23;
	[sflag:s29] =	ssyncadd.s32 $0xFFFFFC00  }
0x71: {  	[tilespmem:s31], [sflag:$0x2] =	stream.linear.gather [hbm4b:s9+s4], $0x400, $0x38;
	[tilespmem:$0x1B600] =	vst v63  }
0x72: {  	_ =	swait.ge [sflag:s29], $0x400  }
0x73: {  	[sflag:s29] =	ssyncset.done $0x0  }
0x74: {  	[sflag:s29] =	ssyncadd.s32 $0xFFFFFC00  }
0x75: {  	[tilespmem:s1], [sflag:$0x1] =	stream.indirect.gather [hbm4b:s5+s0], $0x10, s30, s0, $0xb8;
	[tilespmem:$0x1B600] =	vst v63  }
0x76: {  	_ =	swait.ge [sflag:s2], $0x800  }
0x77: {  	[sflag:s2] =	ssyncset.done $0x0  }
0x78: {  	[sflag:s2] =	ssyncadd.s32 $0xFFFFF800  }
0x79: {  	[tilespmem:s8], [sflag:$0x1] =	stream.indirect.gather [hbm4b:s5+s0], $0x10, s10, s0, $0xb8;
	[tilespmem:$0x1B600] =	vst v63  }
0x7a: {  	_ = 	snop  }
0x7b: {  	[spmem:s3] =	stream.indirect.scatter.add.f32 [tilespmem:s1], [sflag:$0x2], $0x10, s31, s0, $0xb8;
	[tilespmem:$0x1B600] =	vst v63  }
0x7c: {  	_ =	swait.ge [sflag:s29], $0x800  }
0x7d: {  	[sflag:s29] =	ssyncset.done $0x0  }
0x7e: {  	[sflag:s29] =	ssyncadd.s32 $0xFFFFF800  }
0x7f: {  	_ =	swait.ge [sflag:s2], $0x800  }
0x80: {  	[sflag:s2] =	ssyncset.done $0x0  }
0x81: {  	[sflag:s2] =	ssyncadd.s32 $0xFFFFF800  }
0x82: {  	[tilespmem:s1], [sflag:$0x1] =	stream.indirect.gather [hbm4b:s5+s0], $0x10, s11, s0, $0xb8;
	[tilespmem:$0x1B600] =	vst v63  }
0x83: {  	_ = 	snop  }
0x84: {  	[spmem:s3] =	stream.indirect.scatter.add.f32 [tilespmem:s8], [sflag:$0x2], $0x10, s12, s0, $0xb8;
	[tilespmem:$0x1B600] =	vst v63  }
0x85: {  	_ =	swait.ge [sflag:s29], $0x800  }
0x86: {  	[sflag:s29] =	ssyncset.done $0x0  }
0x87: {  	[sflag:s29] =	ssyncadd.s32 $0xFFFFF800  }
0x88: {  	_ =	swait.ge [sflag:s2], $0x800  }
0x89: {  	[sflag:s2] =	ssyncset.done $0x0  }
0x8a: {  	[sflag:s2] =	ssyncadd.s32 $0xFFFFF800  }
0x8b: {  	[tilespmem:s8], [sflag:$0x1] =	stream.indirect.gather [hbm4b:s5+s0], $0x10, s13, s0, $0xb8;
	[tilespmem:$0x1B600] =	vst v63  }
0x8c: {  	_ = 	snop  }
0x8d: {  	[spmem:s3] =	stream.indirect.scatter.add.f32 [tilespmem:s1], [sflag:$0x2], $0x10, s14, s0, $0xb8;
	[tilespmem:$0x1B600] =	vst v63  }
0x8e: {  	_ =	swait.ge [sflag:s29], $0x800  }
0x8f: {  	[sflag:s29] =	ssyncset.done $0x0  }
0x90: {  	[sflag:s29] =	ssyncadd.s32 $0xFFFFF800  }
0x91: {  	_ =	swait.ge [sflag:s2], $0x800  }
0x92: {  	[sflag:s2] =	ssyncset.done $0x0  }
0x93: {  	[sflag:s2] =	ssyncadd.s32 $0xFFFFF800  }
0x94: {  	[tilespmem:s1], [sflag:$0x1] =	stream.indirect.gather [hbm4b:s5+s0], $0x10, s15, s0, $0xb8;
	[tilespmem:$0x1B600] =	vst v63  }
0x95: {  	_ = 	snop  }
0x96: {  	[spmem:s3] =	stream.indirect.scatter.add.f32 [tilespmem:s8], [sflag:$0x2], $0x10, s16, s0, $0xb8;
	[tilespmem:$0x1B600] =	vst v63  }
0x97: {  	_ =	swait.ge [sflag:s29], $0x800  }
0x98: {  	[sflag:s29] =	ssyncset.done $0x0  }
0x99: {  	[sflag:s29] =	ssyncadd.s32 $0xFFFFF800  }
0x9a: {  	_ =	swait.ge [sflag:s2], $0x800  }
0x9b: {  	[sflag:s2] =	ssyncset.done $0x0  }
0x9c: {  	[sflag:s2] =	ssyncadd.s32 $0xFFFFF800  }
0x9d: {  	[tilespmem:s8], [sflag:$0x1] =	stream.indirect.gather [hbm4b:s5+s0], $0x10, s17, s0, $0xb8;
	[tilespmem:$0x1B600] =	vst v63  }
0x9e: {  	_ = 	snop  }
0x9f: {  	[spmem:s3] =	stream.indirect.scatter.add.f32 [tilespmem:s1], [sflag:$0x2], $0x10, s18, s0, $0xb8;
	[tilespmem:$0x1B600] =	vst v63  }
0xa0: {  	_ =	swait.ge [sflag:s29], $0x800  }
0xa1: {  	[sflag:s29] =	ssyncset.done $0x0  }
0xa2: {  	[sflag:s29] =	ssyncadd.s32 $0xFFFFF800  }
0xa3: {  	_ =	swait.ge [sflag:s2], $0x800  }
0xa4: {  	[sflag:s2] =	ssyncset.done $0x0  }
0xa5: {  	[sflag:s2] =	ssyncadd.s32 $0xFFFFF800  }
0xa6: {  	[tilespmem:s1], [sflag:$0x1] =	stream.indirect.gather [hbm4b:s5+s0], $0x10, s19, s0, $0xb8;
	[tilespmem:$0x1B600] =	vst v63  }
0xa7: {  	_ = 	snop  }
0xa8: {  	[spmem:s3] =	stream.indirect.scatter.add.f32 [tilespmem:s8], [sflag:$0x2], $0x10, s20, s0, $0xb8;
	[tilespmem:$0x1B600] =	vst v63  }
0xa9: {  	_ =	swait.ge [sflag:s29], $0x800  }
0xaa: {  	[sflag:s29] =	ssyncset.done $0x0  }
0xab: {  	[sflag:s29] =	ssyncadd.s32 $0xFFFFF800  }
0xac: {  	_ =	swait.ge [sflag:s2], $0x800  }
0xad: {  	[sflag:s2] =	ssyncset.done $0x0  }
0xae: {  	[sflag:s2] =	ssyncadd.s32 $0xFFFFF800  }
0xaf: {  	[tilespmem:s8], [sflag:$0x1] =	stream.indirect.gather [hbm4b:s5+s0], $0x10, s21, s0, $0xb8;
	[tilespmem:$0x1B600] =	vst v63  }
0xb0: {  	_ = 	snop  }
0xb1: {  	[spmem:s3] =	stream.indirect.scatter.add.f32 [tilespmem:s1], [sflag:$0x2], $0x10, s22, s0, $0xb8;
	[tilespmem:$0x1B600] =	vst v63  }
0xb2: {  	s7 =	simm.s32 $0x100;
	_ =	swait.ge [sflag:s29], $0x800  }
0xb3: {  	s26 =	simm.s32 $0x18A80;
	s10 =	simm.s32 $0x19B80;
	[sflag:s29] =	ssyncset.done $0x0  }
0xb4: {  	s11 =	simm.s32 $0x19C00;
	s12 =	simm.s32 $0x18780;
	[sflag:s29] =	ssyncadd.s32 $0xFFFFF800  }
0xb5: {  	s13 =	simm.s32 $0x19C80;
	s14 =	simm.s32 $0x18800;
	_ =	swait.ge [sflag:s2], $0x800  }
0xb6: {  	s15 =	simm.s32 $0x19D00;
	s16 =	simm.s32 $0x18880;
	[sflag:s2] =	ssyncset.done $0x0  }
0xb7: {  	s17 =	simm.s32 $0x19D80;
	s18 =	simm.s32 $0x18900;
	[sflag:s2] =	ssyncadd.s32 $0xFFFFF800  }
0xb8: {  	[spmem:s3] =	stream.indirect.scatter.add.f32 [tilespmem:s8], [sflag:$0x2], $0x10, s26, s0, $0xb8;
	[tilespmem:$0x1B600] =	vst v63  }
0xb9: {  	s19 =	simm.s32 $0x19E00;
	s20 =	simm.s32 $0x18980;
	_ =	swait.ge [sflag:s29], $0x800  }
0xba: {  	s21 =	simm.s32 $0x19E80;
	s26 =	simm.s32 $0x80;
	[sflag:s29] =	ssyncset.done $0x0  }
.LBB2_2:
0xbb: {  	s6 =	sadd.s32 s26, s24  }
0xbc: {  	[sflag:s29] =	ssyncadd.s32 $0xFFFFF800;
	s9 =	smov.u32 s7;
	s22 =	sadd.s32 $0x80, s7  }
0xbd: {  	[tilespmem:s30], [sflag:$0x2] =	stream.linear.gather [hbm4b:s6+s4], $0x400, $0x38;
	[tilespmem:$0x1B600] =	vst v63  }
0xbe: {  	p0 =	sne.s32 s7, $0x1880;
	_ =	swait.ge [sflag:s29], $0x400  }
0xbf: {  	s6 =	sadd.s32 s26, s23;
	[sflag:s29] =	ssyncset.done $0x0  }
0xc0: {  	s26 =	smov.u32 s9;
	s9 =	simm.s32 $0x18A80;
	[sflag:s29] =	ssyncadd.s32 $0xFFFFFC00  }
0xc1: {  	[tilespmem:s31], [sflag:$0x2] =	stream.linear.gather [hbm4b:s6+s4], $0x400, $0x38;
	[tilespmem:$0x1B600] =	vst v63  }
0xc2: {  	_ =	swait.ge [sflag:s29], $0x400  }
0xc3: {  	[sflag:s29] =	ssyncset.done $0x0  }
0xc4: {  	[sflag:s29] =	ssyncadd.s32 $0xFFFFFC00  }
0xc5: {  	[tilespmem:s1], [sflag:$0x1] =	stream.indirect.gather [hbm4b:s5+s0], $0x10, s30, s0, $0xb8;
	[tilespmem:$0x1B600] =	vst v63  }
0xc6: {  	_ =	swait.ge [sflag:s2], $0x800  }
0xc7: {  	[sflag:s2] =	ssyncset.done $0x0  }
0xc8: {  	[sflag:s2] =	ssyncadd.s32 $0xFFFFF800  }
0xc9: {  	[tilespmem:s8], [sflag:$0x1] =	stream.indirect.gather [hbm4b:s5+s0], $0x10, s10, s0, $0xb8;
	[tilespmem:$0x1B600] =	vst v63  }
0xca: {  	_ = 	snop  }
0xcb: {  	[spmem:s3] =	stream.indirect.scatter.add.f32 [tilespmem:s1], [sflag:$0x2], $0x10, s31, s0, $0xb8;
	[tilespmem:$0x1B600] =	vst v63  }
0xcc: {  	_ =	swait.ge [sflag:s29], $0x800  }
0xcd: {  	[sflag:s29] =	ssyncset.done $0x0  }
0xce: {  	[sflag:s29] =	ssyncadd.s32 $0xFFFFF800  }
0xcf: {  	_ =	swait.ge [sflag:s2], $0x800  }
0xd0: {  	[sflag:s2] =	ssyncset.done $0x0  }
0xd1: {  	[sflag:s2] =	ssyncadd.s32 $0xFFFFF800  }
0xd2: {  	[tilespmem:s1], [sflag:$0x1] =	stream.indirect.gather [hbm4b:s5+s0], $0x10, s11, s0, $0xb8;
	[tilespmem:$0x1B600] =	vst v63  }
0xd3: {  	_ = 	snop  }
0xd4: {  	[spmem:s3] =	stream.indirect.scatter.add.f32 [tilespmem:s8], [sflag:$0x2], $0x10, s12, s0, $0xb8;
	[tilespmem:$0x1B600] =	vst v63  }
0xd5: {  	_ =	swait.ge [sflag:s29], $0x800  }
0xd6: {  	[sflag:s29] =	ssyncset.done $0x0  }
0xd7: {  	[sflag:s29] =	ssyncadd.s32 $0xFFFFF800  }
0xd8: {  	_ =	swait.ge [sflag:s2], $0x800  }
0xd9: {  	[sflag:s2] =	ssyncset.done $0x0  }
0xda: {  	[sflag:s2] =	ssyncadd.s32 $0xFFFFF800  }
0xdb: {  	[tilespmem:s8], [sflag:$0x1] =	stream.indirect.gather [hbm4b:s5+s0], $0x10, s13, s0, $0xb8;
	[tilespmem:$0x1B600] =	vst v63  }
0xdc: {  	_ = 	snop  }
0xdd: {  	[spmem:s3] =	stream.indirect.scatter.add.f32 [tilespmem:s1], [sflag:$0x2], $0x10, s14, s0, $0xb8;
	[tilespmem:$0x1B600] =	vst v63  }
0xde: {  	_ =	swait.ge [sflag:s29], $0x800  }
0xdf: {  	[sflag:s29] =	ssyncset.done $0x0  }
0xe0: {  	[sflag:s29] =	ssyncadd.s32 $0xFFFFF800  }
0xe1: {  	_ =	swait.ge [sflag:s2], $0x800  }
0xe2: {  	[sflag:s2] =	ssyncset.done $0x0  }
0xe3: {  	[sflag:s2] =	ssyncadd.s32 $0xFFFFF800  }
0xe4: {  	[tilespmem:s1], [sflag:$0x1] =	stream.indirect.gather [hbm4b:s5+s0], $0x10, s15, s0, $0xb8;
	[tilespmem:$0x1B600] =	vst v63  }
0xe5: {  	_ = 	snop  }
0xe6: {  	[spmem:s3] =	stream.indirect.scatter.add.f32 [tilespmem:s8], [sflag:$0x2], $0x10, s16, s0, $0xb8;
	[tilespmem:$0x1B600] =	vst v63  }
0xe7: {  	_ =	swait.ge [sflag:s29], $0x800  }
0xe8: {  	[sflag:s29] =	ssyncset.done $0x0  }
0xe9: {  	[sflag:s29] =	ssyncadd.s32 $0xFFFFF800  }
0xea: {  	_ =	swait.ge [sflag:s2], $0x800  }
0xeb: {  	[sflag:s2] =	ssyncset.done $0x0  }
0xec: {  	[sflag:s2] =	ssyncadd.s32 $0xFFFFF800  }
0xed: {  	[tilespmem:s8], [sflag:$0x1] =	stream.indirect.gather [hbm4b:s5+s0], $0x10, s17, s0, $0xb8;
	[tilespmem:$0x1B600] =	vst v63  }
0xee: {  	_ = 	snop  }
0xef: {  	[spmem:s3] =	stream.indirect.scatter.add.f32 [tilespmem:s1], [sflag:$0x2], $0x10, s18, s0, $0xb8;
	[tilespmem:$0x1B600] =	vst v63  }
0xf0: {  	_ =	swait.ge [sflag:s29], $0x800  }
0xf1: {  	[sflag:s29] =	ssyncset.done $0x0  }
0xf2: {  	[sflag:s29] =	ssyncadd.s32 $0xFFFFF800  }
0xf3: {  	_ =	swait.ge [sflag:s2], $0x800  }
0xf4: {  	[sflag:s2] =	ssyncset.done $0x0  }
0xf5: {  	[sflag:s2] =	ssyncadd.s32 $0xFFFFF800  }
0xf6: {  	[tilespmem:s1], [sflag:$0x1] =	stream.indirect.gather [hbm4b:s5+s0], $0x10, s19, s0, $0xb8;
	[tilespmem:$0x1B600] =	vst v63  }
0xf7: {  	_ = 	snop  }
0xf8: {  	[spmem:s3] =	stream.indirect.scatter.add.f32 [tilespmem:s8], [sflag:$0x2], $0x10, s20, s0, $0xb8;
	[tilespmem:$0x1B600] =	vst v63  }
0xf9: {  	_ =	swait.ge [sflag:s29], $0x800  }
0xfa: {  	[sflag:s29] =	ssyncset.done $0x0  }
0xfb: {  	[sflag:s29] =	ssyncadd.s32 $0xFFFFF800  }
0xfc: {  	_ =	swait.ge [sflag:s2], $0x800  }
0xfd: {  	[sflag:s2] =	ssyncset.done $0x0  }
0xfe: {  	[sflag:s2] =	ssyncadd.s32 $0xFFFFF800  }
0xff: {  	[tilespmem:s8], [sflag:$0x1] =	stream.indirect.gather [hbm4b:s5+s0], $0x10, s21, s0, $0xb8;
	[tilespmem:$0x1B600] =	vst v63  }
0x100: {  	s6 =	simm.s32 $0x18A00  }
0x101: {  	[spmem:s3] =	stream.indirect.scatter.add.f32 [tilespmem:s1], [sflag:$0x2], $0x10, s6, s0, $0xb8;
	[tilespmem:$0x1B600] =	vst v63  }
0x102: {  	_ =	swait.ge [sflag:s29], $0x800  }
0x103: {  	[sflag:s29] =	ssyncset.done $0x0  }
0x104: {  	[sflag:s29] =	ssyncadd.s32 $0xFFFFF800  }
0x105: {  	_ =	swait.ge [sflag:s2], $0x800  }
.Ltmp0:
0x106: {  	[sflag:s2] =	ssyncset.done $0x0;
	(pc) =	sbr.rel @p0 .LBB2_2-.Ltmp0, $4  }
0x107: {  	[sflag:s2] =	ssyncadd.s32 $0xFFFFF800  }
0x108: {  	[spmem:s3] =	stream.indirect.scatter.add.f32 [tilespmem:s8], [sflag:$0x2], $0x10, s9, s0, $0xb8;
	[tilespmem:$0x1B600] =	vst v63  }
0x109: {  	_ =	swait.ge [sflag:s29], $0x800  }
0x10a: {  	s7 =	smov.u32 s22;
	[sflag:s29] =	ssyncset.done $0x0  }
0x10b: {  	s6 =	sadd.s32 s26, s24;
	[sflag:s29] =	ssyncadd.s32 $0xFFFFF800  }
0x10c: {  	[tilespmem:s30], [sflag:$0x2] =	stream.linear.gather [hbm4b:s6+s4], $0x400, $0x38;
	[tilespmem:$0x1B600] =	vst v63  }
0x10d: {  	_ =	swait.ge [sflag:s29], $0x400  }
0x10e: {  	[sflag:s29] =	ssyncset.done $0x0  }
0x10f: {  	s7 =	sadd.s32 s26, s23;
	[sflag:s29] =	ssyncadd.s32 $0xFFFFFC00  }
0x110: {  	[tilespmem:s31], [sflag:$0x2] =	stream.linear.gather [hbm4b:s7+s4], $0x400, $0x38;
	[tilespmem:$0x1B600] =	vst v63  }
0x111: {  	_ =	swait.ge [sflag:s29], $0x400  }
0x112: {  	[sflag:s29] =	ssyncset.done $0x0  }
0x113: {  	[sflag:s29] =	ssyncadd.s32 $0xFFFFFC00  }
0x114: {  	[tilespmem:s1], [sflag:$0x1] =	stream.indirect.gather [hbm4b:s5+s0], $0x10, s30, s0, $0xb8;
	[tilespmem:$0x1B600] =	vst v63  }
0x115: {  	_ =	swait.ge [sflag:s2], $0x800  }
0x116: {  	[sflag:s2] =	ssyncset.done $0x0  }
0x117: {  	[sflag:s2] =	ssyncadd.s32 $0xFFFFF800  }
0x118: {  	[tilespmem:s8], [sflag:$0x1] =	stream.indirect.gather [hbm4b:s5+s0], $0x10, s10, s0, $0xb8;
	[tilespmem:$0x1B600] =	vst v63  }
0x119: {  	_ = 	snop  }
0x11a: {  	[spmem:s3] =	stream.indirect.scatter.add.f32 [tilespmem:s1], [sflag:$0x2], $0x10, s31, s0, $0xb8;
	[tilespmem:$0x1B600] =	vst v63  }
0x11b: {  	_ =	swait.ge [sflag:s29], $0x800  }
0x11c: {  	[sflag:s29] =	ssyncset.done $0x0  }
0x11d: {  	[sflag:s29] =	ssyncadd.s32 $0xFFFFF800  }
0x11e: {  	_ =	swait.ge [sflag:s2], $0x800  }
0x11f: {  	[sflag:s2] =	ssyncset.done $0x0  }
0x120: {  	[sflag:s2] =	ssyncadd.s32 $0xFFFFF800  }
0x121: {  	[tilespmem:s1], [sflag:$0x1] =	stream.indirect.gather [hbm4b:s5+s0], $0x10, s11, s0, $0xb8;
	[tilespmem:$0x1B600] =	vst v63  }
0x122: {  	_ = 	snop  }
0x123: {  	[spmem:s3] =	stream.indirect.scatter.add.f32 [tilespmem:s8], [sflag:$0x2], $0x10, s12, s0, $0xb8;
	[tilespmem:$0x1B600] =	vst v63  }
0x124: {  	_ =	swait.ge [sflag:s29], $0x800  }
0x125: {  	[sflag:s29] =	ssyncset.done $0x0  }
0x126: {  	[sflag:s29] =	ssyncadd.s32 $0xFFFFF800  }
0x127: {  	_ =	swait.ge [sflag:s2], $0x800  }
0x128: {  	[sflag:s2] =	ssyncset.done $0x0  }
0x129: {  	[sflag:s2] =	ssyncadd.s32 $0xFFFFF800  }
0x12a: {  	[tilespmem:s8], [sflag:$0x1] =	stream.indirect.gather [hbm4b:s5+s0], $0x10, s13, s0, $0xb8;
	[tilespmem:$0x1B600] =	vst v63  }
0x12b: {  	_ = 	snop  }
0x12c: {  	[spmem:s3] =	stream.indirect.scatter.add.f32 [tilespmem:s1], [sflag:$0x2], $0x10, s14, s0, $0xb8;
	[tilespmem:$0x1B600] =	vst v63  }
0x12d: {  	_ =	swait.ge [sflag:s29], $0x800  }
0x12e: {  	[sflag:s29] =	ssyncset.done $0x0  }
0x12f: {  	[sflag:s29] =	ssyncadd.s32 $0xFFFFF800  }
0x130: {  	_ =	swait.ge [sflag:s2], $0x800  }
0x131: {  	[sflag:s2] =	ssyncset.done $0x0  }
0x132: {  	[sflag:s2] =	ssyncadd.s32 $0xFFFFF800  }
0x133: {  	[tilespmem:s1], [sflag:$0x1] =	stream.indirect.gather [hbm4b:s5+s0], $0x10, s15, s0, $0xb8;
	[tilespmem:$0x1B600] =	vst v63  }
0x134: {  	_ = 	snop  }
0x135: {  	[spmem:s3] =	stream.indirect.scatter.add.f32 [tilespmem:s8], [sflag:$0x2], $0x10, s16, s0, $0xb8;
	[tilespmem:$0x1B600] =	vst v63  }
0x136: {  	_ =	swait.ge [sflag:s29], $0x800  }
0x137: {  	[sflag:s29] =	ssyncset.done $0x0  }
0x138: {  	[sflag:s29] =	ssyncadd.s32 $0xFFFFF800  }
0x139: {  	_ =	swait.ge [sflag:s2], $0x800  }
0x13a: {  	[sflag:s2] =	ssyncset.done $0x0  }
0x13b: {  	[sflag:s2] =	ssyncadd.s32 $0xFFFFF800  }
0x13c: {  	[tilespmem:s8], [sflag:$0x1] =	stream.indirect.gather [hbm4b:s5+s0], $0x10, s17, s0, $0xb8;
	[tilespmem:$0x1B600] =	vst v63  }
0x13d: {  	_ = 	snop  }
0x13e: {  	[spmem:s3] =	stream.indirect.scatter.add.f32 [tilespmem:s1], [sflag:$0x2], $0x10, s18, s0, $0xb8;
	[tilespmem:$0x1B600] =	vst v63  }
0x13f: {  	_ =	swait.ge [sflag:s29], $0x800  }
0x140: {  	[sflag:s29] =	ssyncset.done $0x0  }
0x141: {  	[sflag:s29] =	ssyncadd.s32 $0xFFFFF800  }
0x142: {  	_ =	swait.ge [sflag:s2], $0x800  }
0x143: {  	[sflag:s2] =	ssyncset.done $0x0  }
0x144: {  	[sflag:s2] =	ssyncadd.s32 $0xFFFFF800  }
0x145: {  	[tilespmem:s1], [sflag:$0x1] =	stream.indirect.gather [hbm4b:s5+s0], $0x10, s19, s0, $0xb8;
	[tilespmem:$0x1B600] =	vst v63  }
0x146: {  	_ = 	snop  }
0x147: {  	[spmem:s3] =	stream.indirect.scatter.add.f32 [tilespmem:s8], [sflag:$0x2], $0x10, s20, s0, $0xb8;
	[tilespmem:$0x1B600] =	vst v63  }
0x148: {  	_ =	swait.ge [sflag:s29], $0x800  }
0x149: {  	[sflag:s29] =	ssyncset.done $0x0  }
0x14a: {  	[sflag:s29] =	ssyncadd.s32 $0xFFFFF800  }
0x14b: {  	_ =	swait.ge [sflag:s2], $0x800  }
0x14c: {  	[sflag:s2] =	ssyncset.done $0x0  }
0x14d: {  	[sflag:s2] =	ssyncadd.s32 $0xFFFFF800  }
0x14e: {  	[tilespmem:s8], [sflag:$0x1] =	stream.indirect.gather [hbm4b:s5+s0], $0x10, s21, s0, $0xb8;
	[tilespmem:$0x1B600] =	vst v63  }
0x14f: {  	s22 =	simm.s32 $0x18A00  }
0x150: {  	[spmem:s3] =	stream.indirect.scatter.add.f32 [tilespmem:s1], [sflag:$0x2], $0x10, s22, s0, $0xb8;
	[tilespmem:$0x1B600] =	vst v63  }
0x151: {  	_ =	swait.ge [sflag:s29], $0x800  }
0x152: {  	[sflag:s29] =	ssyncset.done $0x0  }
0x153: {  	[sflag:s29] =	ssyncadd.s32 $0xFFFFF800  }
0x154: {  	_ =	swait.ge [sflag:s2], $0x800  }
0x155: {  	[sflag:s2] =	ssyncset.done $0x0  }
0x156: {  	[sflag:s2] =	ssyncadd.s32 $0xFFFFF800  }
0x157: {  	[spmem:s3] =	stream.indirect.scatter.add.f32 [tilespmem:s8], [sflag:$0x2], $0x10, s9, s0, $0xb8;
	[tilespmem:$0x1B600] =	vst v63  }
0x158: {  	_ =	swait.ge [sflag:s29], $0x800  }
0x159: {  	[sflag:s29] =	ssyncset.done $0x0  }
0x15a: {  	s26 =	sadd.s32 $0x0, s25;
	s7 =	simm.s32 $0x2E0;
	[sflag:s29] =	ssyncadd.s32 $0xFFFFF800  }
0x15b: {  	s10 =	simm.s32 $0x19B80;
	s11 =	simm.s32 $0x19C00;
	[bflag:$0x0] =	sbarrier.arrive $0xFFFF  }
0x15c: {  	s12 =	simm.s32 $0x18780;
	s13 =	simm.s32 $0x19C80;
	s9 =	rddreg [dreg:$0x4]  }
0x15d: {  	[tilespmem:s28], [sflag:$0x2] =	stream.linear.gather [spmem:s9], $0x1700, $0x38;
	[tilespmem:$0x1B600] =	vst v63  }
0x15e: {  	s14 =	simm.s32 $0x18800;
	s15 =	simm.s32 $0x19D00;
	_ =	swait.ge [sflag:s29], $0x1700  }
0x15f: {  	s16 =	simm.s32 $0x18880;
	s17 =	simm.s32 $0x19D80;
	[sflag:s29] =	ssyncset.done $0x0  }
0x160: {  	s18 =	simm.s32 $0x18900;
	s19 =	simm.s32 $0x19E00;
	[sflag:s29] =	ssyncadd.s32 $0xFFFFE900  }
0x161: {  	[hbm4b:s26+s4] =	stream.linear.scatter [tilespmem:s28], [sflag:$0x2], $0x1700, $0x38;
	[tilespmem:$0x1B600] =	vst v63  }
0x162: {  	s20 =	simm.s32 $0x18980;
	s21 =	simm.s32 $0x19E80;
	_ =	swait.ge [sflag:s29], $0x1700  }
0x163: {  	s22 =	simm.s32 $0x18A00;
	s26 =	smov.u32 s9;
	[sflag:s29] =	ssyncset.done $0x0  }
.LBB2_4:
0x164: {  	p0 =	sne.s32 s7, $0x2E00;
	[sflag:s29] =	ssyncadd.s32 $0xFFFFE900;
	s26 =	sadd.s32 $0x1700, s26  }
0x165: {  	[tilespmem:s28], [sflag:$0x2] =	stream.linear.gather [spmem:s26], $0x1700, $0x38;
	[tilespmem:$0x1B600] =	vst v63  }
0x166: {  	s6 =	smov.u32 s7;
	s7 =	sadd.s32 $0x2E0, s7;
	_ =	swait.ge [sflag:s29], $0x1700  }
.Ltmp1:
0x167: {  	[sflag:s29] =	ssyncset.done $0x0;
	(pc) =	sbr.rel @p0 .LBB2_4-.Ltmp1, $4  }
0x168: {  	s6 =	sadd.s32 s6, s25;
	[sflag:s29] =	ssyncadd.s32 $0xFFFFE900  }
0x169: {  	[hbm4b:s6+s4] =	stream.linear.scatter [tilespmem:s28], [sflag:$0x2], $0x1700, $0x38;
	[tilespmem:$0x1B600] =	vst v63  }
0x16a: {  	_ =	swait.ge [sflag:s29], $0x1700  }
0x16b: {  	[sflag:s29] =	ssyncset.done $0x0  }
0x16c: {  	s7 =	rddreg [dreg:$0x15]  }
0x16d: {  	s6 =	rddreg [dreg:$0x3];
	s7 =	sadd.s32 $0x1, s7  }
0x16e: {  	p0 =	sne.s32 s7, s6  }
.Ltmp2:
0x16f: {  	_ = 	snop;
	(pc) =	sbr.rel @p0 .LBB2_1-.Ltmp2, $2  }
0x170: {  	_ =	sdelay $0x2  }
0x171: {  	[sflag:s29] =	ssyncadd.s32 $0xFFFFE900  }
0x172: {  	_ =	sfence.sel $0x180000  }
0x173: {  	[bflag:$0x0] =	sbarrier.arrive $0xFFFF  }
0x174: {  	_ =	strace $0x9000004D  }
0x175: {  	s0 =	stileid.u32;
	[bflag:$0x2] =	sbarrier.arrive $0xFFFF  }
0x176: {  	p0 =	sne.s32 s0, $0x0;
	s0 =	rddreg [dreg:$0x2]  }
0x177: {  	s0 =	sadd.s32 @!p0 $0x100000, s0  }
0x178: {  	[sflag:s0] =	ssyncadd.tile.s32 @!p0 $0x1;
	_ =	shalt  }
.Lfunc_end2:
_tile_overlayer_lowered:
.L_overlay_start_2:
0x179: {  	(tag) =	ssettag $0x2  }
0x17a: {  	s0 =	rddreg [dreg:$0x0];
	s2 =	stileid.u32  }
0x17b: {  	s1 =	rddreg [dreg:$0x1];
	p0 =	sne.s32 s2, $0x0  }
0x17c: {  	s3 =	rddreg [dreg:$0x2];
	[bflag:$0x3] =	sbarrier.arrive $0xFFFF;
	s2 =	simm.s32 @!p0 $0x1C02  }
0x17d: {  	[timem:s3], [sflag:s2] =	dma.local @!p0 [hbm:s0], s1  }
0x17e: {  	s0 =	simm.s32 @!p0 $0x2  }
0x17f: {  	_ =	swait.ge @!p0 [sflag:s0], s1  }
0x180: {  	s1 =	ssub.s32 @!p0 $0x0, s1;
	[sflag:s0] =	ssyncset.done @!p0 $0x0  }
0x181: {  	[sflag:s0] =	ssyncadd.s32 @!p0 s1  }
0x182: {  	[bflag:$0x3] =	sbarrier.arrive $0xFFFF  }
0x183: {  	_ =	shalt  }

// kernel: kernel.17.cloned.1.call-start
scs
__scs_entry_jumppad:
0x0: {  	(pc) =	sbr.rel $0x88, $3  }
0x1: {  	(tag) =	ssettag $0x0;
	lr =	simm.s32 $0x1  }
0x2: {  	[smem:$0x3F85] =	sst lr;
	_ =	strace $0xD0000000  }
0x3: {  	_ = 	snop  }
0x4: {  	_ = 	snop  }
0x5: {  	_ = 	snop  }
0x6: {  	_ = 	snop  }
0x7: {  	_ = 	snop  }
__scs_overlays_trampoline_lowered:
0x8: {  	[smem:$0x3F94] =	sst s0  }
0x9: {  	[smem:$0x3F95] =	sst s1  }
0xa: {  	[smem:$0x3F96] =	sst s2  }
0xb: {  	[smem:$0x3F97] =	sst s3  }
0xc: {  	[smem:$0x3F98] =	sst s4  }
0xd: {  	[smem:$0x3F99] =	sst s5  }
0xe: {  	[smem:$0x3F9A] =	sst s6  }
0xf: {  	[smem:$0x3F9B] =	sst s7  }
0x10: {  	[smem:$0x3F9C] =	sst s8  }
0x11: {  	[smem:$0x3F9D] =	sst s9;
	s0 =	simm.s32 @!p0 $0x0  }
0x12: {  	s1 =	sld [smem:$0x3F83];
	s0 =	simm.s32 @p0 $0x1  }
0x13: {  	[smem:$0x3F9E] =	sst s0;
	s0 =	simm.s32 @!p1 $0x0  }
0x14: {  	s2 =	sld [smem:$0x3F82];
	s0 =	simm.s32 @p1 $0x1  }
0x15: {  	[smem:$0x3F9F] =	sst s0;
	s0 =	simm.s32 @!p2 $0x0  }
0x16: {  	s3 =	sld [smem:$0x3FDB];
	s0 =	simm.s32 @p2 $0x1  }
0x17: {  	s4 =	simm.s32 $0x1BF5;
	[smem:$0x3FA1] =	sst s0  }
0x18: {  	s0 =	sld [smem:$0x3F84];
	_ =	swait.ge [sflag:s4], $0x0  }
0x19: {  	s7 =	sld [smem:$0x3F85]  }
0x1a: {  	s8 =	sadd.s32 $0xFFFFE003, lr  }
0x1b: {  	s9 =	sadd.s32 $0xFFFFFEF7, lr;
	s5 =	simm.s32 $0xFFFFFFFF;
	p2 =	slt.u32 s8, $0xFFFFF086  }
0x1c: {  	p1 =	slt.u32 s9, $0xF7A;
	s5 =	simm.s32 @!p2 $0x0  }
0x1d: {  	s5 =	simm.s32 @p1 $0x1;
	p0 =	seq.s32 s7, s2  }
0x1e: {  	s7 =	smul.u32 @!p0 $0xF7A, s2;
	p2 =	seq.s32 @!p0 s5, $0x0  }
0x1f: {  	s9 =	smul.u32 $0xF7A, s1;
	s8 =	simm.s32 @!p0 $0x1BF5;
	p2 =	por !p2, p0  }
0x20: {  	[sflag:s8] =	ssyncset.s32 @!p0 $0xFFFFF086;
	s6 =	sadd.s32 @!p0 s3, s7;
	s7 =	simm.s32 @!p0 $0x108  }
0x21: {  	s3 =	sadd.s32 s3, s9;
	s6 =	sadd.s32 @!p0 $0x88, s6;
	s7 =	simm.s32 @p2 $0x1082  }
0x22: {  	[simem:s7], [sflag:s8] =	dma.local @!p0 [hbm:s6], $0xF7A  }
0x23: {  	s9 =	sor.u32 $0xD0000000, s2;
	s6 =	simm.s32 $0x108;
	_ =	swait.ge @!p0 [sflag:s8], $0x0  }
0x24: {  	s3 =	sadd.s32 $0x88, s3;
	s6 =	simm.s32 @!p1 $0x1082;
	[sflag:s4] =	ssyncset.s32 $0xFFFFF086  }
0x25: {  	[simem:s6], [sflag:s4] =	dma.local [hbm:s3], $0xF7A  }
0x26: {  	[smem:$0x3F85] =	sst s1;
	(tag) =	ssettag s2;
	_ =	strace s9  }
0x27: {  	s1 =	sld [smem:$0x3F95]  }
0x28: {  	s2 =	sld [smem:$0x3F96]  }
0x29: {  	s4 =	sld [smem:$0x3F98]  }
0x2a: {  	p0 =	seq.s32 s5, $0x0;
	s5 =	sld [smem:$0x3F99]  }
0x2b: {  	s6 =	sld [smem:$0x3F9A]  }
0x2c: {  	s7 =	sld [smem:$0x3F9B]  }
0x2d: {  	s3 =	simm.s32 $0x108;
	s8 =	sld [smem:$0x3F9C]  }
0x2e: {  	s3 =	simm.s32 @!p0 $0x1082;
	s9 =	sld [smem:$0x3F9D]  }
0x2f: {  	lr =	sadd.s32 s0, s3;
	s0 =	sld [smem:$0x3F94]  }
0x30: {  	s3 =	sld [smem:$0x3F97]  }
0x31: {  	[smem:$0x3FA0] =	sst s10  }
0x32: {  	s10 =	sld [smem:$0x3F9E];
	_ =	sdelay $0x3  }
0x33: {  	p0 =	seq.s32 s10, $0x1;
	s10 =	sld [smem:$0x3FA0];
	_ =	sdelay $0x3  }
0x34: {  	[smem:$0x3FA0] =	sst s10  }
0x35: {  	s10 =	sld [smem:$0x3F9F];
	_ =	sdelay $0x3  }
0x36: {  	p1 =	seq.s32 s10, $0x1;
	s10 =	sld [smem:$0x3FA0];
	_ =	sdelay $0x3  }
0x37: {  	[smem:$0x3FA0] =	sst s10  }
0x38: {  	s10 =	sld [smem:$0x3FA1]  }
0x39: {  	_ = 	snop;
	(pc) =	sbr.ind lr, $3  }
0x3a: {  	_ = 	snop  }
0x3b: {  	_ = 	snop  }
0x3c: {  	p2 =	seq.s32 s10, $0x1;
	s10 =	sld [smem:$0x3FA0]  }
0x3d: {  	_ =	shalt  }
0x3e: {  	_ =	shalt  }
0x3f: {  	_ =	shalt  }
0x40: {  	_ =	shalt  }
0x41: {  	_ =	shalt  }
0x42: {  	_ =	shalt  }
0x43: {  	_ =	shalt  }
0x44: {  	_ =	shalt  }
0x45: {  	_ =	shalt  }
0x46: {  	_ =	shalt  }
0x47: {  	_ =	shalt  }
0x48: {  	_ =	shalt  }
0x49: {  	_ =	shalt  }
0x4a: {  	_ =	shalt  }
0x4b: {  	_ =	shalt  }
0x4c: {  	_ =	shalt  }
0x4d: {  	_ =	shalt  }
0x4e: {  	_ =	shalt  }
0x4f: {  	_ =	shalt  }
0x50: {  	_ =	shalt  }
0x51: {  	_ =	shalt  }
0x52: {  	_ =	shalt  }
0x53: {  	_ =	shalt  }
0x54: {  	_ =	shalt  }
0x55: {  	_ =	shalt  }
0x56: {  	_ =	shalt  }
0x57: {  	_ =	shalt  }
0x58: {  	_ =	shalt  }
0x59: {  	_ =	shalt  }
0x5a: {  	_ =	shalt  }
0x5b: {  	_ =	shalt  }
0x5c: {  	_ =	shalt  }
0x5d: {  	_ =	shalt  }
0x5e: {  	_ =	shalt  }
0x5f: {  	_ =	shalt  }
0x60: {  	_ =	shalt  }
0x61: {  	_ =	shalt  }
0x62: {  	_ =	shalt  }
0x63: {  	_ =	shalt  }
0x64: {  	_ =	shalt  }
0x65: {  	_ =	shalt  }
0x66: {  	_ =	shalt  }
0x67: {  	_ =	shalt  }
0x68: {  	_ =	shalt  }
0x69: {  	_ =	shalt  }
0x6a: {  	_ =	shalt  }
0x6b: {  	_ =	shalt  }
0x6c: {  	_ =	shalt  }
0x6d: {  	_ =	shalt  }
0x6e: {  	_ =	shalt  }
0x6f: {  	_ =	shalt  }
0x70: {  	_ =	shalt  }
0x71: {  	_ =	shalt  }
0x72: {  	_ =	shalt  }
0x73: {  	_ =	shalt  }
0x74: {  	_ =	shalt  }
0x75: {  	_ =	shalt  }
0x76: {  	_ =	shalt  }
0x77: {  	_ =	shalt  }
0x78: {  	_ =	shalt  }
0x79: {  	_ =	shalt  }
0x7a: {  	_ =	shalt  }
0x7b: {  	_ =	shalt  }
0x7c: {  	_ =	shalt  }
0x7d: {  	_ =	shalt  }
0x7e: {  	_ =	shalt  }
0x7f: {  	_ =	shalt  }
0x80: {  	_ =	shalt  }
0x81: {  	_ =	shalt  }
0x82: {  	_ =	shalt  }
0x83: {  	_ =	shalt  }
0x84: {  	_ =	shalt  }
0x85: {  	_ =	shalt  }
0x86: {  	_ =	shalt  }
0x87: {  	_ =	shalt  }
.Lfunc_end0:
.L_simem_size_0:
called_computation.3_lowered:
.L_overlay_start_0:
0x88: {  	s2 =	sld [smem:$0x3FD9]  }
0x89: {  	s3 =	sld [smem:$0x3FFE];
	_ =	sdelay $0x1  }
0x8a: {  	s1 =	srdreg.scid  }
0x8b: {  	s0 =	sand.u32 $0x1, s1  }
0x8c: {  	s16 =	sshll.u32 s0, $0xA;
	s2 =	sadd.s32 s3, s2  }
0x8d: {  	s2 =	sadd.s32 s2, s16  }
0x8e: {  	[smem:$0x3FAC] =	sst s2  }
0x8f: {  	_ = 	snop  }
0x90: {  	(tm) =	ssettm $0x1  }
0x91: {  	s17 =	sld [smem:$0x3FFB];
	_ =	sdelay $0x3  }
0x92: {  	_ =	strace s17  }
0x93: {  	s2 =	sld [smem:$0x3FFC];
	_ =	sdelay $0x3  }
0x94: {  	_ =	strace s2  }
0x95: {  	s2 =	sld [smem:$0x3FFD];
	_ =	sdelay $0x3  }
0x96: {  	_ =	strace s2  }
0x97: {  	_ =	strace $0x8FFFFFFF  }
0x98: {  	s18 =	sld [smem:$0x3FDB];
	_ =	sdelay $0x1  }
0x99: {  	s19 =	simm.s32 $_scs_section_size  }
0x9a: {  	s4 =	simm.s32 $_size__tile_overlayer_lowered;
	s5 =	simm.s32 $_tile_overlayer_lowered  }
0x9b: {  	s22 =	simm.s32 $0x1BFF;
	s21 =	sshll.u32 s5, $0x1;
	s2 =	sadd.s32 s19, s18  }
0x9c: {  	s6 =	simm.s32 $0x0;
	s20 =	sshll.u32 s4, $0x1;
	s4 =	sadd.s32 s21, s2  }
0x9d: {  	[timem:s6], [sflag:s22] =	dma.local [hbm:s4], s20  }
0x9e: {  	_ =	swait.ge [sflag:s22], s20  }
0x9f: {  	s3 =	ssub.s32 $0x0, s20;
	[sflag:s22] =	ssyncset.done $0x0  }
0xa0: {  	[sflag:s22] =	ssyncadd.s32 s3;
	_ =	sdelay $0x1  }
0xa1: {  	s23 =	simm.s32 $0x1B8B  }
0xa2: {  	_ =	swait.ge [sflag:s23], $0x1  }
0xa3: {  	[sflag:s23] =	ssyncset.done $0x0  }
0xa4: {  	s25 =	simm.s32 $0x1B8E;
	s24 =	sld [smem:$0x3FFE];
	[sflag:s23] =	ssyncadd.s32 $0xFFFFFFFF  }
0xa5: {  	s26 =	simm.s32 $execute0_lowered;
	[smem:$0x3FD2] =	sst s25  }
0xa6: {  	s4 =	sshll.u32 s26, $0x1;
	_ =	strace $0x8000004F;
	[dreg:$0x1] =	wrdreg $0xFFFFFFFF  }
0xa7: {  	s28 =	simm.s32 $_size_execute0_lowered;
	s2 =	sadd.s32 s2, s4;
	[dreg:$0x0] =	wrdreg $0x0  }
0xa8: {  	s4 =	sshll.u32 s28, $0x1;
	[dreg:$0x2] =	wrdreg s2  }
0xa9: {  	[dreg:$0x3] =	wrdreg s4  }
0xaa: {  	[dreg:$0x4] =	wrdreg $0xC0  }
0xab: {  	_ =	task [dreg:s6], $0x5FFFF  }
0xac: {  	[dreg:$0x1] =	wrdreg $0xFFFFFFFF  }
0xad: {  	[dreg:$0x0] =	wrdreg $0x60  }
0xae: {  	[dreg:$0x2] =	wrdreg s24  }
0xaf: {  	[dreg:$0x3] =	wrdreg $0x0  }
0xb0: {  	[dreg:$0x4] =	wrdreg $0x9  }
0xb1: {  	_ =	task.clear_ibuf [dreg:s6], $0x5FFFF;
	_ =	strace $0x9000004F  }
0xb2: {  	s29 =	simm.s32 $0x9;
	_ =	strace $0x80000051  }
0xb3: {  	_ =	swait.ge [sflag:s29], $0x1  }
0xb4: {  	[sflag:s29] =	ssyncadd.s32 $0xFFFFFFFF  }
0xb5: {  	_ =	strace $0x90000051  }
0xb6: {  	_ =	sfence  }
0xb7: {  	s30 =	sld [smem:$0x0];
	_ =	sdelay $0x2  }
0xb8: {  	s31 =	sshll.u32 s1, $0xD;
	s1 =	sshrl.u32 s1, $0x2  }
0xb9: {  	s3 =	sand.u32 $0x4000, s31;
	s1 =	sadd.s32 s1, s30  }
0xba: {  	s0 =	sor.u32 s3, s0;
	s1 =	sshll.u32 s1, $0x11  }
0xbb: {  	s0 =	sor.u32 s1, s0  }
0xbc: {  	s0 =	sadd.s32 $0x8F2B, s0  }
0xbd: {  	[sflag:s0] =	ssyncadd.remote.s32 $0x1  }
0xbe: {  	_ =	sfence.sel $0xFFFF  }
0xbf: {  	[dreg:$0x0] =	wrdreg $0xFFFFFFFF;
	(pc) =	sbr.abs _section_cstart, $3  }
0xc0: {  	[dreg:$0x1] =	wrdreg $0xFFFFFFFF  }
0xc1: {  	_ =	task.clear_ibuf [dreg:s6], $0x2FFFF;
	_ =	strace $0x9FFFFFFF  }
0xc2: {  	(tm) =	ssettm $0x7FFFFFFF  }
0xc3: {  	_ =	shalt  }
tec
execute0_lowered:
.L_overlay_start_1:
0x0: {  	(tag) =	ssettag $0x1  }
0x1: {  	s8 =	stileid.u32  }
0x2: {  	s9 =	rddreg [dreg:$0x0];
	s2 =	smul.u32 $0xC800, s8  }
0x3: {  	s0 =	srdreg.scid;
	s6 =	smul.u32 $0x1900, s8  }
0x4: {  	s4 =	simm.s32 $0x0;
	s0 =	sand.u32 $0x1, s0;
	s7 =	smul.u32 $0x18700, s8  }
0x5: {  	[smem:$0x7FF] =	sst s4;
	s5 =	sadd.s32 $0x1A2600, s9;
	s8 =	smul.u32 $0x61C00, s8  }
0x6: {  	s3 =	rddreg [dreg:$0x1];
	s1 =	smul.u32 $0xC8000, s0;
	_ =	strace $0x80000050  }
0x7: {  	s25 =	smul.u32 $0x187000, s0;
	s0 =	ssub.s32 $0x2, s0;
	s6 =	sadd.s32 s6, s9  }
0x8: {  	s26 =	sshrl.u32 s0, $0x1;
	s10 =	sshrl.u32 s8, $0x2;
	s1 =	sadd.s32 s2, s1  }
0x9: {  	s2 =	sadd.s32 s7, s25;
	s0 =	ssub.s32 s0, s26;
	s1 =	sshrl.u32 s1, $0x3  }
0xa: {  	s2 =	sshrl.u32 s2, $0x3;
	s0 =	smax.u32 s0, $0x1;
	s1 =	sadd.s32 s1, s9  }
0xb: {  	s2 =	sadd.s32 s2, s9;
	[dreg:$0x3] =	wrdreg s0;
	s9 =	sadd.s32 s10, s3  }
0xc: {  	s11 =	sadd.s32 $0x1700, s9;
	[dreg:$0x4] =	wrdreg s9  }
0xd: {  	s12 =	sadd.s32 $0x2E00, s9;
	[dreg:$0x5] =	wrdreg s11  }
0xe: {  	s13 =	sadd.s32 $0x4500, s9;
	[dreg:$0x6] =	wrdreg s12  }
0xf: {  	s14 =	sadd.s32 $0x5C00, s9;
	[dreg:$0x7] =	wrdreg s13  }
0x10: {  	s15 =	sadd.s32 $0x7300, s9;
	[dreg:$0x8] =	wrdreg s14  }
0x11: {  	s16 =	sadd.s32 $0x8A00, s9;
	[dreg:$0x9] =	wrdreg s15  }
0x12: {  	s17 =	sadd.s32 $0xA100, s9;
	[dreg:$0xa] =	wrdreg s16  }
0x13: {  	s18 =	sadd.s32 $0xB800, s9;
	[dreg:$0xb] =	wrdreg s17  }
0x14: {  	s28 =	simm.s32 $0x19F00;
	s19 =	sadd.s32 $0xCF00, s9;
	[dreg:$0xc] =	wrdreg s18  }
0x15: {  	s29 =	simm.s32 $0x2;
	s20 =	sadd.s32 $0xE600, s9;
	[dreg:$0xd] =	wrdreg s19  }
0x16: {  	s30 =	simm.s32 $0x19B00;
	s21 =	sadd.s32 $0xFD00, s9;
	[dreg:$0xe] =	wrdreg s20  }
0x17: {  	s31 =	simm.s32 $0x18700;
	s22 =	sadd.s32 $0x11400, s9;
	[dreg:$0xf] =	wrdreg s21  }
0x18: {  	s8 =	simm.s32 $0x19300;
	s23 =	sadd.s32 $0x12B00, s9;
	[dreg:$0x10] =	wrdreg s22  }
0x19: {  	s7 =	simm.s32 $0x0;
	s24 =	sadd.s32 $0x14200, s9;
	[dreg:$0x11] =	wrdreg s23  }
0x1a: {  	s0 =	simm.s32 $0x80;
	s25 =	sadd.s32 $0x15900, s9;
	[dreg:$0x12] =	wrdreg s24  }
0x1b: {  	s10 =	simm.s32 $0x19B80;
	s26 =	sadd.s32 $0x17000, s9;
	[dreg:$0x13] =	wrdreg s25  }
0x1c: {  	s23 =	sadd.s32 $0x18800, s6;
	s24 =	sadd.s32 $0xAD000, s1;
	s25 =	sadd.s32 $0x31800, s2  }
0x1d: {  	[dreg:$0x14] =	wrdreg s26;
	s1 =	simm.s32 $0x18B00;
	s2 =	simm.s32 $0x1  }
0x1e: {  	s11 =	simm.s32 $0x19C00;
	s12 =	simm.s32 $0x18780;
	s13 =	simm.s32 $0x19C80  }
0x1f: {  	s14 =	simm.s32 $0x18800;
	s15 =	simm.s32 $0x19D00;
	s16 =	simm.s32 $0x18880  }
0x20: {  	s17 =	simm.s32 $0x19D80;
	s18 =	simm.s32 $0x18900;
	s19 =	simm.s32 $0x19E00  }
0x21: {  	s20 =	simm.s32 $0x18980;
	s21 =	simm.s32 $0x19E80;
	s22 =	simm.s32 $0x18A00  }
.LBB2_1:
0x22: {  	[dreg:$0x15] =	wrdreg s7  }
0x23: {  	s6 =	rddreg [dreg:$0x0]  }
0x24: {  	[tilespmem:s28], [sflag:$0x2] =	stream.linear.gather [hbm4b:s6+s4], $0x1700, $0x38;
	[tilespmem:$0x1B600] =	vst v63  }
0x25: {  	_ =	swait.ge [sflag:s29], $0x1700  }
0x26: {  	[sflag:s29] =	ssyncset.done $0x0  }
0x27: {  	[sflag:s29] =	ssyncadd.s32 $0xFFFFE900  }
0x28: {  	[spmem:s9] =	stream.linear.scatter [tilespmem:s28], [sflag:$0x2], $0x1700, $0x38;
	[tilespmem:$0x1B600] =	vst v63  }
0x29: {  	_ =	swait.ge [sflag:s29], $0x1700  }
0x2a: {  	[sflag:s29] =	ssyncset.done $0x0  }
0x2b: {  	s26 =	rddreg [dreg:$0x5];
	[sflag:s29] =	ssyncadd.s32 $0xFFFFE900  }
0x2c: {  	[spmem:s26] =	stream.linear.scatter [tilespmem:s28], [sflag:$0x2], $0x1700, $0x38;
	[tilespmem:$0x1B600] =	vst v63  }
0x2d: {  	_ =	swait.ge [sflag:s29], $0x1700  }
0x2e: {  	[sflag:s29] =	ssyncset.done $0x0  }
0x2f: {  	s7 =	rddreg [dreg:$0x6];
	[sflag:s29] =	ssyncadd.s32 $0xFFFFE900  }
0x30: {  	[spmem:s7] =	stream.linear.scatter [tilespmem:s28], [sflag:$0x2], $0x1700, $0x38;
	[tilespmem:$0x1B600] =	vst v63  }
0x31: {  	_ =	swait.ge [sflag:s29], $0x1700  }
0x32: {  	[sflag:s29] =	ssyncset.done $0x0  }
0x33: {  	s9 =	rddreg [dreg:$0x7];
	[sflag:s29] =	ssyncadd.s32 $0xFFFFE900  }
0x34: {  	[spmem:s9] =	stream.linear.scatter [tilespmem:s28], [sflag:$0x2], $0x1700, $0x38;
	[tilespmem:$0x1B600] =	vst v63  }
0x35: {  	_ =	swait.ge [sflag:s29], $0x1700  }
0x36: {  	[sflag:s29] =	ssyncset.done $0x0  }
0x37: {  	s26 =	rddreg [dreg:$0x8];
	[sflag:s29] =	ssyncadd.s32 $0xFFFFE900  }
0x38: {  	[spmem:s26] =	stream.linear.scatter [tilespmem:s28], [sflag:$0x2], $0x1700, $0x38;
	[tilespmem:$0x1B600] =	vst v63  }
0x39: {  	_ =	swait.ge [sflag:s29], $0x1700  }
0x3a: {  	[sflag:s29] =	ssyncset.done $0x0  }
0x3b: {  	s7 =	rddreg [dreg:$0x9];
	[sflag:s29] =	ssyncadd.s32 $0xFFFFE900  }
0x3c: {  	[spmem:s7] =	stream.linear.scatter [tilespmem:s28], [sflag:$0x2], $0x1700, $0x38;
	[tilespmem:$0x1B600] =	vst v63  }
0x3d: {  	_ =	swait.ge [sflag:s29], $0x1700  }
0x3e: {  	[sflag:s29] =	ssyncset.done $0x0  }
0x3f: {  	s9 =	rddreg [dreg:$0xa];
	[sflag:s29] =	ssyncadd.s32 $0xFFFFE900  }
0x40: {  	[spmem:s9] =	stream.linear.scatter [tilespmem:s28], [sflag:$0x2], $0x1700, $0x38;
	[tilespmem:$0x1B600] =	vst v63  }
0x41: {  	_ =	swait.ge [sflag:s29], $0x1700  }
0x42: {  	[sflag:s29] =	ssyncset.done $0x0  }
0x43: {  	s26 =	rddreg [dreg:$0xb];
	[sflag:s29] =	ssyncadd.s32 $0xFFFFE900  }
0x44: {  	[spmem:s26] =	stream.linear.scatter [tilespmem:s28], [sflag:$0x2], $0x1700, $0x38;
	[tilespmem:$0x1B600] =	vst v63  }
0x45: {  	_ =	swait.ge [sflag:s29], $0x1700  }
0x46: {  	[sflag:s29] =	ssyncset.done $0x0  }
0x47: {  	s7 =	rddreg [dreg:$0xc];
	[sflag:s29] =	ssyncadd.s32 $0xFFFFE900  }
0x48: {  	[spmem:s7] =	stream.linear.scatter [tilespmem:s28], [sflag:$0x2], $0x1700, $0x38;
	[tilespmem:$0x1B600] =	vst v63  }
0x49: {  	_ =	swait.ge [sflag:s29], $0x1700  }
0x4a: {  	[sflag:s29] =	ssyncset.done $0x0  }
0x4b: {  	s9 =	rddreg [dreg:$0xd];
	[sflag:s29] =	ssyncadd.s32 $0xFFFFE900  }
0x4c: {  	[spmem:s9] =	stream.linear.scatter [tilespmem:s28], [sflag:$0x2], $0x1700, $0x38;
	[tilespmem:$0x1B600] =	vst v63  }
0x4d: {  	_ =	swait.ge [sflag:s29], $0x1700  }
0x4e: {  	[sflag:s29] =	ssyncset.done $0x0  }
0x4f: {  	s26 =	rddreg [dreg:$0xe];
	[sflag:s29] =	ssyncadd.s32 $0xFFFFE900  }
0x50: {  	[spmem:s26] =	stream.linear.scatter [tilespmem:s28], [sflag:$0x2], $0x1700, $0x38;
	[tilespmem:$0x1B600] =	vst v63  }
0x51: {  	_ =	swait.ge [sflag:s29], $0x1700  }
0x52: {  	[sflag:s29] =	ssyncset.done $0x0  }
0x53: {  	s7 =	rddreg [dreg:$0xf];
	[sflag:s29] =	ssyncadd.s32 $0xFFFFE900  }
0x54: {  	[spmem:s7] =	stream.linear.scatter [tilespmem:s28], [sflag:$0x2], $0x1700, $0x38;
	[tilespmem:$0x1B600] =	vst v63  }
0x55: {  	_ =	swait.ge [sflag:s29], $0x1700  }
0x56: {  	[sflag:s29] =	ssyncset.done $0x0  }
0x57: {  	s9 =	rddreg [dreg:$0x10];
	[sflag:s29] =	ssyncadd.s32 $0xFFFFE900  }
0x58: {  	[spmem:s9] =	stream.linear.scatter [tilespmem:s28], [sflag:$0x2], $0x1700, $0x38;
	[tilespmem:$0x1B600] =	vst v63  }
0x59: {  	_ =	swait.ge [sflag:s29], $0x1700  }
0x5a: {  	[sflag:s29] =	ssyncset.done $0x0  }
0x5b: {  	s26 =	rddreg [dreg:$0x11];
	[sflag:s29] =	ssyncadd.s32 $0xFFFFE900  }
0x5c: {  	[spmem:s26] =	stream.linear.scatter [tilespmem:s28], [sflag:$0x2], $0x1700, $0x38;
	[tilespmem:$0x1B600] =	vst v63  }
0x5d: {  	_ =	swait.ge [sflag:s29], $0x1700  }
0x5e: {  	[sflag:s29] =	ssyncset.done $0x0  }
0x5f: {  	s7 =	rddreg [dreg:$0x12];
	[sflag:s29] =	ssyncadd.s32 $0xFFFFE900  }
0x60: {  	[spmem:s7] =	stream.linear.scatter [tilespmem:s28], [sflag:$0x2], $0x1700, $0x38;
	[tilespmem:$0x1B600] =	vst v63  }
0x61: {  	_ =	swait.ge [sflag:s29], $0x1700  }
0x62: {  	[sflag:s29] =	ssyncset.done $0x0  }
0x63: {  	s9 =	rddreg [dreg:$0x13];
	[sflag:s29] =	ssyncadd.s32 $0xFFFFE900  }
0x64: {  	[spmem:s9] =	stream.linear.scatter [tilespmem:s28], [sflag:$0x2], $0x1700, $0x38;
	[tilespmem:$0x1B600] =	vst v63  }
0x65: {  	_ =	swait.ge [sflag:s29], $0x1700  }
0x66: {  	[sflag:s29] =	ssyncset.done $0x0  }
0x67: {  	s26 =	rddreg [dreg:$0x14];
	[sflag:s29] =	ssyncadd.s32 $0xFFFFE900  }
0x68: {  	[spmem:s26] =	stream.linear.scatter [tilespmem:s28], [sflag:$0x2], $0x1700, $0x38;
	[tilespmem:$0x1B600] =	vst v63  }
0x69: {  	_ =	swait.ge [sflag:s29], $0x1700  }
0x6a: {  	[sflag:s29] =	ssyncset.done $0x0  }
0x6b: {  	[sflag:s29] =	ssyncadd.s32 $0xFFFFE900  }
0x6c: {  	s6 =	sadd.s32 $0x0, s24;
	[bflag:$0x0] =	sbarrier.arrive $0xFFFF  }
0x6d: {  	[tilespmem:s30], [sflag:$0x2] =	stream.linear.gather [hbm4b:s6+s4], $0x400, $0x38;
	[tilespmem:$0x1B600] =	vst v63  }
0x6e: {  	_ =	swait.ge [sflag:s29], $0x400  }
0x6f: {  	[sflag:s29] =	ssyncset.done $0x0  }
0x70: {  	s9 =	sadd.s32 $0x0, s23;
	[sflag:s29] =	ssyncadd.s32 $0xFFFFFC00  }
0x71: {  	[tilespmem:s31], [sflag:$0x2] =	stream.linear.gather [hbm4b:s9+s4], $0x400, $0x38;
	[tilespmem:$0x1B600] =	vst v63  }
0x72: {  	_ =	swait.ge [sflag:s29], $0x400  }
0x73: {  	[sflag:s29] =	ssyncset.done $0x0  }
0x74: {  	[sflag:s29] =	ssyncadd.s32 $0xFFFFFC00  }
0x75: {  	[tilespmem:s1], [sflag:$0x1] =	stream.indirect.gather [hbm4b:s5+s0], $0x10, s30, s0, $0xb8;
	[tilespmem:$0x1B600] =	vst v63  }
0x76: {  	_ =	swait.ge [sflag:s2], $0x800  }
0x77: {  	[sflag:s2] =	ssyncset.done $0x0  }
0x78: {  	[sflag:s2] =	ssyncadd.s32 $0xFFFFF800  }
0x79: {  	[tilespmem:s8], [sflag:$0x1] =	stream.indirect.gather [hbm4b:s5+s0], $0x10, s10, s0, $0xb8;
	[tilespmem:$0x1B600] =	vst v63  }
0x7a: {  	_ = 	snop  }
0x7b: {  	[spmem:s3] =	stream.indirect.scatter.add.f32 [tilespmem:s1], [sflag:$0x2], $0x10, s31, s0, $0xb8;
	[tilespmem:$0x1B600] =	vst v63  }
0x7c: {  	_ =	swait.ge [sflag:s29], $0x800  }
0x7d: {  	[sflag:s29] =	ssyncset.done $0x0  }
0x7e: {  	[sflag:s29] =	ssyncadd.s32 $0xFFFFF800  }
0x7f: {  	_ =	swait.ge [sflag:s2], $0x800  }
0x80: {  	[sflag:s2] =	ssyncset.done $0x0  }
0x81: {  	[sflag:s2] =	ssyncadd.s32 $0xFFFFF800  }
0x82: {  	[tilespmem:s1], [sflag:$0x1] =	stream.indirect.gather [hbm4b:s5+s0], $0x10, s11, s0, $0xb8;
	[tilespmem:$0x1B600] =	vst v63  }
0x83: {  	_ = 	snop  }
0x84: {  	[spmem:s3] =	stream.indirect.scatter.add.f32 [tilespmem:s8], [sflag:$0x2], $0x10, s12, s0, $0xb8;
	[tilespmem:$0x1B600] =	vst v63  }
0x85: {  	_ =	swait.ge [sflag:s29], $0x800  }
0x86: {  	[sflag:s29] =	ssyncset.done $0x0  }
0x87: {  	[sflag:s29] =	ssyncadd.s32 $0xFFFFF800  }
0x88: {  	_ =	swait.ge [sflag:s2], $0x800  }
0x89: {  	[sflag:s2] =	ssyncset.done $0x0  }
0x8a: {  	[sflag:s2] =	ssyncadd.s32 $0xFFFFF800  }
0x8b: {  	[tilespmem:s8], [sflag:$0x1] =	stream.indirect.gather [hbm4b:s5+s0], $0x10, s13, s0, $0xb8;
	[tilespmem:$0x1B600] =	vst v63  }
0x8c: {  	_ = 	snop  }
0x8d: {  	[spmem:s3] =	stream.indirect.scatter.add.f32 [tilespmem:s1], [sflag:$0x2], $0x10, s14, s0, $0xb8;
	[tilespmem:$0x1B600] =	vst v63  }
0x8e: {  	_ =	swait.ge [sflag:s29], $0x800  }
0x8f: {  	[sflag:s29] =	ssyncset.done $0x0  }
0x90: {  	[sflag:s29] =	ssyncadd.s32 $0xFFFFF800  }
0x91: {  	_ =	swait.ge [sflag:s2], $0x800  }
0x92: {  	[sflag:s2] =	ssyncset.done $0x0  }
0x93: {  	[sflag:s2] =	ssyncadd.s32 $0xFFFFF800  }
0x94: {  	[tilespmem:s1], [sflag:$0x1] =	stream.indirect.gather [hbm4b:s5+s0], $0x10, s15, s0, $0xb8;
	[tilespmem:$0x1B600] =	vst v63  }
0x95: {  	_ = 	snop  }
0x96: {  	[spmem:s3] =	stream.indirect.scatter.add.f32 [tilespmem:s8], [sflag:$0x2], $0x10, s16, s0, $0xb8;
	[tilespmem:$0x1B600] =	vst v63  }
0x97: {  	_ =	swait.ge [sflag:s29], $0x800  }
0x98: {  	[sflag:s29] =	ssyncset.done $0x0  }
0x99: {  	[sflag:s29] =	ssyncadd.s32 $0xFFFFF800  }
0x9a: {  	_ =	swait.ge [sflag:s2], $0x800  }
0x9b: {  	[sflag:s2] =	ssyncset.done $0x0  }
0x9c: {  	[sflag:s2] =	ssyncadd.s32 $0xFFFFF800  }
0x9d: {  	[tilespmem:s8], [sflag:$0x1] =	stream.indirect.gather [hbm4b:s5+s0], $0x10, s17, s0, $0xb8;
	[tilespmem:$0x1B600] =	vst v63  }
0x9e: {  	_ = 	snop  }
0x9f: {  	[spmem:s3] =	stream.indirect.scatter.add.f32 [tilespmem:s1], [sflag:$0x2], $0x10, s18, s0, $0xb8;
	[tilespmem:$0x1B600] =	vst v63  }
0xa0: {  	_ =	swait.ge [sflag:s29], $0x800  }
0xa1: {  	[sflag:s29] =	ssyncset.done $0x0  }
0xa2: {  	[sflag:s29] =	ssyncadd.s32 $0xFFFFF800  }
0xa3: {  	_ =	swait.ge [sflag:s2], $0x800  }
0xa4: {  	[sflag:s2] =	ssyncset.done $0x0  }
0xa5: {  	[sflag:s2] =	ssyncadd.s32 $0xFFFFF800  }
0xa6: {  	[tilespmem:s1], [sflag:$0x1] =	stream.indirect.gather [hbm4b:s5+s0], $0x10, s19, s0, $0xb8;
	[tilespmem:$0x1B600] =	vst v63  }
0xa7: {  	_ = 	snop  }
0xa8: {  	[spmem:s3] =	stream.indirect.scatter.add.f32 [tilespmem:s8], [sflag:$0x2], $0x10, s20, s0, $0xb8;
	[tilespmem:$0x1B600] =	vst v63  }
0xa9: {  	_ =	swait.ge [sflag:s29], $0x800  }
0xaa: {  	[sflag:s29] =	ssyncset.done $0x0  }
0xab: {  	[sflag:s29] =	ssyncadd.s32 $0xFFFFF800  }
0xac: {  	_ =	swait.ge [sflag:s2], $0x800  }
0xad: {  	[sflag:s2] =	ssyncset.done $0x0  }
0xae: {  	[sflag:s2] =	ssyncadd.s32 $0xFFFFF800  }
0xaf: {  	[tilespmem:s8], [sflag:$0x1] =	stream.indirect.gather [hbm4b:s5+s0], $0x10, s21, s0, $0xb8;
	[tilespmem:$0x1B600] =	vst v63  }
0xb0: {  	_ = 	snop  }
0xb1: {  	[spmem:s3] =	stream.indirect.scatter.add.f32 [tilespmem:s1], [sflag:$0x2], $0x10, s22, s0, $0xb8;
	[tilespmem:$0x1B600] =	vst v63  }
0xb2: {  	s7 =	simm.s32 $0x100;
	_ =	swait.ge [sflag:s29], $0x800  }
0xb3: {  	s26 =	simm.s32 $0x18A80;
	s10 =	simm.s32 $0x19B80;
	[sflag:s29] =	ssyncset.done $0x0  }
0xb4: {  	s11 =	simm.s32 $0x19C00;
	s12 =	simm.s32 $0x18780;
	[sflag:s29] =	ssyncadd.s32 $0xFFFFF800  }
0xb5: {  	s13 =	simm.s32 $0x19C80;
	s14 =	simm.s32 $0x18800;
	_ =	swait.ge [sflag:s2], $0x800  }
0xb6: {  	s15 =	simm.s32 $0x19D00;
	s16 =	simm.s32 $0x18880;
	[sflag:s2] =	ssyncset.done $0x0  }
0xb7: {  	s17 =	simm.s32 $0x19D80;
	s18 =	simm.s32 $0x18900;
	[sflag:s2] =	ssyncadd.s32 $0xFFFFF800  }
0xb8: {  	[spmem:s3] =	stream.indirect.scatter.add.f32 [tilespmem:s8], [sflag:$0x2], $0x10, s26, s0, $0xb8;
	[tilespmem:$0x1B600] =	vst v63  }
0xb9: {  	s19 =	simm.s32 $0x19E00;
	s20 =	simm.s32 $0x18980;
	_ =	swait.ge [sflag:s29], $0x800  }
0xba: {  	s21 =	simm.s32 $0x19E80;
	s26 =	simm.s32 $0x80;
	[sflag:s29] =	ssyncset.done $0x0  }
.LBB2_2:
0xbb: {  	s6 =	sadd.s32 s26, s24  }
0xbc: {  	[sflag:s29] =	ssyncadd.s32 $0xFFFFF800;
	s9 =	smov.u32 s7;
	s22 =	sadd.s32 $0x80, s7  }
0xbd: {  	[tilespmem:s30], [sflag:$0x2] =	stream.linear.gather [hbm4b:s6+s4], $0x400, $0x38;
	[tilespmem:$0x1B600] =	vst v63  }
0xbe: {  	p0 =	sne.s32 s7, $0x1880;
	_ =	swait.ge [sflag:s29], $0x400  }
0xbf: {  	s6 =	sadd.s32 s26, s23;
	[sflag:s29] =	ssyncset.done $0x0  }
0xc0: {  	s26 =	smov.u32 s9;
	s9 =	simm.s32 $0x18A80;
	[sflag:s29] =	ssyncadd.s32 $0xFFFFFC00  }
0xc1: {  	[tilespmem:s31], [sflag:$0x2] =	stream.linear.gather [hbm4b:s6+s4], $0x400, $0x38;
	[tilespmem:$0x1B600] =	vst v63  }
0xc2: {  	_ =	swait.ge [sflag:s29], $0x400  }
0xc3: {  	[sflag:s29] =	ssyncset.done $0x0  }
0xc4: {  	[sflag:s29] =	ssyncadd.s32 $0xFFFFFC00  }
0xc5: {  	[tilespmem:s1], [sflag:$0x1] =	stream.indirect.gather [hbm4b:s5+s0], $0x10, s30, s0, $0xb8;
	[tilespmem:$0x1B600] =	vst v63  }
0xc6: {  	_ =	swait.ge [sflag:s2], $0x800  }
0xc7: {  	[sflag:s2] =	ssyncset.done $0x0  }
0xc8: {  	[sflag:s2] =	ssyncadd.s32 $0xFFFFF800  }
0xc9: {  	[tilespmem:s8], [sflag:$0x1] =	stream.indirect.gather [hbm4b:s5+s0], $0x10, s10, s0, $0xb8;
	[tilespmem:$0x1B600] =	vst v63  }
0xca: {  	_ = 	snop  }
0xcb: {  	[spmem:s3] =	stream.indirect.scatter.add.f32 [tilespmem:s1], [sflag:$0x2], $0x10, s31, s0, $0xb8;
	[tilespmem:$0x1B600] =	vst v63  }
0xcc: {  	_ =	swait.ge [sflag:s29], $0x800  }
0xcd: {  	[sflag:s29] =	ssyncset.done $0x0  }
0xce: {  	[sflag:s29] =	ssyncadd.s32 $0xFFFFF800  }
0xcf: {  	_ =	swait.ge [sflag:s2], $0x800  }
0xd0: {  	[sflag:s2] =	ssyncset.done $0x0  }
0xd1: {  	[sflag:s2] =	ssyncadd.s32 $0xFFFFF800  }
0xd2: {  	[tilespmem:s1], [sflag:$0x1] =	stream.indirect.gather [hbm4b:s5+s0], $0x10, s11, s0, $0xb8;
	[tilespmem:$0x1B600] =	vst v63  }
0xd3: {  	_ = 	snop  }
0xd4: {  	[spmem:s3] =	stream.indirect.scatter.add.f32 [tilespmem:s8], [sflag:$0x2], $0x10, s12, s0, $0xb8;
	[tilespmem:$0x1B600] =	vst v63  }
0xd5: {  	_ =	swait.ge [sflag:s29], $0x800  }
0xd6: {  	[sflag:s29] =	ssyncset.done $0x0  }
0xd7: {  	[sflag:s29] =	ssyncadd.s32 $0xFFFFF800  }
0xd8: {  	_ =	swait.ge [sflag:s2], $0x800  }
0xd9: {  	[sflag:s2] =	ssyncset.done $0x0  }
0xda: {  	[sflag:s2] =	ssyncadd.s32 $0xFFFFF800  }
0xdb: {  	[tilespmem:s8], [sflag:$0x1] =	stream.indirect.gather [hbm4b:s5+s0], $0x10, s13, s0, $0xb8;
	[tilespmem:$0x1B600] =	vst v63  }
0xdc: {  	_ = 	snop  }
0xdd: {  	[spmem:s3] =	stream.indirect.scatter.add.f32 [tilespmem:s1], [sflag:$0x2], $0x10, s14, s0, $0xb8;
	[tilespmem:$0x1B600] =	vst v63  }
0xde: {  	_ =	swait.ge [sflag:s29], $0x800  }
0xdf: {  	[sflag:s29] =	ssyncset.done $0x0  }
0xe0: {  	[sflag:s29] =	ssyncadd.s32 $0xFFFFF800  }
0xe1: {  	_ =	swait.ge [sflag:s2], $0x800  }
0xe2: {  	[sflag:s2] =	ssyncset.done $0x0  }
0xe3: {  	[sflag:s2] =	ssyncadd.s32 $0xFFFFF800  }
0xe4: {  	[tilespmem:s1], [sflag:$0x1] =	stream.indirect.gather [hbm4b:s5+s0], $0x10, s15, s0, $0xb8;
	[tilespmem:$0x1B600] =	vst v63  }
0xe5: {  	_ = 	snop  }
0xe6: {  	[spmem:s3] =	stream.indirect.scatter.add.f32 [tilespmem:s8], [sflag:$0x2], $0x10, s16, s0, $0xb8;
	[tilespmem:$0x1B600] =	vst v63  }
0xe7: {  	_ =	swait.ge [sflag:s29], $0x800  }
0xe8: {  	[sflag:s29] =	ssyncset.done $0x0  }
0xe9: {  	[sflag:s29] =	ssyncadd.s32 $0xFFFFF800  }
0xea: {  	_ =	swait.ge [sflag:s2], $0x800  }
0xeb: {  	[sflag:s2] =	ssyncset.done $0x0  }
0xec: {  	[sflag:s2] =	ssyncadd.s32 $0xFFFFF800  }
0xed: {  	[tilespmem:s8], [sflag:$0x1] =	stream.indirect.gather [hbm4b:s5+s0], $0x10, s17, s0, $0xb8;
	[tilespmem:$0x1B600] =	vst v63  }
0xee: {  	_ = 	snop  }
0xef: {  	[spmem:s3] =	stream.indirect.scatter.add.f32 [tilespmem:s1], [sflag:$0x2], $0x10, s18, s0, $0xb8;
	[tilespmem:$0x1B600] =	vst v63  }
0xf0: {  	_ =	swait.ge [sflag:s29], $0x800  }
0xf1: {  	[sflag:s29] =	ssyncset.done $0x0  }
0xf2: {  	[sflag:s29] =	ssyncadd.s32 $0xFFFFF800  }
0xf3: {  	_ =	swait.ge [sflag:s2], $0x800  }
0xf4: {  	[sflag:s2] =	ssyncset.done $0x0  }
0xf5: {  	[sflag:s2] =	ssyncadd.s32 $0xFFFFF800  }
0xf6: {  	[tilespmem:s1], [sflag:$0x1] =	stream.indirect.gather [hbm4b:s5+s0], $0x10, s19, s0, $0xb8;
	[tilespmem:$0x1B600] =	vst v63  }
0xf7: {  	_ = 	snop  }
0xf8: {  	[spmem:s3] =	stream.indirect.scatter.add.f32 [tilespmem:s8], [sflag:$0x2], $0x10, s20, s0, $0xb8;
	[tilespmem:$0x1B600] =	vst v63  }
0xf9: {  	_ =	swait.ge [sflag:s29], $0x800  }
0xfa: {  	[sflag:s29] =	ssyncset.done $0x0  }
0xfb: {  	[sflag:s29] =	ssyncadd.s32 $0xFFFFF800  }
0xfc: {  	_ =	swait.ge [sflag:s2], $0x800  }
0xfd: {  	[sflag:s2] =	ssyncset.done $0x0  }
0xfe: {  	[sflag:s2] =	ssyncadd.s32 $0xFFFFF800  }
0xff: {  	[tilespmem:s8], [sflag:$0x1] =	stream.indirect.gather [hbm4b:s5+s0], $0x10, s21, s0, $0xb8;
	[tilespmem:$0x1B600] =	vst v63  }
0x100: {  	s6 =	simm.s32 $0x18A00  }
0x101: {  	[spmem:s3] =	stream.indirect.scatter.add.f32 [tilespmem:s1], [sflag:$0x2], $0x10, s6, s0, $0xb8;
	[tilespmem:$0x1B600] =	vst v63  }
0x102: {  	_ =	swait.ge [sflag:s29], $0x800  }
0x103: {  	[sflag:s29] =	ssyncset.done $0x0  }
0x104: {  	[sflag:s29] =	ssyncadd.s32 $0xFFFFF800  }
0x105: {  	_ =	swait.ge [sflag:s2], $0x800  }
.Ltmp0:
0x106: {  	[sflag:s2] =	ssyncset.done $0x0;
	(pc) =	sbr.rel @p0 .LBB2_2-.Ltmp0, $4  }
0x107: {  	[sflag:s2] =	ssyncadd.s32 $0xFFFFF800  }
0x108: {  	[spmem:s3] =	stream.indirect.scatter.add.f32 [tilespmem:s8], [sflag:$0x2], $0x10, s9, s0, $0xb8;
	[tilespmem:$0x1B600] =	vst v63  }
0x109: {  	_ =	swait.ge [sflag:s29], $0x800  }
0x10a: {  	s7 =	smov.u32 s22;
	[sflag:s29] =	ssyncset.done $0x0  }
0x10b: {  	s6 =	sadd.s32 s26, s24;
	[sflag:s29] =	ssyncadd.s32 $0xFFFFF800  }
0x10c: {  	[tilespmem:s30], [sflag:$0x2] =	stream.linear.gather [hbm4b:s6+s4], $0x400, $0x38;
	[tilespmem:$0x1B600] =	vst v63  }
0x10d: {  	_ =	swait.ge [sflag:s29], $0x400  }
0x10e: {  	[sflag:s29] =	ssyncset.done $0x0  }
0x10f: {  	s7 =	sadd.s32 s26, s23;
	[sflag:s29] =	ssyncadd.s32 $0xFFFFFC00  }
0x110: {  	[tilespmem:s31], [sflag:$0x2] =	stream.linear.gather [hbm4b:s7+s4], $0x400, $0x38;
	[tilespmem:$0x1B600] =	vst v63  }
0x111: {  	_ =	swait.ge [sflag:s29], $0x400  }
0x112: {  	[sflag:s29] =	ssyncset.done $0x0  }
0x113: {  	[sflag:s29] =	ssyncadd.s32 $0xFFFFFC00  }
0x114: {  	[tilespmem:s1], [sflag:$0x1] =	stream.indirect.gather [hbm4b:s5+s0], $0x10, s30, s0, $0xb8;
	[tilespmem:$0x1B600] =	vst v63  }
0x115: {  	_ =	swait.ge [sflag:s2], $0x800  }
0x116: {  	[sflag:s2] =	ssyncset.done $0x0  }
0x117: {  	[sflag:s2] =	ssyncadd.s32 $0xFFFFF800  }
0x118: {  	[tilespmem:s8], [sflag:$0x1] =	stream.indirect.gather [hbm4b:s5+s0], $0x10, s10, s0, $0xb8;
	[tilespmem:$0x1B600] =	vst v63  }
0x119: {  	_ = 	snop  }
0x11a: {  	[spmem:s3] =	stream.indirect.scatter.add.f32 [tilespmem:s1], [sflag:$0x2], $0x10, s31, s0, $0xb8;
	[tilespmem:$0x1B600] =	vst v63  }
0x11b: {  	_ =	swait.ge [sflag:s29], $0x800  }
0x11c: {  	[sflag:s29] =	ssyncset.done $0x0  }
0x11d: {  	[sflag:s29] =	ssyncadd.s32 $0xFFFFF800  }
0x11e: {  	_ =	swait.ge [sflag:s2], $0x800  }
0x11f: {  	[sflag:s2] =	ssyncset.done $0x0  }
0x120: {  	[sflag:s2] =	ssyncadd.s32 $0xFFFFF800  }
0x121: {  	[tilespmem:s1], [sflag:$0x1] =	stream.indirect.gather [hbm4b:s5+s0], $0x10, s11, s0, $0xb8;
	[tilespmem:$0x1B600] =	vst v63  }
0x122: {  	_ = 	snop  }
0x123: {  	[spmem:s3] =	stream.indirect.scatter.add.f32 [tilespmem:s8], [sflag:$0x2], $0x10, s12, s0, $0xb8;
	[tilespmem:$0x1B600] =	vst v63  }
0x124: {  	_ =	swait.ge [sflag:s29], $0x800  }
0x125: {  	[sflag:s29] =	ssyncset.done $0x0  }
0x126: {  	[sflag:s29] =	ssyncadd.s32 $0xFFFFF800  }
0x127: {  	_ =	swait.ge [sflag:s2], $0x800  }
0x128: {  	[sflag:s2] =	ssyncset.done $0x0  }
0x129: {  	[sflag:s2] =	ssyncadd.s32 $0xFFFFF800  }
0x12a: {  	[tilespmem:s8], [sflag:$0x1] =	stream.indirect.gather [hbm4b:s5+s0], $0x10, s13, s0, $0xb8;
	[tilespmem:$0x1B600] =	vst v63  }
0x12b: {  	_ = 	snop  }
0x12c: {  	[spmem:s3] =	stream.indirect.scatter.add.f32 [tilespmem:s1], [sflag:$0x2], $0x10, s14, s0, $0xb8;
	[tilespmem:$0x1B600] =	vst v63  }
0x12d: {  	_ =	swait.ge [sflag:s29], $0x800  }
0x12e: {  	[sflag:s29] =	ssyncset.done $0x0  }
0x12f: {  	[sflag:s29] =	ssyncadd.s32 $0xFFFFF800  }
0x130: {  	_ =	swait.ge [sflag:s2], $0x800  }
0x131: {  	[sflag:s2] =	ssyncset.done $0x0  }
0x132: {  	[sflag:s2] =	ssyncadd.s32 $0xFFFFF800  }
0x133: {  	[tilespmem:s1], [sflag:$0x1] =	stream.indirect.gather [hbm4b:s5+s0], $0x10, s15, s0, $0xb8;
	[tilespmem:$0x1B600] =	vst v63  }
0x134: {  	_ = 	snop  }
0x135: {  	[spmem:s3] =	stream.indirect.scatter.add.f32 [tilespmem:s8], [sflag:$0x2], $0x10, s16, s0, $0xb8;
	[tilespmem:$0x1B600] =	vst v63  }
0x136: {  	_ =	swait.ge [sflag:s29], $0x800  }
0x137: {  	[sflag:s29] =	ssyncset.done $0x0  }
0x138: {  	[sflag:s29] =	ssyncadd.s32 $0xFFFFF800  }
0x139: {  	_ =	swait.ge [sflag:s2], $0x800  }
0x13a: {  	[sflag:s2] =	ssyncset.done $0x0  }
0x13b: {  	[sflag:s2] =	ssyncadd.s32 $0xFFFFF800  }
0x13c: {  	[tilespmem:s8], [sflag:$0x1] =	stream.indirect.gather [hbm4b:s5+s0], $0x10, s17, s0, $0xb8;
	[tilespmem:$0x1B600] =	vst v63  }
0x13d: {  	_ = 	snop  }
0x13e: {  	[spmem:s3] =	stream.indirect.scatter.add.f32 [tilespmem:s1], [sflag:$0x2], $0x10, s18, s0, $0xb8;
	[tilespmem:$0x1B600] =	vst v63  }
0x13f: {  	_ =	swait.ge [sflag:s29], $0x800  }
0x140: {  	[sflag:s29] =	ssyncset.done $0x0  }
0x141: {  	[sflag:s29] =	ssyncadd.s32 $0xFFFFF800  }
0x142: {  	_ =	swait.ge [sflag:s2], $0x800  }
0x143: {  	[sflag:s2] =	ssyncset.done $0x0  }
0x144: {  	[sflag:s2] =	ssyncadd.s32 $0xFFFFF800  }
0x145: {  	[tilespmem:s1], [sflag:$0x1] =	stream.indirect.gather [hbm4b:s5+s0], $0x10, s19, s0, $0xb8;
	[tilespmem:$0x1B600] =	vst v63  }
0x146: {  	_ = 	snop  }
0x147: {  	[spmem:s3] =	stream.indirect.scatter.add.f32 [tilespmem:s8], [sflag:$0x2], $0x10, s20, s0, $0xb8;
	[tilespmem:$0x1B600] =	vst v63  }
0x148: {  	_ =	swait.ge [sflag:s29], $0x800  }
0x149: {  	[sflag:s29] =	ssyncset.done $0x0  }
0x14a: {  	[sflag:s29] =	ssyncadd.s32 $0xFFFFF800  }
0x14b: {  	_ =	swait.ge [sflag:s2], $0x800  }
0x14c: {  	[sflag:s2] =	ssyncset.done $0x0  }
0x14d: {  	[sflag:s2] =	ssyncadd.s32 $0xFFFFF800  }
0x14e: {  	[tilespmem:s8], [sflag:$0x1] =	stream.indirect.gather [hbm4b:s5+s0], $0x10, s21, s0, $0xb8;
	[tilespmem:$0x1B600] =	vst v63  }
0x14f: {  	s22 =	simm.s32 $0x18A00  }
0x150: {  	[spmem:s3] =	stream.indirect.scatter.add.f32 [tilespmem:s1], [sflag:$0x2], $0x10, s22, s0, $0xb8;
	[tilespmem:$0x1B600] =	vst v63  }
0x151: {  	_ =	swait.ge [sflag:s29], $0x800  }
0x152: {  	[sflag:s29] =	ssyncset.done $0x0  }
0x153: {  	[sflag:s29] =	ssyncadd.s32 $0xFFFFF800  }
0x154: {  	_ =	swait.ge [sflag:s2], $0x800  }
0x155: {  	[sflag:s2] =	ssyncset.done $0x0  }
0x156: {  	[sflag:s2] =	ssyncadd.s32 $0xFFFFF800  }
0x157: {  	[spmem:s3] =	stream.indirect.scatter.add.f32 [tilespmem:s8], [sflag:$0x2], $0x10, s9, s0, $0xb8;
	[tilespmem:$0x1B600] =	vst v63  }
0x158: {  	_ =	swait.ge [sflag:s29], $0x800  }
0x159: {  	[sflag:s29] =	ssyncset.done $0x0  }
0x15a: {  	s26 =	sadd.s32 $0x0, s25;
	s7 =	simm.s32 $0x2E0;
	[sflag:s29] =	ssyncadd.s32 $0xFFFFF800  }
0x15b: {  	s10 =	simm.s32 $0x19B80;
	s11 =	simm.s32 $0x19C00;
	[bflag:$0x0] =	sbarrier.arrive $0xFFFF  }
0x15c: {  	s12 =	simm.s32 $0x18780;
	s13 =	simm.s32 $0x19C80;
	s9 =	rddreg [dreg:$0x4]  }
0x15d: {  	[tilespmem:s28], [sflag:$0x2] =	stream.linear.gather [spmem:s9], $0x1700, $0x38;
	[tilespmem:$0x1B600] =	vst v63  }
0x15e: {  	s14 =	simm.s32 $0x18800;
	s15 =	simm.s32 $0x19D00;
	_ =	swait.ge [sflag:s29], $0x1700  }
0x15f: {  	s16 =	simm.s32 $0x18880;
	s17 =	simm.s32 $0x19D80;
	[sflag:s29] =	ssyncset.done $0x0  }
0x160: {  	s18 =	simm.s32 $0x18900;
	s19 =	simm.s32 $0x19E00;
	[sflag:s29] =	ssyncadd.s32 $0xFFFFE900  }
0x161: {  	[hbm4b:s26+s4] =	stream.linear.scatter [tilespmem:s28], [sflag:$0x2], $0x1700, $0x38;
	[tilespmem:$0x1B600] =	vst v63  }
0x162: {  	s20 =	simm.s32 $0x18980;
	s21 =	simm.s32 $0x19E80;
	_ =	swait.ge [sflag:s29], $0x1700  }
0x163: {  	s22 =	simm.s32 $0x18A00;
	s26 =	smov.u32 s9;
	[sflag:s29] =	ssyncset.done $0x0  }
.LBB2_4:
0x164: {  	p0 =	sne.s32 s7, $0x2E00;
	[sflag:s29] =	ssyncadd.s32 $0xFFFFE900;
	s26 =	sadd.s32 $0x1700, s26  }
0x165: {  	[tilespmem:s28], [sflag:$0x2] =	stream.linear.gather [spmem:s26], $0x1700, $0x38;
	[tilespmem:$0x1B600] =	vst v63  }
0x166: {  	s6 =	smov.u32 s7;
	s7 =	sadd.s32 $0x2E0, s7;
	_ =	swait.ge [sflag:s29], $0x1700  }
.Ltmp1:
0x167: {  	[sflag:s29] =	ssyncset.done $0x0;
	(pc) =	sbr.rel @p0 .LBB2_4-.Ltmp1, $4  }
0x168: {  	s6 =	sadd.s32 s6, s25;
	[sflag:s29] =	ssyncadd.s32 $0xFFFFE900  }
0x169: {  	[hbm4b:s6+s4] =	stream.linear.scatter [tilespmem:s28], [sflag:$0x2], $0x1700, $0x38;
	[tilespmem:$0x1B600] =	vst v63  }
0x16a: {  	_ =	swait.ge [sflag:s29], $0x1700  }
0x16b: {  	[sflag:s29] =	ssyncset.done $0x0  }
0x16c: {  	s7 =	rddreg [dreg:$0x15]  }
0x16d: {  	s6 =	rddreg [dreg:$0x3];
	s7 =	sadd.s32 $0x1, s7  }
0x16e: {  	p0 =	sne.s32 s7, s6  }
.Ltmp2:
0x16f: {  	_ = 	snop;
	(pc) =	sbr.rel @p0 .LBB2_1-.Ltmp2, $2  }
0x170: {  	_ =	sdelay $0x2  }
0x171: {  	[sflag:s29] =	ssyncadd.s32 $0xFFFFE900  }
0x172: {  	_ =	sfence.sel $0x180000  }
0x173: {  	[bflag:$0x0] =	sbarrier.arrive $0xFFFF  }
0x174: {  	_ =	strace $0x90000050  }
0x175: {  	s0 =	stileid.u32;
	[bflag:$0x2] =	sbarrier.arrive $0xFFFF  }
0x176: {  	p0 =	sne.s32 s0, $0x0;
	s0 =	rddreg [dreg:$0x2]  }
0x177: {  	s0 =	sadd.s32 @!p0 $0x100000, s0  }
0x178: {  	[sflag:s0] =	ssyncadd.tile.s32 @!p0 $0x1;
	_ =	shalt  }
.Lfunc_end2:
_tile_overlayer_lowered:
.L_overlay_start_2:
0x179: {  	(tag) =	ssettag $0x2  }
0x17a: {  	s0 =	rddreg [dreg:$0x0];
	s2 =	stileid.u32  }
0x17b: {  	s1 =	rddreg [dreg:$0x1];
	p0 =	sne.s32 s2, $0x0  }
0x17c: {  	s3 =	rddreg [dreg:$0x2];
	[bflag:$0x3] =	sbarrier.arrive $0xFFFF;
	s2 =	simm.s32 @!p0 $0x1C02  }
0x17d: {  	[timem:s3], [sflag:s2] =	dma.local @!p0 [hbm:s0], s1  }
0x17e: {  	s0 =	simm.s32 @!p0 $0x2  }
0x17f: {  	_ =	swait.ge @!p0 [sflag:s0], s1  }
0x180: {  	s1 =	ssub.s32 @!p0 $0x0, s1;
	[sflag:s0] =	ssyncset.done @!p0 $0x0  }
0x181: {  	[sflag:s0] =	ssyncadd.s32 @!p0 s1  }
0x182: {  	[bflag:$0x3] =	sbarrier.arrive $0xFFFF  }
0x183: {  	_ =	shalt  }

// kernel: kernel.20.cloned.1.call-start
scs
__scs_entry_jumppad:
0x0: {  	(pc) =	sbr.rel $0x88, $3  }
0x1: {  	(tag) =	ssettag $0x0;
	lr =	simm.s32 $0x1  }
0x2: {  	[smem:$0x3F85] =	sst lr;
	_ =	strace $0xD0000000  }
0x3: {  	_ = 	snop  }
0x4: {  	_ = 	snop  }
0x5: {  	_ = 	snop  }
0x6: {  	_ = 	snop  }
0x7: {  	_ = 	snop  }
__scs_overlays_trampoline_lowered:
0x8: {  	[smem:$0x3F94] =	sst s0  }
0x9: {  	[smem:$0x3F95] =	sst s1  }
0xa: {  	[smem:$0x3F96] =	sst s2  }
0xb: {  	[smem:$0x3F97] =	sst s3  }
0xc: {  	[smem:$0x3F98] =	sst s4  }
0xd: {  	[smem:$0x3F99] =	sst s5  }
0xe: {  	[smem:$0x3F9A] =	sst s6  }
0xf: {  	[smem:$0x3F9B] =	sst s7  }
0x10: {  	[smem:$0x3F9C] =	sst s8  }
0x11: {  	[smem:$0x3F9D] =	sst s9;
	s0 =	simm.s32 @!p0 $0x0  }
0x12: {  	s1 =	sld [smem:$0x3F83];
	s0 =	simm.s32 @p0 $0x1  }
0x13: {  	[smem:$0x3F9E] =	sst s0;
	s0 =	simm.s32 @!p1 $0x0  }
0x14: {  	s2 =	sld [smem:$0x3F82];
	s0 =	simm.s32 @p1 $0x1  }
0x15: {  	[smem:$0x3F9F] =	sst s0;
	s0 =	simm.s32 @!p2 $0x0  }
0x16: {  	s3 =	sld [smem:$0x3FDB];
	s0 =	simm.s32 @p2 $0x1  }
0x17: {  	s4 =	simm.s32 $0x1BF5;
	[smem:$0x3FA1] =	sst s0  }
0x18: {  	s0 =	sld [smem:$0x3F84];
	_ =	swait.ge [sflag:s4], $0x0  }
0x19: {  	s7 =	sld [smem:$0x3F85]  }
0x1a: {  	s8 =	sadd.s32 $0xFFFFE003, lr  }
0x1b: {  	s9 =	sadd.s32 $0xFFFFFEF7, lr;
	s5 =	simm.s32 $0xFFFFFFFF;
	p2 =	slt.u32 s8, $0xFFFFF086  }
0x1c: {  	p1 =	slt.u32 s9, $0xF7A;
	s5 =	simm.s32 @!p2 $0x0  }
0x1d: {  	s5 =	simm.s32 @p1 $0x1;
	p0 =	seq.s32 s7, s2  }
0x1e: {  	s7 =	smul.u32 @!p0 $0xF7A, s2;
	p2 =	seq.s32 @!p0 s5, $0x0  }
0x1f: {  	s9 =	smul.u32 $0xF7A, s1;
	s8 =	simm.s32 @!p0 $0x1BF5;
	p2 =	por !p2, p0  }
0x20: {  	[sflag:s8] =	ssyncset.s32 @!p0 $0xFFFFF086;
	s6 =	sadd.s32 @!p0 s3, s7;
	s7 =	simm.s32 @!p0 $0x108  }
0x21: {  	s3 =	sadd.s32 s3, s9;
	s6 =	sadd.s32 @!p0 $0x88, s6;
	s7 =	simm.s32 @p2 $0x1082  }
0x22: {  	[simem:s7], [sflag:s8] =	dma.local @!p0 [hbm:s6], $0xF7A  }
0x23: {  	s9 =	sor.u32 $0xD0000000, s2;
	s6 =	simm.s32 $0x108;
	_ =	swait.ge @!p0 [sflag:s8], $0x0  }
0x24: {  	s3 =	sadd.s32 $0x88, s3;
	s6 =	simm.s32 @!p1 $0x1082;
	[sflag:s4] =	ssyncset.s32 $0xFFFFF086  }
0x25: {  	[simem:s6], [sflag:s4] =	dma.local [hbm:s3], $0xF7A  }
0x26: {  	[smem:$0x3F85] =	sst s1;
	(tag) =	ssettag s2;
	_ =	strace s9  }
0x27: {  	s1 =	sld [smem:$0x3F95]  }
0x28: {  	s2 =	sld [smem:$0x3F96]  }
0x29: {  	s4 =	sld [smem:$0x3F98]  }
0x2a: {  	p0 =	seq.s32 s5, $0x0;
	s5 =	sld [smem:$0x3F99]  }
0x2b: {  	s6 =	sld [smem:$0x3F9A]  }
0x2c: {  	s7 =	sld [smem:$0x3F9B]  }
0x2d: {  	s3 =	simm.s32 $0x108;
	s8 =	sld [smem:$0x3F9C]  }
0x2e: {  	s3 =	simm.s32 @!p0 $0x1082;
	s9 =	sld [smem:$0x3F9D]  }
0x2f: {  	lr =	sadd.s32 s0, s3;
	s0 =	sld [smem:$0x3F94]  }
0x30: {  	s3 =	sld [smem:$0x3F97]  }
0x31: {  	[smem:$0x3FA0] =	sst s10  }
0x32: {  	s10 =	sld [smem:$0x3F9E];
	_ =	sdelay $0x3  }
0x33: {  	p0 =	seq.s32 s10, $0x1;
	s10 =	sld [smem:$0x3FA0];
	_ =	sdelay $0x3  }
0x34: {  	[smem:$0x3FA0] =	sst s10  }
0x35: {  	s10 =	sld [smem:$0x3F9F];
	_ =	sdelay $0x3  }
0x36: {  	p1 =	seq.s32 s10, $0x1;
	s10 =	sld [smem:$0x3FA0];
	_ =	sdelay $0x3  }
0x37: {  	[smem:$0x3FA0] =	sst s10  }
0x38: {  	s10 =	sld [smem:$0x3FA1]  }
0x39: {  	_ = 	snop;
	(pc) =	sbr.ind lr, $3  }
0x3a: {  	_ = 	snop  }
0x3b: {  	_ = 	snop  }
0x3c: {  	p2 =	seq.s32 s10, $0x1;
	s10 =	sld [smem:$0x3FA0]  }
0x3d: {  	_ =	shalt  }
0x3e: {  	_ =	shalt  }
0x3f: {  	_ =	shalt  }
0x40: {  	_ =	shalt  }
0x41: {  	_ =	shalt  }
0x42: {  	_ =	shalt  }
0x43: {  	_ =	shalt  }
0x44: {  	_ =	shalt  }
0x45: {  	_ =	shalt  }
0x46: {  	_ =	shalt  }
0x47: {  	_ =	shalt  }
0x48: {  	_ =	shalt  }
0x49: {  	_ =	shalt  }
0x4a: {  	_ =	shalt  }
0x4b: {  	_ =	shalt  }
0x4c: {  	_ =	shalt  }
0x4d: {  	_ =	shalt  }
0x4e: {  	_ =	shalt  }
0x4f: {  	_ =	shalt  }
0x50: {  	_ =	shalt  }
0x51: {  	_ =	shalt  }
0x52: {  	_ =	shalt  }
0x53: {  	_ =	shalt  }
0x54: {  	_ =	shalt  }
0x55: {  	_ =	shalt  }
0x56: {  	_ =	shalt  }
0x57: {  	_ =	shalt  }
0x58: {  	_ =	shalt  }
0x59: {  	_ =	shalt  }
0x5a: {  	_ =	shalt  }
0x5b: {  	_ =	shalt  }
0x5c: {  	_ =	shalt  }
0x5d: {  	_ =	shalt  }
0x5e: {  	_ =	shalt  }
0x5f: {  	_ =	shalt  }
0x60: {  	_ =	shalt  }
0x61: {  	_ =	shalt  }
0x62: {  	_ =	shalt  }
0x63: {  	_ =	shalt  }
0x64: {  	_ =	shalt  }
0x65: {  	_ =	shalt  }
0x66: {  	_ =	shalt  }
0x67: {  	_ =	shalt  }
0x68: {  	_ =	shalt  }
0x69: {  	_ =	shalt  }
0x6a: {  	_ =	shalt  }
0x6b: {  	_ =	shalt  }
0x6c: {  	_ =	shalt  }
0x6d: {  	_ =	shalt  }
0x6e: {  	_ =	shalt  }
0x6f: {  	_ =	shalt  }
0x70: {  	_ =	shalt  }
0x71: {  	_ =	shalt  }
0x72: {  	_ =	shalt  }
0x73: {  	_ =	shalt  }
0x74: {  	_ =	shalt  }
0x75: {  	_ =	shalt  }
0x76: {  	_ =	shalt  }
0x77: {  	_ =	shalt  }
0x78: {  	_ =	shalt  }
0x79: {  	_ =	shalt  }
0x7a: {  	_ =	shalt  }
0x7b: {  	_ =	shalt  }
0x7c: {  	_ =	shalt  }
0x7d: {  	_ =	shalt  }
0x7e: {  	_ =	shalt  }
0x7f: {  	_ =	shalt  }
0x80: {  	_ =	shalt  }
0x81: {  	_ =	shalt  }
0x82: {  	_ =	shalt  }
0x83: {  	_ =	shalt  }
0x84: {  	_ =	shalt  }
0x85: {  	_ =	shalt  }
0x86: {  	_ =	shalt  }
0x87: {  	_ =	shalt  }
.Lfunc_end0:
.L_simem_size_0:
called_computation.4_lowered:
.L_overlay_start_0:
0x88: {  	s2 =	sld [smem:$0x3FD9]  }
0x89: {  	s3 =	sld [smem:$0x3FFE];
	_ =	sdelay $0x1  }
0x8a: {  	s1 =	srdreg.scid  }
0x8b: {  	s0 =	sand.u32 $0x1, s1  }
0x8c: {  	s16 =	sshll.u32 s0, $0xA;
	s2 =	sadd.s32 s3, s2  }
0x8d: {  	s2 =	sadd.s32 s2, s16  }
0x8e: {  	[smem:$0x3FAC] =	sst s2  }
0x8f: {  	_ = 	snop  }
0x90: {  	(tm) =	ssettm $0x1  }
0x91: {  	s17 =	sld [smem:$0x3FFB];
	_ =	sdelay $0x3  }
0x92: {  	_ =	strace s17  }
0x93: {  	s2 =	sld [smem:$0x3FFC];
	_ =	sdelay $0x3  }
0x94: {  	_ =	strace s2  }
0x95: {  	s2 =	sld [smem:$0x3FFD];
	_ =	sdelay $0x3  }
0x96: {  	_ =	strace s2  }
0x97: {  	_ =	strace $0x8FFFFFFF  }
0x98: {  	s18 =	sld [smem:$0x3FDB];
	_ =	sdelay $0x1  }
0x99: {  	s19 =	simm.s32 $_scs_section_size  }
0x9a: {  	s4 =	simm.s32 $_size__tile_overlayer_lowered;
	s5 =	simm.s32 $_tile_overlayer_lowered  }
0x9b: {  	s22 =	simm.s32 $0x1BFF;
	s21 =	sshll.u32 s5, $0x1;
	s2 =	sadd.s32 s19, s18  }
0x9c: {  	s6 =	simm.s32 $0x0;
	s20 =	sshll.u32 s4, $0x1;
	s4 =	sadd.s32 s21, s2  }
0x9d: {  	[timem:s6], [sflag:s22] =	dma.local [hbm:s4], s20  }
0x9e: {  	_ =	swait.ge [sflag:s22], s20  }
0x9f: {  	s3 =	ssub.s32 $0x0, s20;
	[sflag:s22] =	ssyncset.done $0x0  }
0xa0: {  	[sflag:s22] =	ssyncadd.s32 s3;
	_ =	sdelay $0x1  }
0xa1: {  	s23 =	simm.s32 $0x1B8B  }
0xa2: {  	_ =	swait.ge [sflag:s23], $0x1  }
0xa3: {  	[sflag:s23] =	ssyncset.done $0x0  }
0xa4: {  	s25 =	simm.s32 $0x1B8E;
	s24 =	sld [smem:$0x3FFE];
	[sflag:s23] =	ssyncadd.s32 $0xFFFFFFFF  }
0xa5: {  	s26 =	simm.s32 $execute0_lowered;
	[smem:$0x3FD2] =	sst s25  }
0xa6: {  	s4 =	sshll.u32 s26, $0x1;
	_ =	strace $0x80000052;
	[dreg:$0x1] =	wrdreg $0xFFFFFFFF  }
0xa7: {  	s28 =	simm.s32 $_size_execute0_lowered;
	s2 =	sadd.s32 s2, s4;
	[dreg:$0x0] =	wrdreg $0x0  }
0xa8: {  	s4 =	sshll.u32 s28, $0x1;
	[dreg:$0x2] =	wrdreg s2  }
0xa9: {  	[dreg:$0x3] =	wrdreg s4  }
0xaa: {  	[dreg:$0x4] =	wrdreg $0xC0  }
0xab: {  	_ =	task [dreg:s6], $0x5FFFF  }
0xac: {  	[dreg:$0x1] =	wrdreg $0xFFFFFFFF  }
0xad: {  	[dreg:$0x0] =	wrdreg $0x60  }
0xae: {  	[dreg:$0x2] =	wrdreg s24  }
0xaf: {  	[dreg:$0x3] =	wrdreg $0x9  }
0xb0: {  	_ =	task.clear_ibuf [dreg:s6], $0x4FFFF;
	_ =	strace $0x90000052  }
0xb1: {  	s29 =	simm.s32 $0x9;
	_ =	strace $0x80000054  }
0xb2: {  	_ =	swait.ge [sflag:s29], $0x1  }
0xb3: {  	[sflag:s29] =	ssyncadd.s32 $0xFFFFFFFF  }
0xb4: {  	_ =	strace $0x90000054  }
0xb5: {  	_ =	sfence  }
0xb6: {  	s30 =	sld [smem:$0x0];
	_ =	sdelay $0x2  }
0xb7: {  	s31 =	sshll.u32 s1, $0xD;
	s1 =	sshrl.u32 s1, $0x2  }
0xb8: {  	s3 =	sand.u32 $0x4000, s31;
	s1 =	sadd.s32 s1, s30  }
0xb9: {  	s0 =	sor.u32 s3, s0;
	s1 =	sshll.u32 s1, $0x11  }
0xba: {  	s0 =	sor.u32 s1, s0  }
0xbb: {  	s0 =	sadd.s32 $0x8F2B, s0  }
0xbc: {  	[sflag:s0] =	ssyncadd.remote.s32 $0x1  }
0xbd: {  	_ =	sfence.sel $0xFFFF  }
0xbe: {  	[dreg:$0x0] =	wrdreg $0xFFFFFFFF;
	(pc) =	sbr.abs _section_cstart, $3  }
0xbf: {  	[dreg:$0x1] =	wrdreg $0xFFFFFFFF  }
0xc0: {  	_ =	task.clear_ibuf [dreg:s6], $0x2FFFF;
	_ =	strace $0x9FFFFFFF  }
0xc1: {  	(tm) =	ssettm $0x7FFFFFFF  }
tec
execute0_lowered:
.L_overlay_start_1:
0x0: {  	(tag) =	ssettag $0x1  }
0x1: {  	s1 =	stileid.u32  }
0x2: {  	s0 =	srdreg.scid;
	s2 =	rddreg [dreg:$0x0];
	s3 =	simm.s32 $0x0  }
0x3: {  	s8 =	simm.s32 $0x2;
	s15 =	simm.s32 $0x8880;
	[smem:$0x7FF] =	sst s3  }
0x4: {  	s16 =	simm.s32 $0x8900;
	_ =	strace $0x80000053;
	[dreg:$0x5] =	wrdreg s15  }
0x5: {  	s9 =	simm.s32 $0x400;
	s17 =	simm.s32 $0x100;
	[dreg:$0x6] =	wrdreg s16  }
0x6: {  	s10 =	simm.s32 $0x80;
	s18 =	simm.s32 $0x8980;
	[dreg:$0x7] =	wrdreg s17  }
0x7: {  	s19 =	simm.s32 $0x180;
	s20 =	simm.s32 $0x8A00;
	[dreg:$0x8] =	wrdreg s18  }
0x8: {  	s21 =	simm.s32 $0x200;
	s22 =	simm.s32 $0x8A80;
	[dreg:$0x9] =	wrdreg s19  }
0x9: {  	s23 =	simm.s32 $0x280;
	s24 =	simm.s32 $0x8B00;
	[dreg:$0xa] =	wrdreg s20  }
0xa: {  	s25 =	simm.s32 $0x300;
	s26 =	simm.s32 $0x8B80;
	[dreg:$0xb] =	wrdreg s21  }
0xb: {  	s29 =	simm.s32 $0x380;
	s28 =	simm.s32 $0x1;
	[dreg:$0xc] =	wrdreg s22  }
0xc: {  	s1 =	smul.u32 $0x700, s1;
	s0 =	sand.u32 $0x1, s0;
	[dreg:$0xd] =	wrdreg s23  }
0xd: {  	s12 =	simm.s32 $0x0;
	s5 =	smul.u32 $0x380, s0;
	[dreg:$0xe] =	wrdreg s24  }
0xe: {  	s30 =	simm.s32 $0x7800;
	[dreg:$0xf] =	wrdreg s25;
	s1 =	sadd.s32 s1, s2  }
0xf: {  	s0 =	ssub.s32 $0x2, s0;
	[dreg:$0x10] =	wrdreg s26;
	s1 =	sadd.s32 s5, s1  }
0x10: {  	[dreg:$0x11] =	wrdreg s29;
	s7 =	sshrl.u32 s0, $0x1;
	s6 =	sadd.s32 $0x1E1600, s1  }
0x11: {  	s0 =	ssub.s32 s0, s7;
	s14 =	sadd.s32 $0x1D3600, s1;
	[dreg:$0x2] =	wrdreg s6  }
0x12: {  	s31 =	simm.s32 $0x4000;
	s0 =	smax.u32 s0, $0x1;
	[dreg:$0x3] =	wrdreg s14  }
0x13: {  	s4 =	sadd.s32 $0x1E8600, s2;
	s1 =	sadd.s32 $0x1DA600, s1;
	[dreg:$0x12] =	wrdreg s0  }
0x14: {  	s5 =	sadd.s32 $0x70000, s2;
	s7 =	simm.s32 $0x780;
	[dreg:$0x4] =	wrdreg s1  }
0x15: {  	s1 =	simm.s32 $0x600;
	s0 =	simm.s32 $0x680;
	s6 =	simm.s32 $0x700  }
.LBB2_1:
0x16: {  	s11 =	rddreg [dreg:$0x4]  }
0x17: {  	[dreg:$0x13] =	wrdreg s12;
	s14 =	simm.s32 $0x8800;
	s11 =	sadd.s32 $0x0, s11  }
0x18: {  	[tilespmem:s14], [sflag:$0x2] =	stream.linear.gather [hbm4b:s11+s3], $0x400, $0x38;
	[tilespmem:$0x8C00] =	vst v63  }
0x19: {  	_ =	swait.ge [sflag:s8], $0x400  }
0x1a: {  	s15 =	rddreg [dreg:$0x3];
	[sflag:s8] =	ssyncset.done $0x0  }
0x1b: {  	[sflag:s8] =	ssyncadd.s32 $0xFFFFFC00;
	s11 =	sadd.s32 $0x0, s15  }
0x1c: {  	[tilespmem:s3], [sflag:$0x2] =	stream.linear.gather [hbm4b:s11+s3], $0x400, $0x38;
	[tilespmem:$0x8C00] =	vst v63  }
0x1d: {  	_ =	swait.ge [sflag:s8], $0x400  }
0x1e: {  	s16 =	rddreg [dreg:$0x2];
	[sflag:s8] =	ssyncset.done $0x0  }
0x1f: {  	[sflag:s8] =	ssyncadd.s32 $0xFFFFFC00;
	s11 =	sadd.s32 $0x0, s16  }
0x20: {  	[tilespmem:s9], [sflag:$0x2] =	stream.linear.gather [hbm4b:s11+s3], $0x400, $0x38;
	[tilespmem:$0x8C00] =	vst v63  }
0x21: {  	_ =	swait.ge [sflag:s8], $0x400  }
0x22: {  	[sflag:s8] =	ssyncset.done $0x0  }
0x23: {  	s13 =	simm.s32 $0x800;
	[sflag:s8] =	ssyncadd.s32 $0xFFFFFC00  }
0x24: {  	[tilespmem:s13], [sflag:$0x1] =	stream.indirect.gather [hbm4b:s4+s10], $0x10, s14, s10, $0xb8;
	[tilespmem:$0x8C00] =	vst v63  }
0x25: {  	s14 =	simm.s32 $0x4800  }
0x26: {  	[tilespmem:s14], [sflag:$0x1] =	stream.indirect.gather [hbm4b:s4+s10], $0x10, s3, s10, $0xb8;
	[tilespmem:$0x8C00] =	vst v63  }
0x27: {  	s15 =	simm.s32 $0x1000;
	s17 =	rddreg [dreg:$0x5]  }
0x28: {  	[tilespmem:s15], [sflag:$0x1] =	stream.indirect.gather [hbm4b:s4+s10], $0x10, s17, s10, $0xb8;
	[tilespmem:$0x8C00] =	vst v63  }
0x29: {  	s16 =	simm.s32 $0x5000  }
0x2a: {  	[tilespmem:s16], [sflag:$0x1] =	stream.indirect.gather [hbm4b:s4+s10], $0x10, s10, s10, $0xb8;
	[tilespmem:$0x8C00] =	vst v63  }
0x2b: {  	s18 =	rddreg [dreg:$0x6];
	s17 =	simm.s32 $0x1800  }
0x2c: {  	[tilespmem:s17], [sflag:$0x1] =	stream.indirect.gather [hbm4b:s4+s10], $0x10, s18, s10, $0xb8;
	[tilespmem:$0x8C00] =	vst v63  }
0x2d: {  	s19 =	rddreg [dreg:$0x7];
	s18 =	simm.s32 $0x5800  }
0x2e: {  	[tilespmem:s18], [sflag:$0x1] =	stream.indirect.gather [hbm4b:s4+s10], $0x10, s19, s10, $0xb8;
	[tilespmem:$0x8C00] =	vst v63  }
0x2f: {  	s20 =	rddreg [dreg:$0x8];
	s19 =	simm.s32 $0x2000  }
0x30: {  	[tilespmem:s19], [sflag:$0x1] =	stream.indirect.gather [hbm4b:s4+s10], $0x10, s20, s10, $0xb8;
	[tilespmem:$0x8C00] =	vst v63  }
0x31: {  	s21 =	rddreg [dreg:$0x9];
	s20 =	simm.s32 $0x6000  }
0x32: {  	[tilespmem:s20], [sflag:$0x1] =	stream.indirect.gather [hbm4b:s4+s10], $0x10, s21, s10, $0xb8;
	[tilespmem:$0x8C00] =	vst v63  }
0x33: {  	s22 =	rddreg [dreg:$0xa];
	s21 =	simm.s32 $0x2800  }
0x34: {  	[tilespmem:s21], [sflag:$0x1] =	stream.indirect.gather [hbm4b:s4+s10], $0x10, s22, s10, $0xb8;
	[tilespmem:$0x8C00] =	vst v63  }
0x35: {  	s23 =	rddreg [dreg:$0xb];
	s22 =	simm.s32 $0x6800  }
0x36: {  	[tilespmem:s22], [sflag:$0x1] =	stream.indirect.gather [hbm4b:s4+s10], $0x10, s23, s10, $0xb8;
	[tilespmem:$0x8C00] =	vst v63  }
0x37: {  	s24 =	rddreg [dreg:$0xc];
	s23 =	simm.s32 $0x3000  }
0x38: {  	[tilespmem:s23], [sflag:$0x1] =	stream.indirect.gather [hbm4b:s4+s10], $0x10, s24, s10, $0xb8;
	[tilespmem:$0x8C00] =	vst v63  }
0x39: {  	s25 =	rddreg [dreg:$0xd];
	s24 =	simm.s32 $0x7000  }
0x3a: {  	[tilespmem:s24], [sflag:$0x1] =	stream.indirect.gather [hbm4b:s4+s10], $0x10, s25, s10, $0xb8;
	[tilespmem:$0x8C00] =	vst v63  }
0x3b: {  	s26 =	rddreg [dreg:$0xe];
	s25 =	simm.s32 $0x3800  }
0x3c: {  	[tilespmem:s25], [sflag:$0x1] =	stream.indirect.gather [hbm4b:s4+s10], $0x10, s26, s10, $0xb8;
	[tilespmem:$0x8C00] =	vst v63  }
0x3d: {  	s29 =	rddreg [dreg:$0xf];
	s26 =	simm.s32 $0x7800  }
0x3e: {  	[tilespmem:s26], [sflag:$0x1] =	stream.indirect.gather [hbm4b:s4+s10], $0x10, s29, s10, $0xb8;
	[tilespmem:$0x8C00] =	vst v63  }
0x3f: {  	s11 =	rddreg [dreg:$0x10];
	s29 =	simm.s32 $0x4000  }
0x40: {  	[tilespmem:s29], [sflag:$0x1] =	stream.indirect.gather [hbm4b:s4+s10], $0x10, s11, s10, $0xb8;
	[tilespmem:$0x8C00] =	vst v63  }
0x41: {  	s12 =	rddreg [dreg:$0x11];
	s11 =	simm.s32 $0x8000  }
0x42: {  	[tilespmem:s11], [sflag:$0x1] =	stream.indirect.gather [hbm4b:s4+s10], $0x10, s12, s10, $0xb8;
	[tilespmem:$0x8C00] =	vst v63  }
0x43: {  	_ =	swait.ge [sflag:s28], $0x800  }
0x44: {  	[sflag:s28] =	ssyncset.done $0x0  }
0x45: {  	[sflag:s28] =	ssyncadd.s32 $0xFFFFF800  }
0x46: {  	_ =	swait.ge [sflag:s28], $0x800  }
0x47: {  	[sflag:s28] =	ssyncset.done $0x0  }
0x48: {  	[sflag:s28] =	ssyncadd.s32 $0xFFFFF800  }
0x49: {  	_ =	swait.ge [sflag:s28], $0x800  }
0x4a: {  	[sflag:s28] =	ssyncset.done $0x0  }
0x4b: {  	[sflag:s28] =	ssyncadd.s32 $0xFFFFF800  }
0x4c: {  	_ =	swait.ge [sflag:s28], $0x800  }
0x4d: {  	[sflag:s28] =	ssyncset.done $0x0  }
0x4e: {  	[sflag:s28] =	ssyncadd.s32 $0xFFFFF800  }
0x4f: {  	_ =	swait.ge [sflag:s28], $0x800  }
0x50: {  	[sflag:s28] =	ssyncset.done $0x0  }
0x51: {  	[sflag:s28] =	ssyncadd.s32 $0xFFFFF800  }
0x52: {  	_ =	swait.ge [sflag:s28], $0x800  }
0x53: {  	[sflag:s28] =	ssyncset.done $0x0  }
0x54: {  	[sflag:s28] =	ssyncadd.s32 $0xFFFFF800  }
0x55: {  	_ =	swait.ge [sflag:s28], $0x800  }
0x56: {  	[sflag:s28] =	ssyncset.done $0x0  }
0x57: {  	[sflag:s28] =	ssyncadd.s32 $0xFFFFF800  }
0x58: {  	_ =	swait.ge [sflag:s28], $0x800  }
0x59: {  	[sflag:s28] =	ssyncset.done $0x0  }
0x5a: {  	[sflag:s28] =	ssyncadd.s32 $0xFFFFF800  }
0x5b: {  	_ =	swait.ge [sflag:s28], $0x800  }
0x5c: {  	[sflag:s28] =	ssyncset.done $0x0  }
0x5d: {  	[sflag:s28] =	ssyncadd.s32 $0xFFFFF800  }
0x5e: {  	_ =	swait.ge [sflag:s28], $0x800  }
0x5f: {  	[sflag:s28] =	ssyncset.done $0x0  }
0x60: {  	[sflag:s28] =	ssyncadd.s32 $0xFFFFF800  }
0x61: {  	_ =	swait.ge [sflag:s28], $0x800  }
0x62: {  	[sflag:s28] =	ssyncset.done $0x0  }
0x63: {  	[sflag:s28] =	ssyncadd.s32 $0xFFFFF800  }
0x64: {  	_ =	swait.ge [sflag:s28], $0x800  }
0x65: {  	[sflag:s28] =	ssyncset.done $0x0  }
0x66: {  	[sflag:s28] =	ssyncadd.s32 $0xFFFFF800  }
0x67: {  	_ =	swait.ge [sflag:s28], $0x800  }
0x68: {  	[sflag:s28] =	ssyncset.done $0x0  }
0x69: {  	[sflag:s28] =	ssyncadd.s32 $0xFFFFF800  }
0x6a: {  	_ =	swait.ge [sflag:s28], $0x800  }
0x6b: {  	[sflag:s28] =	ssyncset.done $0x0  }
0x6c: {  	[sflag:s28] =	ssyncadd.s32 $0xFFFFF800  }
0x6d: {  	_ =	swait.ge [sflag:s28], $0x800  }
0x6e: {  	[sflag:s28] =	ssyncset.done $0x0  }
0x6f: {  	[sflag:s28] =	ssyncadd.s32 $0xFFFFF800  }
0x70: {  	_ =	swait.ge [sflag:s28], $0x800  }
0x71: {  	[sflag:s28] =	ssyncset.done $0x0  }
0x72: {  	[sflag:s28] =	ssyncadd.s32 $0xFFFFF800  }
0x73: {  	[hbm4b:s5+s10] =	stream.indirect.scatter [tilespmem:s13], [sflag:$0x1], $0x10, s9, s10, $0xb8;
	[tilespmem:$0x8C00] =	vst v63  }
0x74: {  	_ = 	snop  }
0x75: {  	[hbm4b:s2+s10] =	stream.indirect.scatter [tilespmem:s14], [sflag:$0x1], $0x10, s9, s10, $0xb8;
	[tilespmem:$0x8C00] =	vst v63  }
0x76: {  	s14 =	simm.s32 $0x480  }
0x77: {  	[hbm4b:s5+s10] =	stream.indirect.scatter [tilespmem:s15], [sflag:$0x1], $0x10, s14, s10, $0xb8;
	[tilespmem:$0x8C00] =	vst v63  }
0x78: {  	_ = 	snop  }
0x79: {  	[hbm4b:s2+s10] =	stream.indirect.scatter [tilespmem:s16], [sflag:$0x1], $0x10, s14, s10, $0xb8;
	[tilespmem:$0x8C00] =	vst v63  }
0x7a: {  	s16 =	simm.s32 $0x500  }
0x7b: {  	[hbm4b:s5+s10] =	stream.indirect.scatter [tilespmem:s17], [sflag:$0x1], $0x10, s16, s10, $0xb8;
	[tilespmem:$0x8C00] =	vst v63  }
0x7c: {  	_ = 	snop  }
0x7d: {  	[hbm4b:s2+s10] =	stream.indirect.scatter [tilespmem:s18], [sflag:$0x1], $0x10, s16, s10, $0xb8;
	[tilespmem:$0x8C00] =	vst v63  }
0x7e: {  	s18 =	simm.s32 $0x580  }
0x7f: {  	[hbm4b:s5+s10] =	stream.indirect.scatter [tilespmem:s19], [sflag:$0x1], $0x10, s18, s10, $0xb8;
	[tilespmem:$0x8C00] =	vst v63  }
0x80: {  	_ = 	snop  }
0x81: {  	[hbm4b:s2+s10] =	stream.indirect.scatter [tilespmem:s20], [sflag:$0x1], $0x10, s18, s10, $0xb8;
	[tilespmem:$0x8C00] =	vst v63  }
0x82: {  	_ = 	snop  }
0x83: {  	[hbm4b:s5+s10] =	stream.indirect.scatter [tilespmem:s21], [sflag:$0x1], $0x10, s1, s10, $0xb8;
	[tilespmem:$0x8C00] =	vst v63  }
0x84: {  	_ = 	snop  }
0x85: {  	[hbm4b:s2+s10] =	stream.indirect.scatter [tilespmem:s22], [sflag:$0x1], $0x10, s1, s10, $0xb8;
	[tilespmem:$0x8C00] =	vst v63  }
0x86: {  	_ = 	snop  }
0x87: {  	[hbm4b:s5+s10] =	stream.indirect.scatter [tilespmem:s23], [sflag:$0x1], $0x10, s0, s10, $0xb8;
	[tilespmem:$0x8C00] =	vst v63  }
0x88: {  	_ = 	snop  }
0x89: {  	[hbm4b:s2+s10] =	stream.indirect.scatter [tilespmem:s24], [sflag:$0x1], $0x10, s0, s10, $0xb8;
	[tilespmem:$0x8C00] =	vst v63  }
0x8a: {  	_ = 	snop  }
0x8b: {  	[hbm4b:s5+s10] =	stream.indirect.scatter [tilespmem:s25], [sflag:$0x1], $0x10, s6, s10, $0xb8;
	[tilespmem:$0x8C00] =	vst v63  }
0x8c: {  	_ = 	snop  }
0x8d: {  	[hbm4b:s2+s10] =	stream.indirect.scatter [tilespmem:s26], [sflag:$0x1], $0x10, s6, s10, $0xb8;
	[tilespmem:$0x8C00] =	vst v63  }
0x8e: {  	_ = 	snop  }
0x8f: {  	[hbm4b:s5+s10] =	stream.indirect.scatter [tilespmem:s29], [sflag:$0x1], $0x10, s7, s10, $0xb8;
	[tilespmem:$0x8C00] =	vst v63  }
0x90: {  	_ = 	snop  }
0x91: {  	[hbm4b:s2+s10] =	stream.indirect.scatter [tilespmem:s11], [sflag:$0x1], $0x10, s7, s10, $0xb8;
	[tilespmem:$0x8C00] =	vst v63  }
0x92: {  	_ =	swait.ge [sflag:s28], $0x800  }
0x93: {  	[sflag:s28] =	ssyncset.done $0x0  }
0x94: {  	[sflag:s28] =	ssyncadd.s32 $0xFFFFF800  }
0x95: {  	_ =	swait.ge [sflag:s28], $0x800  }
0x96: {  	[sflag:s28] =	ssyncset.done $0x0  }
0x97: {  	[sflag:s28] =	ssyncadd.s32 $0xFFFFF800  }
0x98: {  	_ =	swait.ge [sflag:s28], $0x800  }
0x99: {  	[sflag:s28] =	ssyncset.done $0x0  }
0x9a: {  	[sflag:s28] =	ssyncadd.s32 $0xFFFFF800  }
0x9b: {  	_ =	swait.ge [sflag:s28], $0x800  }
0x9c: {  	[sflag:s28] =	ssyncset.done $0x0  }
0x9d: {  	[sflag:s28] =	ssyncadd.s32 $0xFFFFF800  }
0x9e: {  	_ =	swait.ge [sflag:s28], $0x800  }
0x9f: {  	[sflag:s28] =	ssyncset.done $0x0  }
0xa0: {  	[sflag:s28] =	ssyncadd.s32 $0xFFFFF800  }
0xa1: {  	_ =	swait.ge [sflag:s28], $0x800  }
0xa2: {  	[sflag:s28] =	ssyncset.done $0x0  }
0xa3: {  	[sflag:s28] =	ssyncadd.s32 $0xFFFFF800  }
0xa4: {  	_ =	swait.ge [sflag:s28], $0x800  }
0xa5: {  	[sflag:s28] =	ssyncset.done $0x0  }
0xa6: {  	[sflag:s28] =	ssyncadd.s32 $0xFFFFF800  }
0xa7: {  	_ =	swait.ge [sflag:s28], $0x800  }
0xa8: {  	[sflag:s28] =	ssyncset.done $0x0  }
0xa9: {  	[sflag:s28] =	ssyncadd.s32 $0xFFFFF800  }
0xaa: {  	_ =	swait.ge [sflag:s28], $0x800  }
0xab: {  	[sflag:s28] =	ssyncset.done $0x0  }
0xac: {  	[sflag:s28] =	ssyncadd.s32 $0xFFFFF800  }
0xad: {  	_ =	swait.ge [sflag:s28], $0x800  }
0xae: {  	[sflag:s28] =	ssyncset.done $0x0  }
0xaf: {  	[sflag:s28] =	ssyncadd.s32 $0xFFFFF800  }
0xb0: {  	_ =	swait.ge [sflag:s28], $0x800  }
0xb1: {  	[sflag:s28] =	ssyncset.done $0x0  }
0xb2: {  	[sflag:s28] =	ssyncadd.s32 $0xFFFFF800  }
0xb3: {  	_ =	swait.ge [sflag:s28], $0x800  }
0xb4: {  	[sflag:s28] =	ssyncset.done $0x0  }
0xb5: {  	[sflag:s28] =	ssyncadd.s32 $0xFFFFF800  }
0xb6: {  	_ =	swait.ge [sflag:s28], $0x800  }
0xb7: {  	[sflag:s28] =	ssyncset.done $0x0  }
0xb8: {  	[sflag:s28] =	ssyncadd.s32 $0xFFFFF800  }
0xb9: {  	_ =	swait.ge [sflag:s28], $0x800  }
0xba: {  	[sflag:s28] =	ssyncset.done $0x0  }
0xbb: {  	[sflag:s28] =	ssyncadd.s32 $0xFFFFF800  }
0xbc: {  	_ =	swait.ge [sflag:s28], $0x800  }
0xbd: {  	[sflag:s28] =	ssyncset.done $0x0  }
0xbe: {  	[sflag:s28] =	ssyncadd.s32 $0xFFFFF800  }
0xbf: {  	s12 =	simm.s32 $0x100;
	_ =	swait.ge [sflag:s28], $0x800  }
0xc0: {  	s11 =	simm.s32 $0x80;
	s13 =	rddreg [dreg:$0x4];
	[sflag:s28] =	ssyncset.done $0x0  }
.LBB2_2:
0xc1: {  	[sflag:s28] =	ssyncadd.s32 $0xFFFFF800;
	s13 =	sadd.s32 s11, s13;
	s15 =	simm.s32 $0x8800  }
0xc2: {  	[tilespmem:s15], [sflag:$0x2] =	stream.linear.gather [hbm4b:s13+s3], $0x400, $0x38;
	[tilespmem:$0x8C00] =	vst v63  }
0xc3: {  	_ =	swait.ge [sflag:s8], $0x400  }
0xc4: {  	s17 =	rddreg [dreg:$0x3];
	[sflag:s8] =	ssyncset.done $0x0  }
0xc5: {  	[sflag:s8] =	ssyncadd.s32 $0xFFFFFC00;
	s13 =	sadd.s32 s11, s17  }
0xc6: {  	[tilespmem:s3], [sflag:$0x2] =	stream.linear.gather [hbm4b:s13+s3], $0x400, $0x38;
	[tilespmem:$0x8C00] =	vst v63  }
0xc7: {  	_ =	swait.ge [sflag:s8], $0x400  }
0xc8: {  	s18 =	rddreg [dreg:$0x2];
	[sflag:s8] =	ssyncset.done $0x0  }
0xc9: {  	[sflag:s8] =	ssyncadd.s32 $0xFFFFFC00;
	s13 =	sadd.s32 s11, s18  }
0xca: {  	[tilespmem:s9], [sflag:$0x2] =	stream.linear.gather [hbm4b:s13+s3], $0x400, $0x38;
	[tilespmem:$0x8C00] =	vst v63  }
0xcb: {  	_ =	swait.ge [sflag:s8], $0x400  }
0xcc: {  	[sflag:s8] =	ssyncset.done $0x0  }
0xcd: {  	s16 =	simm.s32 $0x800;
	[sflag:s8] =	ssyncadd.s32 $0xFFFFFC00  }
0xce: {  	[tilespmem:s16], [sflag:$0x1] =	stream.indirect.gather [hbm4b:s4+s10], $0x10, s15, s10, $0xb8;
	[tilespmem:$0x8C00] =	vst v63  }
0xcf: {  	s15 =	simm.s32 $0x4800  }
0xd0: {  	[tilespmem:s15], [sflag:$0x1] =	stream.indirect.gather [hbm4b:s4+s10], $0x10, s3, s10, $0xb8;
	[tilespmem:$0x8C00] =	vst v63  }
0xd1: {  	s17 =	simm.s32 $0x1000;
	s19 =	rddreg [dreg:$0x5]  }
0xd2: {  	[tilespmem:s17], [sflag:$0x1] =	stream.indirect.gather [hbm4b:s4+s10], $0x10, s19, s10, $0xb8;
	[tilespmem:$0x8C00] =	vst v63  }
0xd3: {  	s18 =	simm.s32 $0x5000  }
0xd4: {  	[tilespmem:s18], [sflag:$0x1] =	stream.indirect.gather [hbm4b:s4+s10], $0x10, s10, s10, $0xb8;
	[tilespmem:$0x8C00] =	vst v63  }
0xd5: {  	s20 =	rddreg [dreg:$0x6];
	s19 =	simm.s32 $0x1800  }
0xd6: {  	[tilespmem:s19], [sflag:$0x1] =	stream.indirect.gather [hbm4b:s4+s10], $0x10, s20, s10, $0xb8;
	[tilespmem:$0x8C00] =	vst v63  }
0xd7: {  	s21 =	rddreg [dreg:$0x7];
	s20 =	simm.s32 $0x5800  }
0xd8: {  	[tilespmem:s20], [sflag:$0x1] =	stream.indirect.gather [hbm4b:s4+s10], $0x10, s21, s10, $0xb8;
	[tilespmem:$0x8C00] =	vst v63  }
0xd9: {  	s22 =	rddreg [dreg:$0x8];
	s21 =	simm.s32 $0x2000  }
0xda: {  	[tilespmem:s21], [sflag:$0x1] =	stream.indirect.gather [hbm4b:s4+s10], $0x10, s22, s10, $0xb8;
	[tilespmem:$0x8C00] =	vst v63  }
0xdb: {  	s23 =	rddreg [dreg:$0x9];
	s22 =	simm.s32 $0x6000  }
0xdc: {  	[tilespmem:s22], [sflag:$0x1] =	stream.indirect.gather [hbm4b:s4+s10], $0x10, s23, s10, $0xb8;
	[tilespmem:$0x8C00] =	vst v63  }
0xdd: {  	s24 =	rddreg [dreg:$0xa];
	s23 =	simm.s32 $0x2800  }
0xde: {  	[tilespmem:s23], [sflag:$0x1] =	stream.indirect.gather [hbm4b:s4+s10], $0x10, s24, s10, $0xb8;
	[tilespmem:$0x8C00] =	vst v63  }
0xdf: {  	s25 =	rddreg [dreg:$0xb];
	s24 =	simm.s32 $0x6800  }
0xe0: {  	[tilespmem:s24], [sflag:$0x1] =	stream.indirect.gather [hbm4b:s4+s10], $0x10, s25, s10, $0xb8;
	[tilespmem:$0x8C00] =	vst v63  }
0xe1: {  	s26 =	rddreg [dreg:$0xc];
	s25 =	simm.s32 $0x3000  }
0xe2: {  	[tilespmem:s25], [sflag:$0x1] =	stream.indirect.gather [hbm4b:s4+s10], $0x10, s26, s10, $0xb8;
	[tilespmem:$0x8C00] =	vst v63  }
0xe3: {  	s29 =	rddreg [dreg:$0xd];
	s26 =	simm.s32 $0x7000  }
0xe4: {  	[tilespmem:s26], [sflag:$0x1] =	stream.indirect.gather [hbm4b:s4+s10], $0x10, s29, s10, $0xb8;
	[tilespmem:$0x8C00] =	vst v63  }
0xe5: {  	s14 =	smov.u32 s12;
	s13 =	rddreg [dreg:$0xe];
	s29 =	simm.s32 $0x3800  }
0xe6: {  	[tilespmem:s29], [sflag:$0x1] =	stream.indirect.gather [hbm4b:s4+s10], $0x10, s13, s10, $0xb8;
	[tilespmem:$0x8C00] =	vst v63  }
0xe7: {  	s11 =	smov.u32 s14;
	s14 =	rddreg [dreg:$0xf]  }
0xe8: {  	[tilespmem:s30], [sflag:$0x1] =	stream.indirect.gather [hbm4b:s4+s10], $0x10, s14, s10, $0xb8;
	[tilespmem:$0x8C00] =	vst v63  }
0xe9: {  	s13 =	rddreg [dreg:$0x10]  }
0xea: {  	[tilespmem:s31], [sflag:$0x1] =	stream.indirect.gather [hbm4b:s4+s10], $0x10, s13, s10, $0xb8;
	[tilespmem:$0x8C00] =	vst v63  }
0xeb: {  	s14 =	rddreg [dreg:$0x11];
	s13 =	simm.s32 $0x8000  }
0xec: {  	[tilespmem:s13], [sflag:$0x1] =	stream.indirect.gather [hbm4b:s4+s10], $0x10, s14, s10, $0xb8;
	[tilespmem:$0x8C00] =	vst v63  }
0xed: {  	_ =	swait.ge [sflag:s28], $0x800  }
0xee: {  	[sflag:s28] =	ssyncset.done $0x0  }
0xef: {  	[sflag:s28] =	ssyncadd.s32 $0xFFFFF800  }
0xf0: {  	_ =	swait.ge [sflag:s28], $0x800  }
0xf1: {  	[sflag:s28] =	ssyncset.done $0x0  }
0xf2: {  	[sflag:s28] =	ssyncadd.s32 $0xFFFFF800  }
0xf3: {  	_ =	swait.ge [sflag:s28], $0x800  }
0xf4: {  	[sflag:s28] =	ssyncset.done $0x0  }
0xf5: {  	[sflag:s28] =	ssyncadd.s32 $0xFFFFF800  }
0xf6: {  	_ =	swait.ge [sflag:s28], $0x800  }
0xf7: {  	[sflag:s28] =	ssyncset.done $0x0  }
0xf8: {  	[sflag:s28] =	ssyncadd.s32 $0xFFFFF800  }
0xf9: {  	_ =	swait.ge [sflag:s28], $0x800  }
0xfa: {  	[sflag:s28] =	ssyncset.done $0x0  }
0xfb: {  	[sflag:s28] =	ssyncadd.s32 $0xFFFFF800  }
0xfc: {  	_ =	swait.ge [sflag:s28], $0x800  }
0xfd: {  	[sflag:s28] =	ssyncset.done $0x0  }
0xfe: {  	[sflag:s28] =	ssyncadd.s32 $0xFFFFF800  }
0xff: {  	_ =	swait.ge [sflag:s28], $0x800  }
0x100: {  	[sflag:s28] =	ssyncset.done $0x0  }
0x101: {  	[sflag:s28] =	ssyncadd.s32 $0xFFFFF800  }
0x102: {  	_ =	swait.ge [sflag:s28], $0x800  }
0x103: {  	[sflag:s28] =	ssyncset.done $0x0  }
0x104: {  	[sflag:s28] =	ssyncadd.s32 $0xFFFFF800  }
0x105: {  	_ =	swait.ge [sflag:s28], $0x800  }
0x106: {  	[sflag:s28] =	ssyncset.done $0x0  }
0x107: {  	[sflag:s28] =	ssyncadd.s32 $0xFFFFF800  }
0x108: {  	_ =	swait.ge [sflag:s28], $0x800  }
0x109: {  	[sflag:s28] =	ssyncset.done $0x0  }
0x10a: {  	[sflag:s28] =	ssyncadd.s32 $0xFFFFF800  }
0x10b: {  	_ =	swait.ge [sflag:s28], $0x800  }
0x10c: {  	[sflag:s28] =	ssyncset.done $0x0  }
0x10d: {  	[sflag:s28] =	ssyncadd.s32 $0xFFFFF800  }
0x10e: {  	_ =	swait.ge [sflag:s28], $0x800  }
0x10f: {  	[sflag:s28] =	ssyncset.done $0x0  }
0x110: {  	[sflag:s28] =	ssyncadd.s32 $0xFFFFF800  }
0x111: {  	_ =	swait.ge [sflag:s28], $0x800  }
0x112: {  	[sflag:s28] =	ssyncset.done $0x0  }
0x113: {  	[sflag:s28] =	ssyncadd.s32 $0xFFFFF800  }
0x114: {  	_ =	swait.ge [sflag:s28], $0x800  }
0x115: {  	[sflag:s28] =	ssyncset.done $0x0  }
0x116: {  	[sflag:s28] =	ssyncadd.s32 $0xFFFFF800  }
0x117: {  	_ =	swait.ge [sflag:s28], $0x800  }
0x118: {  	[sflag:s28] =	ssyncset.done $0x0  }
0x119: {  	[sflag:s28] =	ssyncadd.s32 $0xFFFFF800  }
0x11a: {  	_ =	swait.ge [sflag:s28], $0x800  }
0x11b: {  	[sflag:s28] =	ssyncset.done $0x0  }
0x11c: {  	[sflag:s28] =	ssyncadd.s32 $0xFFFFF800  }
0x11d: {  	[hbm4b:s5+s10] =	stream.indirect.scatter [tilespmem:s16], [sflag:$0x1], $0x10, s9, s10, $0xb8;
	[tilespmem:$0x8C00] =	vst v63  }
0x11e: {  	_ = 	snop  }
0x11f: {  	[hbm4b:s2+s10] =	stream.indirect.scatter [tilespmem:s15], [sflag:$0x1], $0x10, s9, s10, $0xb8;
	[tilespmem:$0x8C00] =	vst v63  }
0x120: {  	s16 =	simm.s32 $0x480  }
0x121: {  	[hbm4b:s5+s10] =	stream.indirect.scatter [tilespmem:s17], [sflag:$0x1], $0x10, s16, s10, $0xb8;
	[tilespmem:$0x8C00] =	vst v63  }
0x122: {  	_ = 	snop  }
0x123: {  	[hbm4b:s2+s10] =	stream.indirect.scatter [tilespmem:s18], [sflag:$0x1], $0x10, s16, s10, $0xb8;
	[tilespmem:$0x8C00] =	vst v63  }
0x124: {  	s18 =	simm.s32 $0x500  }
0x125: {  	[hbm4b:s5+s10] =	stream.indirect.scatter [tilespmem:s19], [sflag:$0x1], $0x10, s18, s10, $0xb8;
	[tilespmem:$0x8C00] =	vst v63  }
0x126: {  	_ = 	snop  }
0x127: {  	[hbm4b:s2+s10] =	stream.indirect.scatter [tilespmem:s20], [sflag:$0x1], $0x10, s18, s10, $0xb8;
	[tilespmem:$0x8C00] =	vst v63  }
0x128: {  	s20 =	simm.s32 $0x580  }
0x129: {  	[hbm4b:s5+s10] =	stream.indirect.scatter [tilespmem:s21], [sflag:$0x1], $0x10, s20, s10, $0xb8;
	[tilespmem:$0x8C00] =	vst v63  }
0x12a: {  	_ = 	snop  }
0x12b: {  	[hbm4b:s2+s10] =	stream.indirect.scatter [tilespmem:s22], [sflag:$0x1], $0x10, s20, s10, $0xb8;
	[tilespmem:$0x8C00] =	vst v63  }
0x12c: {  	_ = 	snop  }
0x12d: {  	[hbm4b:s5+s10] =	stream.indirect.scatter [tilespmem:s23], [sflag:$0x1], $0x10, s1, s10, $0xb8;
	[tilespmem:$0x8C00] =	vst v63  }
0x12e: {  	_ = 	snop  }
0x12f: {  	[hbm4b:s2+s10] =	stream.indirect.scatter [tilespmem:s24], [sflag:$0x1], $0x10, s1, s10, $0xb8;
	[tilespmem:$0x8C00] =	vst v63  }
0x130: {  	_ = 	snop  }
0x131: {  	[hbm4b:s5+s10] =	stream.indirect.scatter [tilespmem:s25], [sflag:$0x1], $0x10, s0, s10, $0xb8;
	[tilespmem:$0x8C00] =	vst v63  }
0x132: {  	_ = 	snop  }
0x133: {  	[hbm4b:s2+s10] =	stream.indirect.scatter [tilespmem:s26], [sflag:$0x1], $0x10, s0, s10, $0xb8;
	[tilespmem:$0x8C00] =	vst v63  }
0x134: {  	_ = 	snop  }
0x135: {  	[hbm4b:s5+s10] =	stream.indirect.scatter [tilespmem:s29], [sflag:$0x1], $0x10, s6, s10, $0xb8;
	[tilespmem:$0x8C00] =	vst v63  }
0x136: {  	_ = 	snop  }
0x137: {  	[hbm4b:s2+s10] =	stream.indirect.scatter [tilespmem:s30], [sflag:$0x1], $0x10, s6, s10, $0xb8;
	[tilespmem:$0x8C00] =	vst v63  }
0x138: {  	_ = 	snop  }
0x139: {  	[hbm4b:s5+s10] =	stream.indirect.scatter [tilespmem:s31], [sflag:$0x1], $0x10, s7, s10, $0xb8;
	[tilespmem:$0x8C00] =	vst v63  }
0x13a: {  	_ = 	snop  }
0x13b: {  	[hbm4b:s2+s10] =	stream.indirect.scatter [tilespmem:s13], [sflag:$0x1], $0x10, s7, s10, $0xb8;
	[tilespmem:$0x8C00] =	vst v63  }
0x13c: {  	_ =	swait.ge [sflag:s28], $0x800  }
0x13d: {  	[sflag:s28] =	ssyncset.done $0x0  }
0x13e: {  	[sflag:s28] =	ssyncadd.s32 $0xFFFFF800  }
0x13f: {  	_ =	swait.ge [sflag:s28], $0x800  }
0x140: {  	[sflag:s28] =	ssyncset.done $0x0  }
0x141: {  	[sflag:s28] =	ssyncadd.s32 $0xFFFFF800  }
0x142: {  	_ =	swait.ge [sflag:s28], $0x800  }
0x143: {  	[sflag:s28] =	ssyncset.done $0x0  }
0x144: {  	[sflag:s28] =	ssyncadd.s32 $0xFFFFF800  }
0x145: {  	_ =	swait.ge [sflag:s28], $0x800  }
0x146: {  	[sflag:s28] =	ssyncset.done $0x0  }
0x147: {  	[sflag:s28] =	ssyncadd.s32 $0xFFFFF800  }
0x148: {  	_ =	swait.ge [sflag:s28], $0x800  }
0x149: {  	[sflag:s28] =	ssyncset.done $0x0  }
0x14a: {  	[sflag:s28] =	ssyncadd.s32 $0xFFFFF800  }
0x14b: {  	_ =	swait.ge [sflag:s28], $0x800  }
0x14c: {  	[sflag:s28] =	ssyncset.done $0x0  }
0x14d: {  	[sflag:s28] =	ssyncadd.s32 $0xFFFFF800  }
0x14e: {  	_ =	swait.ge [sflag:s28], $0x800  }
0x14f: {  	[sflag:s28] =	ssyncset.done $0x0  }
0x150: {  	[sflag:s28] =	ssyncadd.s32 $0xFFFFF800  }
0x151: {  	_ =	swait.ge [sflag:s28], $0x800  }
0x152: {  	[sflag:s28] =	ssyncset.done $0x0  }
0x153: {  	[sflag:s28] =	ssyncadd.s32 $0xFFFFF800  }
0x154: {  	_ =	swait.ge [sflag:s28], $0x800  }
0x155: {  	[sflag:s28] =	ssyncset.done $0x0  }
0x156: {  	[sflag:s28] =	ssyncadd.s32 $0xFFFFF800  }
0x157: {  	_ =	swait.ge [sflag:s28], $0x800  }
0x158: {  	[sflag:s28] =	ssyncset.done $0x0  }
0x159: {  	[sflag:s28] =	ssyncadd.s32 $0xFFFFF800  }
0x15a: {  	_ =	swait.ge [sflag:s28], $0x800  }
0x15b: {  	[sflag:s28] =	ssyncset.done $0x0  }
0x15c: {  	[sflag:s28] =	ssyncadd.s32 $0xFFFFF800  }
0x15d: {  	_ =	swait.ge [sflag:s28], $0x800  }
0x15e: {  	[sflag:s28] =	ssyncset.done $0x0  }
0x15f: {  	[sflag:s28] =	ssyncadd.s32 $0xFFFFF800  }
0x160: {  	_ =	swait.ge [sflag:s28], $0x800  }
0x161: {  	[sflag:s28] =	ssyncset.done $0x0  }
0x162: {  	[sflag:s28] =	ssyncadd.s32 $0xFFFFF800  }
0x163: {  	_ =	swait.ge [sflag:s28], $0x800  }
0x164: {  	[sflag:s28] =	ssyncset.done $0x0  }
0x165: {  	p0 =	sne.s32 s12, $0x300;
	[sflag:s28] =	ssyncadd.s32 $0xFFFFF800  }
.Ltmp0:
0x166: {  	_ =	swait.ge [sflag:s28], $0x800;
	(pc) =	sbr.rel @p0 .LBB2_2-.Ltmp0, $4  }
0x167: {  	[sflag:s28] =	ssyncset.done $0x0  }
0x168: {  	[sflag:s28] =	ssyncadd.s32 $0xFFFFF800  }
0x169: {  	_ =	swait.ge [sflag:s28], $0x800  }
0x16a: {  	s12 =	sadd.s32 $0x80, s12;
	s13 =	rddreg [dreg:$0x4];
	[sflag:s28] =	ssyncset.done $0x0  }
0x16b: {  	[sflag:s28] =	ssyncadd.s32 $0xFFFFF800;
	s12 =	sadd.s32 s11, s13;
	s29 =	simm.s32 $0x8800  }
0x16c: {  	[tilespmem:s29], [sflag:$0x2] =	stream.linear.gather [hbm4b:s12+s3], $0x400, $0x38;
	[tilespmem:$0x8C00] =	vst v63  }
0x16d: {  	_ =	swait.ge [sflag:s8], $0x400  }
0x16e: {  	s14 =	rddreg [dreg:$0x3];
	[sflag:s8] =	ssyncset.done $0x0  }
0x16f: {  	[sflag:s8] =	ssyncadd.s32 $0xFFFFFC00;
	s12 =	sadd.s32 s11, s14  }
0x170: {  	[tilespmem:s3], [sflag:$0x2] =	stream.linear.gather [hbm4b:s12+s3], $0x400, $0x38;
	[tilespmem:$0x8C00] =	vst v63  }
0x171: {  	_ =	swait.ge [sflag:s8], $0x400  }
0x172: {  	s15 =	rddreg [dreg:$0x2];
	[sflag:s8] =	ssyncset.done $0x0  }
0x173: {  	[sflag:s8] =	ssyncadd.s32 $0xFFFFFC00;
	s16 =	sadd.s32 s11, s15  }
0x174: {  	[tilespmem:s9], [sflag:$0x2] =	stream.linear.gather [hbm4b:s16+s3], $0x400, $0x38;
	[tilespmem:$0x8C00] =	vst v63  }
0x175: {  	_ =	swait.ge [sflag:s8], $0x400  }
0x176: {  	[sflag:s8] =	ssyncset.done $0x0  }
0x177: {  	s14 =	simm.s32 $0x800;
	[sflag:s8] =	ssyncadd.s32 $0xFFFFFC00  }
0x178: {  	[tilespmem:s14], [sflag:$0x1] =	stream.indirect.gather [hbm4b:s4+s10], $0x10, s29, s10, $0xb8;
	[tilespmem:$0x8C00] =	vst v63  }
0x179: {  	s13 =	simm.s32 $0x4800  }
0x17a: {  	[tilespmem:s13], [sflag:$0x1] =	stream.indirect.gather [hbm4b:s4+s10], $0x10, s3, s10, $0xb8;
	[tilespmem:$0x8C00] =	vst v63  }
0x17b: {  	s15 =	simm.s32 $0x1000;
	s17 =	rddreg [dreg:$0x5]  }
0x17c: {  	[tilespmem:s15], [sflag:$0x1] =	stream.indirect.gather [hbm4b:s4+s10], $0x10, s17, s10, $0xb8;
	[tilespmem:$0x8C00] =	vst v63  }
0x17d: {  	s16 =	simm.s32 $0x5000  }
0x17e: {  	[tilespmem:s16], [sflag:$0x1] =	stream.indirect.gather [hbm4b:s4+s10], $0x10, s10, s10, $0xb8;
	[tilespmem:$0x8C00] =	vst v63  }
0x17f: {  	s18 =	rddreg [dreg:$0x6];
	s17 =	simm.s32 $0x1800  }
0x180: {  	[tilespmem:s17], [sflag:$0x1] =	stream.indirect.gather [hbm4b:s4+s10], $0x10, s18, s10, $0xb8;
	[tilespmem:$0x8C00] =	vst v63  }
0x181: {  	s19 =	rddreg [dreg:$0x7];
	s18 =	simm.s32 $0x5800  }
0x182: {  	[tilespmem:s18], [sflag:$0x1] =	stream.indirect.gather [hbm4b:s4+s10], $0x10, s19, s10, $0xb8;
	[tilespmem:$0x8C00] =	vst v63  }
0x183: {  	s20 =	rddreg [dreg:$0x8];
	s19 =	simm.s32 $0x2000  }
0x184: {  	[tilespmem:s19], [sflag:$0x1] =	stream.indirect.gather [hbm4b:s4+s10], $0x10, s20, s10, $0xb8;
	[tilespmem:$0x8C00] =	vst v63  }
0x185: {  	s21 =	rddreg [dreg:$0x9];
	s20 =	simm.s32 $0x6000  }
0x186: {  	[tilespmem:s20], [sflag:$0x1] =	stream.indirect.gather [hbm4b:s4+s10], $0x10, s21, s10, $0xb8;
	[tilespmem:$0x8C00] =	vst v63  }
0x187: {  	s22 =	rddreg [dreg:$0xa];
	s21 =	simm.s32 $0x2800  }
0x188: {  	[tilespmem:s21], [sflag:$0x1] =	stream.indirect.gather [hbm4b:s4+s10], $0x10, s22, s10, $0xb8;
	[tilespmem:$0x8C00] =	vst v63  }
0x189: {  	s23 =	rddreg [dreg:$0xb];
	s22 =	simm.s32 $0x6800  }
0x18a: {  	[tilespmem:s22], [sflag:$0x1] =	stream.indirect.gather [hbm4b:s4+s10], $0x10, s23, s10, $0xb8;
	[tilespmem:$0x8C00] =	vst v63  }
0x18b: {  	s24 =	rddreg [dreg:$0xc];
	s23 =	simm.s32 $0x3000  }
0x18c: {  	[tilespmem:s23], [sflag:$0x1] =	stream.indirect.gather [hbm4b:s4+s10], $0x10, s24, s10, $0xb8;
	[tilespmem:$0x8C00] =	vst v63  }
0x18d: {  	s25 =	rddreg [dreg:$0xd];
	s24 =	simm.s32 $0x7000  }
0x18e: {  	[tilespmem:s24], [sflag:$0x1] =	stream.indirect.gather [hbm4b:s4+s10], $0x10, s25, s10, $0xb8;
	[tilespmem:$0x8C00] =	vst v63  }
0x18f: {  	s26 =	rddreg [dreg:$0xe];
	s25 =	simm.s32 $0x3800  }
0x190: {  	[tilespmem:s25], [sflag:$0x1] =	stream.indirect.gather [hbm4b:s4+s10], $0x10, s26, s10, $0xb8;
	[tilespmem:$0x8C00] =	vst v63  }
0x191: {  	s29 =	rddreg [dreg:$0xf];
	s26 =	simm.s32 $0x7800  }
0x192: {  	[tilespmem:s26], [sflag:$0x1] =	stream.indirect.gather [hbm4b:s4+s10], $0x10, s29, s10, $0xb8;
	[tilespmem:$0x8C00] =	vst v63  }
0x193: {  	s11 =	rddreg [dreg:$0x10];
	s29 =	simm.s32 $0x4000  }
0x194: {  	[tilespmem:s29], [sflag:$0x1] =	stream.indirect.gather [hbm4b:s4+s10], $0x10, s11, s10, $0xb8;
	[tilespmem:$0x8C00] =	vst v63  }
0x195: {  	s12 =	rddreg [dreg:$0x11];
	s11 =	simm.s32 $0x8000  }
0x196: {  	[tilespmem:s11], [sflag:$0x1] =	stream.indirect.gather [hbm4b:s4+s10], $0x10, s12, s10, $0xb8;
	[tilespmem:$0x8C00] =	vst v63  }
0x197: {  	_ =	swait.ge [sflag:s28], $0x800  }
0x198: {  	[sflag:s28] =	ssyncset.done $0x0  }
0x199: {  	[sflag:s28] =	ssyncadd.s32 $0xFFFFF800  }
0x19a: {  	_ =	swait.ge [sflag:s28], $0x800  }
0x19b: {  	[sflag:s28] =	ssyncset.done $0x0  }
0x19c: {  	[sflag:s28] =	ssyncadd.s32 $0xFFFFF800  }
0x19d: {  	_ =	swait.ge [sflag:s28], $0x800  }
0x19e: {  	[sflag:s28] =	ssyncset.done $0x0  }
0x19f: {  	[sflag:s28] =	ssyncadd.s32 $0xFFFFF800  }
0x1a0: {  	_ =	swait.ge [sflag:s28], $0x800  }
0x1a1: {  	[sflag:s28] =	ssyncset.done $0x0  }
0x1a2: {  	[sflag:s28] =	ssyncadd.s32 $0xFFFFF800  }
0x1a3: {  	_ =	swait.ge [sflag:s28], $0x800  }
0x1a4: {  	[sflag:s28] =	ssyncset.done $0x0  }
0x1a5: {  	[sflag:s28] =	ssyncadd.s32 $0xFFFFF800  }
0x1a6: {  	_ =	swait.ge [sflag:s28], $0x800  }
0x1a7: {  	[sflag:s28] =	ssyncset.done $0x0  }
0x1a8: {  	[sflag:s28] =	ssyncadd.s32 $0xFFFFF800  }
0x1a9: {  	_ =	swait.ge [sflag:s28], $0x800  }
0x1aa: {  	[sflag:s28] =	ssyncset.done $0x0  }
0x1ab: {  	[sflag:s28] =	ssyncadd.s32 $0xFFFFF800  }
0x1ac: {  	_ =	swait.ge [sflag:s28], $0x800  }
0x1ad: {  	[sflag:s28] =	ssyncset.done $0x0  }
0x1ae: {  	[sflag:s28] =	ssyncadd.s32 $0xFFFFF800  }
0x1af: {  	_ =	swait.ge [sflag:s28], $0x800  }
0x1b0: {  	[sflag:s28] =	ssyncset.done $0x0  }
0x1b1: {  	[sflag:s28] =	ssyncadd.s32 $0xFFFFF800  }
0x1b2: {  	_ =	swait.ge [sflag:s28], $0x800  }
0x1b3: {  	[sflag:s28] =	ssyncset.done $0x0  }
0x1b4: {  	[sflag:s28] =	ssyncadd.s32 $0xFFFFF800  }
0x1b5: {  	_ =	swait.ge [sflag:s28], $0x800  }
0x1b6: {  	[sflag:s28] =	ssyncset.done $0x0  }
0x1b7: {  	[sflag:s28] =	ssyncadd.s32 $0xFFFFF800  }
0x1b8: {  	_ =	swait.ge [sflag:s28], $0x800  }
0x1b9: {  	[sflag:s28] =	ssyncset.done $0x0  }
0x1ba: {  	[sflag:s28] =	ssyncadd.s32 $0xFFFFF800  }
0x1bb: {  	_ =	swait.ge [sflag:s28], $0x800  }
0x1bc: {  	[sflag:s28] =	ssyncset.done $0x0  }
0x1bd: {  	[sflag:s28] =	ssyncadd.s32 $0xFFFFF800  }
0x1be: {  	_ =	swait.ge [sflag:s28], $0x800  }
0x1bf: {  	[sflag:s28] =	ssyncset.done $0x0  }
0x1c0: {  	[sflag:s28] =	ssyncadd.s32 $0xFFFFF800  }
0x1c1: {  	_ =	swait.ge [sflag:s28], $0x800  }
0x1c2: {  	[sflag:s28] =	ssyncset.done $0x0  }
0x1c3: {  	[sflag:s28] =	ssyncadd.s32 $0xFFFFF800  }
0x1c4: {  	_ =	swait.ge [sflag:s28], $0x800  }
0x1c5: {  	[sflag:s28] =	ssyncset.done $0x0  }
0x1c6: {  	[sflag:s28] =	ssyncadd.s32 $0xFFFFF800  }
0x1c7: {  	[hbm4b:s5+s10] =	stream.indirect.scatter [tilespmem:s14], [sflag:$0x1], $0x10, s9, s10, $0xb8;
	[tilespmem:$0x8C00] =	vst v63  }
0x1c8: {  	_ = 	snop  }
0x1c9: {  	[hbm4b:s2+s10] =	stream.indirect.scatter [tilespmem:s13], [sflag:$0x1], $0x10, s9, s10, $0xb8;
	[tilespmem:$0x8C00] =	vst v63  }
0x1ca: {  	s14 =	simm.s32 $0x480  }
0x1cb: {  	[hbm4b:s5+s10] =	stream.indirect.scatter [tilespmem:s15], [sflag:$0x1], $0x10, s14, s10, $0xb8;
	[tilespmem:$0x8C00] =	vst v63  }
0x1cc: {  	_ = 	snop  }
0x1cd: {  	[hbm4b:s2+s10] =	stream.indirect.scatter [tilespmem:s16], [sflag:$0x1], $0x10, s14, s10, $0xb8;
	[tilespmem:$0x8C00] =	vst v63  }
0x1ce: {  	s16 =	simm.s32 $0x500  }
0x1cf: {  	[hbm4b:s5+s10] =	stream.indirect.scatter [tilespmem:s17], [sflag:$0x1], $0x10, s16, s10, $0xb8;
	[tilespmem:$0x8C00] =	vst v63  }
0x1d0: {  	_ = 	snop  }
0x1d1: {  	[hbm4b:s2+s10] =	stream.indirect.scatter [tilespmem:s18], [sflag:$0x1], $0x10, s16, s10, $0xb8;
	[tilespmem:$0x8C00] =	vst v63  }
0x1d2: {  	s18 =	simm.s32 $0x580  }
0x1d3: {  	[hbm4b:s5+s10] =	stream.indirect.scatter [tilespmem:s19], [sflag:$0x1], $0x10, s18, s10, $0xb8;
	[tilespmem:$0x8C00] =	vst v63  }
0x1d4: {  	_ = 	snop  }
0x1d5: {  	[hbm4b:s2+s10] =	stream.indirect.scatter [tilespmem:s20], [sflag:$0x1], $0x10, s18, s10, $0xb8;
	[tilespmem:$0x8C00] =	vst v63  }
0x1d6: {  	_ = 	snop  }
0x1d7: {  	[hbm4b:s5+s10] =	stream.indirect.scatter [tilespmem:s21], [sflag:$0x1], $0x10, s1, s10, $0xb8;
	[tilespmem:$0x8C00] =	vst v63  }
0x1d8: {  	_ = 	snop  }
0x1d9: {  	[hbm4b:s2+s10] =	stream.indirect.scatter [tilespmem:s22], [sflag:$0x1], $0x10, s1, s10, $0xb8;
	[tilespmem:$0x8C00] =	vst v63  }
0x1da: {  	_ = 	snop  }
0x1db: {  	[hbm4b:s5+s10] =	stream.indirect.scatter [tilespmem:s23], [sflag:$0x1], $0x10, s0, s10, $0xb8;
	[tilespmem:$0x8C00] =	vst v63  }
0x1dc: {  	_ = 	snop  }
0x1dd: {  	[hbm4b:s2+s10] =	stream.indirect.scatter [tilespmem:s24], [sflag:$0x1], $0x10, s0, s10, $0xb8;
	[tilespmem:$0x8C00] =	vst v63  }
0x1de: {  	_ = 	snop  }
0x1df: {  	[hbm4b:s5+s10] =	stream.indirect.scatter [tilespmem:s25], [sflag:$0x1], $0x10, s6, s10, $0xb8;
	[tilespmem:$0x8C00] =	vst v63  }
0x1e0: {  	_ = 	snop  }
0x1e1: {  	[hbm4b:s2+s10] =	stream.indirect.scatter [tilespmem:s26], [sflag:$0x1], $0x10, s6, s10, $0xb8;
	[tilespmem:$0x8C00] =	vst v63  }
0x1e2: {  	_ = 	snop  }
0x1e3: {  	[hbm4b:s5+s10] =	stream.indirect.scatter [tilespmem:s29], [sflag:$0x1], $0x10, s7, s10, $0xb8;
	[tilespmem:$0x8C00] =	vst v63  }
0x1e4: {  	_ = 	snop  }
0x1e5: {  	[hbm4b:s2+s10] =	stream.indirect.scatter [tilespmem:s11], [sflag:$0x1], $0x10, s7, s10, $0xb8;
	[tilespmem:$0x8C00] =	vst v63  }
0x1e6: {  	_ =	swait.ge [sflag:s28], $0x800  }
0x1e7: {  	[sflag:s28] =	ssyncset.done $0x0  }
0x1e8: {  	[sflag:s28] =	ssyncadd.s32 $0xFFFFF800  }
0x1e9: {  	_ =	swait.ge [sflag:s28], $0x800  }
0x1ea: {  	[sflag:s28] =	ssyncset.done $0x0  }
0x1eb: {  	[sflag:s28] =	ssyncadd.s32 $0xFFFFF800  }
0x1ec: {  	_ =	swait.ge [sflag:s28], $0x800  }
0x1ed: {  	[sflag:s28] =	ssyncset.done $0x0  }
0x1ee: {  	[sflag:s28] =	ssyncadd.s32 $0xFFFFF800  }
0x1ef: {  	_ =	swait.ge [sflag:s28], $0x800  }
0x1f0: {  	[sflag:s28] =	ssyncset.done $0x0  }
0x1f1: {  	[sflag:s28] =	ssyncadd.s32 $0xFFFFF800  }
0x1f2: {  	_ =	swait.ge [sflag:s28], $0x800  }
0x1f3: {  	[sflag:s28] =	ssyncset.done $0x0  }
0x1f4: {  	[sflag:s28] =	ssyncadd.s32 $0xFFFFF800  }
0x1f5: {  	_ =	swait.ge [sflag:s28], $0x800  }
0x1f6: {  	[sflag:s28] =	ssyncset.done $0x0  }
0x1f7: {  	[sflag:s28] =	ssyncadd.s32 $0xFFFFF800  }
0x1f8: {  	_ =	swait.ge [sflag:s28], $0x800  }
0x1f9: {  	[sflag:s28] =	ssyncset.done $0x0  }
0x1fa: {  	[sflag:s28] =	ssyncadd.s32 $0xFFFFF800  }
0x1fb: {  	_ =	swait.ge [sflag:s28], $0x800  }
0x1fc: {  	[sflag:s28] =	ssyncset.done $0x0  }
0x1fd: {  	[sflag:s28] =	ssyncadd.s32 $0xFFFFF800  }
0x1fe: {  	_ =	swait.ge [sflag:s28], $0x800  }
0x1ff: {  	[sflag:s28] =	ssyncset.done $0x0  }
0x200: {  	[sflag:s28] =	ssyncadd.s32 $0xFFFFF800  }
0x201: {  	_ =	swait.ge [sflag:s28], $0x800  }
0x202: {  	[sflag:s28] =	ssyncset.done $0x0  }
0x203: {  	[sflag:s28] =	ssyncadd.s32 $0xFFFFF800  }
0x204: {  	_ =	swait.ge [sflag:s28], $0x800  }
0x205: {  	[sflag:s28] =	ssyncset.done $0x0  }
0x206: {  	[sflag:s28] =	ssyncadd.s32 $0xFFFFF800  }
0x207: {  	_ =	swait.ge [sflag:s28], $0x800  }
0x208: {  	[sflag:s28] =	ssyncset.done $0x0  }
0x209: {  	[sflag:s28] =	ssyncadd.s32 $0xFFFFF800  }
0x20a: {  	_ =	swait.ge [sflag:s28], $0x800  }
0x20b: {  	[sflag:s28] =	ssyncset.done $0x0  }
0x20c: {  	[sflag:s28] =	ssyncadd.s32 $0xFFFFF800  }
0x20d: {  	_ =	swait.ge [sflag:s28], $0x800  }
0x20e: {  	[sflag:s28] =	ssyncset.done $0x0  }
0x20f: {  	[sflag:s28] =	ssyncadd.s32 $0xFFFFF800  }
0x210: {  	_ =	swait.ge [sflag:s28], $0x800  }
0x211: {  	[sflag:s28] =	ssyncset.done $0x0  }
0x212: {  	[sflag:s28] =	ssyncadd.s32 $0xFFFFF800  }
0x213: {  	_ =	swait.ge [sflag:s28], $0x800  }
0x214: {  	s26 =	rddreg [dreg:$0x13]  }
0x215: {  	s29 =	rddreg [dreg:$0x12];
	s12 =	sadd.s32 $0x1, s26  }
0x216: {  	p0 =	sne.s32 s12, s29  }
.Ltmp1:
0x217: {  	_ = 	snop;
	(pc) =	sbr.rel @p0 .LBB2_1-.Ltmp1, $3  }
0x218: {  	_ =	sdelay $0x1  }
0x219: {  	[sflag:s28] =	ssyncset.done $0x0  }
0x21a: {  	[sflag:s28] =	ssyncadd.s32 $0xFFFFF800  }
0x21b: {  	_ =	sfence.sel $0x180000  }
0x21c: {  	[bflag:$0x0] =	sbarrier.arrive $0xFFFF  }
0x21d: {  	_ =	strace $0x90000053  }
0x21e: {  	s0 =	stileid.u32;
	[bflag:$0x2] =	sbarrier.arrive $0xFFFF  }
0x21f: {  	p0 =	sne.s32 s0, $0x0;
	s0 =	rddreg [dreg:$0x1]  }
0x220: {  	s0 =	sadd.s32 @!p0 $0x100000, s0  }
0x221: {  	[sflag:s0] =	ssyncadd.tile.s32 @!p0 $0x1;
	_ =	shalt  }
.Lfunc_end2:
_tile_overlayer_lowered:
.L_overlay_start_2:
0x222: {  	(tag) =	ssettag $0x2  }
0x223: {  	s0 =	rddreg [dreg:$0x0];
	s2 =	stileid.u32  }
0x224: {  	s1 =	rddreg [dreg:$0x1];
	p0 =	sne.s32 s2, $0x0  }
0x225: {  	s3 =	rddreg [dreg:$0x2];
	[bflag:$0x3] =	sbarrier.arrive $0xFFFF;
	s2 =	simm.s32 @!p0 $0x1C02  }
0x226: {  	[timem:s3], [sflag:s2] =	dma.local @!p0 [hbm:s0], s1  }
0x227: {  	s0 =	simm.s32 @!p0 $0x2  }
0x228: {  	_ =	swait.ge @!p0 [sflag:s0], s1  }
0x229: {  	s1 =	ssub.s32 @!p0 $0x0, s1;
	[sflag:s0] =	ssyncset.done @!p0 $0x0  }
0x22a: {  	[sflag:s0] =	ssyncadd.s32 @!p0 s1  }
0x22b: {  	[bflag:$0x3] =	sbarrier.arrive $0xFFFF  }
0x22c: {  	_ =	shalt  }

// kernel: scatter_offload_async_start
scs
__scs_entry_jumppad:
0x0: {  	(pc) =	sbr.rel $0x88, $3  }
0x1: {  	(tag) =	ssettag $0x0;
	lr =	simm.s32 $0x1  }
0x2: {  	[smem:$0x3F85] =	sst lr;
	_ =	strace $0xD0000000  }
0x3: {  	_ = 	snop  }
0x4: {  	_ = 	snop  }
0x5: {  	_ = 	snop  }
0x6: {  	_ = 	snop  }
0x7: {  	_ = 	snop  }
__scs_overlays_trampoline_lowered:
0x8: {  	[smem:$0x3F94] =	sst s0  }
0x9: {  	[smem:$0x3F95] =	sst s1  }
0xa: {  	[smem:$0x3F96] =	sst s2  }
0xb: {  	[smem:$0x3F97] =	sst s3  }
0xc: {  	[smem:$0x3F98] =	sst s4  }
0xd: {  	[smem:$0x3F99] =	sst s5  }
0xe: {  	[smem:$0x3F9A] =	sst s6  }
0xf: {  	[smem:$0x3F9B] =	sst s7  }
0x10: {  	[smem:$0x3F9C] =	sst s8  }
0x11: {  	[smem:$0x3F9D] =	sst s9;
	s0 =	simm.s32 @!p0 $0x0  }
0x12: {  	s1 =	sld [smem:$0x3F83];
	s0 =	simm.s32 @p0 $0x1  }
0x13: {  	[smem:$0x3F9E] =	sst s0;
	s0 =	simm.s32 @!p1 $0x0  }
0x14: {  	s2 =	sld [smem:$0x3F82];
	s0 =	simm.s32 @p1 $0x1  }
0x15: {  	[smem:$0x3F9F] =	sst s0;
	s0 =	simm.s32 @!p2 $0x0  }
0x16: {  	s3 =	sld [smem:$0x3FDB];
	s0 =	simm.s32 @p2 $0x1  }
0x17: {  	s4 =	simm.s32 $0x1BF5;
	[smem:$0x3FA1] =	sst s0  }
0x18: {  	s0 =	sld [smem:$0x3F84];
	_ =	swait.ge [sflag:s4], $0x0  }
0x19: {  	s7 =	sld [smem:$0x3F85]  }
0x1a: {  	s8 =	sadd.s32 $0xFFFFE003, lr  }
0x1b: {  	s9 =	sadd.s32 $0xFFFFFEF7, lr;
	s5 =	simm.s32 $0xFFFFFFFF;
	p2 =	slt.u32 s8, $0xFFFFF086  }
0x1c: {  	p1 =	slt.u32 s9, $0xF7A;
	s5 =	simm.s32 @!p2 $0x0  }
0x1d: {  	s5 =	simm.s32 @p1 $0x1;
	p0 =	seq.s32 s7, s2  }
0x1e: {  	s7 =	smul.u32 @!p0 $0xF7A, s2;
	p2 =	seq.s32 @!p0 s5, $0x0  }
0x1f: {  	s9 =	smul.u32 $0xF7A, s1;
	s8 =	simm.s32 @!p0 $0x1BF5;
	p2 =	por !p2, p0  }
0x20: {  	[sflag:s8] =	ssyncset.s32 @!p0 $0xFFFFF086;
	s6 =	sadd.s32 @!p0 s3, s7;
	s7 =	simm.s32 @!p0 $0x108  }
0x21: {  	s3 =	sadd.s32 s3, s9;
	s6 =	sadd.s32 @!p0 $0x88, s6;
	s7 =	simm.s32 @p2 $0x1082  }
0x22: {  	[simem:s7], [sflag:s8] =	dma.local @!p0 [hbm:s6], $0xF7A  }
0x23: {  	s9 =	sor.u32 $0xD0000000, s2;
	s6 =	simm.s32 $0x108;
	_ =	swait.ge @!p0 [sflag:s8], $0x0  }
0x24: {  	s3 =	sadd.s32 $0x88, s3;
	s6 =	simm.s32 @!p1 $0x1082;
	[sflag:s4] =	ssyncset.s32 $0xFFFFF086  }
0x25: {  	[simem:s6], [sflag:s4] =	dma.local [hbm:s3], $0xF7A  }
0x26: {  	[smem:$0x3F85] =	sst s1;
	(tag) =	ssettag s2;
	_ =	strace s9  }
0x27: {  	s1 =	sld [smem:$0x3F95]  }
0x28: {  	s2 =	sld [smem:$0x3F96]  }
0x29: {  	s4 =	sld [smem:$0x3F98]  }
0x2a: {  	p0 =	seq.s32 s5, $0x0;
	s5 =	sld [smem:$0x3F99]  }
0x2b: {  	s6 =	sld [smem:$0x3F9A]  }
0x2c: {  	s7 =	sld [smem:$0x3F9B]  }
0x2d: {  	s3 =	simm.s32 $0x108;
	s8 =	sld [smem:$0x3F9C]  }
0x2e: {  	s3 =	simm.s32 @!p0 $0x1082;
	s9 =	sld [smem:$0x3F9D]  }
0x2f: {  	lr =	sadd.s32 s0, s3;
	s0 =	sld [smem:$0x3F94]  }
0x30: {  	s3 =	sld [smem:$0x3F97]  }
0x31: {  	[smem:$0x3FA0] =	sst s10  }
0x32: {  	s10 =	sld [smem:$0x3F9E];
	_ =	sdelay $0x3  }
0x33: {  	p0 =	seq.s32 s10, $0x1;
	s10 =	sld [smem:$0x3FA0];
	_ =	sdelay $0x3  }
0x34: {  	[smem:$0x3FA0] =	sst s10  }
0x35: {  	s10 =	sld [smem:$0x3F9F];
	_ =	sdelay $0x3  }
0x36: {  	p1 =	seq.s32 s10, $0x1;
	s10 =	sld [smem:$0x3FA0];
	_ =	sdelay $0x3  }
0x37: {  	[smem:$0x3FA0] =	sst s10  }
0x38: {  	s10 =	sld [smem:$0x3FA1]  }
0x39: {  	_ = 	snop;
	(pc) =	sbr.ind lr, $3  }
0x3a: {  	_ = 	snop  }
0x3b: {  	_ = 	snop  }
0x3c: {  	p2 =	seq.s32 s10, $0x1;
	s10 =	sld [smem:$0x3FA0]  }
0x3d: {  	_ =	shalt  }
0x3e: {  	_ =	shalt  }
0x3f: {  	_ =	shalt  }
0x40: {  	_ =	shalt  }
0x41: {  	_ =	shalt  }
0x42: {  	_ =	shalt  }
0x43: {  	_ =	shalt  }
0x44: {  	_ =	shalt  }
0x45: {  	_ =	shalt  }
0x46: {  	_ =	shalt  }
0x47: {  	_ =	shalt  }
0x48: {  	_ =	shalt  }
0x49: {  	_ =	shalt  }
0x4a: {  	_ =	shalt  }
0x4b: {  	_ =	shalt  }
0x4c: {  	_ =	shalt  }
0x4d: {  	_ =	shalt  }
0x4e: {  	_ =	shalt  }
0x4f: {  	_ =	shalt  }
0x50: {  	_ =	shalt  }
0x51: {  	_ =	shalt  }
0x52: {  	_ =	shalt  }
0x53: {  	_ =	shalt  }
0x54: {  	_ =	shalt  }
0x55: {  	_ =	shalt  }
0x56: {  	_ =	shalt  }
0x57: {  	_ =	shalt  }
0x58: {  	_ =	shalt  }
0x59: {  	_ =	shalt  }
0x5a: {  	_ =	shalt  }
0x5b: {  	_ =	shalt  }
0x5c: {  	_ =	shalt  }
0x5d: {  	_ =	shalt  }
0x5e: {  	_ =	shalt  }
0x5f: {  	_ =	shalt  }
0x60: {  	_ =	shalt  }
0x61: {  	_ =	shalt  }
0x62: {  	_ =	shalt  }
0x63: {  	_ =	shalt  }
0x64: {  	_ =	shalt  }
0x65: {  	_ =	shalt  }
0x66: {  	_ =	shalt  }
0x67: {  	_ =	shalt  }
0x68: {  	_ =	shalt  }
0x69: {  	_ =	shalt  }
0x6a: {  	_ =	shalt  }
0x6b: {  	_ =	shalt  }
0x6c: {  	_ =	shalt  }
0x6d: {  	_ =	shalt  }
0x6e: {  	_ =	shalt  }
0x6f: {  	_ =	shalt  }
0x70: {  	_ =	shalt  }
0x71: {  	_ =	shalt  }
0x72: {  	_ =	shalt  }
0x73: {  	_ =	shalt  }
0x74: {  	_ =	shalt  }
0x75: {  	_ =	shalt  }
0x76: {  	_ =	shalt  }
0x77: {  	_ =	shalt  }
0x78: {  	_ =	shalt  }
0x79: {  	_ =	shalt  }
0x7a: {  	_ =	shalt  }
0x7b: {  	_ =	shalt  }
0x7c: {  	_ =	shalt  }
0x7d: {  	_ =	shalt  }
0x7e: {  	_ =	shalt  }
0x7f: {  	_ =	shalt  }
0x80: {  	_ =	shalt  }
0x81: {  	_ =	shalt  }
0x82: {  	_ =	shalt  }
0x83: {  	_ =	shalt  }
0x84: {  	_ =	shalt  }
0x85: {  	_ =	shalt  }
0x86: {  	_ =	shalt  }
0x87: {  	_ =	shalt  }
.Lfunc_end0:
.L_simem_size_0:
called_computation_lowered:
.L_overlay_start_0:
0x88: {  	s0 =	sld [smem:$0x3FD9]  }
0x89: {  	s1 =	sld [smem:$0x3FFE];
	_ =	sdelay $0x3  }
0x8a: {  	s0 =	sadd.s32 s1, s0  }
0x8b: {  	[smem:$0x3FAC] =	sst s0  }
0x8c: {  	_ = 	snop  }
0x8d: {  	s0 =	sld [smem:$0x3FD0];
	(tm) =	ssettm $0x1  }
0x8e: {  	s16 =	sld [smem:$0x3FFB];
	_ =	sdelay $0x3  }
0x8f: {  	_ =	strace s16  }
0x90: {  	s1 =	sld [smem:$0x3FFC];
	_ =	sdelay $0x3  }
0x91: {  	_ =	strace s1  }
0x92: {  	s1 =	sld [smem:$0x3FFD];
	_ =	sdelay $0x3  }
0x93: {  	_ =	strace s1  }
0x94: {  	_ =	strace $0x8FFFFFFF  }
0x95: {  	s17 =	sld [smem:$0x3FDB];
	_ =	sdelay $0x1  }
0x96: {  	s2 =	simm.s32 $_scs_section_size  }
0x97: {  	s3 =	simm.s32 $_size__tile_overlayer_lowered;
	s4 =	simm.s32 $_tile_overlayer_lowered  }
0x98: {  	s20 =	simm.s32 $0x1BFF;
	s19 =	sshll.u32 s4, $0x1;
	s1 =	sadd.s32 s2, s17  }
0x99: {  	s5 =	simm.s32 $0x0;
	s18 =	sshll.u32 s3, $0x1;
	s3 =	sadd.s32 s19, s1  }
0x9a: {  	[timem:s5], [sflag:s20] =	dma.local [hbm:s3], s18  }
0x9b: {  	_ =	swait.ge [sflag:s20], s18  }
0x9c: {  	s2 =	ssub.s32 $0x0, s18;
	[sflag:s20] =	ssyncset.done $0x0  }
0x9d: {  	[sflag:s20] =	ssyncadd.s32 s2;
	_ =	sdelay $0x1  }
0x9e: {  	s21 =	simm.s32 $0x1B8B  }
0x9f: {  	_ =	swait.ge [sflag:s21], $0x1  }
0xa0: {  	[sflag:s21] =	ssyncset.done $0x0  }
0xa1: {  	s23 =	simm.s32 $0x1B8E;
	s22 =	sld [smem:$0x3FFE];
	[sflag:s21] =	ssyncadd.s32 $0xFFFFFFFF  }
0xa2: {  	s24 =	simm.s32 $execute0_lowered;
	[smem:$0x3FD2] =	sst s23  }
0xa3: {  	s3 =	sshll.u32 s24, $0x1;
	_ =	strace $0x80000046;
	[dreg:$0x1] =	wrdreg $0xFFFFFFFF  }
0xa4: {  	s25 =	simm.s32 $_size_execute0_lowered;
	s1 =	sadd.s32 s1, s3;
	[dreg:$0x0] =	wrdreg $0x0  }
0xa5: {  	s3 =	sshll.u32 s25, $0x1;
	[dreg:$0x2] =	wrdreg s1  }
0xa6: {  	[dreg:$0x3] =	wrdreg s3  }
0xa7: {  	[dreg:$0x4] =	wrdreg $0xC0  }
0xa8: {  	_ =	task [dreg:s5], $0x5FFFF  }
0xa9: {  	[dreg:$0x1] =	wrdreg $0xFFFFFFFF  }
0xaa: {  	[dreg:$0x0] =	wrdreg $0x60  }
0xab: {  	[dreg:$0x2] =	wrdreg s0  }
0xac: {  	[dreg:$0x3] =	wrdreg s22  }
0xad: {  	[dreg:$0x4] =	wrdreg $0x9  }
0xae: {  	_ =	task.clear_ibuf [dreg:s5], $0x5FFFF;
	_ =	strace $0x90000046  }
0xaf: {  	s26 =	simm.s32 $0x9;
	_ =	strace $0x80000048  }
0xb0: {  	_ =	swait.ge [sflag:s26], $0x1  }
0xb1: {  	[sflag:s26] =	ssyncadd.s32 $0xFFFFFFFF  }
0xb2: {  	_ =	strace $0x90000048  }
0xb3: {  	_ =	sfence  }
0xb4: {  	s28 =	sld [smem:$0x0];
	_ =	sdelay $0x1  }
0xb5: {  	s29 =	srdreg.scid  }
0xb6: {  	s30 =	sshll.u32 s29, $0xD;
	s31 =	sshrl.u32 s29, $0x2  }
0xb7: {  	s2 =	sand.u32 $0x4000, s30;
	s1 =	sand.u32 $0x1, s29;
	s0 =	sadd.s32 s31, s28  }
0xb8: {  	s1 =	sor.u32 s2, s1;
	s0 =	sshll.u32 s0, $0x11  }
0xb9: {  	s0 =	sor.u32 s0, s1  }
0xba: {  	s0 =	sadd.s32 $0x8F2B, s0  }
0xbb: {  	[sflag:s0] =	ssyncadd.remote.s32 $0x1  }
0xbc: {  	_ =	sfence.sel $0xFFFF  }
0xbd: {  	[dreg:$0x0] =	wrdreg $0xFFFFFFFF;
	(pc) =	sbr.abs _section_cstart, $3  }
0xbe: {  	[dreg:$0x1] =	wrdreg $0xFFFFFFFF  }
0xbf: {  	_ =	task.clear_ibuf [dreg:s5], $0x2FFFF;
	_ =	strace $0x9FFFFFFF  }
0xc0: {  	(tm) =	ssettm $0x7FFFFFFF  }
0xc1: {  	_ =	shalt  }
tec
execute0_lowered:
.L_overlay_start_1:
0x0: {  	(tag) =	ssettag $0x1  }
0x1: {  	s1 =	rddreg [dreg:$0x0];
	s14 =	stileid.u32  }
0x2: {  	s0 =	rddreg [dreg:$0x1];
	s2 =	smul.u32 $0x6, s14  }
0x3: {  	_ =	strace $0x80000047;
	s9 =	simm.s32 $0x1;
	s3 =	smin.u32 s14, $0x4  }
0x4: {  	v1 =	vimm.s32 $0xFFFFFFFF;
	[sflag:s9] =	ssyncpa.u1 $0x0;
	s2 =	sadd.s32 s3, s2  }
0x5: {  	p0 =	slt.u32 s14, $0x4;
	[tilespmem:$0x10] =	vst v1;
	s3 =	smul.u32 $0x1F40, s2;
	s2 =	simm.s32 $0xDAC0  }
0x6: {  	v0 =	vimm.f32 $0.0e+00;
	[tilespmem:$0x20] =	vst v1;
	s2 =	simm.s32 @!p0 $0xBB80  }
0x7: {  	[tilespmem:$0x30] =	vst v0;
	s2 =	sadd.s32 s2, s3  }
0x8: {  	[tilespmem:$0x40] =	vst v0;
	s4 =	smin.u32 s2, $0xC3500  }
0x9: {  	[tilespmem:$0x50] =	vst v0;
	s2 =	ssub.s32 s4, s3  }
0xa: {  	s7 =	simm.s32 $0x2;
	[tilespmem:$0x60] =	vst v1;
	p0 =	sgt.s32 s2, $0x0  }
0xb: {  	s8 =	simm.s32 $0x8;
	s31 =	simm.s32 $0x9;
	[tilespmem:$0x70] =	vst v1;
	s2 =	simm.s32 @!p0 $0x0  }
0xc: {  	s16 =	simm.s32 $0x0;
	s17 =	simm.s32 $0xF0;
	[tilespmem:$0x80] =	vst v1;
	s5 =	smulhi.u32 $0x10624DD3, s2  }
0xd: {  	s18 =	simm.s32 $0xFFFFFFFF;
	s19 =	simm.s32 $0xFFFFC280;
	s20 =	simm.s32 $0xFFFFFFFE;
	v1 =	vimm.s32 $0x0;
	[tilespmem:$0xB0] =	vst v0  }
0xe: {  	s21 =	simm.s32 $0xF;
	s25 =	simm.s32 $0x0;
	[tilespmem:$0x90] =	vst v1;
	s10 =	sshrl.u32 s5, $0x9  }
0xf: {  	[tilespmem:$0xA0] =	vst v1;
	[sflag:s7] =	ssyncpa.u1 $0x0;
	s7 =	simm.s32 $0x7;
	s11 =	smul.u32 $0x1F40, s10  }
0x10: {  	s24 =	simm.s32 $0x0;
	s6 =	sadd.s32 $0x4A000, s0;
	[sflag:s7] =	ssyncpa.u1 $0x0  }
.Ltmp0:
0x11: {  	[sflag:s8] =	ssyncpa.u1 $0x0;
	p0 =	sne.s32 s2, s11;
	(pc) =	sbr.rel .LBB2_1-.Ltmp0, $4  }
0x12: {  	[sflag:s31] =	ssyncpa.u1 $0x0;
	s23 =	smov.u32 s3;
	s9 =	simm.s32 @!p0 $0x0  }
0x13: {  	s5 =	sadd.s32 $0x31800, s0;
	p0 =	por $0x0, $0x0;
	s9 =	sadd.s32 s9, s10  }
0x14: {  	vm0 =	vmmov $0xffff;
	v2 =	vlaneseq.u32;
	s10 =	sshll.u32 s14, $0x1;
	s14 =	sshllo.u32 s14, $0x1;
	s11 =	sadd.s32 $0x1, s9  }
0x15: {  	vm1 =	vmxor vm1, vm1;
	vm2 =	vmmov $0x1;
	vm3 =	vcmask $0x3F3C;
	s12 =	sadd.s32 $0x2, s9;
	s13 =	sor.u32 $0x81, s10;
	s15 =	sor.u32 $0x80, s10  }
.LBB2_9:
0x16: {  	p1 =	slt.u32 s24, $0x3  }
0x17: {  	s0 =	simm.s32 @!p1 $0x2  }
0x18: {  	_ =	swait.ge @!p1 [sflag:s0], $0x1F40  }
0x19: {  	[sflag:s0] =	ssyncset.done @!p1 $0x0  }
0x1a: {  	[sflag:s0] =	ssyncadd.s32 @!p1 $0xFFFFE0C0;
	s0 =	simm.s32 @!p1 $0x9  }
0x1b: {  	_ =	swait.ge @!p1 [sflag:s0], $0x10  }
0x1c: {  	[sflag:s0] =	ssyncset.done @!p1 $0x0  }
0x1d: {  	[sflag:s0] =	ssyncadd.s32 @!p1 $0xFFFFFFF0;
	p1 =	sne.s32 s24, s12  }
.Ltmp1:
0x1e: {  	s2 =	sadd.s32 $0x1F40, s23;
	(pc) =	sbr.rel @!p1 .LBB2_10-.Ltmp1, $4  }
0x1f: {  	s22 =	smov.u32 s3;
	s31 =	sadd.s32 $0x1, s24;
	s17 =	sadd.s32 $0x1F40, s17  }
0x20: {  	s18 =	sadd.s32 $0x1, s18;
	s25 =	smov.u32 s23;
	p2 =	slt.s32 s2, s4  }
0x21: {  	p0 =	por !p0, !p0;
	s19 =	sadd.s32 $0x1F40, s19;
	s22 =	smov.u32 @p2 s2  }
0x22: {  	s20 =	sadd.s32 $0x1, s20;
	s23 =	smov.u32 s22;
	s24 =	smov.u32 s31  }
.LBB2_1:
0x23: {  	p1 =	sge.u32 s24, s9  }
0x24: {  	s0 =	smulhi.u32 @!p1 $0xAAAAAAAB, s24;
	_ =	sdelay $0x1  }
0x25: {  	s0 =	sshrl.u32 @!p1 s0, $0x1  }
0x26: {  	s0 =	smul.u32 @!p1 $0x3, s0;
	_ =	sdelay $0x1  }
0x27: {  	s0 =	ssub.s32 @!p1 s24, s0  }
0x28: {  	s0 =	smul.u32 @!p1 $0x7D00, s0;
	_ =	sdelay $0x1  }
0x29: {  	s2 =	sshrl.u32 @!p1 s23, $0x3;
	s0 =	sshrl.u32 @!p1 s0, $0x2  }
0x2a: {  	s22 =	sand.u32 @!p1 $0x7, s23;
	s2 =	sadd.s32 @!p1 s5, s2;
	s0 =	sadd.s32 @!p1 $0x100, s0  }
0x2b: {  	[tilespmem:s0], [sflag:$0x7] =	stream.linear.gather @!p1 [hbm4b:s2+s22], $0x1F40, $0x38;
	[tilespmem:$0x11A60] =	vst v63  }
0x2c: {  	s0 =	sadd.s32 $0xFFFFFFFF, s24  }
0x2d: {  	p1 =	sge.u32 s0, s9  }
.Ltmp2:
0x2e: {  	_ = 	snop;
	(pc) =	sbr.rel @p1 .LBB2_5-.Ltmp2, $1  }
0x2f: {  	_ =	sdelay $0x3  }
0x30: {  	s2 =	smulhi.u32 $0xAAAAAAAB, s0;
	_ =	sdelay $0x1  }
0x31: {  	s2 =	sshrl.u32 s2, $0x1  }
0x32: {  	s2 =	smul.u32 $0x3, s2;
	_ =	sdelay $0x1  }
0x33: {  	s2 =	ssub.s32 s0, s2  }
0x34: {  	s2 =	smul.u32 $0x7D00, s2  }
0x35: {  	_ =	swait.ge [sflag:s7], $0x1F40  }
0x36: {  	[sflag:s7] =	ssyncset.done $0x0;
	s2 =	sshrl.u32 s2, $0x2  }
0x37: {  	[sflag:s7] =	ssyncadd.s32 $0xFFFFE0C0;
	(ifvalue) =	ssetifvalue $0xFFFFFFFF;
	v3 =	vld.msk [tilespmem:s2+$0x100 ss:$0x1], $0xffff;
	_ =	sdelay $0x2  }
0x38: {  	s30 =	smulhi.u32 $0xAAAAAAAB, s18;
	p1 =	sne.s32 s24, $0x1  }
0x39: {  	v4 =	vimm.s32 @!p1 $0x0  }
0x3a: {  	s2 =	sshrl.u32 s30, $0x1;
	v4 =	vperm.xlane @!p1 v3, v4  }
0x3b: {  	s22 =	sshll.u32 s24, $0x4;
	s2 =	smul.u32 $0xFFFE8900, s2;
	vm4 =	vlt.u32 v3, $0x18800  }
0x3c: {  	s22 =	sand.u32 $0x10, s22;
	v3 =	vnsel vm4, $0xFFFFFFFE, v3;
	vm4 =	vlt.u32 @!p1 v4, $0x18800  }
0x3d: {  	s2 =	sshra.s32 s2, $0x2;
	[tilespmem:s22+$0x60] =	vst v3;
	v3 =	vnsel @!p1 vm4, $0xFFFFFFFE, v4  }
0x3e: {  	s28 =	sadd.s32 s2, s17;
	[tilespmem:$0x80] =	vst @!p1 v3  }
0x3f: {  	v3 =	vld.msk [tilespmem:s28+$0x0 ss:$0x1], $0xffff;
	_ =	sdelay $0x4  }
0x40: {  	(xrf1) =	vunique.msk.u32 $0xffff, v3;
	_ =	sdelay $0xd  }
0x41: {  	v4 =	vimm.s32 $0xFFFFFFFF;
	v5, _, _ =	vpop (xrf1)  }
0x42: {  	vm5 =	vne.s32 v3, v4;
	vm4 =	veq.s32 v5, v2  }
0x43: {  	vm6 =	vlt.u32 v3, $0x18800;
	vm4 =	vmand vm5, vm4  }
0x44: {  	vm4 =	vmand vm6, vm4  }
0x45: {  	v4 =	vnsel vm4, $0xFFFFFFFF, v3  }
0x46: {  	s31 =	sand.u32 $0x1, s0  }
0x47: {  	s0 =	simm.s32 $0x1F40;
	p1 =	seq.s32 s31, $0x1  }
0x48: {  	s0 =	simm.s32 @!p1 $0x0  }
0x49: {  	s26 =	sadd.s32 $0x7DF0, s0;
	(ifvalue) =	ssetifvalue $0xFFFFFFFF  }
0x4a: {  	v3 =	vperm.xlane v3, v1;
	[tilespmem:s26], [sflag:$0x8] =	stream.indirect_vreg.gather [hbm4b:s1+s16], $0x1, v4, vm0, $0x4038;
	v4 =	vnsel vm6, $0xFFFFFFFE, v4;
	[tilespmem:$0x11A60] =	vst v63  }
0x4b: {  	s2 =	simm.s32 $0x0;
	s22 =	sadd.s32 $0xFFFFFFF0, s28;
	[tilespmem:s28+$0x0] =	vst v4  }
.LBB2_3:
0x4c: {  	v4 =	vld.msk [tilespmem:s22+$0x0 ss:$0x1], $0xffff;
	s2 =	sadd.s32 $0x10, s2;
	v5 =	vmov v3;
	s28 =	smov.u32 s22  }
0x4d: {  	p1 =	slt.u32 s2, $0x1F30;
	_ =	sdelay $0x4  }
0x4e: {  	v3 =	vperm.xlane v4, v1;
	(xrf1) =	vunique.msk.u32 $0xffff, v4;
	_ =	sdelay $0xd  }
0x4f: {  	v6, _, _ =	vpop (xrf1)  }
0x50: {  	vm5 =	vne.s32 v4, v5;
	vm4 =	veq.s32 v6, v2  }
0x51: {  	vm6 =	vlt.u32 v4, $0x18800;
	vm4 =	vmand vm5, vm4  }
0x52: {  	vm4 =	vmand vm6, vm4  }
0x53: {  	v4 =	vnsel vm4, $0xFFFFFFFF, v4  }
.Ltmp3:
0x54: {  	v5 =	vnsel vm6, $0xFFFFFFFE, v4;
	(pc) =	sbr.rel @p1 .LBB2_3-.Ltmp3, $3  }
0x55: {  	_ =	sdelay $0x1  }
0x56: {  	s22 =	sadd.s32 $0xFFFFFFF0, s22;
	s26 =	sadd.s32 $0xFFFFFFF0, s26;
	(ifvalue) =	ssetifvalue $0xFFFFFFFF  }
0x57: {  	[tilespmem:s26], [sflag:$0x8] =	stream.indirect_vreg.gather [hbm4b:s1+s16], $0x1, v4, vm0, $0x4038;
	[tilespmem:s28+$0x0] =	vst v5  }
0x58: {  	s2 =	sshrl.u32 s25, $0x3  }
0x59: {  	s0 =	sadd.s32 $0x9D40, s0;
	s2 =	sadd.s32 s6, s2  }
0x5a: {  	[tilespmem:s0], [sflag:$0x8] =	stream.linear.gather [hbm:s2], $0x1F40, $0x38;
	[tilespmem:$0x11A60] =	vst v63  }
.LBB2_5:
0x5b: {  	p1 =	slt.u32 s24, $0x2  }
0x5c: {  	p2 =	sge.u32 @!p1 s24, s12  }
0x5d: {  	p1 =	por p1, p2  }
.Ltmp4:
0x5e: {  	_ = 	snop;
	(pc) =	sbr.rel @p1 .LBB2_9-.Ltmp4, $1  }
0x5f: {  	_ =	sdelay $0x3  }
0x60: {  	s0 =	sadd.s32 $0xFFFFFFFE, s24  }
0x61: {  	s2 =	smulhi.u32 $0xAAAAAAAB, s0;
	_ =	sdelay $0x1  }
0x62: {  	s2 =	sshrl.u32 s2, $0x1  }
0x63: {  	s2 =	smul.u32 $0x3, s2;
	_ =	sdelay $0x1  }
0x64: {  	s0 =	ssub.s32 s0, s2  }
0x65: {  	_ =	swait.ge [sflag:s8], $0x3E80;
	s0 =	smul.u32 $0x1F40, s0  }
0x66: {  	p1 =	sne.s32 s24, s11;
	[sflag:s8] =	ssyncset.done $0x0  }
0x67: {  	[sflag:s8] =	ssyncadd.s32 $0xFFFFC180;
	s2 =	sadd.s32 @!p1 $0x203F, s0  }
0x68: {  	[spmem:s13] =	stream.linear.scatter @!p1 [tilespmem:s2], [sflag:$0x1], $0x1, $0x38;
	[tilespmem:$0x11A60] =	vst v63  }
0x69: {  	s2 =	simm.s32 @!p1 $0x1  }
0x6a: {  	_ =	swait.ge @!p1 [sflag:s2], $0x1  }
0x6b: {  	s22 =	sshll.u32 s24, $0x4;
	[sflag:s2] =	ssyncset.done @!p1 $0x0  }
0x6c: {  	s25 =	sand.u32 $0x10, s22;
	[sflag:s2] =	ssyncadd.s32 @!p1 $0xFFFFFFFF  }
0x6d: {  	s2 =	sxor.u32 $0x10, s25;
	v4 =	vld [tilespmem:s25+$0x10]  }
0x6e: {  	v5 =	vld [tilespmem:s2+$0x60]  }
0x6f: {  	v3 =	vld [tilespmem:$0x80];
	_ =	sdelay $0x2  }
0x70: {  	(v2sf) =	vpush v4, $0x0  }
0x71: {  	(v2sf) =	vpush v5, $0x0  }
0x72: {  	(v2sf) =	vpush v3, $0x0;
	_ =	sdelay $0xc  }
0x73: {  	s22 =	spop (v2sf)  }
0x74: {  	s26 =	spop (v2sf)  }
0x75: {  	s28 =	spop (v2sf)  }
0x76: {  	p2 =	seq.s32 s22, s26;
	p3 =	seq.s32 s28, s22  }
0x77: {  	p3 =	por p2, p3  }
0x78: {  	s26 =	sand.u32 $0x1, s24;
	v4 =	vpsel p3, $0xFFFFFFFF, v4  }
0x79: {  	s29 =	smul.u32 $0x1F40, s26;
	[tilespmem:s25+$0x10] =	vst.msk $0x1, v4  }
0x7a: {  	v4 =	vld [tilespmem:$0x30]  }
0x7b: {  	v5 =	vld [tilespmem:s29+$0x9D40]  }
0x7c: {  	v6 =	vld [tilespmem:s25+$0x40];
	_ =	sdelay $0x3  }
0x7d: {  	vm4 =	vmmov vm1;
	v5 =	vadd.f32 v5, v4  }
0x7e: {  	vm5 =	vmmov vm2;
	vm4 =	vmmov @p2 vm2;
	s22 =	sshll.u32 s26, $0x4;
	v4 =	vadd.f32 v6, v4  }
0x7f: {  	s26 =	sor.u32 $0x11A40, s22;
	vm5 =	vmmov @p3 vm1;
	[tilespmem:s29+$0x9D40] =	vst.msk vm4, v5  }
0x80: {  	[tilespmem:s26+$0x0] =	vst.msk vm5, v4  }
0x81: {  	v4 =	vld [tilespmem:s29+$0x7DF0];
	_ =	sdelay $0x3  }
0x82: {  	v5 =	vimm.f32 $0.0e+00  }
0x83: {  	v4 =	vshift.insert v4, v5, s21  }
0x84: {  	s22 =	sor.u32 $0x40, s2  }
0x85: {  	[tilespmem:s22+$0x0] =	vst.msk $0x1, v4  }
0x86: {  	[tilespmem:s29+$0x7DFF] =	vst.msk $0x1, v5  }
0x87: {  	v4 =	vld [tilespmem:s0+$0x2030];
	_ =	sdelay $0x1  }
0x88: {  	s22 =	smulhi.u32 $0xAAAAAAAB, s20;
	s0 =	simm.s32 $0x1  }
0x89: {  	s0 =	simm.s32 @!p0 $0x0  }
0x8a: {  	s22 =	sshrl.u32 s22, $0x1;
	s0 =	smul.u32 $0x7D00, s0  }
0x8b: {  	s22 =	smul.u32 $0xFFFE8900, s22;
	v4 =	vshift.insert v4, v1, s21  }
0x8c: {  	s0 =	sshrl.u32 s0, $0x2  }
0x8d: {  	s22 =	sshra.s32 s22, $0x2;
	s30 =	sadd.s32 $0x9D40, s0;
	[tilespmem:s2+$0x10] =	vst.msk $0x1, v4  }
0x8e: {  	s22 =	sadd.s32 s22, s19;
	v6 =	vld [tilespmem:s30+$0x0]  }
0x8f: {  	v7 =	vld [tilespmem:s22+$0x0];
	_ =	sdelay $0x3  }
0x90: {  	v5 =	vadd.f32 v6, v5  }
0x91: {  	vm4 =	vne.s32 v7, $0xFFFFFFFF  }
0x92: {  	(xrf2) =	vadd.seg.scan.f32 vm4, v5;
	_ =	sdelay $0x3  }
0x93: {  	s31 =	sadd.s32 $0x5EC0, s0;
	v5 =	vperm.xlane v4, v1  }
0x94: {  	v6 =	vld [tilespmem:s31+$0x0]  }
0x95: {  	vm5 =	veq.s32 v7, v3;
	vm6 =	veq.s32 v7, v5  }
0x96: {  	vm7 =	vgt.u32 v7, $0xFFFFFFFD;
	vm6 =	vmor vm6, vm5  }
0x97: {  	vm6 =	vmor vm6, vm7  }
0x98: {  	v9 =	vld [tilespmem:$0xA0];
	v7 =	vsel vm6, $0xFFFFFFFF, v7  }
0x99: {  	v10 =	vld [tilespmem:$0x90];
	v6 =	vsel vm5, $0x0, v6;
	v8, _, _ =	vpop (xrf2)  }
0x9a: {  	v6 =	vadd.f32 v8, v6  }
0x9b: {  	s0 =	sadd.s32 $0xDBC0, s0  }
0x9c: {  	vm4 =	vmand vm4, vm3;
	[tilespmem:s0+$0x0] =	vst v6;
	(ifvalue) =	ssetifvalue $0xFFFFFFFF  }
0x9d: {  	vm6 =	veq.s32 v9, $0x1;
	[hbm4b:s1+s16] =	stream.indirect_vreg.scatter [tilespmem:s0], [sflag:$0x2], $0x1, v7, vm0, $0x4038;
	v7 =	vsel vm4, $0x0, v8;
	[tilespmem:$0x11A60] =	vst v63  }
0x9e: {  	s2 =	simm.s32 $0x0;
	s22 =	sadd.s32 $0x10, s22;
	vm4 =	vmor vm6, vm5;
	v6 =	vsel vm5, v8, v10;
	v7 =	vshift.insert v7, v0, s21  }
.LBB2_7:
0x9f: {  	v8 =	vld [tilespmem:s22+$0x0];
	s30 =	sadd.s32 $0x10, s30  }
0xa0: {  	s31 =	sadd.s32 $0x10, s31;
	v9 =	vld [tilespmem:s30+$0x0]  }
0xa1: {  	s2 =	sadd.s32 $0x10, s2;
	v10 =	vld [tilespmem:s31+$0x0]  }
0xa2: {  	p2 =	slt.u32 s2, $0x1F30;
	_ =	sdelay $0x2  }
0xa3: {  	v7 =	vadd.f32 v9, v7  }
0xa4: {  	vm5 =	vne.s32 v8, $0xFFFFFFFF  }
0xa5: {  	vm6 =	vmand vm5, vm3;
	(xrf2) =	vadd.seg.scan.f32 vm5, v7;
	_ =	sdelay $0x5  }
0xa6: {  	vm7 =	veq.s32 v8, v5;
	vm5 =	veq.s32 v8, v3  }
0xa7: {  	vm8 =	vgt.u32 v8, $0xFFFFFFFD;
	vm4 =	vmor vm4, vm5;
	vm7 =	vmor vm7, vm5  }
0xa8: {  	vm7 =	vmor vm7, vm8  }
0xa9: {  	v8 =	vsel vm7, $0xFFFFFFFF, v8  }
.Ltmp5:
0xaa: {  	v7 =	vsel vm5, $0x0, v10;
	v9, _, _ =	vpop (xrf2);
	(pc) =	sbr.rel @p2 .LBB2_7-.Ltmp5, $4  }
0xab: {  	v6 =	vsel vm5, v9, v6;
	v10 =	vadd.f32 v9, v7;
	v7 =	vsel vm6, $0x0, v9  }
0xac: {  	s0 =	sadd.s32 $0x10, s0;
	v7 =	vshift.insert v7, v0, s21  }
0xad: {  	s22 =	sadd.s32 $0x10, s22;
	[tilespmem:s0+$0x0] =	vst v10;
	(ifvalue) =	ssetifvalue $0xFFFFFFFF  }
0xae: {  	[hbm4b:s1+s16] =	stream.indirect_vreg.scatter [tilespmem:s0], [sflag:$0x2], $0x1, v8, vm0, $0x4038;
	[tilespmem:$0x11A60] =	vst v63  }
0xaf: {  	v3 =	vld [tilespmem:s29+$0xFAF0];
	_ =	sdelay $0x4  }
0xb0: {  	v3 =	vshift.insert v3, v0, s21  }
0xb1: {  	s0 =	simm.s32 $0x30  }
0xb2: {  	[tilespmem:s0+$0x0] =	vst.msk $0x1, v3  }
0xb3: {  	v3 =	vsel vm4, $0x1, v1;
	[tilespmem:$0x90] =	vst v6  }
0xb4: {  	s0 =	sadd.s32 @!p1 $0xFAFF, s29;
	[tilespmem:$0xA0] =	vst v3  }
0xb5: {  	[spmem:s14] =	stream.linear.scatter @!p1 [tilespmem:s0], [sflag:$0x1], $0x1, $0x38;
	[tilespmem:$0x11A60] =	vst v63  }
0xb6: {  	s0 =	simm.s32 @!p1 $0x1  }
0xb7: {  	v3 =	vmctz.xlane @!p1 vm4;
	_ =	swait.ge @!p1 [sflag:s0], $0x1  }
0xb8: {  	(v2sf) =	vpush @!p1 v4, $0x0  }
0xb9: {  	(v2sf) =	vpush @!p1 v3, $0x0;
	_ =	sdelay $0xd  }
0xba: {  	s2 =	spop @!p1 (v2sf)  }
0xbb: {  	s22 =	spop @!p1 (v2sf)  }
0xbc: {  	p2 =	sne.s32 @!p1 s28, s2;
	p3 =	slt.s32 @!p1 s22, $0xF  }
0xbd: {  	[sflag:s0] =	ssyncset.done @!p1 $0x0;
	p2 =	por p2, p1;
	p3 =	por !p3, p1  }
0xbe: {  	[sflag:s0] =	ssyncadd.s32 @!p1 $0xFFFFFFFF;
	v3 =	vimm.s32 @!p2 $0xFFFFFFFF;
	s22 =	simm.s32 @p3 $0xF  }
0xbf: {  	[tilespmem:$0x80] =	vst @!p2 v3;
	s2 =	sadd.s32 @!p1 $0x90, s22  }
0xc0: {  	[spmem:s10] =	stream.linear.scatter @!p1 [tilespmem:s2], [sflag:$0x1], $0x1, $0x38;
	[tilespmem:$0x11A60] =	vst v63  }
0xc1: {  	_ =	swait.ge @!p1 [sflag:s0], $0x1  }
0xc2: {  	[sflag:s0] =	ssyncset.done @!p1 $0x0  }
0xc3: {  	s2 =	simm.s32 @!p1 $0x80;
	[sflag:s0] =	ssyncadd.s32 @!p1 $0xFFFFFFFF  }
0xc4: {  	[spmem:s15] =	stream.linear.scatter @!p1 [tilespmem:s2], [sflag:$0x1], $0x1, $0x38;
	[tilespmem:$0x11A60] =	vst v63  }
0xc5: {  	_ =	swait.ge @!p1 [sflag:s0], $0x1  }
0xc6: {  	[sflag:s0] =	ssyncset.done @!p1 $0x0  }
0xc7: {  	[sflag:s0] =	ssyncadd.s32 @!p1 $0xFFFFFFFF;
	(ifvalue) =	ssetifvalue $0xFFFFFFFF;
	v3 =	vld [tilespmem:s25+$0x10];
	_ =	sdelay $0x3  }
.Ltmp6:
0xc8: {  	_ = 	snop;
	(pc) =	sbr.rel .LBB2_9-.Ltmp6, $3  }
0xc9: {  	_ =	sdelay $0x1  }
0xca: {  	(ifvalue) =	ssetifvalue $0xFFFFFFFF  }
0xcb: {  	[hbm4b:s1+s16] =	stream.indirect_vreg.scatter [tilespmem:s26], [sflag:$0x9], $0x1, v3, vm0, $0x4038;
	[tilespmem:$0x11A60] =	vst v63  }
.LBB2_10:
0xcc: {  	_ =	sfence.sel $0x180000  }
0xcd: {  	s0 =	simm.s32 $0x7;
	[bflag:$0x0] =	sbarrier.arrive $0xFFFF  }
0xce: {  	s26 =	simm.s32 $0x8;
	[sflag:s0] =	ssyncpa.u1 $0x1  }
0xcf: {  	s28 =	simm.s32 $0x9;
	[sflag:s26] =	ssyncpa.u1 $0x1  }
0xd0: {  	[sflag:s28] =	ssyncpa.u1 $0x1  }
0xd1: {  	_ =	sfence.stream.spmem  }
0xd2: {  	s29 =	simm.s32 $0x3;
	[bflag:$0x0] =	sbarrier.arrive $0xFFFF  }
0xd3: {  	s30 =	simm.s32 $0x4;
	[sflag:s29] =	ssyncpa.u1 $0x1  }
0xd4: {  	s31 =	simm.s32 $0x3C;
	s2 =	stileid.u32;
	[sflag:s30] =	ssyncpa.u1 $0x1  }
0xd5: {  	p0 =	sne.s32 s2, $0x0;
	[sflag:s31] =	ssyncpa.u1 $0x1  }
0xd6: {  	s0 =	simm.s32 @p0 $0x1;
	_ =	sfence @p0  }
0xd7: {  	[sflag:s0] =	ssyncpa.u1 @p0 $0x1;
	s0 =	simm.s32 @p0 $0x2  }
0xd8: {  	[sflag:s0] =	ssyncpa.u1 @p0 $0x1  }
0xd9: {  	_ =	strace @p0 $0x90000047  }
0xda: {  	[bflag:$0x2] =	sbarrier.arrive @p0 $0xFFFF  }
0xdb: {  	_ =	shalt @p0  }
.LBB2_11:
0xdc: {  	_ =	sfence.stream.spmem;
	s0 =	simm.s32 $0x5  }
0xdd: {  	s2 =	simm.s32 $0x80;
	s3 =	simm.s32 $0xC0;
	[sflag:s0] =	ssyncpa.u1 $0x0  }
0xde: {  	[tilespmem:s3], [sflag:$0x5] =	stream.linear.gather [spmem:s2], $0x20, $0x38;
	[tilespmem:$0x11A60] =	vst v63  }
0xdf: {  	s2 =	simm.s32 $0x0;
	s3 =	simm.s32 $0xE0  }
0xe0: {  	[tilespmem:s3], [sflag:$0x5] =	stream.linear.gather [spmem:s2], $0x20, $0x38;
	[tilespmem:$0x11A60] =	vst v63  }
.Ltmp7:
0xe1: {  	_ = 	snop;
	(pc) =	sbr.rel .LBB2_12-.Ltmp7, $4  }
0xe2: {  	_ =	swait.ge [sflag:s0], $0x40  }
0xe3: {  	[sflag:s0] =	ssyncset.done $0x0  }
0xe4: {  	s31 =	simm.s32 $0x6;
	[sflag:s0] =	ssyncadd.s32 $0xFFFFFFC0  }
0xe5: {  	s4 =	simm.s32 $0x0;
	[sflag:s31] =	ssyncpa.u1 $0x0  }
.LBB2_17:
0xe6: {  	p0 =	sgt.u32 s5, $0x187FF  }
0xe7: {  	s0 =	sshrl.u32 @!p0 s5, $0x3  }
0xe8: {  	s5 =	sand.u32 @!p0 $0x7, s5;
	s6 =	simm.s32 @!p0 $0xB0;
	s0 =	sadd.s32 @!p0 s1, s0  }
0xe9: {  	[tilespmem:s6], [sflag:$0x6] =	stream.linear.gather @!p0 [hbm4b:s0+s5], $0x1, $0x38;
	[tilespmem:$0x11A60] =	vst v63  }
0xea: {  	s0 =	simm.s32 @!p0 $0x6  }
0xeb: {  	_ =	swait.ge @!p0 [sflag:s0], $0x1  }
0xec: {  	[sflag:s0] =	ssyncset.done @!p0 $0x0  }
0xed: {  	[sflag:s0] =	ssyncadd.s32 @!p0 $0xFFFFFFFF  }
0xee: {  	v2 =	vmov @!p0 s4;
	v1 =	vld.msk @!p0 [tilespmem:$0xB0], $0x1;
	_ =	sdelay $0x3  }
0xef: {  	s0 =	simm.s32 @!p0 $0xE0  }
0xf0: {  	[tilespmem:v2+s0+$0x0], v1 =	vst.idx.ret.add.f32.msk @!p0 $0x1, v1  }
0xf1: {  	[tilespmem:s2+$0xC0] =	vst.msk $0x1, v0  }
0xf2: {  	v0 =	vld.msk [tilespmem:s4+$0xE0], $0x1;
	_ =	sdelay $0x4  }
0xf3: {  	[tilespmem:s2+$0xE0] =	vst.msk $0x1, v0;
	s2 =	sadd.s32 $0x1, s2  }
.LBB2_19:
0xf4: {  	s4 =	sadd.s32 $0x1, s4  }
0xf5: {  	p0 =	sne.s32 s4, $0x20  }
.Ltmp8:
0xf6: {  	_ = 	snop;
	(pc) =	sbr.rel @!p0 .LBB2_20-.Ltmp8, $1  }
0xf7: {  	_ =	sdelay $0x3  }
.LBB2_12:
0xf8: {  	v0 =	vld.msk [tilespmem:s4+$0xC0], $0x1;
	_ =	sdelay $0x4  }
0xf9: {  	(v2sf) =	vpush v0, $0x0;
	_ =	sdelay $0xe  }
0xfa: {  	s5 =	spop (v2sf)  }
0xfb: {  	p0 =	seq.s32 s5, $0xFFFFFFFF  }
.Ltmp9:
0xfc: {  	_ = 	snop;
	(pc) =	sbr.rel @p0 .LBB2_19-.Ltmp9, $1  }
0xfd: {  	_ =	sdelay $0x3  }
0xfe: {  	p0 =	slt.s32 s2, $0x1  }
.Ltmp10:
0xff: {  	_ = 	snop;
	(pc) =	sbr.rel @p0 .LBB2_17-.Ltmp10, $1  }
0x100: {  	_ =	sdelay $0x3  }
0x101: {  	s0 =	simm.s32 $0xC0;
	p0 =	por $0x0, $0x0  }
0x102: {  	v1 =	vld.msk @!p0 [tilespmem:s0+$0x0], $0x1;
	_ =	sdelay $0x4  }
0x103: {  	(v2sf) =	vpush @!p0 v1, $0x0;
	_ =	sdelay $0xd  }
0x104: {  	p2 =	sne.s32 s2, $0x1  }
.Ltmp11:
0x105: {  	s6 =	spop @!p0 (v2sf);
	(pc) =	sbr.rel @!p2 .LBB2_16-.Ltmp11, $4  }
0x106: {  	p1 =	seq.s32 @!p0 s5, s6  }
0x107: {  	s6 =	simm.s32 $0x0;
	p1 =	por !p1, p0  }
0x108: {  	s8 =	simm.s32 $0xFFFFFFFF;
	s6 =	simm.s32 @p1 $0xFFFFFFFF  }
0x109: {  	s7 =	simm.s32 $0x1;
	s6 =	smov.u32 @p0 s8  }
.LBB2_15:
0x10a: {  	s8 =	smov.u32 s6;
	p0 =	sne.s32 s6, $0xFFFFFFFF  }
0x10b: {  	s0 =	sadd.s32 $0x1, s0;
	s6 =	smov.u32 s7;
	s7 =	sadd.s32 $0x1, s7  }
0x10c: {  	p1 =	sne.s32 s2, s7;
	v1 =	vld.msk @!p0 [tilespmem:s0+$0x0], $0x1;
	_ =	sdelay $0x4  }
0x10d: {  	(v2sf) =	vpush @!p0 v1, $0x0;
	_ =	sdelay $0xe  }
.Ltmp12:
0x10e: {  	s9 =	spop @!p0 (v2sf);
	(pc) =	sbr.rel @p1 .LBB2_15-.Ltmp12, $4  }
0x10f: {  	p2 =	seq.s32 @!p0 s5, s9  }
0x110: {  	p2 =	por !p2, p0  }
0x111: {  	s6 =	simm.s32 @p2 $0xFFFFFFFF  }
0x112: {  	s6 =	smov.u32 @p0 s8  }
.LBB2_16:
0x113: {  	p0 =	sne.s32 s6, $0xFFFFFFFF  }
.Ltmp13:
0x114: {  	_ = 	snop;
	(pc) =	sbr.rel @!p0 .LBB2_17-.Ltmp13, $1  }
0x115: {  	_ =	sdelay $0x3  }
0x116: {  	v0 =	vld.msk [tilespmem:s4+$0xE0], $0x1;
	v1 =	vmov s6  }
.Ltmp14:
0x117: {  	_ = 	snop;
	(pc) =	sbr.rel .LBB2_19-.Ltmp14, $2  }
0x118: {  	_ =	sdelay $0x2  }
0x119: {  	[tilespmem:v1+s3+$0x0], v0 =	vst.idx.ret.add.f32.msk $0x1, v0  }
.LBB2_20:
0x11a: {  	p0 =	slt.s32 s2, $0x1  }
.Ltmp15:
0x11b: {  	_ = 	snop;
	(pc) =	sbr.rel @p0 .LBB2_24-.Ltmp15, $3  }
0x11c: {  	_ =	sdelay $0x1  }
0x11d: {  	s0 =	simm.s32 $0x6  }
0x11e: {  	s3 =	simm.s32 $0x0;
	[sflag:s0] =	ssyncpa.u1 $0x1  }
0x11f: {  	s0 =	simm.s32 $0xC0  }
0x120: {  	v0 =	vld.msk [tilespmem:s0+$0x0], $0x1;
	_ =	sdelay $0x4  }
0x121: {  	(v2sf) =	vpush v0, $0x0;
	_ =	sdelay $0xe  }
0x122: {  	s2 =	sadd.s32 $0xFFFFFFFF, s2;
	s4 =	spop (v2sf)  }
0x123: {  	p1 =	sne.s32 s2, $0x0;
	p0 =	sgt.u32 s4, $0x187FF  }
.Ltmp16:
0x124: {  	s5 =	sshrl.u32 @!p0 s4, $0x3;
	(pc) =	sbr.rel @!p1 .LBB2_23-.Ltmp16, $4  }
0x125: {  	s0 =	simm.s32 $0xE0;
	s4 =	sand.u32 @!p0 $0x7, s4;
	s5 =	sadd.s32 @!p0 s1, s5  }
0x126: {  	[hbm4b:s5+s4] =	stream.linear.scatter @!p0 [tilespmem:s0], [sflag:$0x5], $0x1, $0x38;
	[tilespmem:$0x11A60] =	vst v63  }
0x127: {  	s5 =	simm.s32 $0x0  }
0x128: {  	s4 =	simm.s32 $0xC1;
	s5 =	simm.s32 @!p0 $0x4  }
.LBB2_22:
0x129: {  	v0 =	vld.msk [tilespmem:s4+$0x0], $0x1;
	s2 =	sadd.s32 $0xFFFFFFFF, s2;
	s3 =	sadd.s32 s3, s5  }
0x12a: {  	p0 =	sne.s32 s2, $0x0;
	_ =	sdelay $0x3  }
0x12b: {  	(v2sf) =	vpush v0, $0x0;
	_ =	sdelay $0xe  }
.Ltmp17:
0x12c: {  	s6 =	spop (v2sf);
	(pc) =	sbr.rel @p0 .LBB2_22-.Ltmp17, $4  }
0x12d: {  	s5 =	simm.s32 $0x0;
	p1 =	sgt.u32 s6, $0x187FF  }
0x12e: {  	s0 =	sadd.s32 $0x1, s0;
	s5 =	simm.s32 @!p1 $0x4;
	s7 =	sshrl.u32 @!p1 s6, $0x3  }
0x12f: {  	s4 =	sadd.s32 $0x1, s4;
	s6 =	sand.u32 @!p1 $0x7, s6;
	s7 =	sadd.s32 @!p1 s1, s7  }
0x130: {  	[hbm4b:s7+s6] =	stream.linear.scatter @!p1 [tilespmem:s0], [sflag:$0x5], $0x1, $0x38;
	[tilespmem:$0x11A60] =	vst v63  }
.LBB2_23:
0x131: {  	s0 =	sadd.s32 s3, s5  }
0x132: {  	s3 =	sshrl.u32 s0, $0x2  }
.LBB2_24:
0x133: {  	s0 =	simm.s32 $0x5  }
0x134: {  	_ =	swait.ge [sflag:s0], s3  }
0x135: {  	s1 =	ssub.s32 $0x0, s3;
	[sflag:s0] =	ssyncset.done $0x0  }
0x136: {  	[sflag:s0] =	ssyncadd.s32 s1  }
0x137: {  	[sflag:s0] =	ssyncpa.u1 $0x1  }
0x138: {  	s29 =	simm.s32 $0x1;
	_ =	sfence  }
0x139: {  	s30 =	simm.s32 $0x2;
	[sflag:s29] =	ssyncpa.u1 $0x1  }
0x13a: {  	[sflag:s30] =	ssyncpa.u1 $0x1  }
0x13b: {  	_ =	strace $0x90000047  }
0x13c: {  	[bflag:$0x2] =	sbarrier.arrive $0xFFFF  }
0x13d: {  	s31 =	rddreg [dreg:$0x2]  }
0x13e: {  	s0 =	sadd.s32 $0x100000, s31  }
0x13f: {  	[sflag:s0] =	ssyncadd.tile.s32 $0x1;
	_ =	shalt  }
.Lfunc_end2:
_tile_overlayer_lowered:
.L_overlay_start_2:
0x140: {  	(tag) =	ssettag $0x2  }
0x141: {  	s0 =	rddreg [dreg:$0x0];
	s2 =	stileid.u32  }
0x142: {  	s1 =	rddreg [dreg:$0x1];
	p0 =	sne.s32 s2, $0x0  }
0x143: {  	s3 =	rddreg [dreg:$0x2];
	[bflag:$0x3] =	sbarrier.arrive $0xFFFF;
	s2 =	simm.s32 @!p0 $0x1C01  }
0x144: {  	[timem:s3], [sflag:s2] =	dma.local @!p0 [hbm:s0], s1  }
0x145: {  	s0 =	simm.s32 @!p0 $0x1  }
0x146: {  	_ =	swait.ge @!p0 [sflag:s0], s1  }
0x147: {  	s1 =	ssub.s32 @!p0 $0x0, s1;
	[sflag:s0] =	ssyncset.done @!p0 $0x0  }
0x148: {  	[sflag:s0] =	ssyncadd.s32 @!p0 s1  }
0x149: {  	[bflag:$0x3] =	sbarrier.arrive $0xFFFF  }
0x14a: {  	_ =	shalt  }

</sc_bundles>
